<compile_context>
chip_gen: v7x
topology: tpu7x:2x2x1
jax: 0.10.2.dev20260603
libtpu: 0.0.44.dev20260713+nightly
codegen_flags: <defaults>
</compile_context>

<pallas_src>
import functools

import jax
import jax.numpy as jnp
from jax import lax
from jax.experimental import pallas as pl
from jax.experimental.pallas import tpu as pltpu
from jax.experimental.pallas import tpu_sc as plsc

N = 10000
E = 320000
D = 128
M = 3
ALPHA = 0.5

NC = 2
NS = 16
NW = NC * NS
NPAD = 10240
CHUNK = 128
E_PAD = 327680
EROWS = E_PAD // CHUNK
RPW = EROWS // NW
IBLK = 16
NIB = RPW // IBLK
ABLK = 40
NAB = RPW // ABLK
ZROWS = 32

BLK = 1000
GRID = N // BLK

_mesh = plsc.VectorSubcoreMesh(core_axis_name="c", subcore_axis_name="s")


def _deg_body(src_hbm, dst_hbm, out_hbm, dout_sp, din_sp, zbuf, ones_v, sidx,
              didx, osem, isem):
    core = lax.axis_index("c")
    sid = lax.axis_index("s")

    def zfill(i, _):
        zbuf[pl.ds(i * 16, 16)] = jnp.zeros((16,), jnp.float32)
        return _

    lax.fori_loop(0, 640 // 16, zfill, None)

    def ofill(i, _):
        ones_v[pl.ds(i * 16, 16)] = jnp.ones((16,), jnp.float32)
        return _

    lax.fori_loop(0, CHUNK // 16, ofill, None)

    pltpu.sync_copy(zbuf, dout_sp.at[pl.ds(sid * 640, 640)])
    pltpu.sync_copy(zbuf, din_sp.at[pl.ds(sid * 640, 640)])
    plsc.subcore_barrier()

    base_row = (core * NS + sid) * RPW

    def step(i, _):
        row = base_row + i * IBLK
        pltpu.sync_copy(src_hbm.at[pl.ds(row, IBLK)], sidx)
        pltpu.sync_copy(dst_hbm.at[pl.ds(row, IBLK)], didx)
        for r in range(IBLK):
            pltpu.async_copy(ones_v, dout_sp.at[sidx.at[r]], osem, add=True)
            pltpu.async_copy(ones_v, din_sp.at[didx.at[r]], isem, add=True)
        for r in range(IBLK):
            pltpu.make_async_copy(ones_v, dout_sp.at[sidx.at[r]], osem).wait()
            pltpu.make_async_copy(ones_v, din_sp.at[didx.at[r]], isem).wait()
        return _

    lax.fori_loop(0, NIB, step, None)
    plsc.subcore_barrier()

    pltpu.sync_copy(dout_sp.at[pl.ds(sid * 640, 640)],
                    out_hbm.at[core, 0, pl.ds(sid * 640, 640)])
    pltpu.sync_copy(din_sp.at[pl.ds(sid * 640, 640)],
                    out_hbm.at[core, 1, pl.ds(sid * 640, 640)])


_deg_call = functools.partial(
    pl.kernel,
    out_type=jax.ShapeDtypeStruct((NC, 2, NPAD), jnp.float32),
    mesh=_mesh,
    scratch_types=[
        pltpu.VMEM_SHARED((NPAD,), jnp.float32),
        pltpu.VMEM_SHARED((NPAD,), jnp.float32),
        pltpu.VMEM((640,), jnp.float32),
        pltpu.VMEM((CHUNK,), jnp.float32),
        pltpu.VMEM((IBLK, CHUNK), jnp.int32),
        pltpu.VMEM((IBLK, CHUNK), jnp.int32),
        pltpu.SemaphoreType.DMA,
        pltpu.SemaphoreType.DMA,
    ],
)(_deg_body)


def _agg_body(src_hbm, dst_hbm, hs_hbm, out_hbm, acc_sp, zb, rowbuf, sidx,
              didx, sem0, sem1, zsem):
    core = lax.axis_index("c")
    sid = lax.axis_index("s")
    base_row = (core * NS + sid) * RPW
    sems = (sem0, sem1)
    NZC = 640 // ZROWS

    def zfill(r, _):
        for cpos in range(D // 16):
            zb[r, pl.ds(cpos * 16, 16)] = jnp.zeros((16,), jnp.float32)
        return _

    lax.fori_loop(0, ZROWS, zfill, None)

    def zfire(z, _):
        pltpu.async_copy(zb, acc_sp.at[pl.ds(sid * 640 + z * ZROWS,
                                             ZROWS)], zsem)
        return _

    def zdrain(z, _):
        pltpu.make_async_copy(zb, acc_sp.at[pl.ds(sid * 640 + z * ZROWS,
                                                  ZROWS)], zsem).wait()
        return _

    lax.fori_loop(0, NZC, zfire, None)
    lax.fori_loop(0, NZC, zdrain, None)
    plsc.subcore_barrier()

    for m in range(M):
        for blk in range(NAB):
            row = base_row + blk * ABLK
            pltpu.sync_copy(src_hbm.at[pl.ds(row, ABLK)], sidx)
            pltpu.sync_copy(dst_hbm.at[pl.ds(row, ABLK)], didx)
            pltpu.async_copy(hs_hbm.at[m].at[sidx.at[0]], rowbuf.at[0], sem0)
            pltpu.async_copy(hs_hbm.at[m].at[sidx.at[1]], rowbuf.at[1], sem1)

            def chunk2(j2, _):
                for b in range(2):
                    j = j2 * 2 + b
                    pltpu.make_async_copy(hs_hbm.at[m].at[sidx.at[j]],
                                          rowbuf.at[b], sems[b]).wait()
                    pltpu.sync_copy(rowbuf.at[b], acc_sp.at[didx.at[j]],
                                    add=True)

                    @pl.when(j + 2 < ABLK)
                    def _():
                        pltpu.async_copy(hs_hbm.at[m].at[sidx.at[j + 2]],
                                         rowbuf.at[b], sems[b])
                return _

            lax.fori_loop(0, ABLK // 2, chunk2, None)
        plsc.subcore_barrier()

        pltpu.sync_copy(acc_sp.at[pl.ds(sid * 640, 640)],
                        out_hbm.at[m, core, pl.ds(sid * 640, 640)])
        if m < M - 1:
            lax.fori_loop(0, NZC, zfire, None)
            lax.fori_loop(0, NZC, zdrain, None)
        plsc.subcore_barrier()


_agg_call = functools.partial(
    pl.kernel,
    out_type=jax.ShapeDtypeStruct((M, NC, NPAD, D), jnp.float32),
    mesh=_mesh,
    scratch_types=[
        pltpu.VMEM_SHARED((NPAD, D), jnp.float32),
        pltpu.VMEM((ZROWS, D), jnp.float32),
        pltpu.VMEM((2, CHUNK, D), jnp.float32),
        pltpu.VMEM((ABLK, CHUNK), jnp.int32),
        pltpu.VMEM((ABLK, CHUNK), jnp.int32),
        pltpu.SemaphoreType.DMA,
        pltpu.SemaphoreType.DMA,
        pltpu.SemaphoreType.DMA,
    ],
)(_agg_body)


def _proj_body(f0, f1, f2, wp, bp, wa, proj, sacc):
    i = pl.program_id(0)
    feats = (f0[...], f1[...], f2[...])
    tns = []
    for m in range(M):
        p = lax.dot_general(feats[m], wp[m], (((1,), (1,)), ((), ())),
                            preferred_element_type=jnp.float32)
        p = jnp.maximum(p + bp[m:m + 1, :], 0.0)
        proj[m] = p
        t = lax.dot_general(p, wa[m], (((1,), (1,)), ((), ())),
                            preferred_element_type=jnp.float32)
        nrm = jnp.maximum(jnp.sqrt(jnp.sum(t * t, axis=1, keepdims=True)),
                          1e-12)
        tns.append(t / nrm)
    pairs = ((0, 0), (0, 1), (0, 2), (1, 1), (1, 2), (2, 2))
    rows = [jnp.full((1, 128), jnp.sum(tns[a] * tns[b]), jnp.float32)
            for a, b in pairs]
    tile = jnp.concatenate(rows + [jnp.zeros((2, 128), jnp.float32)], axis=0)

    @pl.when(i == 0)
    def _():
        sacc[...] = tile

    @pl.when(i != 0)
    def _():
        sacc[...] = sacc[...] + tile


def _proj_call(f0, f1, f2, wp, bp, wa):
    return pl.pallas_call(
        _proj_body,
        grid=(GRID,),
        in_specs=[
            pl.BlockSpec((BLK, D), lambda i: (i, 0)),
            pl.BlockSpec((BLK, D), lambda i: (i, 0)),
            pl.BlockSpec((BLK, D), lambda i: (i, 0)),
            pl.BlockSpec((M, D, D), lambda i: (0, 0, 0)),
            pl.BlockSpec((M, D), lambda i: (0, 0)),
            pl.BlockSpec((M, D, D), lambda i: (0, 0, 0)),
        ],
        out_specs=[
            pl.BlockSpec((M, BLK, D), lambda i: (0, i, 0)),
            pl.BlockSpec((8, 128), lambda i: (0, 0)),
        ],
        out_shape=[
            jax.ShapeDtypeStruct((M, N, D), jnp.float32),
            jax.ShapeDtypeStruct((8, 128), jnp.float32),
        ],
    )(f0, f1, f2, wp, bp, wa)


def _scale_body(proj, dout, hs):
    deg = dout[:, 0:1] + dout[:, 1:2]
    nsrc = lax.rsqrt(jnp.maximum(deg, 1.0))
    for m in range(M):
        hs[m] = proj[m] * nsrc


def _scale_call(proj, dout_t):
    return pl.pallas_call(
        _scale_body,
        grid=(GRID,),
        in_specs=[
            pl.BlockSpec((M, BLK, D), lambda i: (0, i, 0)),
            pl.BlockSpec((BLK, 2), lambda i: (i, 0)),
        ],
        out_specs=pl.BlockSpec((M, BLK, D), lambda i: (0, i, 0)),
        out_shape=jax.ShapeDtypeStruct((M, NPAD, D), jnp.float32),
    )(proj, dout_t)


def _final_body(sacc, aggp, din, proj, wg, bg, wlt, blt, o0, o1, o2):
    deg = din[:, 0:1] + din[:, 1:2]
    ndst = lax.rsqrt(jnp.maximum(deg, 1.0))
    s = sacc[...] * (1.0 / N)
    sv = [s[k:k + 1, :] for k in range(6)]
    smat = ((sv[0], sv[1], sv[2]), (sv[1], sv[3], sv[4]), (sv[2], sv[4], sv[5]))
    wrows = []
    for d in range(M):
        r = smat[d]
        mx = jnp.maximum(jnp.maximum(r[0], r[1]), r[2])
        es = [jnp.exp(r[g] - mx) for g in range(M)]
        tot = es[0] + es[1] + es[2]
        wrows.append([e / tot for e in es])
    ps = [proj[m] for m in range(M)]
    outs = (o0, o1, o2)
    for m in range(M):
        agg = (aggp[m, 0] + aggp[m, 1]) * ndst
        intra = lax.dot_general(agg, wg[m], (((1,), (0,)), ((), ())),
                                preferred_element_type=jnp.float32)
        intra = jnp.maximum(intra + bg[m:m + 1, :], 0.0)
        mix = wrows[m][0] * ps[0] + wrows[m][1] * ps[1] + wrows[m][2] * ps[2]
        inter = lax.dot_general(mix, wlt[...], (((1,), (1,)), ((), ())),
                                preferred_element_type=jnp.float32) + blt[...]
        outs[m][...] = ALPHA * intra + (1.0 - ALPHA) * inter


def _final_call(sacc, aggp, din_t, proj, wg, bg, wlt, blt2d):
    return pl.pallas_call(
        _final_body,
        grid=(GRID,),
        in_specs=[
            pl.BlockSpec((8, 128), lambda i: (0, 0)),
            pl.BlockSpec((M, NC, BLK, D), lambda i: (0, 0, i, 0)),
            pl.BlockSpec((BLK, 2), lambda i: (i, 0)),
            pl.BlockSpec((M, BLK, D), lambda i: (0, i, 0)),
            pl.BlockSpec((M, D, D), lambda i: (0, 0, 0)),
            pl.BlockSpec((M, D), lambda i: (0, 0)),
            pl.BlockSpec((D, D), lambda i: (0, 0)),
            pl.BlockSpec((1, D), lambda i: (0, 0)),
        ],
        out_specs=[
            pl.BlockSpec((BLK, D), lambda i: (i, 0)),
            pl.BlockSpec((BLK, D), lambda i: (i, 0)),
            pl.BlockSpec((BLK, D), lambda i: (i, 0)),
        ],
        out_shape=[
            jax.ShapeDtypeStruct((N, D), jnp.float32),
            jax.ShapeDtypeStruct((N, D), jnp.float32),
            jax.ShapeDtypeStruct((N, D), jnp.float32),
        ],
    )(sacc, aggp, din_t, proj, wg, bg, wlt, blt2d)


def kernel(feat0, feat1, feat2, edge_index, Wp, bp, Wg, bg, Wa, Wlt, blt):
    pad = N + (jnp.arange(E_PAD - E, dtype=jnp.int32) % (NPAD - N))
    src2d = jnp.concatenate([edge_index[0].astype(jnp.int32), pad]
                            ).reshape(EROWS, CHUNK)
    dst2d = jnp.concatenate([edge_index[1].astype(jnp.int32), pad]
                            ).reshape(EROWS, CHUNK)

    degs = _deg_call(src2d, dst2d)
    dout_t = jnp.transpose(degs[:, 0, :N])
    din_t = jnp.transpose(degs[:, 1, :N])

    proj, sacc = _proj_call(feat0, feat1, feat2, Wp, bp, Wa)
    hs = _scale_call(proj, dout_t)

    aggp = _agg_call(src2d, dst2d, hs)

    o0, o1, o2 = _final_call(sacc, aggp, din_t, proj, Wg, bg, Wlt,
                             blt.reshape(1, D))
    return (o0, o1, o2)

# --- scband reference (transcript-rebuilt; emitter-appended) ---
"""Pipeline reference for scband-m-gcnlayer-14044543058525 (READ-ONLY COPY).

The authoritative reference and input builder live on the scoring server;
editing this copy changes nothing except your own understanding.
"""

import jax, jax.numpy as jnp
import numpy as np

N = 10000
E = 320000
D = 128
NUM_MODALITIES = 3
ALPHA = 0.5


def setup_inputs(seed: int = 0) -> dict:
    key = jax.random.key(seed)
    ks = jax.random.split(key, 12)
    inp = {}
    inp["feat0"] = jax.random.normal(ks[0], (N, D), dtype=jnp.float32)
    inp["feat1"] = jax.random.normal(ks[1], (N, D), dtype=jnp.float32)
    inp["feat2"] = jax.random.normal(ks[2], (N, D), dtype=jnp.float32)
    inp["edge_index"] = jax.random.randint(ks[3], (2, E), 0, N)
    s = 1.0 / np.sqrt(D)
    inp["Wp"] = jax.random.normal(ks[4], (NUM_MODALITIES, D, D), dtype=jnp.float32) * s   # projection linears (weight)
    inp["bp"] = jnp.zeros((NUM_MODALITIES, D), dtype=jnp.float32)                          # projection biases
    inp["Wg"] = jax.random.normal(ks[5], (NUM_MODALITIES, D, D), dtype=jnp.float32) * s   # per-modality GraphConv weights
    inp["bg"] = jnp.zeros((NUM_MODALITIES, D), dtype=jnp.float32)                          # GraphConv biases
    inp["Wa"] = jax.random.normal(ks[6], (NUM_MODALITIES, D, D), dtype=jnp.float32) * s   # attention transform matrices (no bias)
    inp["Wlt"] = jax.random.normal(ks[7], (D, D), dtype=jnp.float32) * s                  # linear_transform weight
    inp["blt"] = jnp.zeros((D,), dtype=jnp.float32)                                        # linear_transform bias
    return inp


def _gcn(x, W, b, src, dst, n):
    # DGL GraphConv norm='both': D_out^{-1/2} on src, sum-aggregate, D_in^{-1/2} on dst, then linear
    ones = jnp.ones(src.shape[0], dtype=x.dtype)
    deg_out = jax.ops.segment_sum(ones, src, num_segments=n)
    deg_in = jax.ops.segment_sum(ones, dst, num_segments=n)
    norm_src = jax.lax.rsqrt(jnp.clip(deg_out, 1.0))
    norm_dst = jax.lax.rsqrt(jnp.clip(deg_in, 1.0))
    h = x * norm_src[:, None]
    agg = jax.ops.segment_sum(h[src], dst, num_segments=n)
    agg = agg * norm_dst[:, None]
    return jax.nn.relu(agg @ W + b)


def _l2norm(x):
    nrm = jnp.maximum(jnp.linalg.norm(x, axis=1, keepdims=True), 1e-12)
    return x / nrm


def reference(feat0, feat1, feat2, edge_index, Wp, bp, Wg, bg, Wa, Wlt, blt):
    feats = [feat0, feat1, feat2]
    src, dst = edge_index[0], edge_index[1]
    n = feat0.shape[0]
    # ProjectionMatrix: relu(Linear(feat))
    projected = [jax.nn.relu(feats[i] @ Wp[i].T + bp[i]) for i in range(NUM_MODALITIES)]
    # per-modality GNN (GCN) with relu
    intra = [_gcn(projected[i], Wg[i], bg[i], src, dst, n) for i in range(NUM_MODALITIES)]
    # Attention across modalities
    transformed = [projected[i] @ Wa[i].T for i in range(NUM_MODALITIES)]
    norms = [_l2norm(t) for t in transformed]
    rows = []
    for i in range(NUM_MODALITIES):
        row = [jnp.mean(jnp.sum(norms[i] * norms[j], axis=1)) for j in range(NUM_MODALITIES)]
        rows.append(jnp.stack(row))
    scores = jnp.stack(rows)
    weights = jax.nn.softmax(scores, axis=1)
    inter = []
    for d in range(NUM_MODALITIES):
        ws = jnp.zeros_like(projected[0])
        for g in range(NUM_MODALITIES):
            ws = ws + weights[d, g] * projected[g]
        inter.append(ws @ Wlt.T + blt)
    combined = [ALPHA * intra[i] + (1.0 - ALPHA) * inter[i] for i in range(NUM_MODALITIES)]
    return tuple(combined)

if __name__ == "__main__":
    import jax
    _d = setup_inputs()
    print(jax.jit(kernel)(*tuple(_d.values())))

</pallas_src>

<mosaic_0001>
#map = affine_map<(d0, d1) -> (0, 0)>
#map1 = affine_map<(d0, d1) -> (0, 0, 0)>
module attributes {stable_mosaic.version = 14 : i64} {
  func.func @_deg_body(%arg0: i32, %arg1: i32, %arg2: memref<2560x128xi32, #tpu.memory_space<hbm>>, %arg3: memref<2560x128xi32, #tpu.memory_space<hbm>>, %arg4: memref<2x2x10240xf32, #tpu.memory_space<hbm>>, %arg5: memref<10240xf32, #tpu.memory_space<vmem_shared>>, %arg6: memref<10240xf32, #tpu.memory_space<vmem_shared>>, %arg7: memref<640xf32, #tpu.memory_space<vmem>>, %arg8: memref<128xf32, #tpu.memory_space<vmem>>, %arg9: memref<16x128xi32, #tpu.memory_space<vmem>>, %arg10: memref<16x128xi32, #tpu.memory_space<vmem>>, %arg11: memref<!tpu.dma_semaphore, #tpu.memory_space<semaphore_mem>>, %arg12: memref<!tpu.dma_semaphore, #tpu.memory_space<semaphore_mem>>) attributes {dimension_semantics = [#tpu.dimension_semantics<core_parallel>, #tpu.dimension_semantics<subcore_parallel>], iteration_bounds = array<i64: 2, 16>, scalar_prefetch = 0 : i64, scratch_operands = 8 : i64, tpu.core_type = #tpu.core_type<sc_vector_subcore>, window_params = [{transform_indices = #map}, {transform_indices = #map}, {transform_indices = #map1}]} {
    %scan3A = arith.constant 0 : i32
    %scan3A_0 = arith.constant 40 : i32
    %scan3A_1 = arith.addi %scan3A, %scan3A_0 : i32
    %scan3A_2 = arith.constant 1 : i32
    scf.for %scan3A_31 = %scan3A to %scan3A_1 step %scan3A_2  : i32 {
      %broadcast_in_dim3A = arith.constant 0.000000e+00 : f32
      %broadcast_in_dim3A_32 = vector.broadcast %broadcast_in_dim3A : f32 to vector<16xf32>
      %mul3A_33 = arith.constant 16 : i32
      %mul3A_34 = arith.muli %scan3A_31, %mul3A_33 : i32
      %swap3A = arith.index_cast %mul3A_34 : i32 to index
      %swap3A_35 = tpu.vector_load %arg7[%swap3A] {strides = array<i32>} : memref<640xf32, #tpu.memory_space<vmem>>, vector<16xf32>,
      %swap3A_36 = vector.shape_cast %swap3A_35 : vector<16xf32> to vector<16xf32>
      %swap3A_37 = vector.shape_cast %broadcast_in_dim3A_32 : vector<16xf32> to vector<16xf32>
      tpu.vector_store %arg7[%swap3A], %swap3A_37 {strides = array<i32>} : memref<640xf32, #tpu.memory_space<vmem>>, vector<16xf32>,
    }
    %scan3A_3 = arith.constant 40 : i32
    %scan3A_4 = arith.constant 0 : i32
    %scan3A_5 = arith.constant 8 : i32
    %scan3A_6 = arith.addi %scan3A_4, %scan3A_5 : i32
    %scan3A_7 = arith.constant 1 : i32
    scf.for %scan3A_31 = %scan3A_4 to %scan3A_6 step %scan3A_7  : i32 {
      %broadcast_in_dim3A = arith.constant 1.000000e+00 : f32
      %broadcast_in_dim3A_32 = vector.broadcast %broadcast_in_dim3A : f32 to vector<16xf32>
      %mul3A_33 = arith.constant 16 : i32
      %mul3A_34 = arith.muli %scan3A_31, %mul3A_33 : i32
      %swap3A = arith.index_cast %mul3A_34 : i32 to index
      %swap3A_35 = tpu.vector_load %arg8[%swap3A] {strides = array<i32>} : memref<128xf32, #tpu.memory_space<vmem>>, vector<16xf32>,
      %swap3A_36 = vector.shape_cast %swap3A_35 : vector<16xf32> to vector<16xf32>
      %swap3A_37 = vector.shape_cast %broadcast_in_dim3A_32 : vector<16xf32> to vector<16xf32>
      tpu.vector_store %arg8[%swap3A], %swap3A_37 {strides = array<i32>} : memref<128xf32, #tpu.memory_space<vmem>>, vector<16xf32>,
    }
    %scan3A_8 = arith.constant 8 : i32
    %mul3A = arith.constant 640 : i32
    %mul3A_9 = arith.muli %arg1, %mul3A : i32
    "tpu.region"() ({
      %run_scoped3A_31 = tpu.sem_alloc : memref<!tpu.dma_semaphore, #tpu.memory_space<semaphore_mem>>
      %dma_start3A = tpu.memref_slice %arg5[%mul3A_9] : memref<10240xf32, #tpu.memory_space<vmem_shared>> -> memref<640xf32, #tpu.memory_space<vmem_shared>>
      %dma_start3A_32 = tpu.memref_slice %arg5[%mul3A_9] : memref<10240xf32, #tpu.memory_space<vmem_shared>> -> memref<640xf32, #tpu.memory_space<vmem_shared>>
      tpu.enqueue_dma source(%arg7 : memref<640xf32, #tpu.memory_space<vmem>>) target(%dma_start3A_32 : memref<640xf32, #tpu.memory_space<vmem_shared>>) target_semaphore(%run_scoped3A_31 : memref<!tpu.dma_semaphore, #tpu.memory_space<semaphore_mem>>)
      %dma_wait3A = tpu.memref_slice %arg5[%mul3A_9] : memref<10240xf32, #tpu.memory_space<vmem_shared>> -> memref<640xf32, #tpu.memory_space<vmem_shared>>
      %dma_wait3A_33 = tpu.memref_slice %arg5[%mul3A_9] : memref<10240xf32, #tpu.memory_space<vmem_shared>> -> memref<640xf32, #tpu.memory_space<vmem_shared>>
      tpu.wait_dma2 semaphore(%run_scoped3A_31 : memref<!tpu.dma_semaphore, #tpu.memory_space<semaphore_mem>>) src(%arg7 : memref<640xf32, #tpu.memory_space<vmem>>) dst(%dma_wait3A_33 : memref<640xf32, #tpu.memory_space<vmem_shared>>)
      tpu.yield
    }) : () -> ()
    %mul3A_10 = arith.constant 640 : i32
    %mul3A_11 = arith.muli %arg1, %mul3A_10 : i32
    "tpu.region"() ({
      %run_scoped3A_31 = tpu.sem_alloc : memref<!tpu.dma_semaphore, #tpu.memory_space<semaphore_mem>>
      %dma_start3A = tpu.memref_slice %arg6[%mul3A_11] : memref<10240xf32, #tpu.memory_space<vmem_shared>> -> memref<640xf32, #tpu.memory_space<vmem_shared>>
      %dma_start3A_32 = tpu.memref_slice %arg6[%mul3A_11] : memref<10240xf32, #tpu.memory_space<vmem_shared>> -> memref<640xf32, #tpu.memory_space<vmem_shared>>
      tpu.enqueue_dma source(%arg7 : memref<640xf32, #tpu.memory_space<vmem>>) target(%dma_start3A_32 : memref<640xf32, #tpu.memory_space<vmem_shared>>) target_semaphore(%run_scoped3A_31 : memref<!tpu.dma_semaphore, #tpu.memory_space<semaphore_mem>>)
      %dma_wait3A = tpu.memref_slice %arg6[%mul3A_11] : memref<10240xf32, #tpu.memory_space<vmem_shared>> -> memref<640xf32, #tpu.memory_space<vmem_shared>>
      %dma_wait3A_33 = tpu.memref_slice %arg6[%mul3A_11] : memref<10240xf32, #tpu.memory_space<vmem_shared>> -> memref<640xf32, #tpu.memory_space<vmem_shared>>
      tpu.wait_dma2 semaphore(%run_scoped3A_31 : memref<!tpu.dma_semaphore, #tpu.memory_space<semaphore_mem>>) src(%arg7 : memref<640xf32, #tpu.memory_space<vmem>>) dst(%dma_wait3A_33 : memref<640xf32, #tpu.memory_space<vmem_shared>>)
      tpu.yield
    }) : () -> ()
    %barrier3A = arith.constant 0 : index
    tpu.barrier barrier_id(%barrier3A)
    %mul3A_12 = arith.constant 16 : i32
    %mul3A_13 = arith.muli %arg0, %mul3A_12 : i32
    %add3A = arith.addi %mul3A_13, %arg1 : i32
    %mul3A_14 = arith.constant 80 : i32
    %mul3A_15 = arith.muli %add3A, %mul3A_14 : i32
    %scan3A_16 = arith.constant 0 : i32
    %scan3A_17 = arith.constant 5 : i32
    %scan3A_18 = arith.addi %scan3A_16, %scan3A_17 : i32
    %scan3A_19 = arith.constant 1 : i32
    scf.for %scan3A_31 = %scan3A_16 to %scan3A_18 step %scan3A_19  : i32 {
      %mul3A_32 = arith.constant 16 : i32
      %mul3A_33 = arith.muli %scan3A_31, %mul3A_32 : i32
      %add3A_34 = arith.addi %mul3A_15, %mul3A_33 : i32
      "tpu.region"() ({
        %run_scoped3A_417 = tpu.sem_alloc : memref<!tpu.dma_semaphore, #tpu.memory_space<semaphore_mem>>
        %dma_start3A_418 = arith.constant 0 : i32
        %dma_start3A_419 = tpu.memref_slice %arg2[%add3A_34, %dma_start3A_418] : memref<2560x128xi32, #tpu.memory_space<hbm>> -> memref<16x128xi32, #tpu.memory_space<hbm>>
        %dma_start3A_420 = arith.constant 0 : i32
        %dma_start3A_421 = tpu.memref_slice %arg2[%add3A_34, %dma_start3A_420] : memref<2560x128xi32, #tpu.memory_space<hbm>> -> memref<16x128xi32, #tpu.memory_space<hbm>>
        tpu.enqueue_dma source(%dma_start3A_421 : memref<16x128xi32, #tpu.memory_space<hbm>>) target(%arg9 : memref<16x128xi32, #tpu.memory_space<vmem>>) target_semaphore(%run_scoped3A_417 : memref<!tpu.dma_semaphore, #tpu.memory_space<semaphore_mem>>)
        %dma_wait3A_422 = arith.constant 0 : i32
        %dma_wait3A_423 = tpu.memref_slice %arg2[%add3A_34, %dma_wait3A_422] : memref<2560x128xi32, #tpu.memory_space<hbm>> -> memref<16x128xi32, #tpu.memory_space<hbm>>
        %dma_wait3A_424 = arith.constant 0 : i32
        %dma_wait3A_425 = tpu.memref_slice %arg2[%add3A_34, %dma_wait3A_424] : memref<2560x128xi32, #tpu.memory_space<hbm>> -> memref<16x128xi32, #tpu.memory_space<hbm>>
        tpu.wait_dma2 semaphore(%run_scoped3A_417 : memref<!tpu.dma_semaphore, #tpu.memory_space<semaphore_mem>>) src(%dma_wait3A_425 : memref<16x128xi32, #tpu.memory_space<hbm>>) dst(%arg9 : memref<16x128xi32, #tpu.memory_space<vmem>>)
        tpu.yield
      }) : () -> ()
      "tpu.region"() ({
        %run_scoped3A_417 = tpu.sem_alloc : memref<!tpu.dma_semaphore, #tpu.memory_space<semaphore_mem>>
        %dma_start3A_418 = arith.constant 0 : i32
        %dma_start3A_419 = tpu.memref_slice %arg3[%add3A_34, %dma_start3A_418] : memref<2560x128xi32, #tpu.memory_space<hbm>> -> memref<16x128xi32, #tpu.memory_space<hbm>>
        %dma_start3A_420 = arith.constant 0 : i32
        %dma_start3A_421 = tpu.memref_slice %arg3[%add3A_34, %dma_start3A_420] : memref<2560x128xi32, #tpu.memory_space<hbm>> -> memref<16x128xi32, #tpu.memory_space<hbm>>
        tpu.enqueue_dma source(%dma_start3A_421 : memref<16x128xi32, #tpu.memory_space<hbm>>) target(%arg10 : memref<16x128xi32, #tpu.memory_space<vmem>>) target_semaphore(%run_scoped3A_417 : memref<!tpu.dma_semaphore, #tpu.memory_space<semaphore_mem>>)
        %dma_wait3A_422 = arith.constant 0 : i32
        %dma_wait3A_423 = tpu.memref_slice %arg3[%add3A_34, %dma_wait3A_422] : memref<2560x128xi32, #tpu.memory_space<hbm>> -> memref<16x128xi32, #tpu.memory_space<hbm>>
        %dma_wait3A_424 = arith.constant 0 : i32
        %dma_wait3A_425 = tpu.memref_slice %arg3[%add3A_34, %dma_wait3A_424] : memref<2560x128xi32, #tpu.memory_space<hbm>> -> memref<16x128xi32, #tpu.memory_space<hbm>>
        tpu.wait_dma2 semaphore(%run_scoped3A_417 : memref<!tpu.dma_semaphore, #tpu.memory_space<semaphore_mem>>) src(%dma_wait3A_425 : memref<16x128xi32, #tpu.memory_space<hbm>>) dst(%arg10 : memref<16x128xi32, #tpu.memory_space<vmem>>)
        tpu.yield
      }) : () -> ()
      %dma_start3A = arith.constant 0 : i32
      %dma_start3A_35 = arith.constant 0 : i32
      %dma_start3A_36 = tpu.memref_slice %arg9[%dma_start3A, %dma_start3A_35] : memref<16x128xi32, #tpu.memory_space<vmem>> -> memref<1x128xi32, #tpu.memory_space<vmem>>
      %dma_start3A_37 = tpu.memref_squeeze %dma_start3A_36 : memref<1x128xi32, #tpu.memory_space<vmem>> -> memref<128xi32, #tpu.memory_space<vmem>>
      %dma_start3A_38 = arith.constant 0 : i32
      %dma_start3A_39 = tpu.memref_slice %arg5[%dma_start3A_38] : memref<10240xf32, #tpu.memory_space<vmem_shared>> -> memref<10240xf32, #tpu.memory_space<vmem_shared>>
      tpu.enqueue_indirect_dma source(%arg8 : memref<128xf32, #tpu.memory_space<vmem>>) target(%dma_start3A_39 : memref<10240xf32, #tpu.memory_space<vmem_shared>>) offsets(%dma_start3A_37 : memref<128xi32, #tpu.memory_space<vmem>>) semaphore(%arg11 : memref<!tpu.dma_semaphore, #tpu.memory_space<semaphore_mem>>) {add = true}
      %dma_start3A_40 = arith.constant 0 : i32
      %dma_start3A_41 = arith.constant 0 : i32
      %dma_start3A_42 = tpu.memref_slice %arg10[%dma_start3A_40, %dma_start3A_41] : memref<16x128xi32, #tpu.memory_space<vmem>> -> memref<1x128xi32, #tpu.memory_space<vmem>>
      %dma_start3A_43 = tpu.memref_squeeze %dma_start3A_42 : memref<1x128xi32, #tpu.memory_space<vmem>> -> memref<128xi32, #tpu.memory_space<vmem>>
      %dma_start3A_44 = arith.constant 0 : i32
      %dma_start3A_45 = tpu.memref_slice %arg6[%dma_start3A_44] : memref<10240xf32, #tpu.memory_space<vmem_shared>> -> memref<10240xf32, #tpu.memory_space<vmem_shared>>
      tpu.enqueue_indirect_dma source(%arg8 : memref<128xf32, #tpu.memory_space<vmem>>) target(%dma_start3A_45 : memref<10240xf32, #tpu.memory_space<vmem_shared>>) offsets(%dma_start3A_43 : memref<128xi32, #tpu.memory_space<vmem>>) semaphore(%arg12 : memref<!tpu.dma_semaphore, #tpu.memory_space<semaphore_mem>>) {add = true}
      %dma_start3A_46 = arith.constant 1 : i32
      %dma_start3A_47 = arith.constant 0 : i32
      %dma_start3A_48 = tpu.memref_slice %arg9[%dma_start3A_46, %dma_start3A_47] : memref<16x128xi32, #tpu.memory_space<vmem>> -> memref<1x128xi32, #tpu.memory_space<vmem>>
      %dma_start3A_49 = tpu.memref_squeeze %dma_start3A_48 : memref<1x128xi32, #tpu.memory_space<vmem>> -> memref<128xi32, #tpu.memory_space<vmem>>
      %dma_start3A_50 = arith.constant 0 : i32
      %dma_start3A_51 = tpu.memref_slice %arg5[%dma_start3A_50] : memref<10240xf32, #tpu.memory_space<vmem_shared>> -> memref<10240xf32, #tpu.memory_space<vmem_shared>>
      tpu.enqueue_indirect_dma source(%arg8 : memref<128xf32, #tpu.memory_space<vmem>>) target(%dma_start3A_51 : memref<10240xf32, #tpu.memory_space<vmem_shared>>) offsets(%dma_start3A_49 : memref<128xi32, #tpu.memory_space<vmem>>) semaphore(%arg11 : memref<!tpu.dma_semaphore, #tpu.memory_space<semaphore_mem>>) {add = true}
      %dma_start3A_52 = arith.constant 1 : i32
      %dma_start3A_53 = arith.constant 0 : i32
      %dma_start3A_54 = tpu.memref_slice %arg10[%dma_start3A_52, %dma_start3A_53] : memref<16x128xi32, #tpu.memory_space<vmem>> -> memref<1x128xi32, #tpu.memory_space<vmem>>
      %dma_start3A_55 = tpu.memref_squeeze %dma_start3A_54 : memref<1x128xi32, #tpu.memory_space<vmem>> -> memref<128xi32, #tpu.memory_space<vmem>>
      %dma_start3A_56 = arith.constant 0 : i32
      %dma_start3A_57 = tpu.memref_slice %arg6[%dma_start3A_56] : memref<10240xf32, #tpu.memory_space<vmem_shared>> -> memref<10240xf32, #tpu.memory_space<vmem_shared>>
      tpu.enqueue_indirect_dma source(%arg8 : memref<128xf32, #tpu.memory_space<vmem>>) target(%dma_start3A_57 : memref<10240xf32, #tpu.memory_space<vmem_shared>>) offsets(%dma_start3A_55 : memref<128xi32, #tpu.memory_space<vmem>>) semaphore(%arg12 : memref<!tpu.dma_semaphore, #tpu.memory_space<semaphore_mem>>) {add = true}
      %dma_start3A_58 = arith.constant 2 : i32
      %dma_start3A_59 = arith.constant 0 : i32
      %dma_start3A_60 = tpu.memref_slice %arg9[%dma_start3A_58, %dma_start3A_59] : memref<16x128xi32, #tpu.memory_space<vmem>> -> memref<1x128xi32, #tpu.memory_space<vmem>>
      %dma_start3A_61 = tpu.memref_squeeze %dma_start3A_60 : memref<1x128xi32, #tpu.memory_space<vmem>> -> memref<128xi32, #tpu.memory_space<vmem>>
      %dma_start3A_62 = arith.constant 0 : i32
      %dma_start3A_63 = tpu.memref_slice %arg5[%dma_start3A_62] : memref<10240xf32, #tpu.memory_space<vmem_shared>> -> memref<10240xf32, #tpu.memory_space<vmem_shared>>
      tpu.enqueue_indirect_dma source(%arg8 : memref<128xf32, #tpu.memory_space<vmem>>) target(%dma_start3A_63 : memref<10240xf32, #tpu.memory_space<vmem_shared>>) offsets(%dma_start3A_61 : memref<128xi32, #tpu.memory_space<vmem>>) semaphore(%arg11 : memref<!tpu.dma_semaphore, #tpu.memory_space<semaphore_mem>>) {add = true}
      %dma_start3A_64 = arith.constant 2 : i32
      %dma_start3A_65 = arith.constant 0 : i32
      %dma_start3A_66 = tpu.memref_slice %arg10[%dma_start3A_64, %dma_start3A_65] : memref<16x128xi32, #tpu.memory_space<vmem>> -> memref<1x128xi32, #tpu.memory_space<vmem>>
      %dma_start3A_67 = tpu.memref_squeeze %dma_start3A_66 : memref<1x128xi32, #tpu.memory_space<vmem>> -> memref<128xi32, #tpu.memory_space<vmem>>
      %dma_start3A_68 = arith.constant 0 : i32
      %dma_start3A_69 = tpu.memref_slice %arg6[%dma_start3A_68] : memref<10240xf32, #tpu.memory_space<vmem_shared>> -> memref<10240xf32, #tpu.memory_space<vmem_shared>>
      tpu.enqueue_indirect_dma source(%arg8 : memref<128xf32, #tpu.memory_space<vmem>>) target(%dma_start3A_69 : memref<10240xf32, #tpu.memory_space<vmem_shared>>) offsets(%dma_start3A_67 : memref<128xi32, #tpu.memory_space<vmem>>) semaphore(%arg12 : memref<!tpu.dma_semaphore, #tpu.memory_space<semaphore_mem>>) {add = true}
      %dma_start3A_70 = arith.constant 3 : i32
      %dma_start3A_71 = arith.constant 0 : i32
      %dma_start3A_72 = tpu.memref_slice %arg9[%dma_start3A_70, %dma_start3A_71] : memref<16x128xi32, #tpu.memory_space<vmem>> -> memref<1x128xi32, #tpu.memory_space<vmem>>
      %dma_start3A_73 = tpu.memref_squeeze %dma_start3A_72 : memref<1x128xi32, #tpu.memory_space<vmem>> -> memref<128xi32, #tpu.memory_space<vmem>>
      %dma_start3A_74 = arith.constant 0 : i32
      %dma_start3A_75 = tpu.memref_slice %arg5[%dma_start3A_74] : memref<10240xf32, #tpu.memory_space<vmem_shared>> -> memref<10240xf32, #tpu.memory_space<vmem_shared>>
      tpu.enqueue_indirect_dma source(%arg8 : memref<128xf32, #tpu.memory_space<vmem>>) target(%dma_start3A_75 : memref<10240xf32, #tpu.memory_space<vmem_shared>>) offsets(%dma_start3A_73 : memref<128xi32, #tpu.memory_space<vmem>>) semaphore(%arg11 : memref<!tpu.dma_semaphore, #tpu.memory_space<semaphore_mem>>) {add = true}
      %dma_start3A_76 = arith.constant 3 : i32
      %dma_start3A_77 = arith.constant 0 : i32
      %dma_start3A_78 = tpu.memref_slice %arg10[%dma_start3A_76, %dma_start3A_77] : memref<16x128xi32, #tpu.memory_space<vmem>> -> memref<1x128xi32, #tpu.memory_space<vmem>>
      %dma_start3A_79 = tpu.memref_squeeze %dma_start3A_78 : memref<1x128xi32, #tpu.memory_space<vmem>> -> memref<128xi32, #tpu.memory_space<vmem>>
      %dma_start3A_80 = arith.constant 0 : i32
      %dma_start3A_81 = tpu.memref_slice %arg6[%dma_start3A_80] : memref<10240xf32, #tpu.memory_space<vmem_shared>> -> memref<10240xf32, #tpu.memory_space<vmem_shared>>
      tpu.enqueue_indirect_dma source(%arg8 : memref<128xf32, #tpu.memory_space<vmem>>) target(%dma_start3A_81 : memref<10240xf32, #tpu.memory_space<vmem_shared>>) offsets(%dma_start3A_79 : memref<128xi32, #tpu.memory_space<vmem>>) semaphore(%arg12 : memref<!tpu.dma_semaphore, #tpu.memory_space<semaphore_mem>>) {add = true}
      %dma_start3A_82 = arith.constant 4 : i32
      %dma_start3A_83 = arith.constant 0 : i32
      %dma_start3A_84 = tpu.memref_slice %arg9[%dma_start3A_82, %dma_start3A_83] : memref<16x128xi32, #tpu.memory_space<vmem>> -> memref<1x128xi32, #tpu.memory_space<vmem>>
      %dma_start3A_85 = tpu.memref_squeeze %dma_start3A_84 : memref<1x128xi32, #tpu.memory_space<vmem>> -> memref<128xi32, #tpu.memory_space<vmem>>
      %dma_start3A_86 = arith.constant 0 : i32
      %dma_start3A_87 = tpu.memref_slice %arg5[%dma_start3A_86] : memref<10240xf32, #tpu.memory_space<vmem_shared>> -> memref<10240xf32, #tpu.memory_space<vmem_shared>>
      tpu.enqueue_indirect_dma source(%arg8 : memref<128xf32, #tpu.memory_space<vmem>>) target(%dma_start3A_87 : memref<10240xf32, #tpu.memory_space<vmem_shared>>) offsets(%dma_start3A_85 : memref<128xi32, #tpu.memory_space<vmem>>) semaphore(%arg11 : memref<!tpu.dma_semaphore, #tpu.memory_space<semaphore_mem>>) {add = true}
      %dma_start3A_88 = arith.constant 4 : i32
      %dma_start3A_89 = arith.constant 0 : i32
      %dma_start3A_90 = tpu.memref_slice %arg10[%dma_start3A_88, %dma_start3A_89] : memref<16x128xi32, #tpu.memory_space<vmem>> -> memref<1x128xi32, #tpu.memory_space<vmem>>
      %dma_start3A_91 = tpu.memref_squeeze %dma_start3A_90 : memref<1x128xi32, #tpu.memory_space<vmem>> -> memref<128xi32, #tpu.memory_space<vmem>>
      %dma_start3A_92 = arith.constant 0 : i32
      %dma_start3A_93 = tpu.memref_slice %arg6[%dma_start3A_92] : memref<10240xf32, #tpu.memory_space<vmem_shared>> -> memref<10240xf32, #tpu.memory_space<vmem_shared>>
      tpu.enqueue_indirect_dma source(%arg8 : memref<128xf32, #tpu.memory_space<vmem>>) target(%dma_start3A_93 : memref<10240xf32, #tpu.memory_space<vmem_shared>>) offsets(%dma_start3A_91 : memref<128xi32, #tpu.memory_space<vmem>>) semaphore(%arg12 : memref<!tpu.dma_semaphore, #tpu.memory_space<semaphore_mem>>) {add = true}
      %dma_start3A_94 = arith.constant 5 : i32
      %dma_start3A_95 = arith.constant 0 : i32
      %dma_start3A_96 = tpu.memref_slice %arg9[%dma_start3A_94, %dma_start3A_95] : memref<16x128xi32, #tpu.memory_space<vmem>> -> memref<1x128xi32, #tpu.memory_space<vmem>>
      %dma_start3A_97 = tpu.memref_squeeze %dma_start3A_96 : memref<1x128xi32, #tpu.memory_space<vmem>> -> memref<128xi32, #tpu.memory_space<vmem>>
      %dma_start3A_98 = arith.constant 0 : i32
      %dma_start3A_99 = tpu.memref_slice %arg5[%dma_start3A_98] : memref<10240xf32, #tpu.memory_space<vmem_shared>> -> memref<10240xf32, #tpu.memory_space<vmem_shared>>
      tpu.enqueue_indirect_dma source(%arg8 : memref<128xf32, #tpu.memory_space<vmem>>) target(%dma_start3A_99 : memref<10240xf32, #tpu.memory_space<vmem_shared>>) offsets(%dma_start3A_97 : memref<128xi32, #tpu.memory_space<vmem>>) semaphore(%arg11 : memref<!tpu.dma_semaphore, #tpu.memory_space<semaphore_mem>>) {add = true}
      %dma_start3A_100 = arith.constant 5 : i32
      %dma_start3A_101 = arith.constant 0 : i32
      %dma_start3A_102 = tpu.memref_slice %arg10[%dma_start3A_100, %dma_start3A_101] : memref<16x128xi32, #tpu.memory_space<vmem>> -> memref<1x128xi32, #tpu.memory_space<vmem>>
      %dma_start3A_103 = tpu.memref_squeeze %dma_start3A_102 : memref<1x128xi32, #tpu.memory_space<vmem>> -> memref<128xi32, #tpu.memory_space<vmem>>
      %dma_start3A_104 = arith.constant 0 : i32
      %dma_start3A_105 = tpu.memref_slice %arg6[%dma_start3A_104] : memref<10240xf32, #tpu.memory_space<vmem_shared>> -> memref<10240xf32, #tpu.memory_space<vmem_shared>>
      tpu.enqueue_indirect_dma source(%arg8 : memref<128xf32, #tpu.memory_space<vmem>>) target(%dma_start3A_105 : memref<10240xf32, #tpu.memory_space<vmem_shared>>) offsets(%dma_start3A_103 : memref<128xi32, #tpu.memory_space<vmem>>) semaphore(%arg12 : memref<!tpu.dma_semaphore, #tpu.memory_space<semaphore_mem>>) {add = true}
      %dma_start3A_106 = arith.constant 6 : i32
      %dma_start3A_107 = arith.constant 0 : i32
      %dma_start3A_108 = tpu.memref_slice %arg9[%dma_start3A_106, %dma_start3A_107] : memref<16x128xi32, #tpu.memory_space<vmem>> -> memref<1x128xi32, #tpu.memory_space<vmem>>
      %dma_start3A_109 = tpu.memref_squeeze %dma_start3A_108 : memref<1x128xi32, #tpu.memory_space<vmem>> -> memref<128xi32, #tpu.memory_space<vmem>>
      %dma_start3A_110 = arith.constant 0 : i32
      %dma_start3A_111 = tpu.memref_slice %arg5[%dma_start3A_110] : memref<10240xf32, #tpu.memory_space<vmem_shared>> -> memref<10240xf32, #tpu.memory_space<vmem_shared>>
      tpu.enqueue_indirect_dma source(%arg8 : memref<128xf32, #tpu.memory_space<vmem>>) target(%dma_start3A_111 : memref<10240xf32, #tpu.memory_space<vmem_shared>>) offsets(%dma_start3A_109 : memref<128xi32, #tpu.memory_space<vmem>>) semaphore(%arg11 : memref<!tpu.dma_semaphore, #tpu.memory_space<semaphore_mem>>) {add = true}
      %dma_start3A_112 = arith.constant 6 : i32
      %dma_start3A_113 = arith.constant 0 : i32
      %dma_start3A_114 = tpu.memref_slice %arg10[%dma_start3A_112, %dma_start3A_113] : memref<16x128xi32, #tpu.memory_space<vmem>> -> memref<1x128xi32, #tpu.memory_space<vmem>>
      %dma_start3A_115 = tpu.memref_squeeze %dma_start3A_114 : memref<1x128xi32, #tpu.memory_space<vmem>> -> memref<128xi32, #tpu.memory_space<vmem>>
      %dma_start3A_116 = arith.constant 0 : i32
      %dma_start3A_117 = tpu.memref_slice %arg6[%dma_start3A_116] : memref<10240xf32, #tpu.memory_space<vmem_shared>> -> memref<10240xf32, #tpu.memory_space<vmem_shared>>
      tpu.enqueue_indirect_dma source(%arg8 : memref<128xf32, #tpu.memory_space<vmem>>) target(%dma_start3A_117 : memref<10240xf32, #tpu.memory_space<vmem_shared>>) offsets(%dma_start3A_115 : memref<128xi32, #tpu.memory_space<vmem>>) semaphore(%arg12 : memref<!tpu.dma_semaphore, #tpu.memory_space<semaphore_mem>>) {add = true}
      %dma_start3A_118 = arith.constant 7 : i32
      %dma_start3A_119 = arith.constant 0 : i32
      %dma_start3A_120 = tpu.memref_slice %arg9[%dma_start3A_118, %dma_start3A_119] : memref<16x128xi32, #tpu.memory_space<vmem>> -> memref<1x128xi32, #tpu.memory_space<vmem>>
      %dma_start3A_121 = tpu.memref_squeeze %dma_start3A_120 : memref<1x128xi32, #tpu.memory_space<vmem>> -> memref<128xi32, #tpu.memory_space<vmem>>
      %dma_start3A_122 = arith.constant 0 : i32
      %dma_start3A_123 = tpu.memref_slice %arg5[%dma_start3A_122] : memref<10240xf32, #tpu.memory_space<vmem_shared>> -> memref<10240xf32, #tpu.memory_space<vmem_shared>>
      tpu.enqueue_indirect_dma source(%arg8 : memref<128xf32, #tpu.memory_space<vmem>>) target(%dma_start3A_123 : memref<10240xf32, #tpu.memory_space<vmem_shared>>) offsets(%dma_start3A_121 : memref<128xi32, #tpu.memory_space<vmem>>) semaphore(%arg11 : memref<!tpu.dma_semaphore, #tpu.memory_space<semaphore_mem>>) {add = true}
      %dma_start3A_124 = arith.constant 7 : i32
      %dma_start3A_125 = arith.constant 0 : i32
      %dma_start3A_126 = tpu.memref_slice %arg10[%dma_start3A_124, %dma_start3A_125] : memref<16x128xi32, #tpu.memory_space<vmem>> -> memref<1x128xi32, #tpu.memory_space<vmem>>
      %dma_start3A_127 = tpu.memref_squeeze %dma_start3A_126 : memref<1x128xi32, #tpu.memory_space<vmem>> -> memref<128xi32, #tpu.memory_space<vmem>>
      %dma_start3A_128 = arith.constant 0 : i32
      %dma_start3A_129 = tpu.memref_slice %arg6[%dma_start3A_128] : memref<10240xf32, #tpu.memory_space<vmem_shared>> -> memref<10240xf32, #tpu.memory_space<vmem_shared>>
      tpu.enqueue_indirect_dma source(%arg8 : memref<128xf32, #tpu.memory_space<vmem>>) target(%dma_start3A_129 : memref<10240xf32, #tpu.memory_space<vmem_shared>>) offsets(%dma_start3A_127 : memref<128xi32, #tpu.memory_space<vmem>>) semaphore(%arg12 : memref<!tpu.dma_semaphore, #tpu.memory_space<semaphore_mem>>) {add = true}
      %dma_start3A_130 = arith.constant 8 : i32
      %dma_start3A_131 = arith.constant 0 : i32
      %dma_start3A_132 = tpu.memref_slice %arg9[%dma_start3A_130, %dma_start3A_131] : memref<16x128xi32, #tpu.memory_space<vmem>> -> memref<1x128xi32, #tpu.memory_space<vmem>>
      %dma_start3A_133 = tpu.memref_squeeze %dma_start3A_132 : memref<1x128xi32, #tpu.memory_space<vmem>> -> memref<128xi32, #tpu.memory_space<vmem>>
      %dma_start3A_134 = arith.constant 0 : i32
      %dma_start3A_135 = tpu.memref_slice %arg5[%dma_start3A_134] : memref<10240xf32, #tpu.memory_space<vmem_shared>> -> memref<10240xf32, #tpu.memory_space<vmem_shared>>
      tpu.enqueue_indirect_dma source(%arg8 : memref<128xf32, #tpu.memory_space<vmem>>) target(%dma_start3A_135 : memref<10240xf32, #tpu.memory_space<vmem_shared>>) offsets(%dma_start3A_133 : memref<128xi32, #tpu.memory_space<vmem>>) semaphore(%arg11 : memref<!tpu.dma_semaphore, #tpu.memory_space<semaphore_mem>>) {add = true}
      %dma_start3A_136 = arith.constant 8 : i32
      %dma_start3A_137 = arith.constant 0 : i32
      %dma_start3A_138 = tpu.memref_slice %arg10[%dma_start3A_136, %dma_start3A_137] : memref<16x128xi32, #tpu.memory_space<vmem>> -> memref<1x128xi32, #tpu.memory_space<vmem>>
      %dma_start3A_139 = tpu.memref_squeeze %dma_start3A_138 : memref<1x128xi32, #tpu.memory_space<vmem>> -> memref<128xi32, #tpu.memory_space<vmem>>
      %dma_start3A_140 = arith.constant 0 : i32
      %dma_start3A_141 = tpu.memref_slice %arg6[%dma_start3A_140] : memref<10240xf32, #tpu.memory_space<vmem_shared>> -> memref<10240xf32, #tpu.memory_space<vmem_shared>>
      tpu.enqueue_indirect_dma source(%arg8 : memref<128xf32, #tpu.memory_space<vmem>>) target(%dma_start3A_141 : memref<10240xf32, #tpu.memory_space<vmem_shared>>) offsets(%dma_start3A_139 : memref<128xi32, #tpu.memory_space<vmem>>) semaphore(%arg12 : memref<!tpu.dma_semaphore, #tpu.memory_space<semaphore_mem>>) {add = true}
      %dma_start3A_142 = arith.constant 9 : i32
      %dma_start3A_143 = arith.constant 0 : i32
      %dma_start3A_144 = tpu.memref_slice %arg9[%dma_start3A_142, %dma_start3A_143] : memref<16x128xi32, #tpu.memory_space<vmem>> -> memref<1x128xi32, #tpu.memory_space<vmem>>
      %dma_start3A_145 = tpu.memref_squeeze %dma_start3A_144 : memref<1x128xi32, #tpu.memory_space<vmem>> -> memref<128xi32, #tpu.memory_space<vmem>>
      %dma_start3A_146 = arith.constant 0 : i32
      %dma_start3A_147 = tpu.memref_slice %arg5[%dma_start3A_146] : memref<10240xf32, #tpu.memory_space<vmem_shared>> -> memref<10240xf32, #tpu.memory_space<vmem_shared>>
      tpu.enqueue_indirect_dma source(%arg8 : memref<128xf32, #tpu.memory_space<vmem>>) target(%dma_start3A_147 : memref<10240xf32, #tpu.memory_space<vmem_shared>>) offsets(%dma_start3A_145 : memref<128xi32, #tpu.memory_space<vmem>>) semaphore(%arg11 : memref<!tpu.dma_semaphore, #tpu.memory_space<semaphore_mem>>) {add = true}
      %dma_start3A_148 = arith.constant 9 : i32
      %dma_start3A_149 = arith.constant 0 : i32
      %dma_start3A_150 = tpu.memref_slice %arg10[%dma_start3A_148, %dma_start3A_149] : memref<16x128xi32, #tpu.memory_space<vmem>> -> memref<1x128xi32, #tpu.memory_space<vmem>>
      %dma_start3A_151 = tpu.memref_squeeze %dma_start3A_150 : memref<1x128xi32, #tpu.memory_space<vmem>> -> memref<128xi32, #tpu.memory_space<vmem>>
      %dma_start3A_152 = arith.constant 0 : i32
      %dma_start3A_153 = tpu.memref_slice %arg6[%dma_start3A_152] : memref<10240xf32, #tpu.memory_space<vmem_shared>> -> memref<10240xf32, #tpu.memory_space<vmem_shared>>
      tpu.enqueue_indirect_dma source(%arg8 : memref<128xf32, #tpu.memory_space<vmem>>) target(%dma_start3A_153 : memref<10240xf32, #tpu.memory_space<vmem_shared>>) offsets(%dma_start3A_151 : memref<128xi32, #tpu.memory_space<vmem>>) semaphore(%arg12 : memref<!tpu.dma_semaphore, #tpu.memory_space<semaphore_mem>>) {add = true}
      %dma_start3A_154 = arith.constant 10 : i32
      %dma_start3A_155 = arith.constant 0 : i32
      %dma_start3A_156 = tpu.memref_slice %arg9[%dma_start3A_154, %dma_start3A_155] : memref<16x128xi32, #tpu.memory_space<vmem>> -> memref<1x128xi32, #tpu.memory_space<vmem>>
      %dma_start3A_157 = tpu.memref_squeeze %dma_start3A_156 : memref<1x128xi32, #tpu.memory_space<vmem>> -> memref<128xi32, #tpu.memory_space<vmem>>
      %dma_start3A_158 = arith.constant 0 : i32
      %dma_start3A_159 = tpu.memref_slice %arg5[%dma_start3A_158] : memref<10240xf32, #tpu.memory_space<vmem_shared>> -> memref<10240xf32, #tpu.memory_space<vmem_shared>>
      tpu.enqueue_indirect_dma source(%arg8 : memref<128xf32, #tpu.memory_space<vmem>>) target(%dma_start3A_159 : memref<10240xf32, #tpu.memory_space<vmem_shared>>) offsets(%dma_start3A_157 : memref<128xi32, #tpu.memory_space<vmem>>) semaphore(%arg11 : memref<!tpu.dma_semaphore, #tpu.memory_space<semaphore_mem>>) {add = true}
      %dma_start3A_160 = arith.constant 10 : i32
      %dma_start3A_161 = arith.constant 0 : i32
      %dma_start3A_162 = tpu.memref_slice %arg10[%dma_start3A_160, %dma_start3A_161] : memref<16x128xi32, #tpu.memory_space<vmem>> -> memref<1x128xi32, #tpu.memory_space<vmem>>
      %dma_start3A_163 = tpu.memref_squeeze %dma_start3A_162 : memref<1x128xi32, #tpu.memory_space<vmem>> -> memref<128xi32, #tpu.memory_space<vmem>>
      %dma_start3A_164 = arith.constant 0 : i32
      %dma_start3A_165 = tpu.memref_slice %arg6[%dma_start3A_164] : memref<10240xf32, #tpu.memory_space<vmem_shared>> -> memref<10240xf32, #tpu.memory_space<vmem_shared>>
      tpu.enqueue_indirect_dma source(%arg8 : memref<128xf32, #tpu.memory_space<vmem>>) target(%dma_start3A_165 : memref<10240xf32, #tpu.memory_space<vmem_shared>>) offsets(%dma_start3A_163 : memref<128xi32, #tpu.memory_space<vmem>>) semaphore(%arg12 : memref<!tpu.dma_semaphore, #tpu.memory_space<semaphore_mem>>) {add = true}
      %dma_start3A_166 = arith.constant 11 : i32
      %dma_start3A_167 = arith.constant 0 : i32
      %dma_start3A_168 = tpu.memref_slice %arg9[%dma_start3A_166, %dma_start3A_167] : memref<16x128xi32, #tpu.memory_space<vmem>> -> memref<1x128xi32, #tpu.memory_space<vmem>>
      %dma_start3A_169 = tpu.memref_squeeze %dma_start3A_168 : memref<1x128xi32, #tpu.memory_space<vmem>> -> memref<128xi32, #tpu.memory_space<vmem>>
      %dma_start3A_170 = arith.constant 0 : i32
      %dma_start3A_171 = tpu.memref_slice %arg5[%dma_start3A_170] : memref<10240xf32, #tpu.memory_space<vmem_shared>> -> memref<10240xf32, #tpu.memory_space<vmem_shared>>
      tpu.enqueue_indirect_dma source(%arg8 : memref<128xf32, #tpu.memory_space<vmem>>) target(%dma_start3A_171 : memref<10240xf32, #tpu.memory_space<vmem_shared>>) offsets(%dma_start3A_169 : memref<128xi32, #tpu.memory_space<vmem>>) semaphore(%arg11 : memref<!tpu.dma_semaphore, #tpu.memory_space<semaphore_mem>>) {add = true}
      %dma_start3A_172 = arith.constant 11 : i32
      %dma_start3A_173 = arith.constant 0 : i32
      %dma_start3A_174 = tpu.memref_slice %arg10[%dma_start3A_172, %dma_start3A_173] : memref<16x128xi32, #tpu.memory_space<vmem>> -> memref<1x128xi32, #tpu.memory_space<vmem>>
      %dma_start3A_175 = tpu.memref_squeeze %dma_start3A_174 : memref<1x128xi32, #tpu.memory_space<vmem>> -> memref<128xi32, #tpu.memory_space<vmem>>
      %dma_start3A_176 = arith.constant 0 : i32
      %dma_start3A_177 = tpu.memref_slice %arg6[%dma_start3A_176] : memref<10240xf32, #tpu.memory_space<vmem_shared>> -> memref<10240xf32, #tpu.memory_space<vmem_shared>>
      tpu.enqueue_indirect_dma source(%arg8 : memref<128xf32, #tpu.memory_space<vmem>>) target(%dma_start3A_177 : memref<10240xf32, #tpu.memory_space<vmem_shared>>) offsets(%dma_start3A_175 : memref<128xi32, #tpu.memory_space<vmem>>) semaphore(%arg12 : memref<!tpu.dma_semaphore, #tpu.memory_space<semaphore_mem>>) {add = true}
      %dma_start3A_178 = arith.constant 12 : i32
      %dma_start3A_179 = arith.constant 0 : i32
      %dma_start3A_180 = tpu.memref_slice %arg9[%dma_start3A_178, %dma_start3A_179] : memref<16x128xi32, #tpu.memory_space<vmem>> -> memref<1x128xi32, #tpu.memory_space<vmem>>
      %dma_start3A_181 = tpu.memref_squeeze %dma_start3A_180 : memref<1x128xi32, #tpu.memory_space<vmem>> -> memref<128xi32, #tpu.memory_space<vmem>>
      %dma_start3A_182 = arith.constant 0 : i32
      %dma_start3A_183 = tpu.memref_slice %arg5[%dma_start3A_182] : memref<10240xf32, #tpu.memory_space<vmem_shared>> -> memref<10240xf32, #tpu.memory_space<vmem_shared>>
      tpu.enqueue_indirect_dma source(%arg8 : memref<128xf32, #tpu.memory_space<vmem>>) target(%dma_start3A_183 : memref<10240xf32, #tpu.memory_space<vmem_shared>>) offsets(%dma_start3A_181 : memref<128xi32, #tpu.memory_space<vmem>>) semaphore(%arg11 : memref<!tpu.dma_semaphore, #tpu.memory_space<semaphore_mem>>) {add = true}
      %dma_start3A_184 = arith.constant 12 : i32
      %dma_start3A_185 = arith.constant 0 : i32
      %dma_start3A_186 = tpu.memref_slice %arg10[%dma_start3A_184, %dma_start3A_185] : memref<16x128xi32, #tpu.memory_space<vmem>> -> memref<1x128xi32, #tpu.memory_space<vmem>>
      %dma_start3A_187 = tpu.memref_squeeze %dma_start3A_186 : memref<1x128xi32, #tpu.memory_space<vmem>> -> memref<128xi32, #tpu.memory_space<vmem>>
      %dma_start3A_188 = arith.constant 0 : i32
      %dma_start3A_189 = tpu.memref_slice %arg6[%dma_start3A_188] : memref<10240xf32, #tpu.memory_space<vmem_shared>> -> memref<10240xf32, #tpu.memory_space<vmem_shared>>
      tpu.enqueue_indirect_dma source(%arg8 : memref<128xf32, #tpu.memory_space<vmem>>) target(%dma_start3A_189 : memref<10240xf32, #tpu.memory_space<vmem_shared>>) offsets(%dma_start3A_187 : memref<128xi32, #tpu.memory_space<vmem>>) semaphore(%arg12 : memref<!tpu.dma_semaphore, #tpu.memory_space<semaphore_mem>>) {add = true}
      %dma_start3A_190 = arith.constant 13 : i32
      %dma_start3A_191 = arith.constant 0 : i32
      %dma_start3A_192 = tpu.memref_slice %arg9[%dma_start3A_190, %dma_start3A_191] : memref<16x128xi32, #tpu.memory_space<vmem>> -> memref<1x128xi32, #tpu.memory_space<vmem>>
      %dma_start3A_193 = tpu.memref_squeeze %dma_start3A_192 : memref<1x128xi32, #tpu.memory_space<vmem>> -> memref<128xi32, #tpu.memory_space<vmem>>
      %dma_start3A_194 = arith.constant 0 : i32
      %dma_start3A_195 = tpu.memref_slice %arg5[%dma_start3A_194] : memref<10240xf32, #tpu.memory_space<vmem_shared>> -> memref<10240xf32, #tpu.memory_space<vmem_shared>>
      tpu.enqueue_indirect_dma source(%arg8 : memref<128xf32, #tpu.memory_space<vmem>>) target(%dma_start3A_195 : memref<10240xf32, #tpu.memory_space<vmem_shared>>) offsets(%dma_start3A_193 : memref<128xi32, #tpu.memory_space<vmem>>) semaphore(%arg11 : memref<!tpu.dma_semaphore, #tpu.memory_space<semaphore_mem>>) {add = true}
      %dma_start3A_196 = arith.constant 13 : i32
      %dma_start3A_197 = arith.constant 0 : i32
      %dma_start3A_198 = tpu.memref_slice %arg10[%dma_start3A_196, %dma_start3A_197] : memref<16x128xi32, #tpu.memory_space<vmem>> -> memref<1x128xi32, #tpu.memory_space<vmem>>
      %dma_start3A_199 = tpu.memref_squeeze %dma_start3A_198 : memref<1x128xi32, #tpu.memory_space<vmem>> -> memref<128xi32, #tpu.memory_space<vmem>>
      %dma_start3A_200 = arith.constant 0 : i32
      %dma_start3A_201 = tpu.memref_slice %arg6[%dma_start3A_200] : memref<10240xf32, #tpu.memory_space<vmem_shared>> -> memref<10240xf32, #tpu.memory_space<vmem_shared>>
      tpu.enqueue_indirect_dma source(%arg8 : memref<128xf32, #tpu.memory_space<vmem>>) target(%dma_start3A_201 : memref<10240xf32, #tpu.memory_space<vmem_shared>>) offsets(%dma_start3A_199 : memref<128xi32, #tpu.memory_space<vmem>>) semaphore(%arg12 : memref<!tpu.dma_semaphore, #tpu.memory_space<semaphore_mem>>) {add = true}
      %dma_start3A_202 = arith.constant 14 : i32
      %dma_start3A_203 = arith.constant 0 : i32
      %dma_start3A_204 = tpu.memref_slice %arg9[%dma_start3A_202, %dma_start3A_203] : memref<16x128xi32, #tpu.memory_space<vmem>> -> memref<1x128xi32, #tpu.memory_space<vmem>>
      %dma_start3A_205 = tpu.memref_squeeze %dma_start3A_204 : memref<1x128xi32, #tpu.memory_space<vmem>> -> memref<128xi32, #tpu.memory_space<vmem>>
      %dma_start3A_206 = arith.constant 0 : i32
      %dma_start3A_207 = tpu.memref_slice %arg5[%dma_start3A_206] : memref<10240xf32, #tpu.memory_space<vmem_shared>> -> memref<10240xf32, #tpu.memory_space<vmem_shared>>
      tpu.enqueue_indirect_dma source(%arg8 : memref<128xf32, #tpu.memory_space<vmem>>) target(%dma_start3A_207 : memref<10240xf32, #tpu.memory_space<vmem_shared>>) offsets(%dma_start3A_205 : memref<128xi32, #tpu.memory_space<vmem>>) semaphore(%arg11 : memref<!tpu.dma_semaphore, #tpu.memory_space<semaphore_mem>>) {add = true}
      %dma_start3A_208 = arith.constant 14 : i32
      %dma_start3A_209 = arith.constant 0 : i32
      %dma_start3A_210 = tpu.memref_slice %arg10[%dma_start3A_208, %dma_start3A_209] : memref<16x128xi32, #tpu.memory_space<vmem>> -> memref<1x128xi32, #tpu.memory_space<vmem>>
      %dma_start3A_211 = tpu.memref_squeeze %dma_start3A_210 : memref<1x128xi32, #tpu.memory_space<vmem>> -> memref<128xi32, #tpu.memory_space<vmem>>
      %dma_start3A_212 = arith.constant 0 : i32
      %dma_start3A_213 = tpu.memref_slice %arg6[%dma_start3A_212] : memref<10240xf32, #tpu.memory_space<vmem_shared>> -> memref<10240xf32, #tpu.memory_space<vmem_shared>>
      tpu.enqueue_indirect_dma source(%arg8 : memref<128xf32, #tpu.memory_space<vmem>>) target(%dma_start3A_213 : memref<10240xf32, #tpu.memory_space<vmem_shared>>) offsets(%dma_start3A_211 : memref<128xi32, #tpu.memory_space<vmem>>) semaphore(%arg12 : memref<!tpu.dma_semaphore, #tpu.memory_space<semaphore_mem>>) {add = true}
      %dma_start3A_214 = arith.constant 15 : i32
      %dma_start3A_215 = arith.constant 0 : i32
      %dma_start3A_216 = tpu.memref_slice %arg9[%dma_start3A_214, %dma_start3A_215] : memref<16x128xi32, #tpu.memory_space<vmem>> -> memref<1x128xi32, #tpu.memory_space<vmem>>
      %dma_start3A_217 = tpu.memref_squeeze %dma_start3A_216 : memref<1x128xi32, #tpu.memory_space<vmem>> -> memref<128xi32, #tpu.memory_space<vmem>>
      %dma_start3A_218 = arith.constant 0 : i32
      %dma_start3A_219 = tpu.memref_slice %arg5[%dma_start3A_218] : memref<10240xf32, #tpu.memory_space<vmem_shared>> -> memref<10240xf32, #tpu.memory_space<vmem_shared>>
      tpu.enqueue_indirect_dma source(%arg8 : memref<128xf32, #tpu.memory_space<vmem>>) target(%dma_start3A_219 : memref<10240xf32, #tpu.memory_space<vmem_shared>>) offsets(%dma_start3A_217 : memref<128xi32, #tpu.memory_space<vmem>>) semaphore(%arg11 : memref<!tpu.dma_semaphore, #tpu.memory_space<semaphore_mem>>) {add = true}
      %dma_start3A_220 = arith.constant 15 : i32
      %dma_start3A_221 = arith.constant 0 : i32
      %dma_start3A_222 = tpu.memref_slice %arg10[%dma_start3A_220, %dma_start3A_221] : memref<16x128xi32, #tpu.memory_space<vmem>> -> memref<1x128xi32, #tpu.memory_space<vmem>>
      %dma_start3A_223 = tpu.memref_squeeze %dma_start3A_222 : memref<1x128xi32, #tpu.memory_space<vmem>> -> memref<128xi32, #tpu.memory_space<vmem>>
      %dma_start3A_224 = arith.constant 0 : i32
      %dma_start3A_225 = tpu.memref_slice %arg6[%dma_start3A_224] : memref<10240xf32, #tpu.memory_space<vmem_shared>> -> memref<10240xf32, #tpu.memory_space<vmem_shared>>
      tpu.enqueue_indirect_dma source(%arg8 : memref<128xf32, #tpu.memory_space<vmem>>) target(%dma_start3A_225 : memref<10240xf32, #tpu.memory_space<vmem_shared>>) offsets(%dma_start3A_223 : memref<128xi32, #tpu.memory_space<vmem>>) semaphore(%arg12 : memref<!tpu.dma_semaphore, #tpu.memory_space<semaphore_mem>>) {add = true}
      %dma_wait3A = arith.constant 0 : i32
      %dma_wait3A_226 = arith.constant 0 : i32
      %dma_wait3A_227 = tpu.memref_slice %arg9[%dma_wait3A, %dma_wait3A_226] : memref<16x128xi32, #tpu.memory_space<vmem>> -> memref<1x128xi32, #tpu.memory_space<vmem>>
      %dma_wait3A_228 = tpu.memref_squeeze %dma_wait3A_227 : memref<1x128xi32, #tpu.memory_space<vmem>> -> memref<128xi32, #tpu.memory_space<vmem>>
      %dma_wait3A_229 = arith.constant 0 : i32
      %dma_wait3A_230 = tpu.memref_slice %arg5[%dma_wait3A_229] : memref<10240xf32, #tpu.memory_space<vmem_shared>> -> memref<10240xf32, #tpu.memory_space<vmem_shared>>
      tpu.wait_indirect_dma semaphore(%arg11 : memref<!tpu.dma_semaphore, #tpu.memory_space<semaphore_mem>>) src(%arg8 : memref<128xf32, #tpu.memory_space<vmem>>) dst(%dma_wait3A_230 : memref<10240xf32, #tpu.memory_space<vmem_shared>>)
      %dma_wait3A_231 = arith.constant 0 : i32
      %dma_wait3A_232 = arith.constant 0 : i32
      %dma_wait3A_233 = tpu.memref_slice %arg10[%dma_wait3A_231, %dma_wait3A_232] : memref<16x128xi32, #tpu.memory_space<vmem>> -> memref<1x128xi32, #tpu.memory_space<vmem>>
      %dma_wait3A_234 = tpu.memref_squeeze %dma_wait3A_233 : memref<1x128xi32, #tpu.memory_space<vmem>> -> memref<128xi32, #tpu.memory_space<vmem>>
      %dma_wait3A_235 = arith.constant 0 : i32
      %dma_wait3A_236 = tpu.memref_slice %arg6[%dma_wait3A_235] : memref<10240xf32, #tpu.memory_space<vmem_shared>> -> memref<10240xf32, #tpu.memory_space<vmem_shared>>
      tpu.wait_indirect_dma semaphore(%arg12 : memref<!tpu.dma_semaphore, #tpu.memory_space<semaphore_mem>>) src(%arg8 : memref<128xf32, #tpu.memory_space<vmem>>) dst(%dma_wait3A_236 : memref<10240xf32, #tpu.memory_space<vmem_shared>>)
      %dma_wait3A_237 = arith.constant 1 : i32
      %dma_wait3A_238 = arith.constant 0 : i32
      %dma_wait3A_239 = tpu.memref_slice %arg9[%dma_wait3A_237, %dma_wait3A_238] : memref<16x128xi32, #tpu.memory_space<vmem>> -> memref<1x128xi32, #tpu.memory_space<vmem>>
      %dma_wait3A_240 = tpu.memref_squeeze %dma_wait3A_239 : memref<1x128xi32, #tpu.memory_space<vmem>> -> memref<128xi32, #tpu.memory_space<vmem>>
      %dma_wait3A_241 = arith.constant 0 : i32
      %dma_wait3A_242 = tpu.memref_slice %arg5[%dma_wait3A_241] : memref<10240xf32, #tpu.memory_space<vmem_shared>> -> memref<10240xf32, #tpu.memory_space<vmem_shared>>
      tpu.wait_indirect_dma semaphore(%arg11 : memref<!tpu.dma_semaphore, #tpu.memory_space<semaphore_mem>>) src(%arg8 : memref<128xf32, #tpu.memory_space<vmem>>) dst(%dma_wait3A_242 : memref<10240xf32, #tpu.memory_space<vmem_shared>>)
      %dma_wait3A_243 = arith.constant 1 : i32
      %dma_wait3A_244 = arith.constant 0 : i32
      %dma_wait3A_245 = tpu.memref_slice %arg10[%dma_wait3A_243, %dma_wait3A_244] : memref<16x128xi32, #tpu.memory_space<vmem>> -> memref<1x128xi32, #tpu.memory_space<vmem>>
      %dma_wait3A_246 = tpu.memref_squeeze %dma_wait3A_245 : memref<1x128xi32, #tpu.memory_space<vmem>> -> memref<128xi32, #tpu.memory_space<vmem>>
      %dma_wait3A_247 = arith.constant 0 : i32
      %dma_wait3A_248 = tpu.memref_slice %arg6[%dma_wait3A_247] : memref<10240xf32, #tpu.memory_space<vmem_shared>> -> memref<10240xf32, #tpu.memory_space<vmem_shared>>
      tpu.wait_indirect_dma semaphore(%arg12 : memref<!tpu.dma_semaphore, #tpu.memory_space<semaphore_mem>>) src(%arg8 : memref<128xf32, #tpu.memory_space<vmem>>) dst(%dma_wait3A_248 : memref<10240xf32, #tpu.memory_space<vmem_shared>>)
      %dma_wait3A_249 = arith.constant 2 : i32
      %dma_wait3A_250 = arith.constant 0 : i32
      %dma_wait3A_251 = tpu.memref_slice %arg9[%dma_wait3A_249, %dma_wait3A_250] : memref<16x128xi32, #tpu.memory_space<vmem>> -> memref<1x128xi32, #tpu.memory_space<vmem>>
      %dma_wait3A_252 = tpu.memref_squeeze %dma_wait3A_251 : memref<1x128xi32, #tpu.memory_space<vmem>> -> memref<128xi32, #tpu.memory_space<vmem>>
      %dma_wait3A_253 = arith.constant 0 : i32
      %dma_wait3A_254 = tpu.memref_slice %arg5[%dma_wait3A_253] : memref<10240xf32, #tpu.memory_space<vmem_shared>> -> memref<10240xf32, #tpu.memory_space<vmem_shared>>
      tpu.wait_indirect_dma semaphore(%arg11 : memref<!tpu.dma_semaphore, #tpu.memory_space<semaphore_mem>>) src(%arg8 : memref<128xf32, #tpu.memory_space<vmem>>) dst(%dma_wait3A_254 : memref<10240xf32, #tpu.memory_space<vmem_shared>>)
      %dma_wait3A_255 = arith.constant 2 : i32
      %dma_wait3A_256 = arith.constant 0 : i32
      %dma_wait3A_257 = tpu.memref_slice %arg10[%dma_wait3A_255, %dma_wait3A_256] : memref<16x128xi32, #tpu.memory_space<vmem>> -> memref<1x128xi32, #tpu.memory_space<vmem>>
      %dma_wait3A_258 = tpu.memref_squeeze %dma_wait3A_257 : memref<1x128xi32, #tpu.memory_space<vmem>> -> memref<128xi32, #tpu.memory_space<vmem>>
      %dma_wait3A_259 = arith.constant 0 : i32
      %dma_wait3A_260 = tpu.memref_slice %arg6[%dma_wait3A_259] : memref<10240xf32, #tpu.memory_space<vmem_shared>> -> memref<10240xf32, #tpu.memory_space<vmem_shared>>
      tpu.wait_indirect_dma semaphore(%arg12 : memref<!tpu.dma_semaphore, #tpu.memory_space<semaphore_mem>>) src(%arg8 : memref<128xf32, #tpu.memory_space<vmem>>) dst(%dma_wait3A_260 : memref<10240xf32, #tpu.memory_space<vmem_shared>>)
      %dma_wait3A_261 = arith.constant 3 : i32
      %dma_wait3A_262 = arith.constant 0 : i32
      %dma_wait3A_263 = tpu.memref_slice %arg9[%dma_wait3A_261, %dma_wait3A_262] : memref<16x128xi32, #tpu.memory_space<vmem>> -> memref<1x128xi32, #tpu.memory_space<vmem>>
      %dma_wait3A_264 = tpu.memref_squeeze %dma_wait3A_263 : memref<1x128xi32, #tpu.memory_space<vmem>> -> memref<128xi32, #tpu.memory_space<vmem>>
      %dma_wait3A_265 = arith.constant 0 : i32
      %dma_wait3A_266 = tpu.memref_slice %arg5[%dma_wait3A_265] : memref<10240xf32, #tpu.memory_space<vmem_shared>> -> memref<10240xf32, #tpu.memory_space<vmem_shared>>
      tpu.wait_indirect_dma semaphore(%arg11 : memref<!tpu.dma_semaphore, #tpu.memory_space<semaphore_mem>>) src(%arg8 : memref<128xf32, #tpu.memory_space<vmem>>) dst(%dma_wait3A_266 : memref<10240xf32, #tpu.memory_space<vmem_shared>>)
      %dma_wait3A_267 = arith.constant 3 : i32
      %dma_wait3A_268 = arith.constant 0 : i32
      %dma_wait3A_269 = tpu.memref_slice %arg10[%dma_wait3A_267, %dma_wait3A_268] : memref<16x128xi32, #tpu.memory_space<vmem>> -> memref<1x128xi32, #tpu.memory_space<vmem>>
      %dma_wait3A_270 = tpu.memref_squeeze %dma_wait3A_269 : memref<1x128xi32, #tpu.memory_space<vmem>> -> memref<128xi32, #tpu.memory_space<vmem>>
      %dma_wait3A_271 = arith.constant 0 : i32
      %dma_wait3A_272 = tpu.memref_slice %arg6[%dma_wait3A_271] : memref<10240xf32, #tpu.memory_space<vmem_shared>> -> memref<10240xf32, #tpu.memory_space<vmem_shared>>
      tpu.wait_indirect_dma semaphore(%arg12 : memref<!tpu.dma_semaphore, #tpu.memory_space<semaphore_mem>>) src(%arg8 : memref<128xf32, #tpu.memory_space<vmem>>) dst(%dma_wait3A_272 : memref<10240xf32, #tpu.memory_space<vmem_shared>>)
      %dma_wait3A_273 = arith.constant 4 : i32
      %dma_wait3A_274 = arith.constant 0 : i32
      %dma_wait3A_275 = tpu.memref_slice %arg9[%dma_wait3A_273, %dma_wait3A_274] : memref<16x128xi32, #tpu.memory_space<vmem>> -> memref<1x128xi32, #tpu.memory_space<vmem>>
      %dma_wait3A_276 = tpu.memref_squeeze %dma_wait3A_275 : memref<1x128xi32, #tpu.memory_space<vmem>> -> memref<128xi32, #tpu.memory_space<vmem>>
      %dma_wait3A_277 = arith.constant 0 : i32
      %dma_wait3A_278 = tpu.memref_slice %arg5[%dma_wait3A_277] : memref<10240xf32, #tpu.memory_space<vmem_shared>> -> memref<10240xf32, #tpu.memory_space<vmem_shared>>
      tpu.wait_indirect_dma semaphore(%arg11 : memref<!tpu.dma_semaphore, #tpu.memory_space<semaphore_mem>>) src(%arg8 : memref<128xf32, #tpu.memory_space<vmem>>) dst(%dma_wait3A_278 : memref<10240xf32, #tpu.memory_space<vmem_shared>>)
      %dma_wait3A_279 = arith.constant 4 : i32
      %dma_wait3A_280 = arith.constant 0 : i32
      %dma_wait3A_281 = tpu.memref_slice %arg10[%dma_wait3A_279, %dma_wait3A_280] : memref<16x128xi32, #tpu.memory_space<vmem>> -> memref<1x128xi32, #tpu.memory_space<vmem>>
      %dma_wait3A_282 = tpu.memref_squeeze %dma_wait3A_281 : memref<1x128xi32, #tpu.memory_space<vmem>> -> memref<128xi32, #tpu.memory_space<vmem>>
      %dma_wait3A_283 = arith.constant 0 : i32
      %dma_wait3A_284 = tpu.memref_slice %arg6[%dma_wait3A_283] : memref<10240xf32, #tpu.memory_space<vmem_shared>> -> memref<10240xf32, #tpu.memory_space<vmem_shared>>
      tpu.wait_indirect_dma semaphore(%arg12 : memref<!tpu.dma_semaphore, #tpu.memory_space<semaphore_mem>>) src(%arg8 : memref<128xf32, #tpu.memory_space<vmem>>) dst(%dma_wait3A_284 : memref<10240xf32, #tpu.memory_space<vmem_shared>>)
      %dma_wait3A_285 = arith.constant 5 : i32
      %dma_wait3A_286 = arith.constant 0 : i32
      %dma_wait3A_287 = tpu.memref_slice %arg9[%dma_wait3A_285, %dma_wait3A_286] : memref<16x128xi32, #tpu.memory_space<vmem>> -> memref<1x128xi32, #tpu.memory_space<vmem>>
      %dma_wait3A_288 = tpu.memref_squeeze %dma_wait3A_287 : memref<1x128xi32, #tpu.memory_space<vmem>> -> memref<128xi32, #tpu.memory_space<vmem>>
      %dma_wait3A_289 = arith.constant 0 : i32
      %dma_wait3A_290 = tpu.memref_slice %arg5[%dma_wait3A_289] : memref<10240xf32, #tpu.memory_space<vmem_shared>> -> memref<10240xf32, #tpu.memory_space<vmem_shared>>
      tpu.wait_indirect_dma semaphore(%arg11 : memref<!tpu.dma_semaphore, #tpu.memory_space<semaphore_mem>>) src(%arg8 : memref<128xf32, #tpu.memory_space<vmem>>) dst(%dma_wait3A_290 : memref<10240xf32, #tpu.memory_space<vmem_shared>>)
      %dma_wait3A_291 = arith.constant 5 : i32
      %dma_wait3A_292 = arith.constant 0 : i32
      %dma_wait3A_293 = tpu.memref_slice %arg10[%dma_wait3A_291, %dma_wait3A_292] : memref<16x128xi32, #tpu.memory_space<vmem>> -> memref<1x128xi32, #tpu.memory_space<vmem>>
      %dma_wait3A_294 = tpu.memref_squeeze %dma_wait3A_293 : memref<1x128xi32, #tpu.memory_space<vmem>> -> memref<128xi32, #tpu.memory_space<vmem>>
      %dma_wait3A_295 = arith.constant 0 : i32
      %dma_wait3A_296 = tpu.memref_slice %arg6[%dma_wait3A_295] : memref<10240xf32, #tpu.memory_space<vmem_shared>> -> memref<10240xf32, #tpu.memory_space<vmem_shared>>
      tpu.wait_indirect_dma semaphore(%arg12 : memref<!tpu.dma_semaphore, #tpu.memory_space<semaphore_mem>>) src(%arg8 : memref<128xf32, #tpu.memory_space<vmem>>) dst(%dma_wait3A_296 : memref<10240xf32, #tpu.memory_space<vmem_shared>>)
      %dma_wait3A_297 = arith.constant 6 : i32
      %dma_wait3A_298 = arith.constant 0 : i32
      %dma_wait3A_299 = tpu.memref_slice %arg9[%dma_wait3A_297, %dma_wait3A_298] : memref<16x128xi32, #tpu.memory_space<vmem>> -> memref<1x128xi32, #tpu.memory_space<vmem>>
      %dma_wait3A_300 = tpu.memref_squeeze %dma_wait3A_299 : memref<1x128xi32, #tpu.memory_space<vmem>> -> memref<128xi32, #tpu.memory_space<vmem>>
      %dma_wait3A_301 = arith.constant 0 : i32
      %dma_wait3A_302 = tpu.memref_slice %arg5[%dma_wait3A_301] : memref<10240xf32, #tpu.memory_space<vmem_shared>> -> memref<10240xf32, #tpu.memory_space<vmem_shared>>
      tpu.wait_indirect_dma semaphore(%arg11 : memref<!tpu.dma_semaphore, #tpu.memory_space<semaphore_mem>>) src(%arg8 : memref<128xf32, #tpu.memory_space<vmem>>) dst(%dma_wait3A_302 : memref<10240xf32, #tpu.memory_space<vmem_shared>>)
      %dma_wait3A_303 = arith.constant 6 : i32
      %dma_wait3A_304 = arith.constant 0 : i32
      %dma_wait3A_305 = tpu.memref_slice %arg10[%dma_wait3A_303, %dma_wait3A_304] : memref<16x128xi32, #tpu.memory_space<vmem>> -> memref<1x128xi32, #tpu.memory_space<vmem>>
      %dma_wait3A_306 = tpu.memref_squeeze %dma_wait3A_305 : memref<1x128xi32, #tpu.memory_space<vmem>> -> memref<128xi32, #tpu.memory_space<vmem>>
      %dma_wait3A_307 = arith.constant 0 : i32
      %dma_wait3A_308 = tpu.memref_slice %arg6[%dma_wait3A_307] : memref<10240xf32, #tpu.memory_space<vmem_shared>> -> memref<10240xf32, #tpu.memory_space<vmem_shared>>
      tpu.wait_indirect_dma semaphore(%arg12 : memref<!tpu.dma_semaphore, #tpu.memory_space<semaphore_mem>>) src(%arg8 : memref<128xf32, #tpu.memory_space<vmem>>) dst(%dma_wait3A_308 : memref<10240xf32, #tpu.memory_space<vmem_shared>>)
      %dma_wait3A_309 = arith.constant 7 : i32
      %dma_wait3A_310 = arith.constant 0 : i32
      %dma_wait3A_311 = tpu.memref_slice %arg9[%dma_wait3A_309, %dma_wait3A_310] : memref<16x128xi32, #tpu.memory_space<vmem>> -> memref<1x128xi32, #tpu.memory_space<vmem>>
      %dma_wait3A_312 = tpu.memref_squeeze %dma_wait3A_311 : memref<1x128xi32, #tpu.memory_space<vmem>> -> memref<128xi32, #tpu.memory_space<vmem>>
      %dma_wait3A_313 = arith.constant 0 : i32
      %dma_wait3A_314 = tpu.memref_slice %arg5[%dma_wait3A_313] : memref<10240xf32, #tpu.memory_space<vmem_shared>> -> memref<10240xf32, #tpu.memory_space<vmem_shared>>
      tpu.wait_indirect_dma semaphore(%arg11 : memref<!tpu.dma_semaphore, #tpu.memory_space<semaphore_mem>>) src(%arg8 : memref<128xf32, #tpu.memory_space<vmem>>) dst(%dma_wait3A_314 : memref<10240xf32, #tpu.memory_space<vmem_shared>>)
      %dma_wait3A_315 = arith.constant 7 : i32
      %dma_wait3A_316 = arith.constant 0 : i32
      %dma_wait3A_317 = tpu.memref_slice %arg10[%dma_wait3A_315, %dma_wait3A_316] : memref<16x128xi32, #tpu.memory_space<vmem>> -> memref<1x128xi32, #tpu.memory_space<vmem>>
      %dma_wait3A_318 = tpu.memref_squeeze %dma_wait3A_317 : memref<1x128xi32, #tpu.memory_space<vmem>> -> memref<128xi32, #tpu.memory_space<vmem>>
      %dma_wait3A_319 = arith.constant 0 : i32
      %dma_wait3A_320 = tpu.memref_slice %arg6[%dma_wait3A_319] : memref<10240xf32, #tpu.memory_space<vmem_shared>> -> memref<10240xf32, #tpu.memory_space<vmem_shared>>
      tpu.wait_indirect_dma semaphore(%arg12 : memref<!tpu.dma_semaphore, #tpu.memory_space<semaphore_mem>>) src(%arg8 : memref<128xf32, #tpu.memory_space<vmem>>) dst(%dma_wait3A_320 : memref<10240xf32, #tpu.memory_space<vmem_shared>>)
      %dma_wait3A_321 = arith.constant 8 : i32
      %dma_wait3A_322 = arith.constant 0 : i32
      %dma_wait3A_323 = tpu.memref_slice %arg9[%dma_wait3A_321, %dma_wait3A_322] : memref<16x128xi32, #tpu.memory_space<vmem>> -> memref<1x128xi32, #tpu.memory_space<vmem>>
      %dma_wait3A_324 = tpu.memref_squeeze %dma_wait3A_323 : memref<1x128xi32, #tpu.memory_space<vmem>> -> memref<128xi32, #tpu.memory_space<vmem>>
      %dma_wait3A_325 = arith.constant 0 : i32
      %dma_wait3A_326 = tpu.memref_slice %arg5[%dma_wait3A_325] : memref<10240xf32, #tpu.memory_space<vmem_shared>> -> memref<10240xf32, #tpu.memory_space<vmem_shared>>
      tpu.wait_indirect_dma semaphore(%arg11 : memref<!tpu.dma_semaphore, #tpu.memory_space<semaphore_mem>>) src(%arg8 : memref<128xf32, #tpu.memory_space<vmem>>) dst(%dma_wait3A_326 : memref<10240xf32, #tpu.memory_space<vmem_shared>>)
      %dma_wait3A_327 = arith.constant 8 : i32
      %dma_wait3A_328 = arith.constant 0 : i32
      %dma_wait3A_329 = tpu.memref_slice %arg10[%dma_wait3A_327, %dma_wait3A_328] : memref<16x128xi32, #tpu.memory_space<vmem>> -> memref<1x128xi32, #tpu.memory_space<vmem>>
      %dma_wait3A_330 = tpu.memref_squeeze %dma_wait3A_329 : memref<1x128xi32, #tpu.memory_space<vmem>> -> memref<128xi32, #tpu.memory_space<vmem>>
      %dma_wait3A_331 = arith.constant 0 : i32
      %dma_wait3A_332 = tpu.memref_slice %arg6[%dma_wait3A_331] : memref<10240xf32, #tpu.memory_space<vmem_shared>> -> memref<10240xf32, #tpu.memory_space<vmem_shared>>
      tpu.wait_indirect_dma semaphore(%arg12 : memref<!tpu.dma_semaphore, #tpu.memory_space<semaphore_mem>>) src(%arg8 : memref<128xf32, #tpu.memory_space<vmem>>) dst(%dma_wait3A_332 : memref<10240xf32, #tpu.memory_space<vmem_shared>>)
      %dma_wait3A_333 = arith.constant 9 : i32
      %dma_wait3A_334 = arith.constant 0 : i32
      %dma_wait3A_335 = tpu.memref_slice %arg9[%dma_wait3A_333, %dma_wait3A_334] : memref<16x128xi32, #tpu.memory_space<vmem>> -> memref<1x128xi32, #tpu.memory_space<vmem>>
      %dma_wait3A_336 = tpu.memref_squeeze %dma_wait3A_335 : memref<1x128xi32, #tpu.memory_space<vmem>> -> memref<128xi32, #tpu.memory_space<vmem>>
      %dma_wait3A_337 = arith.constant 0 : i32
      %dma_wait3A_338 = tpu.memref_slice %arg5[%dma_wait3A_337] : memref<10240xf32, #tpu.memory_space<vmem_shared>> -> memref<10240xf32, #tpu.memory_space<vmem_shared>>
      tpu.wait_indirect_dma semaphore(%arg11 : memref<!tpu.dma_semaphore, #tpu.memory_space<semaphore_mem>>) src(%arg8 : memref<128xf32, #tpu.memory_space<vmem>>) dst(%dma_wait3A_338 : memref<10240xf32, #tpu.memory_space<vmem_shared>>)
      %dma_wait3A_339 = arith.constant 9 : i32
      %dma_wait3A_340 = arith.constant 0 : i32
      %dma_wait3A_341 = tpu.memref_slice %arg10[%dma_wait3A_339, %dma_wait3A_340] : memref<16x128xi32, #tpu.memory_space<vmem>> -> memref<1x128xi32, #tpu.memory_space<vmem>>
      %dma_wait3A_342 = tpu.memref_squeeze %dma_wait3A_341 : memref<1x128xi32, #tpu.memory_space<vmem>> -> memref<128xi32, #tpu.memory_space<vmem>>
      %dma_wait3A_343 = arith.constant 0 : i32
      %dma_wait3A_344 = tpu.memref_slice %arg6[%dma_wait3A_343] : memref<10240xf32, #tpu.memory_space<vmem_shared>> -> memref<10240xf32, #tpu.memory_space<vmem_shared>>
      tpu.wait_indirect_dma semaphore(%arg12 : memref<!tpu.dma_semaphore, #tpu.memory_space<semaphore_mem>>) src(%arg8 : memref<128xf32, #tpu.memory_space<vmem>>) dst(%dma_wait3A_344 : memref<10240xf32, #tpu.memory_space<vmem_shared>>)
      %dma_wait3A_345 = arith.constant 10 : i32
      %dma_wait3A_346 = arith.constant 0 : i32
      %dma_wait3A_347 = tpu.memref_slice %arg9[%dma_wait3A_345, %dma_wait3A_346] : memref<16x128xi32, #tpu.memory_space<vmem>> -> memref<1x128xi32, #tpu.memory_space<vmem>>
      %dma_wait3A_348 = tpu.memref_squeeze %dma_wait3A_347 : memref<1x128xi32, #tpu.memory_space<vmem>> -> memref<128xi32, #tpu.memory_space<vmem>>
      %dma_wait3A_349 = arith.constant 0 : i32
      %dma_wait3A_350 = tpu.memref_slice %arg5[%dma_wait3A_349] : memref<10240xf32, #tpu.memory_space<vmem_shared>> -> memref<10240xf32, #tpu.memory_space<vmem_shared>>
      tpu.wait_indirect_dma semaphore(%arg11 : memref<!tpu.dma_semaphore, #tpu.memory_space<semaphore_mem>>) src(%arg8 : memref<128xf32, #tpu.memory_space<vmem>>) dst(%dma_wait3A_350 : memref<10240xf32, #tpu.memory_space<vmem_shared>>)
      %dma_wait3A_351 = arith.constant 10 : i32
      %dma_wait3A_352 = arith.constant 0 : i32
      %dma_wait3A_353 = tpu.memref_slice %arg10[%dma_wait3A_351, %dma_wait3A_352] : memref<16x128xi32, #tpu.memory_space<vmem>> -> memref<1x128xi32, #tpu.memory_space<vmem>>
      %dma_wait3A_354 = tpu.memref_squeeze %dma_wait3A_353 : memref<1x128xi32, #tpu.memory_space<vmem>> -> memref<128xi32, #tpu.memory_space<vmem>>
      %dma_wait3A_355 = arith.constant 0 : i32
      %dma_wait3A_356 = tpu.memref_slice %arg6[%dma_wait3A_355] : memref<10240xf32, #tpu.memory_space<vmem_shared>> -> memref<10240xf32, #tpu.memory_space<vmem_shared>>
      tpu.wait_indirect_dma semaphore(%arg12 : memref<!tpu.dma_semaphore, #tpu.memory_space<semaphore_mem>>) src(%arg8 : memref<128xf32, #tpu.memory_space<vmem>>) dst(%dma_wait3A_356 : memref<10240xf32, #tpu.memory_space<vmem_shared>>)
      %dma_wait3A_357 = arith.constant 11 : i32
      %dma_wait3A_358 = arith.constant 0 : i32
      %dma_wait3A_359 = tpu.memref_slice %arg9[%dma_wait3A_357, %dma_wait3A_358] : memref<16x128xi32, #tpu.memory_space<vmem>> -> memref<1x128xi32, #tpu.memory_space<vmem>>
      %dma_wait3A_360 = tpu.memref_squeeze %dma_wait3A_359 : memref<1x128xi32, #tpu.memory_space<vmem>> -> memref<128xi32, #tpu.memory_space<vmem>>
      %dma_wait3A_361 = arith.constant 0 : i32
      %dma_wait3A_362 = tpu.memref_slice %arg5[%dma_wait3A_361] : memref<10240xf32, #tpu.memory_space<vmem_shared>> -> memref<10240xf32, #tpu.memory_space<vmem_shared>>
      tpu.wait_indirect_dma semaphore(%arg11 : memref<!tpu.dma_semaphore, #tpu.memory_space<semaphore_mem>>) src(%arg8 : memref<128xf32, #tpu.memory_space<vmem>>) dst(%dma_wait3A_362 : memref<10240xf32, #tpu.memory_space<vmem_shared>>)
      %dma_wait3A_363 = arith.constant 11 : i32
      %dma_wait3A_364 = arith.constant 0 : i32
      %dma_wait3A_365 = tpu.memref_slice %arg10[%dma_wait3A_363, %dma_wait3A_364] : memref<16x128xi32, #tpu.memory_space<vmem>> -> memref<1x128xi32, #tpu.memory_space<vmem>>
      %dma_wait3A_366 = tpu.memref_squeeze %dma_wait3A_365 : memref<1x128xi32, #tpu.memory_space<vmem>> -> memref<128xi32, #tpu.memory_space<vmem>>
      %dma_wait3A_367 = arith.constant 0 : i32
      %dma_wait3A_368 = tpu.memref_slice %arg6[%dma_wait3A_367] : memref<10240xf32, #tpu.memory_space<vmem_shared>> -> memref<10240xf32, #tpu.memory_space<vmem_shared>>
      tpu.wait_indirect_dma semaphore(%arg12 : memref<!tpu.dma_semaphore, #tpu.memory_space<semaphore_mem>>) src(%arg8 : memref<128xf32, #tpu.memory_space<vmem>>) dst(%dma_wait3A_368 : memref<10240xf32, #tpu.memory_space<vmem_shared>>)
      %dma_wait3A_369 = arith.constant 12 : i32
      %dma_wait3A_370 = arith.constant 0 : i32
      %dma_wait3A_371 = tpu.memref_slice %arg9[%dma_wait3A_369, %dma_wait3A_370] : memref<16x128xi32, #tpu.memory_space<vmem>> -> memref<1x128xi32, #tpu.memory_space<vmem>>
      %dma_wait3A_372 = tpu.memref_squeeze %dma_wait3A_371 : memref<1x128xi32, #tpu.memory_space<vmem>> -> memref<128xi32, #tpu.memory_space<vmem>>
      %dma_wait3A_373 = arith.constant 0 : i32
      %dma_wait3A_374 = tpu.memref_slice %arg5[%dma_wait3A_373] : memref<10240xf32, #tpu.memory_space<vmem_shared>> -> memref<10240xf32, #tpu.memory_space<vmem_shared>>
      tpu.wait_indirect_dma semaphore(%arg11 : memref<!tpu.dma_semaphore, #tpu.memory_space<semaphore_mem>>) src(%arg8 : memref<128xf32, #tpu.memory_space<vmem>>) dst(%dma_wait3A_374 : memref<10240xf32, #tpu.memory_space<vmem_shared>>)
      %dma_wait3A_375 = arith.constant 12 : i32
      %dma_wait3A_376 = arith.constant 0 : i32
      %dma_wait3A_377 = tpu.memref_slice %arg10[%dma_wait3A_375, %dma_wait3A_376] : memref<16x128xi32, #tpu.memory_space<vmem>> -> memref<1x128xi32, #tpu.memory_space<vmem>>
      %dma_wait3A_378 = tpu.memref_squeeze %dma_wait3A_377 : memref<1x128xi32, #tpu.memory_space<vmem>> -> memref<128xi32, #tpu.memory_space<vmem>>
      %dma_wait3A_379 = arith.constant 0 : i32
      %dma_wait3A_380 = tpu.memref_slice %arg6[%dma_wait3A_379] : memref<10240xf32, #tpu.memory_space<vmem_shared>> -> memref<10240xf32, #tpu.memory_space<vmem_shared>>
      tpu.wait_indirect_dma semaphore(%arg12 : memref<!tpu.dma_semaphore, #tpu.memory_space<semaphore_mem>>) src(%arg8 : memref<128xf32, #tpu.memory_space<vmem>>) dst(%dma_wait3A_380 : memref<10240xf32, #tpu.memory_space<vmem_shared>>)
      %dma_wait3A_381 = arith.constant 13 : i32
      %dma_wait3A_382 = arith.constant 0 : i32
      %dma_wait3A_383 = tpu.memref_slice %arg9[%dma_wait3A_381, %dma_wait3A_382] : memref<16x128xi32, #tpu.memory_space<vmem>> -> memref<1x128xi32, #tpu.memory_space<vmem>>
      %dma_wait3A_384 = tpu.memref_squeeze %dma_wait3A_383 : memref<1x128xi32, #tpu.memory_space<vmem>> -> memref<128xi32, #tpu.memory_space<vmem>>
      %dma_wait3A_385 = arith.constant 0 : i32
      %dma_wait3A_386 = tpu.memref_slice %arg5[%dma_wait3A_385] : memref<10240xf32, #tpu.memory_space<vmem_shared>> -> memref<10240xf32, #tpu.memory_space<vmem_shared>>
      tpu.wait_indirect_dma semaphore(%arg11 : memref<!tpu.dma_semaphore, #tpu.memory_space<semaphore_mem>>) src(%arg8 : memref<128xf32, #tpu.memory_space<vmem>>) dst(%dma_wait3A_386 : memref<10240xf32, #tpu.memory_space<vmem_shared>>)
      %dma_wait3A_387 = arith.constant 13 : i32
      %dma_wait3A_388 = arith.constant 0 : i32
      %dma_wait3A_389 = tpu.memref_slice %arg10[%dma_wait3A_387, %dma_wait3A_388] : memref<16x128xi32, #tpu.memory_space<vmem>> -> memref<1x128xi32, #tpu.memory_space<vmem>>
      %dma_wait3A_390 = tpu.memref_squeeze %dma_wait3A_389 : memref<1x128xi32, #tpu.memory_space<vmem>> -> memref<128xi32, #tpu.memory_space<vmem>>
      %dma_wait3A_391 = arith.constant 0 : i32
      %dma_wait3A_392 = tpu.memref_slice %arg6[%dma_wait3A_391] : memref<10240xf32, #tpu.memory_space<vmem_shared>> -> memref<10240xf32, #tpu.memory_space<vmem_shared>>
      tpu.wait_indirect_dma semaphore(%arg12 : memref<!tpu.dma_semaphore, #tpu.memory_space<semaphore_mem>>) src(%arg8 : memref<128xf32, #tpu.memory_space<vmem>>) dst(%dma_wait3A_392 : memref<10240xf32, #tpu.memory_space<vmem_shared>>)
      %dma_wait3A_393 = arith.constant 14 : i32
      %dma_wait3A_394 = arith.constant 0 : i32
      %dma_wait3A_395 = tpu.memref_slice %arg9[%dma_wait3A_393, %dma_wait3A_394] : memref<16x128xi32, #tpu.memory_space<vmem>> -> memref<1x128xi32, #tpu.memory_space<vmem>>
      %dma_wait3A_396 = tpu.memref_squeeze %dma_wait3A_395 : memref<1x128xi32, #tpu.memory_space<vmem>> -> memref<128xi32, #tpu.memory_space<vmem>>
      %dma_wait3A_397 = arith.constant 0 : i32
      %dma_wait3A_398 = tpu.memref_slice %arg5[%dma_wait3A_397] : memref<10240xf32, #tpu.memory_space<vmem_shared>> -> memref<10240xf32, #tpu.memory_space<vmem_shared>>
      tpu.wait_indirect_dma semaphore(%arg11 : memref<!tpu.dma_semaphore, #tpu.memory_space<semaphore_mem>>) src(%arg8 : memref<128xf32, #tpu.memory_space<vmem>>) dst(%dma_wait3A_398 : memref<10240xf32, #tpu.memory_space<vmem_shared>>)
      %dma_wait3A_399 = arith.constant 14 : i32
      %dma_wait3A_400 = arith.constant 0 : i32
      %dma_wait3A_401 = tpu.memref_slice %arg10[%dma_wait3A_399, %dma_wait3A_400] : memref<16x128xi32, #tpu.memory_space<vmem>> -> memref<1x128xi32, #tpu.memory_space<vmem>>
      %dma_wait3A_402 = tpu.memref_squeeze %dma_wait3A_401 : memref<1x128xi32, #tpu.memory_space<vmem>> -> memref<128xi32, #tpu.memory_space<vmem>>
      %dma_wait3A_403 = arith.constant 0 : i32
      %dma_wait3A_404 = tpu.memref_slice %arg6[%dma_wait3A_403] : memref<10240xf32, #tpu.memory_space<vmem_shared>> -> memref<10240xf32, #tpu.memory_space<vmem_shared>>
      tpu.wait_indirect_dma semaphore(%arg12 : memref<!tpu.dma_semaphore, #tpu.memory_space<semaphore_mem>>) src(%arg8 : memref<128xf32, #tpu.memory_space<vmem>>) dst(%dma_wait3A_404 : memref<10240xf32, #tpu.memory_space<vmem_shared>>)
      %dma_wait3A_405 = arith.constant 15 : i32
      %dma_wait3A_406 = arith.constant 0 : i32
      %dma_wait3A_407 = tpu.memref_slice %arg9[%dma_wait3A_405, %dma_wait3A_406] : memref<16x128xi32, #tpu.memory_space<vmem>> -> memref<1x128xi32, #tpu.memory_space<vmem>>
      %dma_wait3A_408 = tpu.memref_squeeze %dma_wait3A_407 : memref<1x128xi32, #tpu.memory_space<vmem>> -> memref<128xi32, #tpu.memory_space<vmem>>
      %dma_wait3A_409 = arith.constant 0 : i32
      %dma_wait3A_410 = tpu.memref_slice %arg5[%dma_wait3A_409] : memref<10240xf32, #tpu.memory_space<vmem_shared>> -> memref<10240xf32, #tpu.memory_space<vmem_shared>>
      tpu.wait_indirect_dma semaphore(%arg11 : memref<!tpu.dma_semaphore, #tpu.memory_space<semaphore_mem>>) src(%arg8 : memref<128xf32, #tpu.memory_space<vmem>>) dst(%dma_wait3A_410 : memref<10240xf32, #tpu.memory_space<vmem_shared>>)
      %dma_wait3A_411 = arith.constant 15 : i32
      %dma_wait3A_412 = arith.constant 0 : i32
      %dma_wait3A_413 = tpu.memref_slice %arg10[%dma_wait3A_411, %dma_wait3A_412] : memref<16x128xi32, #tpu.memory_space<vmem>> -> memref<1x128xi32, #tpu.memory_space<vmem>>
      %dma_wait3A_414 = tpu.memref_squeeze %dma_wait3A_413 : memref<1x128xi32, #tpu.memory_space<vmem>> -> memref<128xi32, #tpu.memory_space<vmem>>
      %dma_wait3A_415 = arith.constant 0 : i32
      %dma_wait3A_416 = tpu.memref_slice %arg6[%dma_wait3A_415] : memref<10240xf32, #tpu.memory_space<vmem_shared>> -> memref<10240xf32, #tpu.memory_space<vmem_shared>>
      tpu.wait_indirect_dma semaphore(%arg12 : memref<!tpu.dma_semaphore, #tpu.memory_space<semaphore_mem>>) src(%arg8 : memref<128xf32, #tpu.memory_space<vmem>>) dst(%dma_wait3A_416 : memref<10240xf32, #tpu.memory_space<vmem_shared>>)
    }
    %scan3A_20 = arith.constant 5 : i32
    %barrier3A_21 = arith.constant 0 : index
    tpu.barrier barrier_id(%barrier3A_21)
    %mul3A_22 = arith.constant 640 : i32
    %mul3A_23 = arith.muli %arg1, %mul3A_22 : i32
    %mul3A_24 = arith.constant 640 : i32
    %mul3A_25 = arith.muli %arg1, %mul3A_24 : i32
    %run_scoped3A = arith.constant 0 : i32
    "tpu.region"() ({
      %run_scoped3A_31 = tpu.sem_alloc : memref<!tpu.dma_semaphore, #tpu.memory_space<semaphore_mem>>
      %dma_start3A = tpu.memref_slice %arg4[%arg0, %run_scoped3A, %mul3A_25] : memref<2x2x10240xf32, #tpu.memory_space<hbm>> -> memref<1x1x640xf32, #tpu.memory_space<hbm>>
      %dma_start3A_32 = tpu.memref_squeeze %dma_start3A : memref<1x1x640xf32, #tpu.memory_space<hbm>> -> memref<640xf32, #tpu.memory_space<hbm>>
      %dma_start3A_33 = tpu.memref_slice %arg5[%mul3A_23] : memref<10240xf32, #tpu.memory_space<vmem_shared>> -> memref<640xf32, #tpu.memory_space<vmem_shared>>
      tpu.enqueue_dma source(%dma_start3A_33 : memref<640xf32, #tpu.memory_space<vmem_shared>>) target(%dma_start3A_32 : memref<640xf32, #tpu.memory_space<hbm>>) target_semaphore(%run_scoped3A_31 : memref<!tpu.dma_semaphore, #tpu.memory_space<semaphore_mem>>)
      %dma_wait3A = tpu.memref_slice %arg4[%arg0, %run_scoped3A, %mul3A_25] : memref<2x2x10240xf32, #tpu.memory_space<hbm>> -> memref<1x1x640xf32, #tpu.memory_space<hbm>>
      %dma_wait3A_34 = tpu.memref_squeeze %dma_wait3A : memref<1x1x640xf32, #tpu.memory_space<hbm>> -> memref<640xf32, #tpu.memory_space<hbm>>
      %dma_wait3A_35 = tpu.memref_slice %arg5[%mul3A_23] : memref<10240xf32, #tpu.memory_space<vmem_shared>> -> memref<640xf32, #tpu.memory_space<vmem_shared>>
      tpu.wait_dma2 semaphore(%run_scoped3A_31 : memref<!tpu.dma_semaphore, #tpu.memory_space<semaphore_mem>>) src(%dma_wait3A_35 : memref<640xf32, #tpu.memory_space<vmem_shared>>) dst(%dma_wait3A_34 : memref<640xf32, #tpu.memory_space<hbm>>)
      tpu.yield
    }) : () -> ()
    %mul3A_26 = arith.constant 640 : i32
    %mul3A_27 = arith.muli %arg1, %mul3A_26 : i32
    %mul3A_28 = arith.constant 640 : i32
    %mul3A_29 = arith.muli %arg1, %mul3A_28 : i32
    %run_scoped3A_30 = arith.constant 1 : i32
    "tpu.region"() ({
      %run_scoped3A_31 = tpu.sem_alloc : memref<!tpu.dma_semaphore, #tpu.memory_space<semaphore_mem>>
      %dma_start3A = tpu.memref_slice %arg4[%arg0, %run_scoped3A_30, %mul3A_29] : memref<2x2x10240xf32, #tpu.memory_space<hbm>> -> memref<1x1x640xf32, #tpu.memory_space<hbm>>
      %dma_start3A_32 = tpu.memref_squeeze %dma_start3A : memref<1x1x640xf32, #tpu.memory_space<hbm>> -> memref<640xf32, #tpu.memory_space<hbm>>
      %dma_start3A_33 = tpu.memref_slice %arg6[%mul3A_27] : memref<10240xf32, #tpu.memory_space<vmem_shared>> -> memref<640xf32, #tpu.memory_space<vmem_shared>>
      tpu.enqueue_dma source(%dma_start3A_33 : memref<640xf32, #tpu.memory_space<vmem_shared>>) target(%dma_start3A_32 : memref<640xf32, #tpu.memory_space<hbm>>) target_semaphore(%run_scoped3A_31 : memref<!tpu.dma_semaphore, #tpu.memory_space<semaphore_mem>>)
      %dma_wait3A = tpu.memref_slice %arg4[%arg0, %run_scoped3A_30, %mul3A_29] : memref<2x2x10240xf32, #tpu.memory_space<hbm>> -> memref<1x1x640xf32, #tpu.memory_space<hbm>>
      %dma_wait3A_34 = tpu.memref_squeeze %dma_wait3A : memref<1x1x640xf32, #tpu.memory_space<hbm>> -> memref<640xf32, #tpu.memory_space<hbm>>
      %dma_wait3A_35 = tpu.memref_slice %arg6[%mul3A_27] : memref<10240xf32, #tpu.memory_space<vmem_shared>> -> memref<640xf32, #tpu.memory_space<vmem_shared>>
      tpu.wait_dma2 semaphore(%run_scoped3A_31 : memref<!tpu.dma_semaphore, #tpu.memory_space<semaphore_mem>>) src(%dma_wait3A_35 : memref<640xf32, #tpu.memory_space<vmem_shared>>) dst(%dma_wait3A_34 : memref<640xf32, #tpu.memory_space<hbm>>)
      tpu.yield
    }) : () -> ()
    return
  }
}

#map = affine_map<(d0, d1) -> (0, 0)>
#map1 = affine_map<(d0, d1) -> (0, 0, 0)>
#map2 = affine_map<(d0, d1) -> (0, 0, 0, 0)>
module attributes {stable_mosaic.version = 14 : i64} {
  func.func @_agg_body(%arg0: i32, %arg1: i32, %arg2: memref<2560x128xi32, #tpu.memory_space<hbm>>, %arg3: memref<2560x128xi32, #tpu.memory_space<hbm>>, %arg4: memref<3x10240x128xf32, #tpu.memory_space<hbm>>, %arg5: memref<3x2x10240x128xf32, #tpu.memory_space<hbm>>, %arg6: memref<10240x128xf32, #tpu.memory_space<vmem_shared>>, %arg7: memref<32x128xf32, #tpu.memory_space<vmem>>, %arg8: memref<2x128x128xf32, #tpu.memory_space<vmem>>, %arg9: memref<40x128xi32, #tpu.memory_space<vmem>>, %arg10: memref<40x128xi32, #tpu.memory_space<vmem>>, %arg11: memref<!tpu.dma_semaphore, #tpu.memory_space<semaphore_mem>>, %arg12: memref<!tpu.dma_semaphore, #tpu.memory_space<semaphore_mem>>, %arg13: memref<!tpu.dma_semaphore, #tpu.memory_space<semaphore_mem>>) attributes {dimension_semantics = [#tpu.dimension_semantics<core_parallel>, #tpu.dimension_semantics<subcore_parallel>], iteration_bounds = array<i64: 2, 16>, scalar_prefetch = 0 : i64, scratch_operands = 8 : i64, tpu.core_type = #tpu.core_type<sc_vector_subcore>, window_params = [{transform_indices = #map}, {transform_indices = #map}, {transform_indices = #map1}, {transform_indices = #map2}]} {
    %mul3A = arith.constant 16 : i32
    %mul3A_0 = arith.muli %arg0, %mul3A : i32
    %add3A = arith.addi %mul3A_0, %arg1 : i32
    %mul3A_1 = arith.constant 80 : i32
    %mul3A_2 = arith.muli %add3A, %mul3A_1 : i32
    %scan3A = arith.constant 0 : i32
    %scan3A_3 = arith.constant 32 : i32
    %scan3A_4 = arith.addi %scan3A, %scan3A_3 : i32
    %scan3A_5 = arith.constant 1 : i32
    scf.for %scan3A_302 = %scan3A to %scan3A_4 step %scan3A_5  : i32 {
      %broadcast_in_dim3A = arith.constant 0.000000e+00 : f32
      %broadcast_in_dim3A_303 = vector.broadcast %broadcast_in_dim3A : f32 to vector<16xf32>
      %swap3A = arith.index_cast %scan3A_302 : i32 to index
      %swap3A_304 = arith.constant 0 : index
      %swap3A_305 = tpu.vector_load %arg7[%swap3A, %swap3A_304] {strides = array<i32>} : memref<32x128xf32, #tpu.memory_space<vmem>>, vector<1x16xf32>,
      %swap3A_306 = vector.shape_cast %swap3A_305 : vector<1x16xf32> to vector<16xf32>
      %swap3A_307 = vector.shape_cast %broadcast_in_dim3A_303 : vector<16xf32> to vector<1x16xf32>
      tpu.vector_store %arg7[%swap3A, %swap3A_304], %swap3A_307 {strides = array<i32>} : memref<32x128xf32, #tpu.memory_space<vmem>>, vector<1x16xf32>,
      %broadcast_in_dim3A_308 = arith.constant 0.000000e+00 : f32
      %broadcast_in_dim3A_309 = vector.broadcast %broadcast_in_dim3A_308 : f32 to vector<16xf32>
      %swap3A_310 = arith.index_cast %scan3A_302 : i32 to index
      %swap3A_311 = arith.constant 16 : index
      %swap3A_312 = tpu.vector_load %arg7[%swap3A_310, %swap3A_311] {strides = array<i32>} : memref<32x128xf32, #tpu.memory_space<vmem>>, vector<1x16xf32>,
      %swap3A_313 = vector.shape_cast %swap3A_312 : vector<1x16xf32> to vector<16xf32>
      %swap3A_314 = vector.shape_cast %broadcast_in_dim3A_309 : vector<16xf32> to vector<1x16xf32>
      tpu.vector_store %arg7[%swap3A_310, %swap3A_311], %swap3A_314 {strides = array<i32>} : memref<32x128xf32, #tpu.memory_space<vmem>>, vector<1x16xf32>,
      %broadcast_in_dim3A_315 = arith.constant 0.000000e+00 : f32
      %broadcast_in_dim3A_316 = vector.broadcast %broadcast_in_dim3A_315 : f32 to vector<16xf32>
      %swap3A_317 = arith.index_cast %scan3A_302 : i32 to index
      %swap3A_318 = arith.constant 32 : index
      %swap3A_319 = tpu.vector_load %arg7[%swap3A_317, %swap3A_318] {strides = array<i32>} : memref<32x128xf32, #tpu.memory_space<vmem>>, vector<1x16xf32>,
      %swap3A_320 = vector.shape_cast %swap3A_319 : vector<1x16xf32> to vector<16xf32>
      %swap3A_321 = vector.shape_cast %broadcast_in_dim3A_316 : vector<16xf32> to vector<1x16xf32>
      tpu.vector_store %arg7[%swap3A_317, %swap3A_318], %swap3A_321 {strides = array<i32>} : memref<32x128xf32, #tpu.memory_space<vmem>>, vector<1x16xf32>,
      %broadcast_in_dim3A_322 = arith.constant 0.000000e+00 : f32
      %broadcast_in_dim3A_323 = vector.broadcast %broadcast_in_dim3A_322 : f32 to vector<16xf32>
      %swap3A_324 = arith.index_cast %scan3A_302 : i32 to index
      %swap3A_325 = arith.constant 48 : index
      %swap3A_326 = tpu.vector_load %arg7[%swap3A_324, %swap3A_325] {strides = array<i32>} : memref<32x128xf32, #tpu.memory_space<vmem>>, vector<1x16xf32>,
      %swap3A_327 = vector.shape_cast %swap3A_326 : vector<1x16xf32> to vector<16xf32>
      %swap3A_328 = vector.shape_cast %broadcast_in_dim3A_323 : vector<16xf32> to vector<1x16xf32>
      tpu.vector_store %arg7[%swap3A_324, %swap3A_325], %swap3A_328 {strides = array<i32>} : memref<32x128xf32, #tpu.memory_space<vmem>>, vector<1x16xf32>,
      %broadcast_in_dim3A_329 = arith.constant 0.000000e+00 : f32
      %broadcast_in_dim3A_330 = vector.broadcast %broadcast_in_dim3A_329 : f32 to vector<16xf32>
      %swap3A_331 = arith.index_cast %scan3A_302 : i32 to index
      %swap3A_332 = arith.constant 64 : index
      %swap3A_333 = tpu.vector_load %arg7[%swap3A_331, %swap3A_332] {strides = array<i32>} : memref<32x128xf32, #tpu.memory_space<vmem>>, vector<1x16xf32>,
      %swap3A_334 = vector.shape_cast %swap3A_333 : vector<1x16xf32> to vector<16xf32>
      %swap3A_335 = vector.shape_cast %broadcast_in_dim3A_330 : vector<16xf32> to vector<1x16xf32>
      tpu.vector_store %arg7[%swap3A_331, %swap3A_332], %swap3A_335 {strides = array<i32>} : memref<32x128xf32, #tpu.memory_space<vmem>>, vector<1x16xf32>,
      %broadcast_in_dim3A_336 = arith.constant 0.000000e+00 : f32
      %broadcast_in_dim3A_337 = vector.broadcast %broadcast_in_dim3A_336 : f32 to vector<16xf32>
      %swap3A_338 = arith.index_cast %scan3A_302 : i32 to index
      %swap3A_339 = arith.constant 80 : index
      %swap3A_340 = tpu.vector_load %arg7[%swap3A_338, %swap3A_339] {strides = array<i32>} : memref<32x128xf32, #tpu.memory_space<vmem>>, vector<1x16xf32>,
      %swap3A_341 = vector.shape_cast %swap3A_340 : vector<1x16xf32> to vector<16xf32>
      %swap3A_342 = vector.shape_cast %broadcast_in_dim3A_337 : vector<16xf32> to vector<1x16xf32>
      tpu.vector_store %arg7[%swap3A_338, %swap3A_339], %swap3A_342 {strides = array<i32>} : memref<32x128xf32, #tpu.memory_space<vmem>>, vector<1x16xf32>,
      %broadcast_in_dim3A_343 = arith.constant 0.000000e+00 : f32
      %broadcast_in_dim3A_344 = vector.broadcast %broadcast_in_dim3A_343 : f32 to vector<16xf32>
      %swap3A_345 = arith.index_cast %scan3A_302 : i32 to index
      %swap3A_346 = arith.constant 96 : index
      %swap3A_347 = tpu.vector_load %arg7[%swap3A_345, %swap3A_346] {strides = array<i32>} : memref<32x128xf32, #tpu.memory_space<vmem>>, vector<1x16xf32>,
      %swap3A_348 = vector.shape_cast %swap3A_347 : vector<1x16xf32> to vector<16xf32>
      %swap3A_349 = vector.shape_cast %broadcast_in_dim3A_344 : vector<16xf32> to vector<1x16xf32>
      tpu.vector_store %arg7[%swap3A_345, %swap3A_346], %swap3A_349 {strides = array<i32>} : memref<32x128xf32, #tpu.memory_space<vmem>>, vector<1x16xf32>,
      %broadcast_in_dim3A_350 = arith.constant 0.000000e+00 : f32
      %broadcast_in_dim3A_351 = vector.broadcast %broadcast_in_dim3A_350 : f32 to vector<16xf32>
      %swap3A_352 = arith.index_cast %scan3A_302 : i32 to index
      %swap3A_353 = arith.constant 112 : index
      %swap3A_354 = tpu.vector_load %arg7[%swap3A_352, %swap3A_353] {strides = array<i32>} : memref<32x128xf32, #tpu.memory_space<vmem>>, vector<1x16xf32>,
      %swap3A_355 = vector.shape_cast %swap3A_354 : vector<1x16xf32> to vector<16xf32>
      %swap3A_356 = vector.shape_cast %broadcast_in_dim3A_351 : vector<16xf32> to vector<1x16xf32>
      tpu.vector_store %arg7[%swap3A_352, %swap3A_353], %swap3A_356 {strides = array<i32>} : memref<32x128xf32, #tpu.memory_space<vmem>>, vector<1x16xf32>,
    }
    %scan3A_6 = arith.constant 32 : i32
    %scan3A_7 = arith.constant 0 : i32
    %scan3A_8 = arith.constant 20 : i32
    %scan3A_9 = arith.addi %scan3A_7, %scan3A_8 : i32
    %scan3A_10 = arith.constant 1 : i32
    scf.for %scan3A_302 = %scan3A_7 to %scan3A_9 step %scan3A_10  : i32 {
      %mul3A_303 = arith.constant 640 : i32
      %mul3A_304 = arith.muli %arg1, %mul3A_303 : i32
      %mul3A_305 = arith.constant 32 : i32
      %mul3A_306 = arith.muli %scan3A_302, %mul3A_305 : i32
      %add3A_307 = arith.addi %mul3A_304, %mul3A_306 : i32
      %dma_start3A_308 = arith.constant 0 : i32
      %dma_start3A_309 = tpu.memref_slice %arg6[%add3A_307, %dma_start3A_308] : memref<10240x128xf32, #tpu.memory_space<vmem_shared>> -> memref<32x128xf32, #tpu.memory_space<vmem_shared>>
      %dma_start3A_310 = arith.constant 0 : i32
      %dma_start3A_311 = tpu.memref_slice %arg6[%add3A_307, %dma_start3A_310] : memref<10240x128xf32, #tpu.memory_space<vmem_shared>> -> memref<32x128xf32, #tpu.memory_space<vmem_shared>>
      tpu.enqueue_dma source(%arg7 : memref<32x128xf32, #tpu.memory_space<vmem>>) target(%dma_start3A_311 : memref<32x128xf32, #tpu.memory_space<vmem_shared>>) target_semaphore(%arg13 : memref<!tpu.dma_semaphore, #tpu.memory_space<semaphore_mem>>)
    }
    %scan3A_11 = arith.constant 20 : i32
    %scan3A_12 = arith.constant 0 : i32
    %scan3A_13 = arith.constant 20 : i32
    %scan3A_14 = arith.addi %scan3A_12, %scan3A_13 : i32
    %scan3A_15 = arith.constant 1 : i32
    scf.for %scan3A_302 = %scan3A_12 to %scan3A_14 step %scan3A_15  : i32 {
      %mul3A_303 = arith.constant 640 : i32
      %mul3A_304 = arith.muli %arg1, %mul3A_303 : i32
      %mul3A_305 = arith.constant 32 : i32
      %mul3A_306 = arith.muli %scan3A_302, %mul3A_305 : i32
      %add3A_307 = arith.addi %mul3A_304, %mul3A_306 : i32
      %dma_wait3A = arith.constant 0 : i32
      %dma_wait3A_308 = tpu.memref_slice %arg6[%add3A_307, %dma_wait3A] : memref<10240x128xf32, #tpu.memory_space<vmem_shared>> -> memref<32x128xf32, #tpu.memory_space<vmem_shared>>
      %dma_wait3A_309 = arith.constant 0 : i32
      %dma_wait3A_310 = tpu.memref_slice %arg6[%add3A_307, %dma_wait3A_309] : memref<10240x128xf32, #tpu.memory_space<vmem_shared>> -> memref<32x128xf32, #tpu.memory_space<vmem_shared>>
      tpu.wait_dma2 semaphore(%arg13 : memref<!tpu.dma_semaphore, #tpu.memory_space<semaphore_mem>>) src(%arg7 : memref<32x128xf32, #tpu.memory_space<vmem>>) dst(%dma_wait3A_310 : memref<32x128xf32, #tpu.memory_space<vmem_shared>>)
    }
    %scan3A_16 = arith.constant 20 : i32
    %barrier3A = arith.constant 0 : index
    tpu.barrier barrier_id(%barrier3A)
    %add3A_17 = arith.constant 0 : i32
    %add3A_18 = arith.addi %mul3A_2, %add3A_17 : i32
    "tpu.region"() ({
      %run_scoped3A_302 = tpu.sem_alloc : memref<!tpu.dma_semaphore, #tpu.memory_space<semaphore_mem>>
      %dma_start3A_303 = arith.constant 0 : i32
      %dma_start3A_304 = tpu.memref_slice %arg2[%add3A_18, %dma_start3A_303] : memref<2560x128xi32, #tpu.memory_space<hbm>> -> memref<40x128xi32, #tpu.memory_space<hbm>>
      %dma_start3A_305 = arith.constant 0 : i32
      %dma_start3A_306 = tpu.memref_slice %arg2[%add3A_18, %dma_start3A_305] : memref<2560x128xi32, #tpu.memory_space<hbm>> -> memref<40x128xi32, #tpu.memory_space<hbm>>
      tpu.enqueue_dma source(%dma_start3A_306 : memref<40x128xi32, #tpu.memory_space<hbm>>) target(%arg9 : memref<40x128xi32, #tpu.memory_space<vmem>>) target_semaphore(%run_scoped3A_302 : memref<!tpu.dma_semaphore, #tpu.memory_space<semaphore_mem>>)
      %dma_wait3A = arith.constant 0 : i32
      %dma_wait3A_307 = tpu.memref_slice %arg2[%add3A_18, %dma_wait3A] : memref<2560x128xi32, #tpu.memory_space<hbm>> -> memref<40x128xi32, #tpu.memory_space<hbm>>
      %dma_wait3A_308 = arith.constant 0 : i32
      %dma_wait3A_309 = tpu.memref_slice %arg2[%add3A_18, %dma_wait3A_308] : memref<2560x128xi32, #tpu.memory_space<hbm>> -> memref<40x128xi32, #tpu.memory_space<hbm>>
      tpu.wait_dma2 semaphore(%run_scoped3A_302 : memref<!tpu.dma_semaphore, #tpu.memory_space<semaphore_mem>>) src(%dma_wait3A_309 : memref<40x128xi32, #tpu.memory_space<hbm>>) dst(%arg9 : memref<40x128xi32, #tpu.memory_space<vmem>>)
      tpu.yield
    }) : () -> ()
    "tpu.region"() ({
      %run_scoped3A_302 = tpu.sem_alloc : memref<!tpu.dma_semaphore, #tpu.memory_space<semaphore_mem>>
      %dma_start3A_303 = arith.constant 0 : i32
      %dma_start3A_304 = tpu.memref_slice %arg3[%add3A_18, %dma_start3A_303] : memref<2560x128xi32, #tpu.memory_space<hbm>> -> memref<40x128xi32, #tpu.memory_space<hbm>>
      %dma_start3A_305 = arith.constant 0 : i32
      %dma_start3A_306 = tpu.memref_slice %arg3[%add3A_18, %dma_start3A_305] : memref<2560x128xi32, #tpu.memory_space<hbm>> -> memref<40x128xi32, #tpu.memory_space<hbm>>
      tpu.enqueue_dma source(%dma_start3A_306 : memref<40x128xi32, #tpu.memory_space<hbm>>) target(%arg10 : memref<40x128xi32, #tpu.memory_space<vmem>>) target_semaphore(%run_scoped3A_302 : memref<!tpu.dma_semaphore, #tpu.memory_space<semaphore_mem>>)
      %dma_wait3A = arith.constant 0 : i32
      %dma_wait3A_307 = tpu.memref_slice %arg3[%add3A_18, %dma_wait3A] : memref<2560x128xi32, #tpu.memory_space<hbm>> -> memref<40x128xi32, #tpu.memory_space<hbm>>
      %dma_wait3A_308 = arith.constant 0 : i32
      %dma_wait3A_309 = tpu.memref_slice %arg3[%add3A_18, %dma_wait3A_308] : memref<2560x128xi32, #tpu.memory_space<hbm>> -> memref<40x128xi32, #tpu.memory_space<hbm>>
      tpu.wait_dma2 semaphore(%run_scoped3A_302 : memref<!tpu.dma_semaphore, #tpu.memory_space<semaphore_mem>>) src(%dma_wait3A_309 : memref<40x128xi32, #tpu.memory_space<hbm>>) dst(%arg10 : memref<40x128xi32, #tpu.memory_space<vmem>>)
      tpu.yield
    }) : () -> ()
    %dma_start3A = arith.constant 0 : i32
    %dma_start3A_19 = arith.constant 0 : i32
    %dma_start3A_20 = arith.constant 0 : i32
    %dma_start3A_21 = arith.constant 0 : i32
    %dma_start3A_22 = arith.constant 0 : i32
    %dma_start3A_23 = tpu.memref_slice %arg8[%dma_start3A_20, %dma_start3A_21, %dma_start3A_22] : memref<2x128x128xf32, #tpu.memory_space<vmem>> -> memref<1x128x128xf32, #tpu.memory_space<vmem>>
    %dma_start3A_24 = tpu.memref_squeeze %dma_start3A_23 : memref<1x128x128xf32, #tpu.memory_space<vmem>> -> memref<128x128xf32, #tpu.memory_space<vmem>>
    %dma_start3A_25 = arith.constant 0 : i32
    %dma_start3A_26 = tpu.memref_slice %arg9[%dma_start3A_19, %dma_start3A_25] : memref<40x128xi32, #tpu.memory_space<vmem>> -> memref<1x128xi32, #tpu.memory_space<vmem>>
    %dma_start3A_27 = tpu.memref_squeeze %dma_start3A_26 : memref<1x128xi32, #tpu.memory_space<vmem>> -> memref<128xi32, #tpu.memory_space<vmem>>
    %dma_start3A_28 = arith.constant 0 : i32
    %dma_start3A_29 = arith.constant 0 : i32
    %dma_start3A_30 = tpu.memref_slice %arg4[%dma_start3A, %dma_start3A_28, %dma_start3A_29] : memref<3x10240x128xf32, #tpu.memory_space<hbm>> -> memref<1x10240x128xf32, #tpu.memory_space<hbm>>
    %dma_start3A_31 = tpu.memref_squeeze %dma_start3A_30 : memref<1x10240x128xf32, #tpu.memory_space<hbm>> -> memref<10240x128xf32, #tpu.memory_space<hbm>>
    %dma_start3A_32 = arith.constant 0 : i32
    %dma_start3A_33 = arith.constant 0 : i32
    %dma_start3A_34 = tpu.memref_slice %dma_start3A_31[%dma_start3A_32, %dma_start3A_33] : memref<10240x128xf32, #tpu.memory_space<hbm>> -> memref<10240x128xf32, #tpu.memory_space<hbm>>
    tpu.enqueue_indirect_dma source(%dma_start3A_34 : memref<10240x128xf32, #tpu.memory_space<hbm>>) target(%dma_start3A_24 : memref<128x128xf32, #tpu.memory_space<vmem>>) offsets(%dma_start3A_27 : memref<128xi32, #tpu.memory_space<vmem>>) semaphore(%arg11 : memref<!tpu.dma_semaphore, #tpu.memory_space<semaphore_mem>>)
    %dma_start3A_35 = arith.constant 0 : i32
    %dma_start3A_36 = arith.constant 1 : i32
    %dma_start3A_37 = arith.constant 1 : i32
    %dma_start3A_38 = arith.constant 0 : i32
    %dma_start3A_39 = arith.constant 0 : i32
    %dma_start3A_40 = tpu.memref_slice %arg8[%dma_start3A_37, %dma_start3A_38, %dma_start3A_39] : memref<2x128x128xf32, #tpu.memory_space<vmem>> -> memref<1x128x128xf32, #tpu.memory_space<vmem>>
    %dma_start3A_41 = tpu.memref_squeeze %dma_start3A_40 : memref<1x128x128xf32, #tpu.memory_space<vmem>> -> memref<128x128xf32, #tpu.memory_space<vmem>>
    %dma_start3A_42 = arith.constant 0 : i32
    %dma_start3A_43 = tpu.memref_slice %arg9[%dma_start3A_36, %dma_start3A_42] : memref<40x128xi32, #tpu.memory_space<vmem>> -> memref<1x128xi32, #tpu.memory_space<vmem>>
    %dma_start3A_44 = tpu.memref_squeeze %dma_start3A_43 : memref<1x128xi32, #tpu.memory_space<vmem>> -> memref<128xi32, #tpu.memory_space<vmem>>
    %dma_start3A_45 = arith.constant 0 : i32
    %dma_start3A_46 = arith.constant 0 : i32
    %dma_start3A_47 = tpu.memref_slice %arg4[%dma_start3A_35, %dma_start3A_45, %dma_start3A_46] : memref<3x10240x128xf32, #tpu.memory_space<hbm>> -> memref<1x10240x128xf32, #tpu.memory_space<hbm>>
    %dma_start3A_48 = tpu.memref_squeeze %dma_start3A_47 : memref<1x10240x128xf32, #tpu.memory_space<hbm>> -> memref<10240x128xf32, #tpu.memory_space<hbm>>
    %dma_start3A_49 = arith.constant 0 : i32
    %dma_start3A_50 = arith.constant 0 : i32
    %dma_start3A_51 = tpu.memref_slice %dma_start3A_48[%dma_start3A_49, %dma_start3A_50] : memref<10240x128xf32, #tpu.memory_space<hbm>> -> memref<10240x128xf32, #tpu.memory_space<hbm>>
    tpu.enqueue_indirect_dma source(%dma_start3A_51 : memref<10240x128xf32, #tpu.memory_space<hbm>>) target(%dma_start3A_41 : memref<128x128xf32, #tpu.memory_space<vmem>>) offsets(%dma_start3A_44 : memref<128xi32, #tpu.memory_space<vmem>>) semaphore(%arg12 : memref<!tpu.dma_semaphore, #tpu.memory_space<semaphore_mem>>)
    %scan3A_52 = arith.constant 0 : i32
    %scan3A_53 = arith.constant 20 : i32
    %scan3A_54 = arith.addi %scan3A_52, %scan3A_53 : i32
    %scan3A_55 = arith.constant 1 : i32
    scf.for %scan3A_302 = %scan3A_52 to %scan3A_54 step %scan3A_55  : i32 {
      %mul3A_303 = arith.constant 2 : i32
      %mul3A_304 = arith.muli %scan3A_302, %mul3A_303 : i32
      %add3A_305 = arith.constant 0 : i32
      %add3A_306 = arith.addi %mul3A_304, %add3A_305 : i32
      %dma_wait3A = arith.constant 0 : i32
      %dma_wait3A_307 = arith.constant 0 : i32
      %dma_wait3A_308 = arith.constant 0 : i32
      %dma_wait3A_309 = arith.constant 0 : i32
      %dma_wait3A_310 = tpu.memref_slice %arg8[%dma_wait3A_307, %dma_wait3A_308, %dma_wait3A_309] : memref<2x128x128xf32, #tpu.memory_space<vmem>> -> memref<1x128x128xf32, #tpu.memory_space<vmem>>
      %dma_wait3A_311 = tpu.memref_squeeze %dma_wait3A_310 : memref<1x128x128xf32, #tpu.memory_space<vmem>> -> memref<128x128xf32, #tpu.memory_space<vmem>>
      %dma_wait3A_312 = arith.constant 0 : i32
      %dma_wait3A_313 = tpu.memref_slice %arg9[%add3A_306, %dma_wait3A_312] : memref<40x128xi32, #tpu.memory_space<vmem>> -> memref<1x128xi32, #tpu.memory_space<vmem>>
      %dma_wait3A_314 = tpu.memref_squeeze %dma_wait3A_313 : memref<1x128xi32, #tpu.memory_space<vmem>> -> memref<128xi32, #tpu.memory_space<vmem>>
      %dma_wait3A_315 = arith.constant 0 : i32
      %dma_wait3A_316 = arith.constant 0 : i32
      %dma_wait3A_317 = tpu.memref_slice %arg4[%dma_wait3A, %dma_wait3A_315, %dma_wait3A_316] : memref<3x10240x128xf32, #tpu.memory_space<hbm>> -> memref<1x10240x128xf32, #tpu.memory_space<hbm>>
      %dma_wait3A_318 = tpu.memref_squeeze %dma_wait3A_317 : memref<1x10240x128xf32, #tpu.memory_space<hbm>> -> memref<10240x128xf32, #tpu.memory_space<hbm>>
      %dma_wait3A_319 = arith.constant 0 : i32
      %dma_wait3A_320 = arith.constant 0 : i32
      %dma_wait3A_321 = tpu.memref_slice %dma_wait3A_318[%dma_wait3A_319, %dma_wait3A_320] : memref<10240x128xf32, #tpu.memory_space<hbm>> -> memref<10240x128xf32, #tpu.memory_space<hbm>>
      tpu.wait_indirect_dma semaphore(%arg11 : memref<!tpu.dma_semaphore, #tpu.memory_space<semaphore_mem>>) src(%dma_wait3A_321 : memref<10240x128xf32, #tpu.memory_space<hbm>>) dst(%dma_wait3A_311 : memref<128x128xf32, #tpu.memory_space<vmem>>)
      %run_scoped3A_322 = arith.constant 0 : i32
      "tpu.region"() ({
        %run_scoped3A_355 = tpu.sem_alloc : memref<!tpu.dma_semaphore, #tpu.memory_space<semaphore_mem>>
        %dma_start3A_356 = arith.constant 0 : i32
        %dma_start3A_357 = arith.constant 0 : i32
        %dma_start3A_358 = tpu.memref_slice %arg8[%run_scoped3A_322, %dma_start3A_356, %dma_start3A_357] : memref<2x128x128xf32, #tpu.memory_space<vmem>> -> memref<1x128x128xf32, #tpu.memory_space<vmem>>
        %dma_start3A_359 = tpu.memref_squeeze %dma_start3A_358 : memref<1x128x128xf32, #tpu.memory_space<vmem>> -> memref<128x128xf32, #tpu.memory_space<vmem>>
        %dma_start3A_360 = arith.constant 0 : i32
        %dma_start3A_361 = tpu.memref_slice %arg10[%add3A_306, %dma_start3A_360] : memref<40x128xi32, #tpu.memory_space<vmem>> -> memref<1x128xi32, #tpu.memory_space<vmem>>
        %dma_start3A_362 = tpu.memref_squeeze %dma_start3A_361 : memref<1x128xi32, #tpu.memory_space<vmem>> -> memref<128xi32, #tpu.memory_space<vmem>>
        %dma_start3A_363 = arith.constant 0 : i32
        %dma_start3A_364 = arith.constant 0 : i32
        %dma_start3A_365 = tpu.memref_slice %arg6[%dma_start3A_363, %dma_start3A_364] : memref<10240x128xf32, #tpu.memory_space<vmem_shared>> -> memref<10240x128xf32, #tpu.memory_space<vmem_shared>>
        tpu.enqueue_indirect_dma source(%dma_start3A_359 : memref<128x128xf32, #tpu.memory_space<vmem>>) target(%dma_start3A_365 : memref<10240x128xf32, #tpu.memory_space<vmem_shared>>) offsets(%dma_start3A_362 : memref<128xi32, #tpu.memory_space<vmem>>) semaphore(%run_scoped3A_355 : memref<!tpu.dma_semaphore, #tpu.memory_space<semaphore_mem>>) {add = true}
        %dma_wait3A_366 = arith.constant 0 : i32
        %dma_wait3A_367 = arith.constant 0 : i32
        %dma_wait3A_368 = tpu.memref_slice %arg8[%run_scoped3A_322, %dma_wait3A_366, %dma_wait3A_367] : memref<2x128x128xf32, #tpu.memory_space<vmem>> -> memref<1x128x128xf32, #tpu.memory_space<vmem>>
        %dma_wait3A_369 = tpu.memref_squeeze %dma_wait3A_368 : memref<1x128x128xf32, #tpu.memory_space<vmem>> -> memref<128x128xf32, #tpu.memory_space<vmem>>
        %dma_wait3A_370 = arith.constant 0 : i32
        %dma_wait3A_371 = tpu.memref_slice %arg10[%add3A_306, %dma_wait3A_370] : memref<40x128xi32, #tpu.memory_space<vmem>> -> memref<1x128xi32, #tpu.memory_space<vmem>>
        %dma_wait3A_372 = tpu.memref_squeeze %dma_wait3A_371 : memref<1x128xi32, #tpu.memory_space<vmem>> -> memref<128xi32, #tpu.memory_space<vmem>>
        %dma_wait3A_373 = arith.constant 0 : i32
        %dma_wait3A_374 = arith.constant 0 : i32
        %dma_wait3A_375 = tpu.memref_slice %arg6[%dma_wait3A_373, %dma_wait3A_374] : memref<10240x128xf32, #tpu.memory_space<vmem_shared>> -> memref<10240x128xf32, #tpu.memory_space<vmem_shared>>
        tpu.wait_indirect_dma semaphore(%run_scoped3A_355 : memref<!tpu.dma_semaphore, #tpu.memory_space<semaphore_mem>>) src(%dma_wait3A_369 : memref<128x128xf32, #tpu.memory_space<vmem>>) dst(%dma_wait3A_375 : memref<10240x128xf32, #tpu.memory_space<vmem_shared>>)
        tpu.yield
      }) : () -> ()
      %add3A_323 = arith.constant 2 : i32
      %add3A_324 = arith.addi %add3A_306, %add3A_323 : i32
      %lt3A = arith.constant 40 : i32
      %lt3A_325 = arith.cmpi slt, %add3A_324, %lt3A : i32
      %convert_element_type3A = arith.extui %lt3A_325 : i1 to i32
      %cond3A = arith.constant 0 : i32
      %cond3A_326 = arith.cmpi ne, %convert_element_type3A, %cond3A : i32
      scf.if %cond3A_326 {
        %add3A_355 = arith.constant 2 : i32
        %add3A_356 = arith.addi %add3A_306, %add3A_355 : i32
        %dma_start3A_357 = arith.constant 0 : i32
        %dma_start3A_358 = arith.constant 0 : i32
        %dma_start3A_359 = arith.constant 0 : i32
        %dma_start3A_360 = arith.constant 0 : i32
        %dma_start3A_361 = tpu.memref_slice %arg8[%dma_start3A_358, %dma_start3A_359, %dma_start3A_360] : memref<2x128x128xf32, #tpu.memory_space<vmem>> -> memref<1x128x128xf32, #tpu.memory_space<vmem>>
        %dma_start3A_362 = tpu.memref_squeeze %dma_start3A_361 : memref<1x128x128xf32, #tpu.memory_space<vmem>> -> memref<128x128xf32, #tpu.memory_space<vmem>>
        %dma_start3A_363 = arith.constant 0 : i32
        %dma_start3A_364 = tpu.memref_slice %arg9[%add3A_356, %dma_start3A_363] : memref<40x128xi32, #tpu.memory_space<vmem>> -> memref<1x128xi32, #tpu.memory_space<vmem>>
        %dma_start3A_365 = tpu.memref_squeeze %dma_start3A_364 : memref<1x128xi32, #tpu.memory_space<vmem>> -> memref<128xi32, #tpu.memory_space<vmem>>
        %dma_start3A_366 = arith.constant 0 : i32
        %dma_start3A_367 = arith.constant 0 : i32
        %dma_start3A_368 = tpu.memref_slice %arg4[%dma_start3A_357, %dma_start3A_366, %dma_start3A_367] : memref<3x10240x128xf32, #tpu.memory_space<hbm>> -> memref<1x10240x128xf32, #tpu.memory_space<hbm>>
        %dma_start3A_369 = tpu.memref_squeeze %dma_start3A_368 : memref<1x10240x128xf32, #tpu.memory_space<hbm>> -> memref<10240x128xf32, #tpu.memory_space<hbm>>
        %dma_start3A_370 = arith.constant 0 : i32
        %dma_start3A_371 = arith.constant 0 : i32
        %dma_start3A_372 = tpu.memref_slice %dma_start3A_369[%dma_start3A_370, %dma_start3A_371] : memref<10240x128xf32, #tpu.memory_space<hbm>> -> memref<10240x128xf32, #tpu.memory_space<hbm>>
        tpu.enqueue_indirect_dma source(%dma_start3A_372 : memref<10240x128xf32, #tpu.memory_space<hbm>>) target(%dma_start3A_362 : memref<128x128xf32, #tpu.memory_space<vmem>>) offsets(%dma_start3A_365 : memref<128xi32, #tpu.memory_space<vmem>>) semaphore(%arg11 : memref<!tpu.dma_semaphore, #tpu.memory_space<semaphore_mem>>)
      } else {
      }
      %mul3A_327 = arith.constant 2 : i32
      %mul3A_328 = arith.muli %scan3A_302, %mul3A_327 : i32
      %add3A_329 = arith.constant 1 : i32
      %add3A_330 = arith.addi %mul3A_328, %add3A_329 : i32
      %dma_wait3A_331 = arith.constant 0 : i32
      %dma_wait3A_332 = arith.constant 1 : i32
      %dma_wait3A_333 = arith.constant 0 : i32
      %dma_wait3A_334 = arith.constant 0 : i32
      %dma_wait3A_335 = tpu.memref_slice %arg8[%dma_wait3A_332, %dma_wait3A_333, %dma_wait3A_334] : memref<2x128x128xf32, #tpu.memory_space<vmem>> -> memref<1x128x128xf32, #tpu.memory_space<vmem>>
      %dma_wait3A_336 = tpu.memref_squeeze %dma_wait3A_335 : memref<1x128x128xf32, #tpu.memory_space<vmem>> -> memref<128x128xf32, #tpu.memory_space<vmem>>
      %dma_wait3A_337 = arith.constant 0 : i32
      %dma_wait3A_338 = tpu.memref_slice %arg9[%add3A_330, %dma_wait3A_337] : memref<40x128xi32, #tpu.memory_space<vmem>> -> memref<1x128xi32, #tpu.memory_space<vmem>>
      %dma_wait3A_339 = tpu.memref_squeeze %dma_wait3A_338 : memref<1x128xi32, #tpu.memory_space<vmem>> -> memref<128xi32, #tpu.memory_space<vmem>>
      %dma_wait3A_340 = arith.constant 0 : i32
      %dma_wait3A_341 = arith.constant 0 : i32
      %dma_wait3A_342 = tpu.memref_slice %arg4[%dma_wait3A_331, %dma_wait3A_340, %dma_wait3A_341] : memref<3x10240x128xf32, #tpu.memory_space<hbm>> -> memref<1x10240x128xf32, #tpu.memory_space<hbm>>
      %dma_wait3A_343 = tpu.memref_squeeze %dma_wait3A_342 : memref<1x10240x128xf32, #tpu.memory_space<hbm>> -> memref<10240x128xf32, #tpu.memory_space<hbm>>
      %dma_wait3A_344 = arith.constant 0 : i32
      %dma_wait3A_345 = arith.constant 0 : i32
      %dma_wait3A_346 = tpu.memref_slice %dma_wait3A_343[%dma_wait3A_344, %dma_wait3A_345] : memref<10240x128xf32, #tpu.memory_space<hbm>> -> memref<10240x128xf32, #tpu.memory_space<hbm>>
      tpu.wait_indirect_dma semaphore(%arg12 : memref<!tpu.dma_semaphore, #tpu.memory_space<semaphore_mem>>) src(%dma_wait3A_346 : memref<10240x128xf32, #tpu.memory_space<hbm>>) dst(%dma_wait3A_336 : memref<128x128xf32, #tpu.memory_space<vmem>>)
      %run_scoped3A_347 = arith.constant 1 : i32
      "tpu.region"() ({
        %run_scoped3A_355 = tpu.sem_alloc : memref<!tpu.dma_semaphore, #tpu.memory_space<semaphore_mem>>
        %dma_start3A_356 = arith.constant 0 : i32
        %dma_start3A_357 = arith.constant 0 : i32
        %dma_start3A_358 = tpu.memref_slice %arg8[%run_scoped3A_347, %dma_start3A_356, %dma_start3A_357] : memref<2x128x128xf32, #tpu.memory_space<vmem>> -> memref<1x128x128xf32, #tpu.memory_space<vmem>>
        %dma_start3A_359 = tpu.memref_squeeze %dma_start3A_358 : memref<1x128x128xf32, #tpu.memory_space<vmem>> -> memref<128x128xf32, #tpu.memory_space<vmem>>
        %dma_start3A_360 = arith.constant 0 : i32
        %dma_start3A_361 = tpu.memref_slice %arg10[%add3A_330, %dma_start3A_360] : memref<40x128xi32, #tpu.memory_space<vmem>> -> memref<1x128xi32, #tpu.memory_space<vmem>>
        %dma_start3A_362 = tpu.memref_squeeze %dma_start3A_361 : memref<1x128xi32, #tpu.memory_space<vmem>> -> memref<128xi32, #tpu.memory_space<vmem>>
        %dma_start3A_363 = arith.constant 0 : i32
        %dma_start3A_364 = arith.constant 0 : i32
        %dma_start3A_365 = tpu.memref_slice %arg6[%dma_start3A_363, %dma_start3A_364] : memref<10240x128xf32, #tpu.memory_space<vmem_shared>> -> memref<10240x128xf32, #tpu.memory_space<vmem_shared>>
        tpu.enqueue_indirect_dma source(%dma_start3A_359 : memref<128x128xf32, #tpu.memory_space<vmem>>) target(%dma_start3A_365 : memref<10240x128xf32, #tpu.memory_space<vmem_shared>>) offsets(%dma_start3A_362 : memref<128xi32, #tpu.memory_space<vmem>>) semaphore(%run_scoped3A_355 : memref<!tpu.dma_semaphore, #tpu.memory_space<semaphore_mem>>) {add = true}
        %dma_wait3A_366 = arith.constant 0 : i32
        %dma_wait3A_367 = arith.constant 0 : i32
        %dma_wait3A_368 = tpu.memref_slice %arg8[%run_scoped3A_347, %dma_wait3A_366, %dma_wait3A_367] : memref<2x128x128xf32, #tpu.memory_space<vmem>> -> memref<1x128x128xf32, #tpu.memory_space<vmem>>
        %dma_wait3A_369 = tpu.memref_squeeze %dma_wait3A_368 : memref<1x128x128xf32, #tpu.memory_space<vmem>> -> memref<128x128xf32, #tpu.memory_space<vmem>>
        %dma_wait3A_370 = arith.constant 0 : i32
        %dma_wait3A_371 = tpu.memref_slice %arg10[%add3A_330, %dma_wait3A_370] : memref<40x128xi32, #tpu.memory_space<vmem>> -> memref<1x128xi32, #tpu.memory_space<vmem>>
        %dma_wait3A_372 = tpu.memref_squeeze %dma_wait3A_371 : memref<1x128xi32, #tpu.memory_space<vmem>> -> memref<128xi32, #tpu.memory_space<vmem>>
        %dma_wait3A_373 = arith.constant 0 : i32
        %dma_wait3A_374 = arith.constant 0 : i32
        %dma_wait3A_375 = tpu.memref_slice %arg6[%dma_wait3A_373, %dma_wait3A_374] : memref<10240x128xf32, #tpu.memory_space<vmem_shared>> -> memref<10240x128xf32, #tpu.memory_space<vmem_shared>>
        tpu.wait_indirect_dma semaphore(%run_scoped3A_355 : memref<!tpu.dma_semaphore, #tpu.memory_space<semaphore_mem>>) src(%dma_wait3A_369 : memref<128x128xf32, #tpu.memory_space<vmem>>) dst(%dma_wait3A_375 : memref<10240x128xf32, #tpu.memory_space<vmem_shared>>)
        tpu.yield
      }) : () -> ()
      %add3A_348 = arith.constant 2 : i32
      %add3A_349 = arith.addi %add3A_330, %add3A_348 : i32
      %lt3A_350 = arith.constant 40 : i32
      %lt3A_351 = arith.cmpi slt, %add3A_349, %lt3A_350 : i32
      %convert_element_type3A_352 = arith.extui %lt3A_351 : i1 to i32
      %cond3A_353 = arith.constant 0 : i32
      %cond3A_354 = arith.cmpi ne, %convert_element_type3A_352, %cond3A_353 : i32
      scf.if %cond3A_354 {
        %add3A_355 = arith.constant 2 : i32
        %add3A_356 = arith.addi %add3A_330, %add3A_355 : i32
        %dma_start3A_357 = arith.constant 0 : i32
        %dma_start3A_358 = arith.constant 1 : i32
        %dma_start3A_359 = arith.constant 0 : i32
        %dma_start3A_360 = arith.constant 0 : i32
        %dma_start3A_361 = tpu.memref_slice %arg8[%dma_start3A_358, %dma_start3A_359, %dma_start3A_360] : memref<2x128x128xf32, #tpu.memory_space<vmem>> -> memref<1x128x128xf32, #tpu.memory_space<vmem>>
        %dma_start3A_362 = tpu.memref_squeeze %dma_start3A_361 : memref<1x128x128xf32, #tpu.memory_space<vmem>> -> memref<128x128xf32, #tpu.memory_space<vmem>>
        %dma_start3A_363 = arith.constant 0 : i32
        %dma_start3A_364 = tpu.memref_slice %arg9[%add3A_356, %dma_start3A_363] : memref<40x128xi32, #tpu.memory_space<vmem>> -> memref<1x128xi32, #tpu.memory_space<vmem>>
        %dma_start3A_365 = tpu.memref_squeeze %dma_start3A_364 : memref<1x128xi32, #tpu.memory_space<vmem>> -> memref<128xi32, #tpu.memory_space<vmem>>
        %dma_start3A_366 = arith.constant 0 : i32
        %dma_start3A_367 = arith.constant 0 : i32
        %dma_start3A_368 = tpu.memref_slice %arg4[%dma_start3A_357, %dma_start3A_366, %dma_start3A_367] : memref<3x10240x128xf32, #tpu.memory_space<hbm>> -> memref<1x10240x128xf32, #tpu.memory_space<hbm>>
        %dma_start3A_369 = tpu.memref_squeeze %dma_start3A_368 : memref<1x10240x128xf32, #tpu.memory_space<hbm>> -> memref<10240x128xf32, #tpu.memory_space<hbm>>
        %dma_start3A_370 = arith.constant 0 : i32
        %dma_start3A_371 = arith.constant 0 : i32
        %dma_start3A_372 = tpu.memref_slice %dma_start3A_369[%dma_start3A_370, %dma_start3A_371] : memref<10240x128xf32, #tpu.memory_space<hbm>> -> memref<10240x128xf32, #tpu.memory_space<hbm>>
        tpu.enqueue_indirect_dma source(%dma_start3A_372 : memref<10240x128xf32, #tpu.memory_space<hbm>>) target(%dma_start3A_362 : memref<128x128xf32, #tpu.memory_space<vmem>>) offsets(%dma_start3A_365 : memref<128xi32, #tpu.memory_space<vmem>>) semaphore(%arg12 : memref<!tpu.dma_semaphore, #tpu.memory_space<semaphore_mem>>)
      } else {
      }
    }
    %scan3A_56 = arith.constant 20 : i32
    %add3A_57 = arith.constant 40 : i32
    %add3A_58 = arith.addi %mul3A_2, %add3A_57 : i32
    "tpu.region"() ({
      %run_scoped3A_302 = tpu.sem_alloc : memref<!tpu.dma_semaphore, #tpu.memory_space<semaphore_mem>>
      %dma_start3A_303 = arith.constant 0 : i32
      %dma_start3A_304 = tpu.memref_slice %arg2[%add3A_58, %dma_start3A_303] : memref<2560x128xi32, #tpu.memory_space<hbm>> -> memref<40x128xi32, #tpu.memory_space<hbm>>
      %dma_start3A_305 = arith.constant 0 : i32
      %dma_start3A_306 = tpu.memref_slice %arg2[%add3A_58, %dma_start3A_305] : memref<2560x128xi32, #tpu.memory_space<hbm>> -> memref<40x128xi32, #tpu.memory_space<hbm>>
      tpu.enqueue_dma source(%dma_start3A_306 : memref<40x128xi32, #tpu.memory_space<hbm>>) target(%arg9 : memref<40x128xi32, #tpu.memory_space<vmem>>) target_semaphore(%run_scoped3A_302 : memref<!tpu.dma_semaphore, #tpu.memory_space<semaphore_mem>>)
      %dma_wait3A = arith.constant 0 : i32
      %dma_wait3A_307 = tpu.memref_slice %arg2[%add3A_58, %dma_wait3A] : memref<2560x128xi32, #tpu.memory_space<hbm>> -> memref<40x128xi32, #tpu.memory_space<hbm>>
      %dma_wait3A_308 = arith.constant 0 : i32
      %dma_wait3A_309 = tpu.memref_slice %arg2[%add3A_58, %dma_wait3A_308] : memref<2560x128xi32, #tpu.memory_space<hbm>> -> memref<40x128xi32, #tpu.memory_space<hbm>>
      tpu.wait_dma2 semaphore(%run_scoped3A_302 : memref<!tpu.dma_semaphore, #tpu.memory_space<semaphore_mem>>) src(%dma_wait3A_309 : memref<40x128xi32, #tpu.memory_space<hbm>>) dst(%arg9 : memref<40x128xi32, #tpu.memory_space<vmem>>)
      tpu.yield
    }) : () -> ()
    "tpu.region"() ({
      %run_scoped3A_302 = tpu.sem_alloc : memref<!tpu.dma_semaphore, #tpu.memory_space<semaphore_mem>>
      %dma_start3A_303 = arith.constant 0 : i32
      %dma_start3A_304 = tpu.memref_slice %arg3[%add3A_58, %dma_start3A_303] : memref<2560x128xi32, #tpu.memory_space<hbm>> -> memref<40x128xi32, #tpu.memory_space<hbm>>
      %dma_start3A_305 = arith.constant 0 : i32
      %dma_start3A_306 = tpu.memref_slice %arg3[%add3A_58, %dma_start3A_305] : memref<2560x128xi32, #tpu.memory_space<hbm>> -> memref<40x128xi32, #tpu.memory_space<hbm>>
      tpu.enqueue_dma source(%dma_start3A_306 : memref<40x128xi32, #tpu.memory_space<hbm>>) target(%arg10 : memref<40x128xi32, #tpu.memory_space<vmem>>) target_semaphore(%run_scoped3A_302 : memref<!tpu.dma_semaphore, #tpu.memory_space<semaphore_mem>>)
      %dma_wait3A = arith.constant 0 : i32
      %dma_wait3A_307 = tpu.memref_slice %arg3[%add3A_58, %dma_wait3A] : memref<2560x128xi32, #tpu.memory_space<hbm>> -> memref<40x128xi32, #tpu.memory_space<hbm>>
      %dma_wait3A_308 = arith.constant 0 : i32
      %dma_wait3A_309 = tpu.memref_slice %arg3[%add3A_58, %dma_wait3A_308] : memref<2560x128xi32, #tpu.memory_space<hbm>> -> memref<40x128xi32, #tpu.memory_space<hbm>>
      tpu.wait_dma2 semaphore(%run_scoped3A_302 : memref<!tpu.dma_semaphore, #tpu.memory_space<semaphore_mem>>) src(%dma_wait3A_309 : memref<40x128xi32, #tpu.memory_space<hbm>>) dst(%arg10 : memref<40x128xi32, #tpu.memory_space<vmem>>)
      tpu.yield
    }) : () -> ()
    %dma_start3A_59 = arith.constant 0 : i32
    %dma_start3A_60 = arith.constant 0 : i32
    %dma_start3A_61 = arith.constant 0 : i32
    %dma_start3A_62 = arith.constant 0 : i32
    %dma_start3A_63 = arith.constant 0 : i32
    %dma_start3A_64 = tpu.memref_slice %arg8[%dma_start3A_61, %dma_start3A_62, %dma_start3A_63] : memref<2x128x128xf32, #tpu.memory_space<vmem>> -> memref<1x128x128xf32, #tpu.memory_space<vmem>>
    %dma_start3A_65 = tpu.memref_squeeze %dma_start3A_64 : memref<1x128x128xf32, #tpu.memory_space<vmem>> -> memref<128x128xf32, #tpu.memory_space<vmem>>
    %dma_start3A_66 = arith.constant 0 : i32
    %dma_start3A_67 = tpu.memref_slice %arg9[%dma_start3A_60, %dma_start3A_66] : memref<40x128xi32, #tpu.memory_space<vmem>> -> memref<1x128xi32, #tpu.memory_space<vmem>>
    %dma_start3A_68 = tpu.memref_squeeze %dma_start3A_67 : memref<1x128xi32, #tpu.memory_space<vmem>> -> memref<128xi32, #tpu.memory_space<vmem>>
    %dma_start3A_69 = arith.constant 0 : i32
    %dma_start3A_70 = arith.constant 0 : i32
    %dma_start3A_71 = tpu.memref_slice %arg4[%dma_start3A_59, %dma_start3A_69, %dma_start3A_70] : memref<3x10240x128xf32, #tpu.memory_space<hbm>> -> memref<1x10240x128xf32, #tpu.memory_space<hbm>>
    %dma_start3A_72 = tpu.memref_squeeze %dma_start3A_71 : memref<1x10240x128xf32, #tpu.memory_space<hbm>> -> memref<10240x128xf32, #tpu.memory_space<hbm>>
    %dma_start3A_73 = arith.constant 0 : i32
    %dma_start3A_74 = arith.constant 0 : i32
    %dma_start3A_75 = tpu.memref_slice %dma_start3A_72[%dma_start3A_73, %dma_start3A_74] : memref<10240x128xf32, #tpu.memory_space<hbm>> -> memref<10240x128xf32, #tpu.memory_space<hbm>>
    tpu.enqueue_indirect_dma source(%dma_start3A_75 : memref<10240x128xf32, #tpu.memory_space<hbm>>) target(%dma_start3A_65 : memref<128x128xf32, #tpu.memory_space<vmem>>) offsets(%dma_start3A_68 : memref<128xi32, #tpu.memory_space<vmem>>) semaphore(%arg11 : memref<!tpu.dma_semaphore, #tpu.memory_space<semaphore_mem>>)
    %dma_start3A_76 = arith.constant 0 : i32
    %dma_start3A_77 = arith.constant 1 : i32
    %dma_start3A_78 = arith.constant 1 : i32
    %dma_start3A_79 = arith.constant 0 : i32
    %dma_start3A_80 = arith.constant 0 : i32
    %dma_start3A_81 = tpu.memref_slice %arg8[%dma_start3A_78, %dma_start3A_79, %dma_start3A_80] : memref<2x128x128xf32, #tpu.memory_space<vmem>> -> memref<1x128x128xf32, #tpu.memory_space<vmem>>
    %dma_start3A_82 = tpu.memref_squeeze %dma_start3A_81 : memref<1x128x128xf32, #tpu.memory_space<vmem>> -> memref<128x128xf32, #tpu.memory_space<vmem>>
    %dma_start3A_83 = arith.constant 0 : i32
    %dma_start3A_84 = tpu.memref_slice %arg9[%dma_start3A_77, %dma_start3A_83] : memref<40x128xi32, #tpu.memory_space<vmem>> -> memref<1x128xi32, #tpu.memory_space<vmem>>
    %dma_start3A_85 = tpu.memref_squeeze %dma_start3A_84 : memref<1x128xi32, #tpu.memory_space<vmem>> -> memref<128xi32, #tpu.memory_space<vmem>>
    %dma_start3A_86 = arith.constant 0 : i32
    %dma_start3A_87 = arith.constant 0 : i32
    %dma_start3A_88 = tpu.memref_slice %arg4[%dma_start3A_76, %dma_start3A_86, %dma_start3A_87] : memref<3x10240x128xf32, #tpu.memory_space<hbm>> -> memref<1x10240x128xf32, #tpu.memory_space<hbm>>
    %dma_start3A_89 = tpu.memref_squeeze %dma_start3A_88 : memref<1x10240x128xf32, #tpu.memory_space<hbm>> -> memref<10240x128xf32, #tpu.memory_space<hbm>>
    %dma_start3A_90 = arith.constant 0 : i32
    %dma_start3A_91 = arith.constant 0 : i32
    %dma_start3A_92 = tpu.memref_slice %dma_start3A_89[%dma_start3A_90, %dma_start3A_91] : memref<10240x128xf32, #tpu.memory_space<hbm>> -> memref<10240x128xf32, #tpu.memory_space<hbm>>
    tpu.enqueue_indirect_dma source(%dma_start3A_92 : memref<10240x128xf32, #tpu.memory_space<hbm>>) target(%dma_start3A_82 : memref<128x128xf32, #tpu.memory_space<vmem>>) offsets(%dma_start3A_85 : memref<128xi32, #tpu.memory_space<vmem>>) semaphore(%arg12 : memref<!tpu.dma_semaphore, #tpu.memory_space<semaphore_mem>>)
    %scan3A_93 = arith.constant 0 : i32
    %scan3A_94 = arith.constant 20 : i32
    %scan3A_95 = arith.addi %scan3A_93, %scan3A_94 : i32
    %scan3A_96 = arith.constant 1 : i32
    scf.for %scan3A_302 = %scan3A_93 to %scan3A_95 step %scan3A_96  : i32 {
      %mul3A_303 = arith.constant 2 : i32
      %mul3A_304 = arith.muli %scan3A_302, %mul3A_303 : i32
      %add3A_305 = arith.constant 0 : i32
      %add3A_306 = arith.addi %mul3A_304, %add3A_305 : i32
      %dma_wait3A = arith.constant 0 : i32
      %dma_wait3A_307 = arith.constant 0 : i32
      %dma_wait3A_308 = arith.constant 0 : i32
      %dma_wait3A_309 = arith.constant 0 : i32
      %dma_wait3A_310 = tpu.memref_slice %arg8[%dma_wait3A_307, %dma_wait3A_308, %dma_wait3A_309] : memref<2x128x128xf32, #tpu.memory_space<vmem>> -> memref<1x128x128xf32, #tpu.memory_space<vmem>>
      %dma_wait3A_311 = tpu.memref_squeeze %dma_wait3A_310 : memref<1x128x128xf32, #tpu.memory_space<vmem>> -> memref<128x128xf32, #tpu.memory_space<vmem>>
      %dma_wait3A_312 = arith.constant 0 : i32
      %dma_wait3A_313 = tpu.memref_slice %arg9[%add3A_306, %dma_wait3A_312] : memref<40x128xi32, #tpu.memory_space<vmem>> -> memref<1x128xi32, #tpu.memory_space<vmem>>
      %dma_wait3A_314 = tpu.memref_squeeze %dma_wait3A_313 : memref<1x128xi32, #tpu.memory_space<vmem>> -> memref<128xi32, #tpu.memory_space<vmem>>
      %dma_wait3A_315 = arith.constant 0 : i32
      %dma_wait3A_316 = arith.constant 0 : i32
      %dma_wait3A_317 = tpu.memref_slice %arg4[%dma_wait3A, %dma_wait3A_315, %dma_wait3A_316] : memref<3x10240x128xf32, #tpu.memory_space<hbm>> -> memref<1x10240x128xf32, #tpu.memory_space<hbm>>
      %dma_wait3A_318 = tpu.memref_squeeze %dma_wait3A_317 : memref<1x10240x128xf32, #tpu.memory_space<hbm>> -> memref<10240x128xf32, #tpu.memory_space<hbm>>
      %dma_wait3A_319 = arith.constant 0 : i32
      %dma_wait3A_320 = arith.constant 0 : i32
      %dma_wait3A_321 = tpu.memref_slice %dma_wait3A_318[%dma_wait3A_319, %dma_wait3A_320] : memref<10240x128xf32, #tpu.memory_space<hbm>> -> memref<10240x128xf32, #tpu.memory_space<hbm>>
      tpu.wait_indirect_dma semaphore(%arg11 : memref<!tpu.dma_semaphore, #tpu.memory_space<semaphore_mem>>) src(%dma_wait3A_321 : memref<10240x128xf32, #tpu.memory_space<hbm>>) dst(%dma_wait3A_311 : memref<128x128xf32, #tpu.memory_space<vmem>>)
      %run_scoped3A_322 = arith.constant 0 : i32
      "tpu.region"() ({
        %run_scoped3A_355 = tpu.sem_alloc : memref<!tpu.dma_semaphore, #tpu.memory_space<semaphore_mem>>
        %dma_start3A_356 = arith.constant 0 : i32
        %dma_start3A_357 = arith.constant 0 : i32
        %dma_start3A_358 = tpu.memref_slice %arg8[%run_scoped3A_322, %dma_start3A_356, %dma_start3A_357] : memref<2x128x128xf32, #tpu.memory_space<vmem>> -> memref<1x128x128xf32, #tpu.memory_space<vmem>>
        %dma_start3A_359 = tpu.memref_squeeze %dma_start3A_358 : memref<1x128x128xf32, #tpu.memory_space<vmem>> -> memref<128x128xf32, #tpu.memory_space<vmem>>
        %dma_start3A_360 = arith.constant 0 : i32
        %dma_start3A_361 = tpu.memref_slice %arg10[%add3A_306, %dma_start3A_360] : memref<40x128xi32, #tpu.memory_space<vmem>> -> memref<1x128xi32, #tpu.memory_space<vmem>>
        %dma_start3A_362 = tpu.memref_squeeze %dma_start3A_361 : memref<1x128xi32, #tpu.memory_space<vmem>> -> memref<128xi32, #tpu.memory_space<vmem>>
        %dma_start3A_363 = arith.constant 0 : i32
        %dma_start3A_364 = arith.constant 0 : i32
        %dma_start3A_365 = tpu.memref_slice %arg6[%dma_start3A_363, %dma_start3A_364] : memref<10240x128xf32, #tpu.memory_space<vmem_shared>> -> memref<10240x128xf32, #tpu.memory_space<vmem_shared>>
        tpu.enqueue_indirect_dma source(%dma_start3A_359 : memref<128x128xf32, #tpu.memory_space<vmem>>) target(%dma_start3A_365 : memref<10240x128xf32, #tpu.memory_space<vmem_shared>>) offsets(%dma_start3A_362 : memref<128xi32, #tpu.memory_space<vmem>>) semaphore(%run_scoped3A_355 : memref<!tpu.dma_semaphore, #tpu.memory_space<semaphore_mem>>) {add = true}
        %dma_wait3A_366 = arith.constant 0 : i32
        %dma_wait3A_367 = arith.constant 0 : i32
        %dma_wait3A_368 = tpu.memref_slice %arg8[%run_scoped3A_322, %dma_wait3A_366, %dma_wait3A_367] : memref<2x128x128xf32, #tpu.memory_space<vmem>> -> memref<1x128x128xf32, #tpu.memory_space<vmem>>
        %dma_wait3A_369 = tpu.memref_squeeze %dma_wait3A_368 : memref<1x128x128xf32, #tpu.memory_space<vmem>> -> memref<128x128xf32, #tpu.memory_space<vmem>>
        %dma_wait3A_370 = arith.constant 0 : i32
        %dma_wait3A_371 = tpu.memref_slice %arg10[%add3A_306, %dma_wait3A_370] : memref<40x128xi32, #tpu.memory_space<vmem>> -> memref<1x128xi32, #tpu.memory_space<vmem>>
        %dma_wait3A_372 = tpu.memref_squeeze %dma_wait3A_371 : memref<1x128xi32, #tpu.memory_space<vmem>> -> memref<128xi32, #tpu.memory_space<vmem>>
        %dma_wait3A_373 = arith.constant 0 : i32
        %dma_wait3A_374 = arith.constant 0 : i32
        %dma_wait3A_375 = tpu.memref_slice %arg6[%dma_wait3A_373, %dma_wait3A_374] : memref<10240x128xf32, #tpu.memory_space<vmem_shared>> -> memref<10240x128xf32, #tpu.memory_space<vmem_shared>>
        tpu.wait_indirect_dma semaphore(%run_scoped3A_355 : memref<!tpu.dma_semaphore, #tpu.memory_space<semaphore_mem>>) src(%dma_wait3A_369 : memref<128x128xf32, #tpu.memory_space<vmem>>) dst(%dma_wait3A_375 : memref<10240x128xf32, #tpu.memory_space<vmem_shared>>)
        tpu.yield
      }) : () -> ()
      %add3A_323 = arith.constant 2 : i32
      %add3A_324 = arith.addi %add3A_306, %add3A_323 : i32
      %lt3A = arith.constant 40 : i32
      %lt3A_325 = arith.cmpi slt, %add3A_324, %lt3A : i32
      %convert_element_type3A = arith.extui %lt3A_325 : i1 to i32
      %cond3A = arith.constant 0 : i32
      %cond3A_326 = arith.cmpi ne, %convert_element_type3A, %cond3A : i32
      scf.if %cond3A_326 {
        %add3A_355 = arith.constant 2 : i32
        %add3A_356 = arith.addi %add3A_306, %add3A_355 : i32
        %dma_start3A_357 = arith.constant 0 : i32
        %dma_start3A_358 = arith.constant 0 : i32
        %dma_start3A_359 = arith.constant 0 : i32
        %dma_start3A_360 = arith.constant 0 : i32
        %dma_start3A_361 = tpu.memref_slice %arg8[%dma_start3A_358, %dma_start3A_359, %dma_start3A_360] : memref<2x128x128xf32, #tpu.memory_space<vmem>> -> memref<1x128x128xf32, #tpu.memory_space<vmem>>
        %dma_start3A_362 = tpu.memref_squeeze %dma_start3A_361 : memref<1x128x128xf32, #tpu.memory_space<vmem>> -> memref<128x128xf32, #tpu.memory_space<vmem>>
        %dma_start3A_363 = arith.constant 0 : i32
        %dma_start3A_364 = tpu.memref_slice %arg9[%add3A_356, %dma_start3A_363] : memref<40x128xi32, #tpu.memory_space<vmem>> -> memref<1x128xi32, #tpu.memory_space<vmem>>
        %dma_start3A_365 = tpu.memref_squeeze %dma_start3A_364 : memref<1x128xi32, #tpu.memory_space<vmem>> -> memref<128xi32, #tpu.memory_space<vmem>>
        %dma_start3A_366 = arith.constant 0 : i32
        %dma_start3A_367 = arith.constant 0 : i32
        %dma_start3A_368 = tpu.memref_slice %arg4[%dma_start3A_357, %dma_start3A_366, %dma_start3A_367] : memref<3x10240x128xf32, #tpu.memory_space<hbm>> -> memref<1x10240x128xf32, #tpu.memory_space<hbm>>
        %dma_start3A_369 = tpu.memref_squeeze %dma_start3A_368 : memref<1x10240x128xf32, #tpu.memory_space<hbm>> -> memref<10240x128xf32, #tpu.memory_space<hbm>>
        %dma_start3A_370 = arith.constant 0 : i32
        %dma_start3A_371 = arith.constant 0 : i32
        %dma_start3A_372 = tpu.memref_slice %dma_start3A_369[%dma_start3A_370, %dma_start3A_371] : memref<10240x128xf32, #tpu.memory_space<hbm>> -> memref<10240x128xf32, #tpu.memory_space<hbm>>
        tpu.enqueue_indirect_dma source(%dma_start3A_372 : memref<10240x128xf32, #tpu.memory_space<hbm>>) target(%dma_start3A_362 : memref<128x128xf32, #tpu.memory_space<vmem>>) offsets(%dma_start3A_365 : memref<128xi32, #tpu.memory_space<vmem>>) semaphore(%arg11 : memref<!tpu.dma_semaphore, #tpu.memory_space<semaphore_mem>>)
      } else {
      }
      %mul3A_327 = arith.constant 2 : i32
      %mul3A_328 = arith.muli %scan3A_302, %mul3A_327 : i32
      %add3A_329 = arith.constant 1 : i32
      %add3A_330 = arith.addi %mul3A_328, %add3A_329 : i32
      %dma_wait3A_331 = arith.constant 0 : i32
      %dma_wait3A_332 = arith.constant 1 : i32
      %dma_wait3A_333 = arith.constant 0 : i32
      %dma_wait3A_334 = arith.constant 0 : i32
      %dma_wait3A_335 = tpu.memref_slice %arg8[%dma_wait3A_332, %dma_wait3A_333, %dma_wait3A_334] : memref<2x128x128xf32, #tpu.memory_space<vmem>> -> memref<1x128x128xf32, #tpu.memory_space<vmem>>
      %dma_wait3A_336 = tpu.memref_squeeze %dma_wait3A_335 : memref<1x128x128xf32, #tpu.memory_space<vmem>> -> memref<128x128xf32, #tpu.memory_space<vmem>>
      %dma_wait3A_337 = arith.constant 0 : i32
      %dma_wait3A_338 = tpu.memref_slice %arg9[%add3A_330, %dma_wait3A_337] : memref<40x128xi32, #tpu.memory_space<vmem>> -> memref<1x128xi32, #tpu.memory_space<vmem>>
      %dma_wait3A_339 = tpu.memref_squeeze %dma_wait3A_338 : memref<1x128xi32, #tpu.memory_space<vmem>> -> memref<128xi32, #tpu.memory_space<vmem>>
      %dma_wait3A_340 = arith.constant 0 : i32
      %dma_wait3A_341 = arith.constant 0 : i32
      %dma_wait3A_342 = tpu.memref_slice %arg4[%dma_wait3A_331, %dma_wait3A_340, %dma_wait3A_341] : memref<3x10240x128xf32, #tpu.memory_space<hbm>> -> memref<1x10240x128xf32, #tpu.memory_space<hbm>>
      %dma_wait3A_343 = tpu.memref_squeeze %dma_wait3A_342 : memref<1x10240x128xf32, #tpu.memory_space<hbm>> -> memref<10240x128xf32, #tpu.memory_space<hbm>>
      %dma_wait3A_344 = arith.constant 0 : i32
      %dma_wait3A_345 = arith.constant 0 : i32
      %dma_wait3A_346 = tpu.memref_slice %dma_wait3A_343[%dma_wait3A_344, %dma_wait3A_345] : memref<10240x128xf32, #tpu.memory_space<hbm>> -> memref<10240x128xf32, #tpu.memory_space<hbm>>
      tpu.wait_indirect_dma semaphore(%arg12 : memref<!tpu.dma_semaphore, #tpu.memory_space<semaphore_mem>>) src(%dma_wait3A_346 : memref<10240x128xf32, #tpu.memory_space<hbm>>) dst(%dma_wait3A_336 : memref<128x128xf32, #tpu.memory_space<vmem>>)
      %run_scoped3A_347 = arith.constant 1 : i32
      "tpu.region"() ({
        %run_scoped3A_355 = tpu.sem_alloc : memref<!tpu.dma_semaphore, #tpu.memory_space<semaphore_mem>>
        %dma_start3A_356 = arith.constant 0 : i32
        %dma_start3A_357 = arith.constant 0 : i32
        %dma_start3A_358 = tpu.memref_slice %arg8[%run_scoped3A_347, %dma_start3A_356, %dma_start3A_357] : memref<2x128x128xf32, #tpu.memory_space<vmem>> -> memref<1x128x128xf32, #tpu.memory_space<vmem>>
        %dma_start3A_359 = tpu.memref_squeeze %dma_start3A_358 : memref<1x128x128xf32, #tpu.memory_space<vmem>> -> memref<128x128xf32, #tpu.memory_space<vmem>>
        %dma_start3A_360 = arith.constant 0 : i32
        %dma_start3A_361 = tpu.memref_slice %arg10[%add3A_330, %dma_start3A_360] : memref<40x128xi32, #tpu.memory_space<vmem>> -> memref<1x128xi32, #tpu.memory_space<vmem>>
        %dma_start3A_362 = tpu.memref_squeeze %dma_start3A_361 : memref<1x128xi32, #tpu.memory_space<vmem>> -> memref<128xi32, #tpu.memory_space<vmem>>
        %dma_start3A_363 = arith.constant 0 : i32
        %dma_start3A_364 = arith.constant 0 : i32
        %dma_start3A_365 = tpu.memref_slice %arg6[%dma_start3A_363, %dma_start3A_364] : memref<10240x128xf32, #tpu.memory_space<vmem_shared>> -> memref<10240x128xf32, #tpu.memory_space<vmem_shared>>
        tpu.enqueue_indirect_dma source(%dma_start3A_359 : memref<128x128xf32, #tpu.memory_space<vmem>>) target(%dma_start3A_365 : memref<10240x128xf32, #tpu.memory_space<vmem_shared>>) offsets(%dma_start3A_362 : memref<128xi32, #tpu.memory_space<vmem>>) semaphore(%run_scoped3A_355 : memref<!tpu.dma_semaphore, #tpu.memory_space<semaphore_mem>>) {add = true}
        %dma_wait3A_366 = arith.constant 0 : i32
        %dma_wait3A_367 = arith.constant 0 : i32
        %dma_wait3A_368 = tpu.memref_slice %arg8[%run_scoped3A_347, %dma_wait3A_366, %dma_wait3A_367] : memref<2x128x128xf32, #tpu.memory_space<vmem>> -> memref<1x128x128xf32, #tpu.memory_space<vmem>>
        %dma_wait3A_369 = tpu.memref_squeeze %dma_wait3A_368 : memref<1x128x128xf32, #tpu.memory_space<vmem>> -> memref<128x128xf32, #tpu.memory_space<vmem>>
        %dma_wait3A_370 = arith.constant 0 : i32
        %dma_wait3A_371 = tpu.memref_slice %arg10[%add3A_330, %dma_wait3A_370] : memref<40x128xi32, #tpu.memory_space<vmem>> -> memref<1x128xi32, #tpu.memory_space<vmem>>
        %dma_wait3A_372 = tpu.memref_squeeze %dma_wait3A_371 : memref<1x128xi32, #tpu.memory_space<vmem>> -> memref<128xi32, #tpu.memory_space<vmem>>
        %dma_wait3A_373 = arith.constant 0 : i32
        %dma_wait3A_374 = arith.constant 0 : i32
        %dma_wait3A_375 = tpu.memref_slice %arg6[%dma_wait3A_373, %dma_wait3A_374] : memref<10240x128xf32, #tpu.memory_space<vmem_shared>> -> memref<10240x128xf32, #tpu.memory_space<vmem_shared>>
        tpu.wait_indirect_dma semaphore(%run_scoped3A_355 : memref<!tpu.dma_semaphore, #tpu.memory_space<semaphore_mem>>) src(%dma_wait3A_369 : memref<128x128xf32, #tpu.memory_space<vmem>>) dst(%dma_wait3A_375 : memref<10240x128xf32, #tpu.memory_space<vmem_shared>>)
        tpu.yield
      }) : () -> ()
      %add3A_348 = arith.constant 2 : i32
      %add3A_349 = arith.addi %add3A_330, %add3A_348 : i32
      %lt3A_350 = arith.constant 40 : i32
      %lt3A_351 = arith.cmpi slt, %add3A_349, %lt3A_350 : i32
      %convert_element_type3A_352 = arith.extui %lt3A_351 : i1 to i32
      %cond3A_353 = arith.constant 0 : i32
      %cond3A_354 = arith.cmpi ne, %convert_element_type3A_352, %cond3A_353 : i32
      scf.if %cond3A_354 {
        %add3A_355 = arith.constant 2 : i32
        %add3A_356 = arith.addi %add3A_330, %add3A_355 : i32
        %dma_start3A_357 = arith.constant 0 : i32
        %dma_start3A_358 = arith.constant 1 : i32
        %dma_start3A_359 = arith.constant 0 : i32
        %dma_start3A_360 = arith.constant 0 : i32
        %dma_start3A_361 = tpu.memref_slice %arg8[%dma_start3A_358, %dma_start3A_359, %dma_start3A_360] : memref<2x128x128xf32, #tpu.memory_space<vmem>> -> memref<1x128x128xf32, #tpu.memory_space<vmem>>
        %dma_start3A_362 = tpu.memref_squeeze %dma_start3A_361 : memref<1x128x128xf32, #tpu.memory_space<vmem>> -> memref<128x128xf32, #tpu.memory_space<vmem>>
        %dma_start3A_363 = arith.constant 0 : i32
        %dma_start3A_364 = tpu.memref_slice %arg9[%add3A_356, %dma_start3A_363] : memref<40x128xi32, #tpu.memory_space<vmem>> -> memref<1x128xi32, #tpu.memory_space<vmem>>
        %dma_start3A_365 = tpu.memref_squeeze %dma_start3A_364 : memref<1x128xi32, #tpu.memory_space<vmem>> -> memref<128xi32, #tpu.memory_space<vmem>>
        %dma_start3A_366 = arith.constant 0 : i32
        %dma_start3A_367 = arith.constant 0 : i32
        %dma_start3A_368 = tpu.memref_slice %arg4[%dma_start3A_357, %dma_start3A_366, %dma_start3A_367] : memref<3x10240x128xf32, #tpu.memory_space<hbm>> -> memref<1x10240x128xf32, #tpu.memory_space<hbm>>
        %dma_start3A_369 = tpu.memref_squeeze %dma_start3A_368 : memref<1x10240x128xf32, #tpu.memory_space<hbm>> -> memref<10240x128xf32, #tpu.memory_space<hbm>>
        %dma_start3A_370 = arith.constant 0 : i32
        %dma_start3A_371 = arith.constant 0 : i32
        %dma_start3A_372 = tpu.memref_slice %dma_start3A_369[%dma_start3A_370, %dma_start3A_371] : memref<10240x128xf32, #tpu.memory_space<hbm>> -> memref<10240x128xf32, #tpu.memory_space<hbm>>
        tpu.enqueue_indirect_dma source(%dma_start3A_372 : memref<10240x128xf32, #tpu.memory_space<hbm>>) target(%dma_start3A_362 : memref<128x128xf32, #tpu.memory_space<vmem>>) offsets(%dma_start3A_365 : memref<128xi32, #tpu.memory_space<vmem>>) semaphore(%arg12 : memref<!tpu.dma_semaphore, #tpu.memory_space<semaphore_mem>>)
      } else {
      }
    }
    %scan3A_97 = arith.constant 20 : i32
    %barrier3A_98 = arith.constant 0 : index
    tpu.barrier barrier_id(%barrier3A_98)
    %mul3A_99 = arith.constant 640 : i32
    %mul3A_100 = arith.muli %arg1, %mul3A_99 : i32
    %mul3A_101 = arith.constant 640 : i32
    %mul3A_102 = arith.muli %arg1, %mul3A_101 : i32
    %run_scoped3A = arith.constant 0 : i32
    "tpu.region"() ({
      %run_scoped3A_302 = tpu.sem_alloc : memref<!tpu.dma_semaphore, #tpu.memory_space<semaphore_mem>>
      %dma_start3A_303 = arith.constant 0 : i32
      %dma_start3A_304 = tpu.memref_slice %arg5[%run_scoped3A, %arg0, %mul3A_102, %dma_start3A_303] : memref<3x2x10240x128xf32, #tpu.memory_space<hbm>> -> memref<1x1x640x128xf32, #tpu.memory_space<hbm>>
      %dma_start3A_305 = tpu.memref_squeeze %dma_start3A_304 : memref<1x1x640x128xf32, #tpu.memory_space<hbm>> -> memref<640x128xf32, #tpu.memory_space<hbm>>
      %dma_start3A_306 = arith.constant 0 : i32
      %dma_start3A_307 = tpu.memref_slice %arg6[%mul3A_100, %dma_start3A_306] : memref<10240x128xf32, #tpu.memory_space<vmem_shared>> -> memref<640x128xf32, #tpu.memory_space<vmem_shared>>
      tpu.enqueue_dma source(%dma_start3A_307 : memref<640x128xf32, #tpu.memory_space<vmem_shared>>) target(%dma_start3A_305 : memref<640x128xf32, #tpu.memory_space<hbm>>) target_semaphore(%run_scoped3A_302 : memref<!tpu.dma_semaphore, #tpu.memory_space<semaphore_mem>>)
      %dma_wait3A = arith.constant 0 : i32
      %dma_wait3A_308 = tpu.memref_slice %arg5[%run_scoped3A, %arg0, %mul3A_102, %dma_wait3A] : memref<3x2x10240x128xf32, #tpu.memory_space<hbm>> -> memref<1x1x640x128xf32, #tpu.memory_space<hbm>>
      %dma_wait3A_309 = tpu.memref_squeeze %dma_wait3A_308 : memref<1x1x640x128xf32, #tpu.memory_space<hbm>> -> memref<640x128xf32, #tpu.memory_space<hbm>>
      %dma_wait3A_310 = arith.constant 0 : i32
      %dma_wait3A_311 = tpu.memref_slice %arg6[%mul3A_100, %dma_wait3A_310] : memref<10240x128xf32, #tpu.memory_space<vmem_shared>> -> memref<640x128xf32, #tpu.memory_space<vmem_shared>>
      tpu.wait_dma2 semaphore(%run_scoped3A_302 : memref<!tpu.dma_semaphore, #tpu.memory_space<semaphore_mem>>) src(%dma_wait3A_311 : memref<640x128xf32, #tpu.memory_space<vmem_shared>>) dst(%dma_wait3A_309 : memref<640x128xf32, #tpu.memory_space<hbm>>)
      tpu.yield
    }) : () -> ()
    %scan3A_103 = arith.constant 0 : i32
    %scan3A_104 = arith.constant 20 : i32
    %scan3A_105 = arith.addi %scan3A_103, %scan3A_104 : i32
    %scan3A_106 = arith.constant 1 : i32
    scf.for %scan3A_302 = %scan3A_103 to %scan3A_105 step %scan3A_106  : i32 {
      %mul3A_303 = arith.constant 640 : i32
      %mul3A_304 = arith.muli %arg1, %mul3A_303 : i32
      %mul3A_305 = arith.constant 32 : i32
      %mul3A_306 = arith.muli %scan3A_302, %mul3A_305 : i32
      %add3A_307 = arith.addi %mul3A_304, %mul3A_306 : i32
      %dma_start3A_308 = arith.constant 0 : i32
      %dma_start3A_309 = tpu.memref_slice %arg6[%add3A_307, %dma_start3A_308] : memref<10240x128xf32, #tpu.memory_space<vmem_shared>> -> memref<32x128xf32, #tpu.memory_space<vmem_shared>>
      %dma_start3A_310 = arith.constant 0 : i32
      %dma_start3A_311 = tpu.memref_slice %arg6[%add3A_307, %dma_start3A_310] : memref<10240x128xf32, #tpu.memory_space<vmem_shared>> -> memref<32x128xf32, #tpu.memory_space<vmem_shared>>
      tpu.enqueue_dma source(%arg7 : memref<32x128xf32, #tpu.memory_space<vmem>>) target(%dma_start3A_311 : memref<32x128xf32, #tpu.memory_space<vmem_shared>>) target_semaphore(%arg13 : memref<!tpu.dma_semaphore, #tpu.memory_space<semaphore_mem>>)
    }
    %scan3A_107 = arith.constant 20 : i32
    %scan3A_108 = arith.constant 0 : i32
    %scan3A_109 = arith.constant 20 : i32
    %scan3A_110 = arith.addi %scan3A_108, %scan3A_109 : i32
    %scan3A_111 = arith.constant 1 : i32
    scf.for %scan3A_302 = %scan3A_108 to %scan3A_110 step %scan3A_111  : i32 {
      %mul3A_303 = arith.constant 640 : i32
      %mul3A_304 = arith.muli %arg1, %mul3A_303 : i32
      %mul3A_305 = arith.constant 32 : i32
      %mul3A_306 = arith.muli %scan3A_302, %mul3A_305 : i32
      %add3A_307 = arith.addi %mul3A_304, %mul3A_306 : i32
      %dma_wait3A = arith.constant 0 : i32
      %dma_wait3A_308 = tpu.memref_slice %arg6[%add3A_307, %dma_wait3A] : memref<10240x128xf32, #tpu.memory_space<vmem_shared>> -> memref<32x128xf32, #tpu.memory_space<vmem_shared>>
      %dma_wait3A_309 = arith.constant 0 : i32
      %dma_wait3A_310 = tpu.memref_slice %arg6[%add3A_307, %dma_wait3A_309] : memref<10240x128xf32, #tpu.memory_space<vmem_shared>> -> memref<32x128xf32, #tpu.memory_space<vmem_shared>>
      tpu.wait_dma2 semaphore(%arg13 : memref<!tpu.dma_semaphore, #tpu.memory_space<semaphore_mem>>) src(%arg7 : memref<32x128xf32, #tpu.memory_space<vmem>>) dst(%dma_wait3A_310 : memref<32x128xf32, #tpu.memory_space<vmem_shared>>)
    }
    %scan3A_112 = arith.constant 20 : i32
    %barrier3A_113 = arith.constant 0 : index
    tpu.barrier barrier_id(%barrier3A_113)
    %add3A_114 = arith.constant 0 : i32
    %add3A_115 = arith.addi %mul3A_2, %add3A_114 : i32
    "tpu.region"() ({
      %run_scoped3A_302 = tpu.sem_alloc : memref<!tpu.dma_semaphore, #tpu.memory_space<semaphore_mem>>
      %dma_start3A_303 = arith.constant 0 : i32
      %dma_start3A_304 = tpu.memref_slice %arg2[%add3A_115, %dma_start3A_303] : memref<2560x128xi32, #tpu.memory_space<hbm>> -> memref<40x128xi32, #tpu.memory_space<hbm>>
      %dma_start3A_305 = arith.constant 0 : i32
      %dma_start3A_306 = tpu.memref_slice %arg2[%add3A_115, %dma_start3A_305] : memref<2560x128xi32, #tpu.memory_space<hbm>> -> memref<40x128xi32, #tpu.memory_space<hbm>>
      tpu.enqueue_dma source(%dma_start3A_306 : memref<40x128xi32, #tpu.memory_space<hbm>>) target(%arg9 : memref<40x128xi32, #tpu.memory_space<vmem>>) target_semaphore(%run_scoped3A_302 : memref<!tpu.dma_semaphore, #tpu.memory_space<semaphore_mem>>)
      %dma_wait3A = arith.constant 0 : i32
      %dma_wait3A_307 = tpu.memref_slice %arg2[%add3A_115, %dma_wait3A] : memref<2560x128xi32, #tpu.memory_space<hbm>> -> memref<40x128xi32, #tpu.memory_space<hbm>>
      %dma_wait3A_308 = arith.constant 0 : i32
      %dma_wait3A_309 = tpu.memref_slice %arg2[%add3A_115, %dma_wait3A_308] : memref<2560x128xi32, #tpu.memory_space<hbm>> -> memref<40x128xi32, #tpu.memory_space<hbm>>
      tpu.wait_dma2 semaphore(%run_scoped3A_302 : memref<!tpu.dma_semaphore, #tpu.memory_space<semaphore_mem>>) src(%dma_wait3A_309 : memref<40x128xi32, #tpu.memory_space<hbm>>) dst(%arg9 : memref<40x128xi32, #tpu.memory_space<vmem>>)
      tpu.yield
    }) : () -> ()
    "tpu.region"() ({
      %run_scoped3A_302 = tpu.sem_alloc : memref<!tpu.dma_semaphore, #tpu.memory_space<semaphore_mem>>
      %dma_start3A_303 = arith.constant 0 : i32
      %dma_start3A_304 = tpu.memref_slice %arg3[%add3A_115, %dma_start3A_303] : memref<2560x128xi32, #tpu.memory_space<hbm>> -> memref<40x128xi32, #tpu.memory_space<hbm>>
      %dma_start3A_305 = arith.constant 0 : i32
      %dma_start3A_306 = tpu.memref_slice %arg3[%add3A_115, %dma_start3A_305] : memref<2560x128xi32, #tpu.memory_space<hbm>> -> memref<40x128xi32, #tpu.memory_space<hbm>>
      tpu.enqueue_dma source(%dma_start3A_306 : memref<40x128xi32, #tpu.memory_space<hbm>>) target(%arg10 : memref<40x128xi32, #tpu.memory_space<vmem>>) target_semaphore(%run_scoped3A_302 : memref<!tpu.dma_semaphore, #tpu.memory_space<semaphore_mem>>)
      %dma_wait3A = arith.constant 0 : i32
      %dma_wait3A_307 = tpu.memref_slice %arg3[%add3A_115, %dma_wait3A] : memref<2560x128xi32, #tpu.memory_space<hbm>> -> memref<40x128xi32, #tpu.memory_space<hbm>>
      %dma_wait3A_308 = arith.constant 0 : i32
      %dma_wait3A_309 = tpu.memref_slice %arg3[%add3A_115, %dma_wait3A_308] : memref<2560x128xi32, #tpu.memory_space<hbm>> -> memref<40x128xi32, #tpu.memory_space<hbm>>
      tpu.wait_dma2 semaphore(%run_scoped3A_302 : memref<!tpu.dma_semaphore, #tpu.memory_space<semaphore_mem>>) src(%dma_wait3A_309 : memref<40x128xi32, #tpu.memory_space<hbm>>) dst(%arg10 : memref<40x128xi32, #tpu.memory_space<vmem>>)
      tpu.yield
    }) : () -> ()
    %dma_start3A_116 = arith.constant 1 : i32
    %dma_start3A_117 = arith.constant 0 : i32
    %dma_start3A_118 = arith.constant 0 : i32
    %dma_start3A_119 = arith.constant 0 : i32
    %dma_start3A_120 = arith.constant 0 : i32
    %dma_start3A_121 = tpu.memref_slice %arg8[%dma_start3A_118, %dma_start3A_119, %dma_start3A_120] : memref<2x128x128xf32, #tpu.memory_space<vmem>> -> memref<1x128x128xf32, #tpu.memory_space<vmem>>
    %dma_start3A_122 = tpu.memref_squeeze %dma_start3A_121 : memref<1x128x128xf32, #tpu.memory_space<vmem>> -> memref<128x128xf32, #tpu.memory_space<vmem>>
    %dma_start3A_123 = arith.constant 0 : i32
    %dma_start3A_124 = tpu.memref_slice %arg9[%dma_start3A_117, %dma_start3A_123] : memref<40x128xi32, #tpu.memory_space<vmem>> -> memref<1x128xi32, #tpu.memory_space<vmem>>
    %dma_start3A_125 = tpu.memref_squeeze %dma_start3A_124 : memref<1x128xi32, #tpu.memory_space<vmem>> -> memref<128xi32, #tpu.memory_space<vmem>>
    %dma_start3A_126 = arith.constant 0 : i32
    %dma_start3A_127 = arith.constant 0 : i32
    %dma_start3A_128 = tpu.memref_slice %arg4[%dma_start3A_116, %dma_start3A_126, %dma_start3A_127] : memref<3x10240x128xf32, #tpu.memory_space<hbm>> -> memref<1x10240x128xf32, #tpu.memory_space<hbm>>
    %dma_start3A_129 = tpu.memref_squeeze %dma_start3A_128 : memref<1x10240x128xf32, #tpu.memory_space<hbm>> -> memref<10240x128xf32, #tpu.memory_space<hbm>>
    %dma_start3A_130 = arith.constant 0 : i32
    %dma_start3A_131 = arith.constant 0 : i32
    %dma_start3A_132 = tpu.memref_slice %dma_start3A_129[%dma_start3A_130, %dma_start3A_131] : memref<10240x128xf32, #tpu.memory_space<hbm>> -> memref<10240x128xf32, #tpu.memory_space<hbm>>
    tpu.enqueue_indirect_dma source(%dma_start3A_132 : memref<10240x128xf32, #tpu.memory_space<hbm>>) target(%dma_start3A_122 : memref<128x128xf32, #tpu.memory_space<vmem>>) offsets(%dma_start3A_125 : memref<128xi32, #tpu.memory_space<vmem>>) semaphore(%arg11 : memref<!tpu.dma_semaphore, #tpu.memory_space<semaphore_mem>>)
    %dma_start3A_133 = arith.constant 1 : i32
    %dma_start3A_134 = arith.constant 1 : i32
    %dma_start3A_135 = arith.constant 1 : i32
    %dma_start3A_136 = arith.constant 0 : i32
    %dma_start3A_137 = arith.constant 0 : i32
    %dma_start3A_138 = tpu.memref_slice %arg8[%dma_start3A_135, %dma_start3A_136, %dma_start3A_137] : memref<2x128x128xf32, #tpu.memory_space<vmem>> -> memref<1x128x128xf32, #tpu.memory_space<vmem>>
    %dma_start3A_139 = tpu.memref_squeeze %dma_start3A_138 : memref<1x128x128xf32, #tpu.memory_space<vmem>> -> memref<128x128xf32, #tpu.memory_space<vmem>>
    %dma_start3A_140 = arith.constant 0 : i32
    %dma_start3A_141 = tpu.memref_slice %arg9[%dma_start3A_134, %dma_start3A_140] : memref<40x128xi32, #tpu.memory_space<vmem>> -> memref<1x128xi32, #tpu.memory_space<vmem>>
    %dma_start3A_142 = tpu.memref_squeeze %dma_start3A_141 : memref<1x128xi32, #tpu.memory_space<vmem>> -> memref<128xi32, #tpu.memory_space<vmem>>
    %dma_start3A_143 = arith.constant 0 : i32
    %dma_start3A_144 = arith.constant 0 : i32
    %dma_start3A_145 = tpu.memref_slice %arg4[%dma_start3A_133, %dma_start3A_143, %dma_start3A_144] : memref<3x10240x128xf32, #tpu.memory_space<hbm>> -> memref<1x10240x128xf32, #tpu.memory_space<hbm>>
    %dma_start3A_146 = tpu.memref_squeeze %dma_start3A_145 : memref<1x10240x128xf32, #tpu.memory_space<hbm>> -> memref<10240x128xf32, #tpu.memory_space<hbm>>
    %dma_start3A_147 = arith.constant 0 : i32
    %dma_start3A_148 = arith.constant 0 : i32
    %dma_start3A_149 = tpu.memref_slice %dma_start3A_146[%dma_start3A_147, %dma_start3A_148] : memref<10240x128xf32, #tpu.memory_space<hbm>> -> memref<10240x128xf32, #tpu.memory_space<hbm>>
    tpu.enqueue_indirect_dma source(%dma_start3A_149 : memref<10240x128xf32, #tpu.memory_space<hbm>>) target(%dma_start3A_139 : memref<128x128xf32, #tpu.memory_space<vmem>>) offsets(%dma_start3A_142 : memref<128xi32, #tpu.memory_space<vmem>>) semaphore(%arg12 : memref<!tpu.dma_semaphore, #tpu.memory_space<semaphore_mem>>)
    %scan3A_150 = arith.constant 0 : i32
    %scan3A_151 = arith.constant 20 : i32
    %scan3A_152 = arith.addi %scan3A_150, %scan3A_151 : i32
    %scan3A_153 = arith.constant 1 : i32
    scf.for %scan3A_302 = %scan3A_150 to %scan3A_152 step %scan3A_153  : i32 {
      %mul3A_303 = arith.constant 2 : i32
      %mul3A_304 = arith.muli %scan3A_302, %mul3A_303 : i32
      %add3A_305 = arith.constant 0 : i32
      %add3A_306 = arith.addi %mul3A_304, %add3A_305 : i32
      %dma_wait3A = arith.constant 1 : i32
      %dma_wait3A_307 = arith.constant 0 : i32
      %dma_wait3A_308 = arith.constant 0 : i32
      %dma_wait3A_309 = arith.constant 0 : i32
      %dma_wait3A_310 = tpu.memref_slice %arg8[%dma_wait3A_307, %dma_wait3A_308, %dma_wait3A_309] : memref<2x128x128xf32, #tpu.memory_space<vmem>> -> memref<1x128x128xf32, #tpu.memory_space<vmem>>
      %dma_wait3A_311 = tpu.memref_squeeze %dma_wait3A_310 : memref<1x128x128xf32, #tpu.memory_space<vmem>> -> memref<128x128xf32, #tpu.memory_space<vmem>>
      %dma_wait3A_312 = arith.constant 0 : i32
      %dma_wait3A_313 = tpu.memref_slice %arg9[%add3A_306, %dma_wait3A_312] : memref<40x128xi32, #tpu.memory_space<vmem>> -> memref<1x128xi32, #tpu.memory_space<vmem>>
      %dma_wait3A_314 = tpu.memref_squeeze %dma_wait3A_313 : memref<1x128xi32, #tpu.memory_space<vmem>> -> memref<128xi32, #tpu.memory_space<vmem>>
      %dma_wait3A_315 = arith.constant 0 : i32
      %dma_wait3A_316 = arith.constant 0 : i32
      %dma_wait3A_317 = tpu.memref_slice %arg4[%dma_wait3A, %dma_wait3A_315, %dma_wait3A_316] : memref<3x10240x128xf32, #tpu.memory_space<hbm>> -> memref<1x10240x128xf32, #tpu.memory_space<hbm>>
      %dma_wait3A_318 = tpu.memref_squeeze %dma_wait3A_317 : memref<1x10240x128xf32, #tpu.memory_space<hbm>> -> memref<10240x128xf32, #tpu.memory_space<hbm>>
      %dma_wait3A_319 = arith.constant 0 : i32
      %dma_wait3A_320 = arith.constant 0 : i32
      %dma_wait3A_321 = tpu.memref_slice %dma_wait3A_318[%dma_wait3A_319, %dma_wait3A_320] : memref<10240x128xf32, #tpu.memory_space<hbm>> -> memref<10240x128xf32, #tpu.memory_space<hbm>>
      tpu.wait_indirect_dma semaphore(%arg11 : memref<!tpu.dma_semaphore, #tpu.memory_space<semaphore_mem>>) src(%dma_wait3A_321 : memref<10240x128xf32, #tpu.memory_space<hbm>>) dst(%dma_wait3A_311 : memref<128x128xf32, #tpu.memory_space<vmem>>)
      %run_scoped3A_322 = arith.constant 0 : i32
      "tpu.region"() ({
        %run_scoped3A_355 = tpu.sem_alloc : memref<!tpu.dma_semaphore, #tpu.memory_space<semaphore_mem>>
        %dma_start3A_356 = arith.constant 0 : i32
        %dma_start3A_357 = arith.constant 0 : i32
        %dma_start3A_358 = tpu.memref_slice %arg8[%run_scoped3A_322, %dma_start3A_356, %dma_start3A_357] : memref<2x128x128xf32, #tpu.memory_space<vmem>> -> memref<1x128x128xf32, #tpu.memory_space<vmem>>
        %dma_start3A_359 = tpu.memref_squeeze %dma_start3A_358 : memref<1x128x128xf32, #tpu.memory_space<vmem>> -> memref<128x128xf32, #tpu.memory_space<vmem>>
        %dma_start3A_360 = arith.constant 0 : i32
        %dma_start3A_361 = tpu.memref_slice %arg10[%add3A_306, %dma_start3A_360] : memref<40x128xi32, #tpu.memory_space<vmem>> -> memref<1x128xi32, #tpu.memory_space<vmem>>
        %dma_start3A_362 = tpu.memref_squeeze %dma_start3A_361 : memref<1x128xi32, #tpu.memory_space<vmem>> -> memref<128xi32, #tpu.memory_space<vmem>>
        %dma_start3A_363 = arith.constant 0 : i32
        %dma_start3A_364 = arith.constant 0 : i32
        %dma_start3A_365 = tpu.memref_slice %arg6[%dma_start3A_363, %dma_start3A_364] : memref<10240x128xf32, #tpu.memory_space<vmem_shared>> -> memref<10240x128xf32, #tpu.memory_space<vmem_shared>>
        tpu.enqueue_indirect_dma source(%dma_start3A_359 : memref<128x128xf32, #tpu.memory_space<vmem>>) target(%dma_start3A_365 : memref<10240x128xf32, #tpu.memory_space<vmem_shared>>) offsets(%dma_start3A_362 : memref<128xi32, #tpu.memory_space<vmem>>) semaphore(%run_scoped3A_355 : memref<!tpu.dma_semaphore, #tpu.memory_space<semaphore_mem>>) {add = true}
        %dma_wait3A_366 = arith.constant 0 : i32
        %dma_wait3A_367 = arith.constant 0 : i32
        %dma_wait3A_368 = tpu.memref_slice %arg8[%run_scoped3A_322, %dma_wait3A_366, %dma_wait3A_367] : memref<2x128x128xf32, #tpu.memory_space<vmem>> -> memref<1x128x128xf32, #tpu.memory_space<vmem>>
        %dma_wait3A_369 = tpu.memref_squeeze %dma_wait3A_368 : memref<1x128x128xf32, #tpu.memory_space<vmem>> -> memref<128x128xf32, #tpu.memory_space<vmem>>
        %dma_wait3A_370 = arith.constant 0 : i32
        %dma_wait3A_371 = tpu.memref_slice %arg10[%add3A_306, %dma_wait3A_370] : memref<40x128xi32, #tpu.memory_space<vmem>> -> memref<1x128xi32, #tpu.memory_space<vmem>>
        %dma_wait3A_372 = tpu.memref_squeeze %dma_wait3A_371 : memref<1x128xi32, #tpu.memory_space<vmem>> -> memref<128xi32, #tpu.memory_space<vmem>>
        %dma_wait3A_373 = arith.constant 0 : i32
        %dma_wait3A_374 = arith.constant 0 : i32
        %dma_wait3A_375 = tpu.memref_slice %arg6[%dma_wait3A_373, %dma_wait3A_374] : memref<10240x128xf32, #tpu.memory_space<vmem_shared>> -> memref<10240x128xf32, #tpu.memory_space<vmem_shared>>
        tpu.wait_indirect_dma semaphore(%run_scoped3A_355 : memref<!tpu.dma_semaphore, #tpu.memory_space<semaphore_mem>>) src(%dma_wait3A_369 : memref<128x128xf32, #tpu.memory_space<vmem>>) dst(%dma_wait3A_375 : memref<10240x128xf32, #tpu.memory_space<vmem_shared>>)
        tpu.yield
      }) : () -> ()
      %add3A_323 = arith.constant 2 : i32
      %add3A_324 = arith.addi %add3A_306, %add3A_323 : i32
      %lt3A = arith.constant 40 : i32
      %lt3A_325 = arith.cmpi slt, %add3A_324, %lt3A : i32
      %convert_element_type3A = arith.extui %lt3A_325 : i1 to i32
      %cond3A = arith.constant 0 : i32
      %cond3A_326 = arith.cmpi ne, %convert_element_type3A, %cond3A : i32
      scf.if %cond3A_326 {
        %add3A_355 = arith.constant 2 : i32
        %add3A_356 = arith.addi %add3A_306, %add3A_355 : i32
        %dma_start3A_357 = arith.constant 1 : i32
        %dma_start3A_358 = arith.constant 0 : i32
        %dma_start3A_359 = arith.constant 0 : i32
        %dma_start3A_360 = arith.constant 0 : i32
        %dma_start3A_361 = tpu.memref_slice %arg8[%dma_start3A_358, %dma_start3A_359, %dma_start3A_360] : memref<2x128x128xf32, #tpu.memory_space<vmem>> -> memref<1x128x128xf32, #tpu.memory_space<vmem>>
        %dma_start3A_362 = tpu.memref_squeeze %dma_start3A_361 : memref<1x128x128xf32, #tpu.memory_space<vmem>> -> memref<128x128xf32, #tpu.memory_space<vmem>>
        %dma_start3A_363 = arith.constant 0 : i32
        %dma_start3A_364 = tpu.memref_slice %arg9[%add3A_356, %dma_start3A_363] : memref<40x128xi32, #tpu.memory_space<vmem>> -> memref<1x128xi32, #tpu.memory_space<vmem>>
        %dma_start3A_365 = tpu.memref_squeeze %dma_start3A_364 : memref<1x128xi32, #tpu.memory_space<vmem>> -> memref<128xi32, #tpu.memory_space<vmem>>
        %dma_start3A_366 = arith.constant 0 : i32
        %dma_start3A_367 = arith.constant 0 : i32
        %dma_start3A_368 = tpu.memref_slice %arg4[%dma_start3A_357, %dma_start3A_366, %dma_start3A_367] : memref<3x10240x128xf32, #tpu.memory_space<hbm>> -> memref<1x10240x128xf32, #tpu.memory_space<hbm>>
        %dma_start3A_369 = tpu.memref_squeeze %dma_start3A_368 : memref<1x10240x128xf32, #tpu.memory_space<hbm>> -> memref<10240x128xf32, #tpu.memory_space<hbm>>
        %dma_start3A_370 = arith.constant 0 : i32
        %dma_start3A_371 = arith.constant 0 : i32
        %dma_start3A_372 = tpu.memref_slice %dma_start3A_369[%dma_start3A_370, %dma_start3A_371] : memref<10240x128xf32, #tpu.memory_space<hbm>> -> memref<10240x128xf32, #tpu.memory_space<hbm>>
        tpu.enqueue_indirect_dma source(%dma_start3A_372 : memref<10240x128xf32, #tpu.memory_space<hbm>>) target(%dma_start3A_362 : memref<128x128xf32, #tpu.memory_space<vmem>>) offsets(%dma_start3A_365 : memref<128xi32, #tpu.memory_space<vmem>>) semaphore(%arg11 : memref<!tpu.dma_semaphore, #tpu.memory_space<semaphore_mem>>)
      } else {
      }
      %mul3A_327 = arith.constant 2 : i32
      %mul3A_328 = arith.muli %scan3A_302, %mul3A_327 : i32
      %add3A_329 = arith.constant 1 : i32
      %add3A_330 = arith.addi %mul3A_328, %add3A_329 : i32
      %dma_wait3A_331 = arith.constant 1 : i32
      %dma_wait3A_332 = arith.constant 1 : i32
      %dma_wait3A_333 = arith.constant 0 : i32
      %dma_wait3A_334 = arith.constant 0 : i32
      %dma_wait3A_335 = tpu.memref_slice %arg8[%dma_wait3A_332, %dma_wait3A_333, %dma_wait3A_334] : memref<2x128x128xf32, #tpu.memory_space<vmem>> -> memref<1x128x128xf32, #tpu.memory_space<vmem>>
      %dma_wait3A_336 = tpu.memref_squeeze %dma_wait3A_335 : memref<1x128x128xf32, #tpu.memory_space<vmem>> -> memref<128x128xf32, #tpu.memory_space<vmem>>
      %dma_wait3A_337 = arith.constant 0 : i32
      %dma_wait3A_338 = tpu.memref_slice %arg9[%add3A_330, %dma_wait3A_337] : memref<40x128xi32, #tpu.memory_space<vmem>> -> memref<1x128xi32, #tpu.memory_space<vmem>>
      %dma_wait3A_339 = tpu.memref_squeeze %dma_wait3A_338 : memref<1x128xi32, #tpu.memory_space<vmem>> -> memref<128xi32, #tpu.memory_space<vmem>>
      %dma_wait3A_340 = arith.constant 0 : i32
      %dma_wait3A_341 = arith.constant 0 : i32
      %dma_wait3A_342 = tpu.memref_slice %arg4[%dma_wait3A_331, %dma_wait3A_340, %dma_wait3A_341] : memref<3x10240x128xf32, #tpu.memory_space<hbm>> -> memref<1x10240x128xf32, #tpu.memory_space<hbm>>
      %dma_wait3A_343 = tpu.memref_squeeze %dma_wait3A_342 : memref<1x10240x128xf32, #tpu.memory_space<hbm>> -> memref<10240x128xf32, #tpu.memory_space<hbm>>
      %dma_wait3A_344 = arith.constant 0 : i32
      %dma_wait3A_345 = arith.constant 0 : i32
      %dma_wait3A_346 = tpu.memref_slice %dma_wait3A_343[%dma_wait3A_344, %dma_wait3A_345] : memref<10240x128xf32, #tpu.memory_space<hbm>> -> memref<10240x128xf32, #tpu.memory_space<hbm>>
      tpu.wait_indirect_dma semaphore(%arg12 : memref<!tpu.dma_semaphore, #tpu.memory_space<semaphore_mem>>) src(%dma_wait3A_346 : memref<10240x128xf32, #tpu.memory_space<hbm>>) dst(%dma_wait3A_336 : memref<128x128xf32, #tpu.memory_space<vmem>>)
      %run_scoped3A_347 = arith.constant 1 : i32
      "tpu.region"() ({
        %run_scoped3A_355 = tpu.sem_alloc : memref<!tpu.dma_semaphore, #tpu.memory_space<semaphore_mem>>
        %dma_start3A_356 = arith.constant 0 : i32
        %dma_start3A_357 = arith.constant 0 : i32
        %dma_start3A_358 = tpu.memref_slice %arg8[%run_scoped3A_347, %dma_start3A_356, %dma_start3A_357] : memref<2x128x128xf32, #tpu.memory_space<vmem>> -> memref<1x128x128xf32, #tpu.memory_space<vmem>>
        %dma_start3A_359 = tpu.memref_squeeze %dma_start3A_358 : memref<1x128x128xf32, #tpu.memory_space<vmem>> -> memref<128x128xf32, #tpu.memory_space<vmem>>
        %dma_start3A_360 = arith.constant 0 : i32
        %dma_start3A_361 = tpu.memref_slice %arg10[%add3A_330, %dma_start3A_360] : memref<40x128xi32, #tpu.memory_space<vmem>> -> memref<1x128xi32, #tpu.memory_space<vmem>>
        %dma_start3A_362 = tpu.memref_squeeze %dma_start3A_361 : memref<1x128xi32, #tpu.memory_space<vmem>> -> memref<128xi32, #tpu.memory_space<vmem>>
        %dma_start3A_363 = arith.constant 0 : i32
        %dma_start3A_364 = arith.constant 0 : i32
        %dma_start3A_365 = tpu.memref_slice %arg6[%dma_start3A_363, %dma_start3A_364] : memref<10240x128xf32, #tpu.memory_space<vmem_shared>> -> memref<10240x128xf32, #tpu.memory_space<vmem_shared>>
        tpu.enqueue_indirect_dma source(%dma_start3A_359 : memref<128x128xf32, #tpu.memory_space<vmem>>) target(%dma_start3A_365 : memref<10240x128xf32, #tpu.memory_space<vmem_shared>>) offsets(%dma_start3A_362 : memref<128xi32, #tpu.memory_space<vmem>>) semaphore(%run_scoped3A_355 : memref<!tpu.dma_semaphore, #tpu.memory_space<semaphore_mem>>) {add = true}
        %dma_wait3A_366 = arith.constant 0 : i32
        %dma_wait3A_367 = arith.constant 0 : i32
        %dma_wait3A_368 = tpu.memref_slice %arg8[%run_scoped3A_347, %dma_wait3A_366, %dma_wait3A_367] : memref<2x128x128xf32, #tpu.memory_space<vmem>> -> memref<1x128x128xf32, #tpu.memory_space<vmem>>
        %dma_wait3A_369 = tpu.memref_squeeze %dma_wait3A_368 : memref<1x128x128xf32, #tpu.memory_space<vmem>> -> memref<128x128xf32, #tpu.memory_space<vmem>>
        %dma_wait3A_370 = arith.constant 0 : i32
        %dma_wait3A_371 = tpu.memref_slice %arg10[%add3A_330, %dma_wait3A_370] : memref<40x128xi32, #tpu.memory_space<vmem>> -> memref<1x128xi32, #tpu.memory_space<vmem>>
        %dma_wait3A_372 = tpu.memref_squeeze %dma_wait3A_371 : memref<1x128xi32, #tpu.memory_space<vmem>> -> memref<128xi32, #tpu.memory_space<vmem>>
        %dma_wait3A_373 = arith.constant 0 : i32
        %dma_wait3A_374 = arith.constant 0 : i32
        %dma_wait3A_375 = tpu.memref_slice %arg6[%dma_wait3A_373, %dma_wait3A_374] : memref<10240x128xf32, #tpu.memory_space<vmem_shared>> -> memref<10240x128xf32, #tpu.memory_space<vmem_shared>>
        tpu.wait_indirect_dma semaphore(%run_scoped3A_355 : memref<!tpu.dma_semaphore, #tpu.memory_space<semaphore_mem>>) src(%dma_wait3A_369 : memref<128x128xf32, #tpu.memory_space<vmem>>) dst(%dma_wait3A_375 : memref<10240x128xf32, #tpu.memory_space<vmem_shared>>)
        tpu.yield
      }) : () -> ()
      %add3A_348 = arith.constant 2 : i32
      %add3A_349 = arith.addi %add3A_330, %add3A_348 : i32
      %lt3A_350 = arith.constant 40 : i32
      %lt3A_351 = arith.cmpi slt, %add3A_349, %lt3A_350 : i32
      %convert_element_type3A_352 = arith.extui %lt3A_351 : i1 to i32
      %cond3A_353 = arith.constant 0 : i32
      %cond3A_354 = arith.cmpi ne, %convert_element_type3A_352, %cond3A_353 : i32
      scf.if %cond3A_354 {
        %add3A_355 = arith.constant 2 : i32
        %add3A_356 = arith.addi %add3A_330, %add3A_355 : i32
        %dma_start3A_357 = arith.constant 1 : i32
        %dma_start3A_358 = arith.constant 1 : i32
        %dma_start3A_359 = arith.constant 0 : i32
        %dma_start3A_360 = arith.constant 0 : i32
        %dma_start3A_361 = tpu.memref_slice %arg8[%dma_start3A_358, %dma_start3A_359, %dma_start3A_360] : memref<2x128x128xf32, #tpu.memory_space<vmem>> -> memref<1x128x128xf32, #tpu.memory_space<vmem>>
        %dma_start3A_362 = tpu.memref_squeeze %dma_start3A_361 : memref<1x128x128xf32, #tpu.memory_space<vmem>> -> memref<128x128xf32, #tpu.memory_space<vmem>>
        %dma_start3A_363 = arith.constant 0 : i32
        %dma_start3A_364 = tpu.memref_slice %arg9[%add3A_356, %dma_start3A_363] : memref<40x128xi32, #tpu.memory_space<vmem>> -> memref<1x128xi32, #tpu.memory_space<vmem>>
        %dma_start3A_365 = tpu.memref_squeeze %dma_start3A_364 : memref<1x128xi32, #tpu.memory_space<vmem>> -> memref<128xi32, #tpu.memory_space<vmem>>
        %dma_start3A_366 = arith.constant 0 : i32
        %dma_start3A_367 = arith.constant 0 : i32
        %dma_start3A_368 = tpu.memref_slice %arg4[%dma_start3A_357, %dma_start3A_366, %dma_start3A_367] : memref<3x10240x128xf32, #tpu.memory_space<hbm>> -> memref<1x10240x128xf32, #tpu.memory_space<hbm>>
        %dma_start3A_369 = tpu.memref_squeeze %dma_start3A_368 : memref<1x10240x128xf32, #tpu.memory_space<hbm>> -> memref<10240x128xf32, #tpu.memory_space<hbm>>
        %dma_start3A_370 = arith.constant 0 : i32
        %dma_start3A_371 = arith.constant 0 : i32
        %dma_start3A_372 = tpu.memref_slice %dma_start3A_369[%dma_start3A_370, %dma_start3A_371] : memref<10240x128xf32, #tpu.memory_space<hbm>> -> memref<10240x128xf32, #tpu.memory_space<hbm>>
        tpu.enqueue_indirect_dma source(%dma_start3A_372 : memref<10240x128xf32, #tpu.memory_space<hbm>>) target(%dma_start3A_362 : memref<128x128xf32, #tpu.memory_space<vmem>>) offsets(%dma_start3A_365 : memref<128xi32, #tpu.memory_space<vmem>>) semaphore(%arg12 : memref<!tpu.dma_semaphore, #tpu.memory_space<semaphore_mem>>)
      } else {
      }
    }
    %scan3A_154 = arith.constant 20 : i32
    %add3A_155 = arith.constant 40 : i32
    %add3A_156 = arith.addi %mul3A_2, %add3A_155 : i32
    "tpu.region"() ({
      %run_scoped3A_302 = tpu.sem_alloc : memref<!tpu.dma_semaphore, #tpu.memory_space<semaphore_mem>>
      %dma_start3A_303 = arith.constant 0 : i32
      %dma_start3A_304 = tpu.memref_slice %arg2[%add3A_156, %dma_start3A_303] : memref<2560x128xi32, #tpu.memory_space<hbm>> -> memref<40x128xi32, #tpu.memory_space<hbm>>
      %dma_start3A_305 = arith.constant 0 : i32
      %dma_start3A_306 = tpu.memref_slice %arg2[%add3A_156, %dma_start3A_305] : memref<2560x128xi32, #tpu.memory_space<hbm>> -> memref<40x128xi32, #tpu.memory_space<hbm>>
      tpu.enqueue_dma source(%dma_start3A_306 : memref<40x128xi32, #tpu.memory_space<hbm>>) target(%arg9 : memref<40x128xi32, #tpu.memory_space<vmem>>) target_semaphore(%run_scoped3A_302 : memref<!tpu.dma_semaphore, #tpu.memory_space<semaphore_mem>>)
      %dma_wait3A = arith.constant 0 : i32
      %dma_wait3A_307 = tpu.memref_slice %arg2[%add3A_156, %dma_wait3A] : memref<2560x128xi32, #tpu.memory_space<hbm>> -> memref<40x128xi32, #tpu.memory_space<hbm>>
      %dma_wait3A_308 = arith.constant 0 : i32
      %dma_wait3A_309 = tpu.memref_slice %arg2[%add3A_156, %dma_wait3A_308] : memref<2560x128xi32, #tpu.memory_space<hbm>> -> memref<40x128xi32, #tpu.memory_space<hbm>>
      tpu.wait_dma2 semaphore(%run_scoped3A_302 : memref<!tpu.dma_semaphore, #tpu.memory_space<semaphore_mem>>) src(%dma_wait3A_309 : memref<40x128xi32, #tpu.memory_space<hbm>>) dst(%arg9 : memref<40x128xi32, #tpu.memory_space<vmem>>)
      tpu.yield
    }) : () -> ()
    "tpu.region"() ({
      %run_scoped3A_302 = tpu.sem_alloc : memref<!tpu.dma_semaphore, #tpu.memory_space<semaphore_mem>>
      %dma_start3A_303 = arith.constant 0 : i32
      %dma_start3A_304 = tpu.memref_slice %arg3[%add3A_156, %dma_start3A_303] : memref<2560x128xi32, #tpu.memory_space<hbm>> -> memref<40x128xi32, #tpu.memory_space<hbm>>
      %dma_start3A_305 = arith.constant 0 : i32
      %dma_start3A_306 = tpu.memref_slice %arg3[%add3A_156, %dma_start3A_305] : memref<2560x128xi32, #tpu.memory_space<hbm>> -> memref<40x128xi32, #tpu.memory_space<hbm>>
      tpu.enqueue_dma source(%dma_start3A_306 : memref<40x128xi32, #tpu.memory_space<hbm>>) target(%arg10 : memref<40x128xi32, #tpu.memory_space<vmem>>) target_semaphore(%run_scoped3A_302 : memref<!tpu.dma_semaphore, #tpu.memory_space<semaphore_mem>>)
      %dma_wait3A = arith.constant 0 : i32
      %dma_wait3A_307 = tpu.memref_slice %arg3[%add3A_156, %dma_wait3A] : memref<2560x128xi32, #tpu.memory_space<hbm>> -> memref<40x128xi32, #tpu.memory_space<hbm>>
      %dma_wait3A_308 = arith.constant 0 : i32
      %dma_wait3A_309 = tpu.memref_slice %arg3[%add3A_156, %dma_wait3A_308] : memref<2560x128xi32, #tpu.memory_space<hbm>> -> memref<40x128xi32, #tpu.memory_space<hbm>>
      tpu.wait_dma2 semaphore(%run_scoped3A_302 : memref<!tpu.dma_semaphore, #tpu.memory_space<semaphore_mem>>) src(%dma_wait3A_309 : memref<40x128xi32, #tpu.memory_space<hbm>>) dst(%arg10 : memref<40x128xi32, #tpu.memory_space<vmem>>)
      tpu.yield
    }) : () -> ()
    %dma_start3A_157 = arith.constant 1 : i32
    %dma_start3A_158 = arith.constant 0 : i32
    %dma_start3A_159 = arith.constant 0 : i32
    %dma_start3A_160 = arith.constant 0 : i32
    %dma_start3A_161 = arith.constant 0 : i32
    %dma_start3A_162 = tpu.memref_slice %arg8[%dma_start3A_159, %dma_start3A_160, %dma_start3A_161] : memref<2x128x128xf32, #tpu.memory_space<vmem>> -> memref<1x128x128xf32, #tpu.memory_space<vmem>>
    %dma_start3A_163 = tpu.memref_squeeze %dma_start3A_162 : memref<1x128x128xf32, #tpu.memory_space<vmem>> -> memref<128x128xf32, #tpu.memory_space<vmem>>
    %dma_start3A_164 = arith.constant 0 : i32
    %dma_start3A_165 = tpu.memref_slice %arg9[%dma_start3A_158, %dma_start3A_164] : memref<40x128xi32, #tpu.memory_space<vmem>> -> memref<1x128xi32, #tpu.memory_space<vmem>>
    %dma_start3A_166 = tpu.memref_squeeze %dma_start3A_165 : memref<1x128xi32, #tpu.memory_space<vmem>> -> memref<128xi32, #tpu.memory_space<vmem>>
    %dma_start3A_167 = arith.constant 0 : i32
    %dma_start3A_168 = arith.constant 0 : i32
    %dma_start3A_169 = tpu.memref_slice %arg4[%dma_start3A_157, %dma_start3A_167, %dma_start3A_168] : memref<3x10240x128xf32, #tpu.memory_space<hbm>> -> memref<1x10240x128xf32, #tpu.memory_space<hbm>>
    %dma_start3A_170 = tpu.memref_squeeze %dma_start3A_169 : memref<1x10240x128xf32, #tpu.memory_space<hbm>> -> memref<10240x128xf32, #tpu.memory_space<hbm>>
    %dma_start3A_171 = arith.constant 0 : i32
    %dma_start3A_172 = arith.constant 0 : i32
    %dma_start3A_173 = tpu.memref_slice %dma_start3A_170[%dma_start3A_171, %dma_start3A_172] : memref<10240x128xf32, #tpu.memory_space<hbm>> -> memref<10240x128xf32, #tpu.memory_space<hbm>>
    tpu.enqueue_indirect_dma source(%dma_start3A_173 : memref<10240x128xf32, #tpu.memory_space<hbm>>) target(%dma_start3A_163 : memref<128x128xf32, #tpu.memory_space<vmem>>) offsets(%dma_start3A_166 : memref<128xi32, #tpu.memory_space<vmem>>) semaphore(%arg11 : memref<!tpu.dma_semaphore, #tpu.memory_space<semaphore_mem>>)
    %dma_start3A_174 = arith.constant 1 : i32
    %dma_start3A_175 = arith.constant 1 : i32
    %dma_start3A_176 = arith.constant 1 : i32
    %dma_start3A_177 = arith.constant 0 : i32
    %dma_start3A_178 = arith.constant 0 : i32
    %dma_start3A_179 = tpu.memref_slice %arg8[%dma_start3A_176, %dma_start3A_177, %dma_start3A_178] : memref<2x128x128xf32, #tpu.memory_space<vmem>> -> memref<1x128x128xf32, #tpu.memory_space<vmem>>
    %dma_start3A_180 = tpu.memref_squeeze %dma_start3A_179 : memref<1x128x128xf32, #tpu.memory_space<vmem>> -> memref<128x128xf32, #tpu.memory_space<vmem>>
    %dma_start3A_181 = arith.constant 0 : i32
    %dma_start3A_182 = tpu.memref_slice %arg9[%dma_start3A_175, %dma_start3A_181] : memref<40x128xi32, #tpu.memory_space<vmem>> -> memref<1x128xi32, #tpu.memory_space<vmem>>
    %dma_start3A_183 = tpu.memref_squeeze %dma_start3A_182 : memref<1x128xi32, #tpu.memory_space<vmem>> -> memref<128xi32, #tpu.memory_space<vmem>>
    %dma_start3A_184 = arith.constant 0 : i32
    %dma_start3A_185 = arith.constant 0 : i32
    %dma_start3A_186 = tpu.memref_slice %arg4[%dma_start3A_174, %dma_start3A_184, %dma_start3A_185] : memref<3x10240x128xf32, #tpu.memory_space<hbm>> -> memref<1x10240x128xf32, #tpu.memory_space<hbm>>
    %dma_start3A_187 = tpu.memref_squeeze %dma_start3A_186 : memref<1x10240x128xf32, #tpu.memory_space<hbm>> -> memref<10240x128xf32, #tpu.memory_space<hbm>>
    %dma_start3A_188 = arith.constant 0 : i32
    %dma_start3A_189 = arith.constant 0 : i32
    %dma_start3A_190 = tpu.memref_slice %dma_start3A_187[%dma_start3A_188, %dma_start3A_189] : memref<10240x128xf32, #tpu.memory_space<hbm>> -> memref<10240x128xf32, #tpu.memory_space<hbm>>
    tpu.enqueue_indirect_dma source(%dma_start3A_190 : memref<10240x128xf32, #tpu.memory_space<hbm>>) target(%dma_start3A_180 : memref<128x128xf32, #tpu.memory_space<vmem>>) offsets(%dma_start3A_183 : memref<128xi32, #tpu.memory_space<vmem>>) semaphore(%arg12 : memref<!tpu.dma_semaphore, #tpu.memory_space<semaphore_mem>>)
    %scan3A_191 = arith.constant 0 : i32
    %scan3A_192 = arith.constant 20 : i32
    %scan3A_193 = arith.addi %scan3A_191, %scan3A_192 : i32
    %scan3A_194 = arith.constant 1 : i32
    scf.for %scan3A_302 = %scan3A_191 to %scan3A_193 step %scan3A_194  : i32 {
      %mul3A_303 = arith.constant 2 : i32
      %mul3A_304 = arith.muli %scan3A_302, %mul3A_303 : i32
      %add3A_305 = arith.constant 0 : i32
      %add3A_306 = arith.addi %mul3A_304, %add3A_305 : i32
      %dma_wait3A = arith.constant 1 : i32
      %dma_wait3A_307 = arith.constant 0 : i32
      %dma_wait3A_308 = arith.constant 0 : i32
      %dma_wait3A_309 = arith.constant 0 : i32
      %dma_wait3A_310 = tpu.memref_slice %arg8[%dma_wait3A_307, %dma_wait3A_308, %dma_wait3A_309] : memref<2x128x128xf32, #tpu.memory_space<vmem>> -> memref<1x128x128xf32, #tpu.memory_space<vmem>>
      %dma_wait3A_311 = tpu.memref_squeeze %dma_wait3A_310 : memref<1x128x128xf32, #tpu.memory_space<vmem>> -> memref<128x128xf32, #tpu.memory_space<vmem>>
      %dma_wait3A_312 = arith.constant 0 : i32
      %dma_wait3A_313 = tpu.memref_slice %arg9[%add3A_306, %dma_wait3A_312] : memref<40x128xi32, #tpu.memory_space<vmem>> -> memref<1x128xi32, #tpu.memory_space<vmem>>
      %dma_wait3A_314 = tpu.memref_squeeze %dma_wait3A_313 : memref<1x128xi32, #tpu.memory_space<vmem>> -> memref<128xi32, #tpu.memory_space<vmem>>
      %dma_wait3A_315 = arith.constant 0 : i32
      %dma_wait3A_316 = arith.constant 0 : i32
      %dma_wait3A_317 = tpu.memref_slice %arg4[%dma_wait3A, %dma_wait3A_315, %dma_wait3A_316] : memref<3x10240x128xf32, #tpu.memory_space<hbm>> -> memref<1x10240x128xf32, #tpu.memory_space<hbm>>
      %dma_wait3A_318 = tpu.memref_squeeze %dma_wait3A_317 : memref<1x10240x128xf32, #tpu.memory_space<hbm>> -> memref<10240x128xf32, #tpu.memory_space<hbm>>
      %dma_wait3A_319 = arith.constant 0 : i32
      %dma_wait3A_320 = arith.constant 0 : i32
      %dma_wait3A_321 = tpu.memref_slice %dma_wait3A_318[%dma_wait3A_319, %dma_wait3A_320] : memref<10240x128xf32, #tpu.memory_space<hbm>> -> memref<10240x128xf32, #tpu.memory_space<hbm>>
      tpu.wait_indirect_dma semaphore(%arg11 : memref<!tpu.dma_semaphore, #tpu.memory_space<semaphore_mem>>) src(%dma_wait3A_321 : memref<10240x128xf32, #tpu.memory_space<hbm>>) dst(%dma_wait3A_311 : memref<128x128xf32, #tpu.memory_space<vmem>>)
      %run_scoped3A_322 = arith.constant 0 : i32
      "tpu.region"() ({
        %run_scoped3A_355 = tpu.sem_alloc : memref<!tpu.dma_semaphore, #tpu.memory_space<semaphore_mem>>
        %dma_start3A_356 = arith.constant 0 : i32
        %dma_start3A_357 = arith.constant 0 : i32
        %dma_start3A_358 = tpu.memref_slice %arg8[%run_scoped3A_322, %dma_start3A_356, %dma_start3A_357] : memref<2x128x128xf32, #tpu.memory_space<vmem>> -> memref<1x128x128xf32, #tpu.memory_space<vmem>>
        %dma_start3A_359 = tpu.memref_squeeze %dma_start3A_358 : memref<1x128x128xf32, #tpu.memory_space<vmem>> -> memref<128x128xf32, #tpu.memory_space<vmem>>
        %dma_start3A_360 = arith.constant 0 : i32
        %dma_start3A_361 = tpu.memref_slice %arg10[%add3A_306, %dma_start3A_360] : memref<40x128xi32, #tpu.memory_space<vmem>> -> memref<1x128xi32, #tpu.memory_space<vmem>>
        %dma_start3A_362 = tpu.memref_squeeze %dma_start3A_361 : memref<1x128xi32, #tpu.memory_space<vmem>> -> memref<128xi32, #tpu.memory_space<vmem>>
        %dma_start3A_363 = arith.constant 0 : i32
        %dma_start3A_364 = arith.constant 0 : i32
        %dma_start3A_365 = tpu.memref_slice %arg6[%dma_start3A_363, %dma_start3A_364] : memref<10240x128xf32, #tpu.memory_space<vmem_shared>> -> memref<10240x128xf32, #tpu.memory_space<vmem_shared>>
        tpu.enqueue_indirect_dma source(%dma_start3A_359 : memref<128x128xf32, #tpu.memory_space<vmem>>) target(%dma_start3A_365 : memref<10240x128xf32, #tpu.memory_space<vmem_shared>>) offsets(%dma_start3A_362 : memref<128xi32, #tpu.memory_space<vmem>>) semaphore(%run_scoped3A_355 : memref<!tpu.dma_semaphore, #tpu.memory_space<semaphore_mem>>) {add = true}
        %dma_wait3A_366 = arith.constant 0 : i32
        %dma_wait3A_367 = arith.constant 0 : i32
        %dma_wait3A_368 = tpu.memref_slice %arg8[%run_scoped3A_322, %dma_wait3A_366, %dma_wait3A_367] : memref<2x128x128xf32, #tpu.memory_space<vmem>> -> memref<1x128x128xf32, #tpu.memory_space<vmem>>
        %dma_wait3A_369 = tpu.memref_squeeze %dma_wait3A_368 : memref<1x128x128xf32, #tpu.memory_space<vmem>> -> memref<128x128xf32, #tpu.memory_space<vmem>>
        %dma_wait3A_370 = arith.constant 0 : i32
        %dma_wait3A_371 = tpu.memref_slice %arg10[%add3A_306, %dma_wait3A_370] : memref<40x128xi32, #tpu.memory_space<vmem>> -> memref<1x128xi32, #tpu.memory_space<vmem>>
        %dma_wait3A_372 = tpu.memref_squeeze %dma_wait3A_371 : memref<1x128xi32, #tpu.memory_space<vmem>> -> memref<128xi32, #tpu.memory_space<vmem>>
        %dma_wait3A_373 = arith.constant 0 : i32
        %dma_wait3A_374 = arith.constant 0 : i32
        %dma_wait3A_375 = tpu.memref_slice %arg6[%dma_wait3A_373, %dma_wait3A_374] : memref<10240x128xf32, #tpu.memory_space<vmem_shared>> -> memref<10240x128xf32, #tpu.memory_space<vmem_shared>>
        tpu.wait_indirect_dma semaphore(%run_scoped3A_355 : memref<!tpu.dma_semaphore, #tpu.memory_space<semaphore_mem>>) src(%dma_wait3A_369 : memref<128x128xf32, #tpu.memory_space<vmem>>) dst(%dma_wait3A_375 : memref<10240x128xf32, #tpu.memory_space<vmem_shared>>)
        tpu.yield
      }) : () -> ()
      %add3A_323 = arith.constant 2 : i32
      %add3A_324 = arith.addi %add3A_306, %add3A_323 : i32
      %lt3A = arith.constant 40 : i32
      %lt3A_325 = arith.cmpi slt, %add3A_324, %lt3A : i32
      %convert_element_type3A = arith.extui %lt3A_325 : i1 to i32
      %cond3A = arith.constant 0 : i32
      %cond3A_326 = arith.cmpi ne, %convert_element_type3A, %cond3A : i32
      scf.if %cond3A_326 {
        %add3A_355 = arith.constant 2 : i32
        %add3A_356 = arith.addi %add3A_306, %add3A_355 : i32
        %dma_start3A_357 = arith.constant 1 : i32
        %dma_start3A_358 = arith.constant 0 : i32
        %dma_start3A_359 = arith.constant 0 : i32
        %dma_start3A_360 = arith.constant 0 : i32
        %dma_start3A_361 = tpu.memref_slice %arg8[%dma_start3A_358, %dma_start3A_359, %dma_start3A_360] : memref<2x128x128xf32, #tpu.memory_space<vmem>> -> memref<1x128x128xf32, #tpu.memory_space<vmem>>
        %dma_start3A_362 = tpu.memref_squeeze %dma_start3A_361 : memref<1x128x128xf32, #tpu.memory_space<vmem>> -> memref<128x128xf32, #tpu.memory_space<vmem>>
        %dma_start3A_363 = arith.constant 0 : i32
        %dma_start3A_364 = tpu.memref_slice %arg9[%add3A_356, %dma_start3A_363] : memref<40x128xi32, #tpu.memory_space<vmem>> -> memref<1x128xi32, #tpu.memory_space<vmem>>
        %dma_start3A_365 = tpu.memref_squeeze %dma_start3A_364 : memref<1x128xi32, #tpu.memory_space<vmem>> -> memref<128xi32, #tpu.memory_space<vmem>>
        %dma_start3A_366 = arith.constant 0 : i32
        %dma_start3A_367 = arith.constant 0 : i32
        %dma_start3A_368 = tpu.memref_slice %arg4[%dma_start3A_357, %dma_start3A_366, %dma_start3A_367] : memref<3x10240x128xf32, #tpu.memory_space<hbm>> -> memref<1x10240x128xf32, #tpu.memory_space<hbm>>
        %dma_start3A_369 = tpu.memref_squeeze %dma_start3A_368 : memref<1x10240x128xf32, #tpu.memory_space<hbm>> -> memref<10240x128xf32, #tpu.memory_space<hbm>>
        %dma_start3A_370 = arith.constant 0 : i32
        %dma_start3A_371 = arith.constant 0 : i32
        %dma_start3A_372 = tpu.memref_slice %dma_start3A_369[%dma_start3A_370, %dma_start3A_371] : memref<10240x128xf32, #tpu.memory_space<hbm>> -> memref<10240x128xf32, #tpu.memory_space<hbm>>
        tpu.enqueue_indirect_dma source(%dma_start3A_372 : memref<10240x128xf32, #tpu.memory_space<hbm>>) target(%dma_start3A_362 : memref<128x128xf32, #tpu.memory_space<vmem>>) offsets(%dma_start3A_365 : memref<128xi32, #tpu.memory_space<vmem>>) semaphore(%arg11 : memref<!tpu.dma_semaphore, #tpu.memory_space<semaphore_mem>>)
      } else {
      }
      %mul3A_327 = arith.constant 2 : i32
      %mul3A_328 = arith.muli %scan3A_302, %mul3A_327 : i32
      %add3A_329 = arith.constant 1 : i32
      %add3A_330 = arith.addi %mul3A_328, %add3A_329 : i32
      %dma_wait3A_331 = arith.constant 1 : i32
      %dma_wait3A_332 = arith.constant 1 : i32
      %dma_wait3A_333 = arith.constant 0 : i32
      %dma_wait3A_334 = arith.constant 0 : i32
      %dma_wait3A_335 = tpu.memref_slice %arg8[%dma_wait3A_332, %dma_wait3A_333, %dma_wait3A_334] : memref<2x128x128xf32, #tpu.memory_space<vmem>> -> memref<1x128x128xf32, #tpu.memory_space<vmem>>
      %dma_wait3A_336 = tpu.memref_squeeze %dma_wait3A_335 : memref<1x128x128xf32, #tpu.memory_space<vmem>> -> memref<128x128xf32, #tpu.memory_space<vmem>>
      %dma_wait3A_337 = arith.constant 0 : i32
      %dma_wait3A_338 = tpu.memref_slice %arg9[%add3A_330, %dma_wait3A_337] : memref<40x128xi32, #tpu.memory_space<vmem>> -> memref<1x128xi32, #tpu.memory_space<vmem>>
      %dma_wait3A_339 = tpu.memref_squeeze %dma_wait3A_338 : memref<1x128xi32, #tpu.memory_space<vmem>> -> memref<128xi32, #tpu.memory_space<vmem>>
      %dma_wait3A_340 = arith.constant 0 : i32
      %dma_wait3A_341 = arith.constant 0 : i32
      %dma_wait3A_342 = tpu.memref_slice %arg4[%dma_wait3A_331, %dma_wait3A_340, %dma_wait3A_341] : memref<3x10240x128xf32, #tpu.memory_space<hbm>> -> memref<1x10240x128xf32, #tpu.memory_space<hbm>>
      %dma_wait3A_343 = tpu.memref_squeeze %dma_wait3A_342 : memref<1x10240x128xf32, #tpu.memory_space<hbm>> -> memref<10240x128xf32, #tpu.memory_space<hbm>>
      %dma_wait3A_344 = arith.constant 0 : i32
      %dma_wait3A_345 = arith.constant 0 : i32
      %dma_wait3A_346 = tpu.memref_slice %dma_wait3A_343[%dma_wait3A_344, %dma_wait3A_345] : memref<10240x128xf32, #tpu.memory_space<hbm>> -> memref<10240x128xf32, #tpu.memory_space<hbm>>
      tpu.wait_indirect_dma semaphore(%arg12 : memref<!tpu.dma_semaphore, #tpu.memory_space<semaphore_mem>>) src(%dma_wait3A_346 : memref<10240x128xf32, #tpu.memory_space<hbm>>) dst(%dma_wait3A_336 : memref<128x128xf32, #tpu.memory_space<vmem>>)
      %run_scoped3A_347 = arith.constant 1 : i32
      "tpu.region"() ({
        %run_scoped3A_355 = tpu.sem_alloc : memref<!tpu.dma_semaphore, #tpu.memory_space<semaphore_mem>>
        %dma_start3A_356 = arith.constant 0 : i32
        %dma_start3A_357 = arith.constant 0 : i32
        %dma_start3A_358 = tpu.memref_slice %arg8[%run_scoped3A_347, %dma_start3A_356, %dma_start3A_357] : memref<2x128x128xf32, #tpu.memory_space<vmem>> -> memref<1x128x128xf32, #tpu.memory_space<vmem>>
        %dma_start3A_359 = tpu.memref_squeeze %dma_start3A_358 : memref<1x128x128xf32, #tpu.memory_space<vmem>> -> memref<128x128xf32, #tpu.memory_space<vmem>>
        %dma_start3A_360 = arith.constant 0 : i32
        %dma_start3A_361 = tpu.memref_slice %arg10[%add3A_330, %dma_start3A_360] : memref<40x128xi32, #tpu.memory_space<vmem>> -> memref<1x128xi32, #tpu.memory_space<vmem>>
        %dma_start3A_362 = tpu.memref_squeeze %dma_start3A_361 : memref<1x128xi32, #tpu.memory_space<vmem>> -> memref<128xi32, #tpu.memory_space<vmem>>
        %dma_start3A_363 = arith.constant 0 : i32
        %dma_start3A_364 = arith.constant 0 : i32
        %dma_start3A_365 = tpu.memref_slice %arg6[%dma_start3A_363, %dma_start3A_364] : memref<10240x128xf32, #tpu.memory_space<vmem_shared>> -> memref<10240x128xf32, #tpu.memory_space<vmem_shared>>
        tpu.enqueue_indirect_dma source(%dma_start3A_359 : memref<128x128xf32, #tpu.memory_space<vmem>>) target(%dma_start3A_365 : memref<10240x128xf32, #tpu.memory_space<vmem_shared>>) offsets(%dma_start3A_362 : memref<128xi32, #tpu.memory_space<vmem>>) semaphore(%run_scoped3A_355 : memref<!tpu.dma_semaphore, #tpu.memory_space<semaphore_mem>>) {add = true}
        %dma_wait3A_366 = arith.constant 0 : i32
        %dma_wait3A_367 = arith.constant 0 : i32
        %dma_wait3A_368 = tpu.memref_slice %arg8[%run_scoped3A_347, %dma_wait3A_366, %dma_wait3A_367] : memref<2x128x128xf32, #tpu.memory_space<vmem>> -> memref<1x128x128xf32, #tpu.memory_space<vmem>>
        %dma_wait3A_369 = tpu.memref_squeeze %dma_wait3A_368 : memref<1x128x128xf32, #tpu.memory_space<vmem>> -> memref<128x128xf32, #tpu.memory_space<vmem>>
        %dma_wait3A_370 = arith.constant 0 : i32
        %dma_wait3A_371 = tpu.memref_slice %arg10[%add3A_330, %dma_wait3A_370] : memref<40x128xi32, #tpu.memory_space<vmem>> -> memref<1x128xi32, #tpu.memory_space<vmem>>
        %dma_wait3A_372 = tpu.memref_squeeze %dma_wait3A_371 : memref<1x128xi32, #tpu.memory_space<vmem>> -> memref<128xi32, #tpu.memory_space<vmem>>
        %dma_wait3A_373 = arith.constant 0 : i32
        %dma_wait3A_374 = arith.constant 0 : i32
        %dma_wait3A_375 = tpu.memref_slice %arg6[%dma_wait3A_373, %dma_wait3A_374] : memref<10240x128xf32, #tpu.memory_space<vmem_shared>> -> memref<10240x128xf32, #tpu.memory_space<vmem_shared>>
        tpu.wait_indirect_dma semaphore(%run_scoped3A_355 : memref<!tpu.dma_semaphore, #tpu.memory_space<semaphore_mem>>) src(%dma_wait3A_369 : memref<128x128xf32, #tpu.memory_space<vmem>>) dst(%dma_wait3A_375 : memref<10240x128xf32, #tpu.memory_space<vmem_shared>>)
        tpu.yield
      }) : () -> ()
      %add3A_348 = arith.constant 2 : i32
      %add3A_349 = arith.addi %add3A_330, %add3A_348 : i32
      %lt3A_350 = arith.constant 40 : i32
      %lt3A_351 = arith.cmpi slt, %add3A_349, %lt3A_350 : i32
      %convert_element_type3A_352 = arith.extui %lt3A_351 : i1 to i32
      %cond3A_353 = arith.constant 0 : i32
      %cond3A_354 = arith.cmpi ne, %convert_element_type3A_352, %cond3A_353 : i32
      scf.if %cond3A_354 {
        %add3A_355 = arith.constant 2 : i32
        %add3A_356 = arith.addi %add3A_330, %add3A_355 : i32
        %dma_start3A_357 = arith.constant 1 : i32
        %dma_start3A_358 = arith.constant 1 : i32
        %dma_start3A_359 = arith.constant 0 : i32
        %dma_start3A_360 = arith.constant 0 : i32
        %dma_start3A_361 = tpu.memref_slice %arg8[%dma_start3A_358, %dma_start3A_359, %dma_start3A_360] : memref<2x128x128xf32, #tpu.memory_space<vmem>> -> memref<1x128x128xf32, #tpu.memory_space<vmem>>
        %dma_start3A_362 = tpu.memref_squeeze %dma_start3A_361 : memref<1x128x128xf32, #tpu.memory_space<vmem>> -> memref<128x128xf32, #tpu.memory_space<vmem>>
        %dma_start3A_363 = arith.constant 0 : i32
        %dma_start3A_364 = tpu.memref_slice %arg9[%add3A_356, %dma_start3A_363] : memref<40x128xi32, #tpu.memory_space<vmem>> -> memref<1x128xi32, #tpu.memory_space<vmem>>
        %dma_start3A_365 = tpu.memref_squeeze %dma_start3A_364 : memref<1x128xi32, #tpu.memory_space<vmem>> -> memref<128xi32, #tpu.memory_space<vmem>>
        %dma_start3A_366 = arith.constant 0 : i32
        %dma_start3A_367 = arith.constant 0 : i32
        %dma_start3A_368 = tpu.memref_slice %arg4[%dma_start3A_357, %dma_start3A_366, %dma_start3A_367] : memref<3x10240x128xf32, #tpu.memory_space<hbm>> -> memref<1x10240x128xf32, #tpu.memory_space<hbm>>
        %dma_start3A_369 = tpu.memref_squeeze %dma_start3A_368 : memref<1x10240x128xf32, #tpu.memory_space<hbm>> -> memref<10240x128xf32, #tpu.memory_space<hbm>>
        %dma_start3A_370 = arith.constant 0 : i32
        %dma_start3A_371 = arith.constant 0 : i32
        %dma_start3A_372 = tpu.memref_slice %dma_start3A_369[%dma_start3A_370, %dma_start3A_371] : memref<10240x128xf32, #tpu.memory_space<hbm>> -> memref<10240x128xf32, #tpu.memory_space<hbm>>
        tpu.enqueue_indirect_dma source(%dma_start3A_372 : memref<10240x128xf32, #tpu.memory_space<hbm>>) target(%dma_start3A_362 : memref<128x128xf32, #tpu.memory_space<vmem>>) offsets(%dma_start3A_365 : memref<128xi32, #tpu.memory_space<vmem>>) semaphore(%arg12 : memref<!tpu.dma_semaphore, #tpu.memory_space<semaphore_mem>>)
      } else {
      }
    }
    %scan3A_195 = arith.constant 20 : i32
    %barrier3A_196 = arith.constant 0 : index
    tpu.barrier barrier_id(%barrier3A_196)
    %mul3A_197 = arith.constant 640 : i32
    %mul3A_198 = arith.muli %arg1, %mul3A_197 : i32
    %mul3A_199 = arith.constant 640 : i32
    %mul3A_200 = arith.muli %arg1, %mul3A_199 : i32
    %run_scoped3A_201 = arith.constant 1 : i32
    "tpu.region"() ({
      %run_scoped3A_302 = tpu.sem_alloc : memref<!tpu.dma_semaphore, #tpu.memory_space<semaphore_mem>>
      %dma_start3A_303 = arith.constant 0 : i32
      %dma_start3A_304 = tpu.memref_slice %arg5[%run_scoped3A_201, %arg0, %mul3A_200, %dma_start3A_303] : memref<3x2x10240x128xf32, #tpu.memory_space<hbm>> -> memref<1x1x640x128xf32, #tpu.memory_space<hbm>>
      %dma_start3A_305 = tpu.memref_squeeze %dma_start3A_304 : memref<1x1x640x128xf32, #tpu.memory_space<hbm>> -> memref<640x128xf32, #tpu.memory_space<hbm>>
      %dma_start3A_306 = arith.constant 0 : i32
      %dma_start3A_307 = tpu.memref_slice %arg6[%mul3A_198, %dma_start3A_306] : memref<10240x128xf32, #tpu.memory_space<vmem_shared>> -> memref<640x128xf32, #tpu.memory_space<vmem_shared>>
      tpu.enqueue_dma source(%dma_start3A_307 : memref<640x128xf32, #tpu.memory_space<vmem_shared>>) target(%dma_start3A_305 : memref<640x128xf32, #tpu.memory_space<hbm>>) target_semaphore(%run_scoped3A_302 : memref<!tpu.dma_semaphore, #tpu.memory_space<semaphore_mem>>)
      %dma_wait3A = arith.constant 0 : i32
      %dma_wait3A_308 = tpu.memref_slice %arg5[%run_scoped3A_201, %arg0, %mul3A_200, %dma_wait3A] : memref<3x2x10240x128xf32, #tpu.memory_space<hbm>> -> memref<1x1x640x128xf32, #tpu.memory_space<hbm>>
      %dma_wait3A_309 = tpu.memref_squeeze %dma_wait3A_308 : memref<1x1x640x128xf32, #tpu.memory_space<hbm>> -> memref<640x128xf32, #tpu.memory_space<hbm>>
      %dma_wait3A_310 = arith.constant 0 : i32
      %dma_wait3A_311 = tpu.memref_slice %arg6[%mul3A_198, %dma_wait3A_310] : memref<10240x128xf32, #tpu.memory_space<vmem_shared>> -> memref<640x128xf32, #tpu.memory_space<vmem_shared>>
      tpu.wait_dma2 semaphore(%run_scoped3A_302 : memref<!tpu.dma_semaphore, #tpu.memory_space<semaphore_mem>>) src(%dma_wait3A_311 : memref<640x128xf32, #tpu.memory_space<vmem_shared>>) dst(%dma_wait3A_309 : memref<640x128xf32, #tpu.memory_space<hbm>>)
      tpu.yield
    }) : () -> ()
    %scan3A_202 = arith.constant 0 : i32
    %scan3A_203 = arith.constant 20 : i32
    %scan3A_204 = arith.addi %scan3A_202, %scan3A_203 : i32
    %scan3A_205 = arith.constant 1 : i32
    scf.for %scan3A_302 = %scan3A_202 to %scan3A_204 step %scan3A_205  : i32 {
      %mul3A_303 = arith.constant 640 : i32
      %mul3A_304 = arith.muli %arg1, %mul3A_303 : i32
      %mul3A_305 = arith.constant 32 : i32
      %mul3A_306 = arith.muli %scan3A_302, %mul3A_305 : i32
      %add3A_307 = arith.addi %mul3A_304, %mul3A_306 : i32
      %dma_start3A_308 = arith.constant 0 : i32
      %dma_start3A_309 = tpu.memref_slice %arg6[%add3A_307, %dma_start3A_308] : memref<10240x128xf32, #tpu.memory_space<vmem_shared>> -> memref<32x128xf32, #tpu.memory_space<vmem_shared>>
      %dma_start3A_310 = arith.constant 0 : i32
      %dma_start3A_311 = tpu.memref_slice %arg6[%add3A_307, %dma_start3A_310] : memref<10240x128xf32, #tpu.memory_space<vmem_shared>> -> memref<32x128xf32, #tpu.memory_space<vmem_shared>>
      tpu.enqueue_dma source(%arg7 : memref<32x128xf32, #tpu.memory_space<vmem>>) target(%dma_start3A_311 : memref<32x128xf32, #tpu.memory_space<vmem_shared>>) target_semaphore(%arg13 : memref<!tpu.dma_semaphore, #tpu.memory_space<semaphore_mem>>)
    }
    %scan3A_206 = arith.constant 20 : i32
    %scan3A_207 = arith.constant 0 : i32
    %scan3A_208 = arith.constant 20 : i32
    %scan3A_209 = arith.addi %scan3A_207, %scan3A_208 : i32
    %scan3A_210 = arith.constant 1 : i32
    scf.for %scan3A_302 = %scan3A_207 to %scan3A_209 step %scan3A_210  : i32 {
      %mul3A_303 = arith.constant 640 : i32
      %mul3A_304 = arith.muli %arg1, %mul3A_303 : i32
      %mul3A_305 = arith.constant 32 : i32
      %mul3A_306 = arith.muli %scan3A_302, %mul3A_305 : i32
      %add3A_307 = arith.addi %mul3A_304, %mul3A_306 : i32
      %dma_wait3A = arith.constant 0 : i32
      %dma_wait3A_308 = tpu.memref_slice %arg6[%add3A_307, %dma_wait3A] : memref<10240x128xf32, #tpu.memory_space<vmem_shared>> -> memref<32x128xf32, #tpu.memory_space<vmem_shared>>
      %dma_wait3A_309 = arith.constant 0 : i32
      %dma_wait3A_310 = tpu.memref_slice %arg6[%add3A_307, %dma_wait3A_309] : memref<10240x128xf32, #tpu.memory_space<vmem_shared>> -> memref<32x128xf32, #tpu.memory_space<vmem_shared>>
      tpu.wait_dma2 semaphore(%arg13 : memref<!tpu.dma_semaphore, #tpu.memory_space<semaphore_mem>>) src(%arg7 : memref<32x128xf32, #tpu.memory_space<vmem>>) dst(%dma_wait3A_310 : memref<32x128xf32, #tpu.memory_space<vmem_shared>>)
    }
    %scan3A_211 = arith.constant 20 : i32
    %barrier3A_212 = arith.constant 0 : index
    tpu.barrier barrier_id(%barrier3A_212)
    %add3A_213 = arith.constant 0 : i32
    %add3A_214 = arith.addi %mul3A_2, %add3A_213 : i32
    "tpu.region"() ({
      %run_scoped3A_302 = tpu.sem_alloc : memref<!tpu.dma_semaphore, #tpu.memory_space<semaphore_mem>>
      %dma_start3A_303 = arith.constant 0 : i32
      %dma_start3A_304 = tpu.memref_slice %arg2[%add3A_214, %dma_start3A_303] : memref<2560x128xi32, #tpu.memory_space<hbm>> -> memref<40x128xi32, #tpu.memory_space<hbm>>
      %dma_start3A_305 = arith.constant 0 : i32
      %dma_start3A_306 = tpu.memref_slice %arg2[%add3A_214, %dma_start3A_305] : memref<2560x128xi32, #tpu.memory_space<hbm>> -> memref<40x128xi32, #tpu.memory_space<hbm>>
      tpu.enqueue_dma source(%dma_start3A_306 : memref<40x128xi32, #tpu.memory_space<hbm>>) target(%arg9 : memref<40x128xi32, #tpu.memory_space<vmem>>) target_semaphore(%run_scoped3A_302 : memref<!tpu.dma_semaphore, #tpu.memory_space<semaphore_mem>>)
      %dma_wait3A = arith.constant 0 : i32
      %dma_wait3A_307 = tpu.memref_slice %arg2[%add3A_214, %dma_wait3A] : memref<2560x128xi32, #tpu.memory_space<hbm>> -> memref<40x128xi32, #tpu.memory_space<hbm>>
      %dma_wait3A_308 = arith.constant 0 : i32
      %dma_wait3A_309 = tpu.memref_slice %arg2[%add3A_214, %dma_wait3A_308] : memref<2560x128xi32, #tpu.memory_space<hbm>> -> memref<40x128xi32, #tpu.memory_space<hbm>>
      tpu.wait_dma2 semaphore(%run_scoped3A_302 : memref<!tpu.dma_semaphore, #tpu.memory_space<semaphore_mem>>) src(%dma_wait3A_309 : memref<40x128xi32, #tpu.memory_space<hbm>>) dst(%arg9 : memref<40x128xi32, #tpu.memory_space<vmem>>)
      tpu.yield
    }) : () -> ()
    "tpu.region"() ({
      %run_scoped3A_302 = tpu.sem_alloc : memref<!tpu.dma_semaphore, #tpu.memory_space<semaphore_mem>>
      %dma_start3A_303 = arith.constant 0 : i32
      %dma_start3A_304 = tpu.memref_slice %arg3[%add3A_214, %dma_start3A_303] : memref<2560x128xi32, #tpu.memory_space<hbm>> -> memref<40x128xi32, #tpu.memory_space<hbm>>
      %dma_start3A_305 = arith.constant 0 : i32
      %dma_start3A_306 = tpu.memref_slice %arg3[%add3A_214, %dma_start3A_305] : memref<2560x128xi32, #tpu.memory_space<hbm>> -> memref<40x128xi32, #tpu.memory_space<hbm>>
      tpu.enqueue_dma source(%dma_start3A_306 : memref<40x128xi32, #tpu.memory_space<hbm>>) target(%arg10 : memref<40x128xi32, #tpu.memory_space<vmem>>) target_semaphore(%run_scoped3A_302 : memref<!tpu.dma_semaphore, #tpu.memory_space<semaphore_mem>>)
      %dma_wait3A = arith.constant 0 : i32
      %dma_wait3A_307 = tpu.memref_slice %arg3[%add3A_214, %dma_wait3A] : memref<2560x128xi32, #tpu.memory_space<hbm>> -> memref<40x128xi32, #tpu.memory_space<hbm>>
      %dma_wait3A_308 = arith.constant 0 : i32
      %dma_wait3A_309 = tpu.memref_slice %arg3[%add3A_214, %dma_wait3A_308] : memref<2560x128xi32, #tpu.memory_space<hbm>> -> memref<40x128xi32, #tpu.memory_space<hbm>>
      tpu.wait_dma2 semaphore(%run_scoped3A_302 : memref<!tpu.dma_semaphore, #tpu.memory_space<semaphore_mem>>) src(%dma_wait3A_309 : memref<40x128xi32, #tpu.memory_space<hbm>>) dst(%arg10 : memref<40x128xi32, #tpu.memory_space<vmem>>)
      tpu.yield
    }) : () -> ()
    %dma_start3A_215 = arith.constant 2 : i32
    %dma_start3A_216 = arith.constant 0 : i32
    %dma_start3A_217 = arith.constant 0 : i32
    %dma_start3A_218 = arith.constant 0 : i32
    %dma_start3A_219 = arith.constant 0 : i32
    %dma_start3A_220 = tpu.memref_slice %arg8[%dma_start3A_217, %dma_start3A_218, %dma_start3A_219] : memref<2x128x128xf32, #tpu.memory_space<vmem>> -> memref<1x128x128xf32, #tpu.memory_space<vmem>>
    %dma_start3A_221 = tpu.memref_squeeze %dma_start3A_220 : memref<1x128x128xf32, #tpu.memory_space<vmem>> -> memref<128x128xf32, #tpu.memory_space<vmem>>
    %dma_start3A_222 = arith.constant 0 : i32
    %dma_start3A_223 = tpu.memref_slice %arg9[%dma_start3A_216, %dma_start3A_222] : memref<40x128xi32, #tpu.memory_space<vmem>> -> memref<1x128xi32, #tpu.memory_space<vmem>>
    %dma_start3A_224 = tpu.memref_squeeze %dma_start3A_223 : memref<1x128xi32, #tpu.memory_space<vmem>> -> memref<128xi32, #tpu.memory_space<vmem>>
    %dma_start3A_225 = arith.constant 0 : i32
    %dma_start3A_226 = arith.constant 0 : i32
    %dma_start3A_227 = tpu.memref_slice %arg4[%dma_start3A_215, %dma_start3A_225, %dma_start3A_226] : memref<3x10240x128xf32, #tpu.memory_space<hbm>> -> memref<1x10240x128xf32, #tpu.memory_space<hbm>>
    %dma_start3A_228 = tpu.memref_squeeze %dma_start3A_227 : memref<1x10240x128xf32, #tpu.memory_space<hbm>> -> memref<10240x128xf32, #tpu.memory_space<hbm>>
    %dma_start3A_229 = arith.constant 0 : i32
    %dma_start3A_230 = arith.constant 0 : i32
    %dma_start3A_231 = tpu.memref_slice %dma_start3A_228[%dma_start3A_229, %dma_start3A_230] : memref<10240x128xf32, #tpu.memory_space<hbm>> -> memref<10240x128xf32, #tpu.memory_space<hbm>>
    tpu.enqueue_indirect_dma source(%dma_start3A_231 : memref<10240x128xf32, #tpu.memory_space<hbm>>) target(%dma_start3A_221 : memref<128x128xf32, #tpu.memory_space<vmem>>) offsets(%dma_start3A_224 : memref<128xi32, #tpu.memory_space<vmem>>) semaphore(%arg11 : memref<!tpu.dma_semaphore, #tpu.memory_space<semaphore_mem>>)
    %dma_start3A_232 = arith.constant 2 : i32
    %dma_start3A_233 = arith.constant 1 : i32
    %dma_start3A_234 = arith.constant 1 : i32
    %dma_start3A_235 = arith.constant 0 : i32
    %dma_start3A_236 = arith.constant 0 : i32
    %dma_start3A_237 = tpu.memref_slice %arg8[%dma_start3A_234, %dma_start3A_235, %dma_start3A_236] : memref<2x128x128xf32, #tpu.memory_space<vmem>> -> memref<1x128x128xf32, #tpu.memory_space<vmem>>
    %dma_start3A_238 = tpu.memref_squeeze %dma_start3A_237 : memref<1x128x128xf32, #tpu.memory_space<vmem>> -> memref<128x128xf32, #tpu.memory_space<vmem>>
    %dma_start3A_239 = arith.constant 0 : i32
    %dma_start3A_240 = tpu.memref_slice %arg9[%dma_start3A_233, %dma_start3A_239] : memref<40x128xi32, #tpu.memory_space<vmem>> -> memref<1x128xi32, #tpu.memory_space<vmem>>
    %dma_start3A_241 = tpu.memref_squeeze %dma_start3A_240 : memref<1x128xi32, #tpu.memory_space<vmem>> -> memref<128xi32, #tpu.memory_space<vmem>>
    %dma_start3A_242 = arith.constant 0 : i32
    %dma_start3A_243 = arith.constant 0 : i32
    %dma_start3A_244 = tpu.memref_slice %arg4[%dma_start3A_232, %dma_start3A_242, %dma_start3A_243] : memref<3x10240x128xf32, #tpu.memory_space<hbm>> -> memref<1x10240x128xf32, #tpu.memory_space<hbm>>
    %dma_start3A_245 = tpu.memref_squeeze %dma_start3A_244 : memref<1x10240x128xf32, #tpu.memory_space<hbm>> -> memref<10240x128xf32, #tpu.memory_space<hbm>>
    %dma_start3A_246 = arith.constant 0 : i32
    %dma_start3A_247 = arith.constant 0 : i32
    %dma_start3A_248 = tpu.memref_slice %dma_start3A_245[%dma_start3A_246, %dma_start3A_247] : memref<10240x128xf32, #tpu.memory_space<hbm>> -> memref<10240x128xf32, #tpu.memory_space<hbm>>
    tpu.enqueue_indirect_dma source(%dma_start3A_248 : memref<10240x128xf32, #tpu.memory_space<hbm>>) target(%dma_start3A_238 : memref<128x128xf32, #tpu.memory_space<vmem>>) offsets(%dma_start3A_241 : memref<128xi32, #tpu.memory_space<vmem>>) semaphore(%arg12 : memref<!tpu.dma_semaphore, #tpu.memory_space<semaphore_mem>>)
    %scan3A_249 = arith.constant 0 : i32
    %scan3A_250 = arith.constant 20 : i32
    %scan3A_251 = arith.addi %scan3A_249, %scan3A_250 : i32
    %scan3A_252 = arith.constant 1 : i32
    scf.for %scan3A_302 = %scan3A_249 to %scan3A_251 step %scan3A_252  : i32 {
      %mul3A_303 = arith.constant 2 : i32
      %mul3A_304 = arith.muli %scan3A_302, %mul3A_303 : i32
      %add3A_305 = arith.constant 0 : i32
      %add3A_306 = arith.addi %mul3A_304, %add3A_305 : i32
      %dma_wait3A = arith.constant 2 : i32
      %dma_wait3A_307 = arith.constant 0 : i32
      %dma_wait3A_308 = arith.constant 0 : i32
      %dma_wait3A_309 = arith.constant 0 : i32
      %dma_wait3A_310 = tpu.memref_slice %arg8[%dma_wait3A_307, %dma_wait3A_308, %dma_wait3A_309] : memref<2x128x128xf32, #tpu.memory_space<vmem>> -> memref<1x128x128xf32, #tpu.memory_space<vmem>>
      %dma_wait3A_311 = tpu.memref_squeeze %dma_wait3A_310 : memref<1x128x128xf32, #tpu.memory_space<vmem>> -> memref<128x128xf32, #tpu.memory_space<vmem>>
      %dma_wait3A_312 = arith.constant 0 : i32
      %dma_wait3A_313 = tpu.memref_slice %arg9[%add3A_306, %dma_wait3A_312] : memref<40x128xi32, #tpu.memory_space<vmem>> -> memref<1x128xi32, #tpu.memory_space<vmem>>
      %dma_wait3A_314 = tpu.memref_squeeze %dma_wait3A_313 : memref<1x128xi32, #tpu.memory_space<vmem>> -> memref<128xi32, #tpu.memory_space<vmem>>
      %dma_wait3A_315 = arith.constant 0 : i32
      %dma_wait3A_316 = arith.constant 0 : i32
      %dma_wait3A_317 = tpu.memref_slice %arg4[%dma_wait3A, %dma_wait3A_315, %dma_wait3A_316] : memref<3x10240x128xf32, #tpu.memory_space<hbm>> -> memref<1x10240x128xf32, #tpu.memory_space<hbm>>
      %dma_wait3A_318 = tpu.memref_squeeze %dma_wait3A_317 : memref<1x10240x128xf32, #tpu.memory_space<hbm>> -> memref<10240x128xf32, #tpu.memory_space<hbm>>
      %dma_wait3A_319 = arith.constant 0 : i32
      %dma_wait3A_320 = arith.constant 0 : i32
      %dma_wait3A_321 = tpu.memref_slice %dma_wait3A_318[%dma_wait3A_319, %dma_wait3A_320] : memref<10240x128xf32, #tpu.memory_space<hbm>> -> memref<10240x128xf32, #tpu.memory_space<hbm>>
      tpu.wait_indirect_dma semaphore(%arg11 : memref<!tpu.dma_semaphore, #tpu.memory_space<semaphore_mem>>) src(%dma_wait3A_321 : memref<10240x128xf32, #tpu.memory_space<hbm>>) dst(%dma_wait3A_311 : memref<128x128xf32, #tpu.memory_space<vmem>>)
      %run_scoped3A_322 = arith.constant 0 : i32
      "tpu.region"() ({
        %run_scoped3A_355 = tpu.sem_alloc : memref<!tpu.dma_semaphore, #tpu.memory_space<semaphore_mem>>
        %dma_start3A_356 = arith.constant 0 : i32
        %dma_start3A_357 = arith.constant 0 : i32
        %dma_start3A_358 = tpu.memref_slice %arg8[%run_scoped3A_322, %dma_start3A_356, %dma_start3A_357] : memref<2x128x128xf32, #tpu.memory_space<vmem>> -> memref<1x128x128xf32, #tpu.memory_space<vmem>>
        %dma_start3A_359 = tpu.memref_squeeze %dma_start3A_358 : memref<1x128x128xf32, #tpu.memory_space<vmem>> -> memref<128x128xf32, #tpu.memory_space<vmem>>
        %dma_start3A_360 = arith.constant 0 : i32
        %dma_start3A_361 = tpu.memref_slice %arg10[%add3A_306, %dma_start3A_360] : memref<40x128xi32, #tpu.memory_space<vmem>> -> memref<1x128xi32, #tpu.memory_space<vmem>>
        %dma_start3A_362 = tpu.memref_squeeze %dma_start3A_361 : memref<1x128xi32, #tpu.memory_space<vmem>> -> memref<128xi32, #tpu.memory_space<vmem>>
        %dma_start3A_363 = arith.constant 0 : i32
        %dma_start3A_364 = arith.constant 0 : i32
        %dma_start3A_365 = tpu.memref_slice %arg6[%dma_start3A_363, %dma_start3A_364] : memref<10240x128xf32, #tpu.memory_space<vmem_shared>> -> memref<10240x128xf32, #tpu.memory_space<vmem_shared>>
        tpu.enqueue_indirect_dma source(%dma_start3A_359 : memref<128x128xf32, #tpu.memory_space<vmem>>) target(%dma_start3A_365 : memref<10240x128xf32, #tpu.memory_space<vmem_shared>>) offsets(%dma_start3A_362 : memref<128xi32, #tpu.memory_space<vmem>>) semaphore(%run_scoped3A_355 : memref<!tpu.dma_semaphore, #tpu.memory_space<semaphore_mem>>) {add = true}
        %dma_wait3A_366 = arith.constant 0 : i32
        %dma_wait3A_367 = arith.constant 0 : i32
        %dma_wait3A_368 = tpu.memref_slice %arg8[%run_scoped3A_322, %dma_wait3A_366, %dma_wait3A_367] : memref<2x128x128xf32, #tpu.memory_space<vmem>> -> memref<1x128x128xf32, #tpu.memory_space<vmem>>
        %dma_wait3A_369 = tpu.memref_squeeze %dma_wait3A_368 : memref<1x128x128xf32, #tpu.memory_space<vmem>> -> memref<128x128xf32, #tpu.memory_space<vmem>>
        %dma_wait3A_370 = arith.constant 0 : i32
        %dma_wait3A_371 = tpu.memref_slice %arg10[%add3A_306, %dma_wait3A_370] : memref<40x128xi32, #tpu.memory_space<vmem>> -> memref<1x128xi32, #tpu.memory_space<vmem>>
        %dma_wait3A_372 = tpu.memref_squeeze %dma_wait3A_371 : memref<1x128xi32, #tpu.memory_space<vmem>> -> memref<128xi32, #tpu.memory_space<vmem>>
        %dma_wait3A_373 = arith.constant 0 : i32
        %dma_wait3A_374 = arith.constant 0 : i32
        %dma_wait3A_375 = tpu.memref_slice %arg6[%dma_wait3A_373, %dma_wait3A_374] : memref<10240x128xf32, #tpu.memory_space<vmem_shared>> -> memref<10240x128xf32, #tpu.memory_space<vmem_shared>>
        tpu.wait_indirect_dma semaphore(%run_scoped3A_355 : memref<!tpu.dma_semaphore, #tpu.memory_space<semaphore_mem>>) src(%dma_wait3A_369 : memref<128x128xf32, #tpu.memory_space<vmem>>) dst(%dma_wait3A_375 : memref<10240x128xf32, #tpu.memory_space<vmem_shared>>)
        tpu.yield
      }) : () -> ()
      %add3A_323 = arith.constant 2 : i32
      %add3A_324 = arith.addi %add3A_306, %add3A_323 : i32
      %lt3A = arith.constant 40 : i32
      %lt3A_325 = arith.cmpi slt, %add3A_324, %lt3A : i32
      %convert_element_type3A = arith.extui %lt3A_325 : i1 to i32
      %cond3A = arith.constant 0 : i32
      %cond3A_326 = arith.cmpi ne, %convert_element_type3A, %cond3A : i32
      scf.if %cond3A_326 {
        %add3A_355 = arith.constant 2 : i32
        %add3A_356 = arith.addi %add3A_306, %add3A_355 : i32
        %dma_start3A_357 = arith.constant 2 : i32
        %dma_start3A_358 = arith.constant 0 : i32
        %dma_start3A_359 = arith.constant 0 : i32
        %dma_start3A_360 = arith.constant 0 : i32
        %dma_start3A_361 = tpu.memref_slice %arg8[%dma_start3A_358, %dma_start3A_359, %dma_start3A_360] : memref<2x128x128xf32, #tpu.memory_space<vmem>> -> memref<1x128x128xf32, #tpu.memory_space<vmem>>
        %dma_start3A_362 = tpu.memref_squeeze %dma_start3A_361 : memref<1x128x128xf32, #tpu.memory_space<vmem>> -> memref<128x128xf32, #tpu.memory_space<vmem>>
        %dma_start3A_363 = arith.constant 0 : i32
        %dma_start3A_364 = tpu.memref_slice %arg9[%add3A_356, %dma_start3A_363] : memref<40x128xi32, #tpu.memory_space<vmem>> -> memref<1x128xi32, #tpu.memory_space<vmem>>
        %dma_start3A_365 = tpu.memref_squeeze %dma_start3A_364 : memref<1x128xi32, #tpu.memory_space<vmem>> -> memref<128xi32, #tpu.memory_space<vmem>>
        %dma_start3A_366 = arith.constant 0 : i32
        %dma_start3A_367 = arith.constant 0 : i32
        %dma_start3A_368 = tpu.memref_slice %arg4[%dma_start3A_357, %dma_start3A_366, %dma_start3A_367] : memref<3x10240x128xf32, #tpu.memory_space<hbm>> -> memref<1x10240x128xf32, #tpu.memory_space<hbm>>
        %dma_start3A_369 = tpu.memref_squeeze %dma_start3A_368 : memref<1x10240x128xf32, #tpu.memory_space<hbm>> -> memref<10240x128xf32, #tpu.memory_space<hbm>>
        %dma_start3A_370 = arith.constant 0 : i32
        %dma_start3A_371 = arith.constant 0 : i32
        %dma_start3A_372 = tpu.memref_slice %dma_start3A_369[%dma_start3A_370, %dma_start3A_371] : memref<10240x128xf32, #tpu.memory_space<hbm>> -> memref<10240x128xf32, #tpu.memory_space<hbm>>
        tpu.enqueue_indirect_dma source(%dma_start3A_372 : memref<10240x128xf32, #tpu.memory_space<hbm>>) target(%dma_start3A_362 : memref<128x128xf32, #tpu.memory_space<vmem>>) offsets(%dma_start3A_365 : memref<128xi32, #tpu.memory_space<vmem>>) semaphore(%arg11 : memref<!tpu.dma_semaphore, #tpu.memory_space<semaphore_mem>>)
      } else {
      }
      %mul3A_327 = arith.constant 2 : i32
      %mul3A_328 = arith.muli %scan3A_302, %mul3A_327 : i32
      %add3A_329 = arith.constant 1 : i32
      %add3A_330 = arith.addi %mul3A_328, %add3A_329 : i32
      %dma_wait3A_331 = arith.constant 2 : i32
      %dma_wait3A_332 = arith.constant 1 : i32
      %dma_wait3A_333 = arith.constant 0 : i32
      %dma_wait3A_334 = arith.constant 0 : i32
      %dma_wait3A_335 = tpu.memref_slice %arg8[%dma_wait3A_332, %dma_wait3A_333, %dma_wait3A_334] : memref<2x128x128xf32, #tpu.memory_space<vmem>> -> memref<1x128x128xf32, #tpu.memory_space<vmem>>
      %dma_wait3A_336 = tpu.memref_squeeze %dma_wait3A_335 : memref<1x128x128xf32, #tpu.memory_space<vmem>> -> memref<128x128xf32, #tpu.memory_space<vmem>>
      %dma_wait3A_337 = arith.constant 0 : i32
      %dma_wait3A_338 = tpu.memref_slice %arg9[%add3A_330, %dma_wait3A_337] : memref<40x128xi32, #tpu.memory_space<vmem>> -> memref<1x128xi32, #tpu.memory_space<vmem>>
      %dma_wait3A_339 = tpu.memref_squeeze %dma_wait3A_338 : memref<1x128xi32, #tpu.memory_space<vmem>> -> memref<128xi32, #tpu.memory_space<vmem>>
      %dma_wait3A_340 = arith.constant 0 : i32
      %dma_wait3A_341 = arith.constant 0 : i32
      %dma_wait3A_342 = tpu.memref_slice %arg4[%dma_wait3A_331, %dma_wait3A_340, %dma_wait3A_341] : memref<3x10240x128xf32, #tpu.memory_space<hbm>> -> memref<1x10240x128xf32, #tpu.memory_space<hbm>>
      %dma_wait3A_343 = tpu.memref_squeeze %dma_wait3A_342 : memref<1x10240x128xf32, #tpu.memory_space<hbm>> -> memref<10240x128xf32, #tpu.memory_space<hbm>>
      %dma_wait3A_344 = arith.constant 0 : i32
      %dma_wait3A_345 = arith.constant 0 : i32
      %dma_wait3A_346 = tpu.memref_slice %dma_wait3A_343[%dma_wait3A_344, %dma_wait3A_345] : memref<10240x128xf32, #tpu.memory_space<hbm>> -> memref<10240x128xf32, #tpu.memory_space<hbm>>
      tpu.wait_indirect_dma semaphore(%arg12 : memref<!tpu.dma_semaphore, #tpu.memory_space<semaphore_mem>>) src(%dma_wait3A_346 : memref<10240x128xf32, #tpu.memory_space<hbm>>) dst(%dma_wait3A_336 : memref<128x128xf32, #tpu.memory_space<vmem>>)
      %run_scoped3A_347 = arith.constant 1 : i32
      "tpu.region"() ({
        %run_scoped3A_355 = tpu.sem_alloc : memref<!tpu.dma_semaphore, #tpu.memory_space<semaphore_mem>>
        %dma_start3A_356 = arith.constant 0 : i32
        %dma_start3A_357 = arith.constant 0 : i32
        %dma_start3A_358 = tpu.memref_slice %arg8[%run_scoped3A_347, %dma_start3A_356, %dma_start3A_357] : memref<2x128x128xf32, #tpu.memory_space<vmem>> -> memref<1x128x128xf32, #tpu.memory_space<vmem>>
        %dma_start3A_359 = tpu.memref_squeeze %dma_start3A_358 : memref<1x128x128xf32, #tpu.memory_space<vmem>> -> memref<128x128xf32, #tpu.memory_space<vmem>>
        %dma_start3A_360 = arith.constant 0 : i32
        %dma_start3A_361 = tpu.memref_slice %arg10[%add3A_330, %dma_start3A_360] : memref<40x128xi32, #tpu.memory_space<vmem>> -> memref<1x128xi32, #tpu.memory_space<vmem>>
        %dma_start3A_362 = tpu.memref_squeeze %dma_start3A_361 : memref<1x128xi32, #tpu.memory_space<vmem>> -> memref<128xi32, #tpu.memory_space<vmem>>
        %dma_start3A_363 = arith.constant 0 : i32
        %dma_start3A_364 = arith.constant 0 : i32
        %dma_start3A_365 = tpu.memref_slice %arg6[%dma_start3A_363, %dma_start3A_364] : memref<10240x128xf32, #tpu.memory_space<vmem_shared>> -> memref<10240x128xf32, #tpu.memory_space<vmem_shared>>
        tpu.enqueue_indirect_dma source(%dma_start3A_359 : memref<128x128xf32, #tpu.memory_space<vmem>>) target(%dma_start3A_365 : memref<10240x128xf32, #tpu.memory_space<vmem_shared>>) offsets(%dma_start3A_362 : memref<128xi32, #tpu.memory_space<vmem>>) semaphore(%run_scoped3A_355 : memref<!tpu.dma_semaphore, #tpu.memory_space<semaphore_mem>>) {add = true}
        %dma_wait3A_366 = arith.constant 0 : i32
        %dma_wait3A_367 = arith.constant 0 : i32
        %dma_wait3A_368 = tpu.memref_slice %arg8[%run_scoped3A_347, %dma_wait3A_366, %dma_wait3A_367] : memref<2x128x128xf32, #tpu.memory_space<vmem>> -> memref<1x128x128xf32, #tpu.memory_space<vmem>>
        %dma_wait3A_369 = tpu.memref_squeeze %dma_wait3A_368 : memref<1x128x128xf32, #tpu.memory_space<vmem>> -> memref<128x128xf32, #tpu.memory_space<vmem>>
        %dma_wait3A_370 = arith.constant 0 : i32
        %dma_wait3A_371 = tpu.memref_slice %arg10[%add3A_330, %dma_wait3A_370] : memref<40x128xi32, #tpu.memory_space<vmem>> -> memref<1x128xi32, #tpu.memory_space<vmem>>
        %dma_wait3A_372 = tpu.memref_squeeze %dma_wait3A_371 : memref<1x128xi32, #tpu.memory_space<vmem>> -> memref<128xi32, #tpu.memory_space<vmem>>
        %dma_wait3A_373 = arith.constant 0 : i32
        %dma_wait3A_374 = arith.constant 0 : i32
        %dma_wait3A_375 = tpu.memref_slice %arg6[%dma_wait3A_373, %dma_wait3A_374] : memref<10240x128xf32, #tpu.memory_space<vmem_shared>> -> memref<10240x128xf32, #tpu.memory_space<vmem_shared>>
        tpu.wait_indirect_dma semaphore(%run_scoped3A_355 : memref<!tpu.dma_semaphore, #tpu.memory_space<semaphore_mem>>) src(%dma_wait3A_369 : memref<128x128xf32, #tpu.memory_space<vmem>>) dst(%dma_wait3A_375 : memref<10240x128xf32, #tpu.memory_space<vmem_shared>>)
        tpu.yield
      }) : () -> ()
      %add3A_348 = arith.constant 2 : i32
      %add3A_349 = arith.addi %add3A_330, %add3A_348 : i32
      %lt3A_350 = arith.constant 40 : i32
      %lt3A_351 = arith.cmpi slt, %add3A_349, %lt3A_350 : i32
      %convert_element_type3A_352 = arith.extui %lt3A_351 : i1 to i32
      %cond3A_353 = arith.constant 0 : i32
      %cond3A_354 = arith.cmpi ne, %convert_element_type3A_352, %cond3A_353 : i32
      scf.if %cond3A_354 {
        %add3A_355 = arith.constant 2 : i32
        %add3A_356 = arith.addi %add3A_330, %add3A_355 : i32
        %dma_start3A_357 = arith.constant 2 : i32
        %dma_start3A_358 = arith.constant 1 : i32
        %dma_start3A_359 = arith.constant 0 : i32
        %dma_start3A_360 = arith.constant 0 : i32
        %dma_start3A_361 = tpu.memref_slice %arg8[%dma_start3A_358, %dma_start3A_359, %dma_start3A_360] : memref<2x128x128xf32, #tpu.memory_space<vmem>> -> memref<1x128x128xf32, #tpu.memory_space<vmem>>
        %dma_start3A_362 = tpu.memref_squeeze %dma_start3A_361 : memref<1x128x128xf32, #tpu.memory_space<vmem>> -> memref<128x128xf32, #tpu.memory_space<vmem>>
        %dma_start3A_363 = arith.constant 0 : i32
        %dma_start3A_364 = tpu.memref_slice %arg9[%add3A_356, %dma_start3A_363] : memref<40x128xi32, #tpu.memory_space<vmem>> -> memref<1x128xi32, #tpu.memory_space<vmem>>
        %dma_start3A_365 = tpu.memref_squeeze %dma_start3A_364 : memref<1x128xi32, #tpu.memory_space<vmem>> -> memref<128xi32, #tpu.memory_space<vmem>>
        %dma_start3A_366 = arith.constant 0 : i32
        %dma_start3A_367 = arith.constant 0 : i32
        %dma_start3A_368 = tpu.memref_slice %arg4[%dma_start3A_357, %dma_start3A_366, %dma_start3A_367] : memref<3x10240x128xf32, #tpu.memory_space<hbm>> -> memref<1x10240x128xf32, #tpu.memory_space<hbm>>
        %dma_start3A_369 = tpu.memref_squeeze %dma_start3A_368 : memref<1x10240x128xf32, #tpu.memory_space<hbm>> -> memref<10240x128xf32, #tpu.memory_space<hbm>>
        %dma_start3A_370 = arith.constant 0 : i32
        %dma_start3A_371 = arith.constant 0 : i32
        %dma_start3A_372 = tpu.memref_slice %dma_start3A_369[%dma_start3A_370, %dma_start3A_371] : memref<10240x128xf32, #tpu.memory_space<hbm>> -> memref<10240x128xf32, #tpu.memory_space<hbm>>
        tpu.enqueue_indirect_dma source(%dma_start3A_372 : memref<10240x128xf32, #tpu.memory_space<hbm>>) target(%dma_start3A_362 : memref<128x128xf32, #tpu.memory_space<vmem>>) offsets(%dma_start3A_365 : memref<128xi32, #tpu.memory_space<vmem>>) semaphore(%arg12 : memref<!tpu.dma_semaphore, #tpu.memory_space<semaphore_mem>>)
      } else {
      }
    }
    %scan3A_253 = arith.constant 20 : i32
    %add3A_254 = arith.constant 40 : i32
    %add3A_255 = arith.addi %mul3A_2, %add3A_254 : i32
    "tpu.region"() ({
      %run_scoped3A_302 = tpu.sem_alloc : memref<!tpu.dma_semaphore, #tpu.memory_space<semaphore_mem>>
      %dma_start3A_303 = arith.constant 0 : i32
      %dma_start3A_304 = tpu.memref_slice %arg2[%add3A_255, %dma_start3A_303] : memref<2560x128xi32, #tpu.memory_space<hbm>> -> memref<40x128xi32, #tpu.memory_space<hbm>>
      %dma_start3A_305 = arith.constant 0 : i32
      %dma_start3A_306 = tpu.memref_slice %arg2[%add3A_255, %dma_start3A_305] : memref<2560x128xi32, #tpu.memory_space<hbm>> -> memref<40x128xi32, #tpu.memory_space<hbm>>
      tpu.enqueue_dma source(%dma_start3A_306 : memref<40x128xi32, #tpu.memory_space<hbm>>) target(%arg9 : memref<40x128xi32, #tpu.memory_space<vmem>>) target_semaphore(%run_scoped3A_302 : memref<!tpu.dma_semaphore, #tpu.memory_space<semaphore_mem>>)
      %dma_wait3A = arith.constant 0 : i32
      %dma_wait3A_307 = tpu.memref_slice %arg2[%add3A_255, %dma_wait3A] : memref<2560x128xi32, #tpu.memory_space<hbm>> -> memref<40x128xi32, #tpu.memory_space<hbm>>
      %dma_wait3A_308 = arith.constant 0 : i32
      %dma_wait3A_309 = tpu.memref_slice %arg2[%add3A_255, %dma_wait3A_308] : memref<2560x128xi32, #tpu.memory_space<hbm>> -> memref<40x128xi32, #tpu.memory_space<hbm>>
      tpu.wait_dma2 semaphore(%run_scoped3A_302 : memref<!tpu.dma_semaphore, #tpu.memory_space<semaphore_mem>>) src(%dma_wait3A_309 : memref<40x128xi32, #tpu.memory_space<hbm>>) dst(%arg9 : memref<40x128xi32, #tpu.memory_space<vmem>>)
      tpu.yield
    }) : () -> ()
    "tpu.region"() ({
      %run_scoped3A_302 = tpu.sem_alloc : memref<!tpu.dma_semaphore, #tpu.memory_space<semaphore_mem>>
      %dma_start3A_303 = arith.constant 0 : i32
      %dma_start3A_304 = tpu.memref_slice %arg3[%add3A_255, %dma_start3A_303] : memref<2560x128xi32, #tpu.memory_space<hbm>> -> memref<40x128xi32, #tpu.memory_space<hbm>>
      %dma_start3A_305 = arith.constant 0 : i32
      %dma_start3A_306 = tpu.memref_slice %arg3[%add3A_255, %dma_start3A_305] : memref<2560x128xi32, #tpu.memory_space<hbm>> -> memref<40x128xi32, #tpu.memory_space<hbm>>
      tpu.enqueue_dma source(%dma_start3A_306 : memref<40x128xi32, #tpu.memory_space<hbm>>) target(%arg10 : memref<40x128xi32, #tpu.memory_space<vmem>>) target_semaphore(%run_scoped3A_302 : memref<!tpu.dma_semaphore, #tpu.memory_space<semaphore_mem>>)
      %dma_wait3A = arith.constant 0 : i32
      %dma_wait3A_307 = tpu.memref_slice %arg3[%add3A_255, %dma_wait3A] : memref<2560x128xi32, #tpu.memory_space<hbm>> -> memref<40x128xi32, #tpu.memory_space<hbm>>
      %dma_wait3A_308 = arith.constant 0 : i32
      %dma_wait3A_309 = tpu.memref_slice %arg3[%add3A_255, %dma_wait3A_308] : memref<2560x128xi32, #tpu.memory_space<hbm>> -> memref<40x128xi32, #tpu.memory_space<hbm>>
      tpu.wait_dma2 semaphore(%run_scoped3A_302 : memref<!tpu.dma_semaphore, #tpu.memory_space<semaphore_mem>>) src(%dma_wait3A_309 : memref<40x128xi32, #tpu.memory_space<hbm>>) dst(%arg10 : memref<40x128xi32, #tpu.memory_space<vmem>>)
      tpu.yield
    }) : () -> ()
    %dma_start3A_256 = arith.constant 2 : i32
    %dma_start3A_257 = arith.constant 0 : i32
    %dma_start3A_258 = arith.constant 0 : i32
    %dma_start3A_259 = arith.constant 0 : i32
    %dma_start3A_260 = arith.constant 0 : i32
    %dma_start3A_261 = tpu.memref_slice %arg8[%dma_start3A_258, %dma_start3A_259, %dma_start3A_260] : memref<2x128x128xf32, #tpu.memory_space<vmem>> -> memref<1x128x128xf32, #tpu.memory_space<vmem>>
    %dma_start3A_262 = tpu.memref_squeeze %dma_start3A_261 : memref<1x128x128xf32, #tpu.memory_space<vmem>> -> memref<128x128xf32, #tpu.memory_space<vmem>>
    %dma_start3A_263 = arith.constant 0 : i32
    %dma_start3A_264 = tpu.memref_slice %arg9[%dma_start3A_257, %dma_start3A_263] : memref<40x128xi32, #tpu.memory_space<vmem>> -> memref<1x128xi32, #tpu.memory_space<vmem>>
    %dma_start3A_265 = tpu.memref_squeeze %dma_start3A_264 : memref<1x128xi32, #tpu.memory_space<vmem>> -> memref<128xi32, #tpu.memory_space<vmem>>
    %dma_start3A_266 = arith.constant 0 : i32
    %dma_start3A_267 = arith.constant 0 : i32
    %dma_start3A_268 = tpu.memref_slice %arg4[%dma_start3A_256, %dma_start3A_266, %dma_start3A_267] : memref<3x10240x128xf32, #tpu.memory_space<hbm>> -> memref<1x10240x128xf32, #tpu.memory_space<hbm>>
    %dma_start3A_269 = tpu.memref_squeeze %dma_start3A_268 : memref<1x10240x128xf32, #tpu.memory_space<hbm>> -> memref<10240x128xf32, #tpu.memory_space<hbm>>
    %dma_start3A_270 = arith.constant 0 : i32
    %dma_start3A_271 = arith.constant 0 : i32
    %dma_start3A_272 = tpu.memref_slice %dma_start3A_269[%dma_start3A_270, %dma_start3A_271] : memref<10240x128xf32, #tpu.memory_space<hbm>> -> memref<10240x128xf32, #tpu.memory_space<hbm>>
    tpu.enqueue_indirect_dma source(%dma_start3A_272 : memref<10240x128xf32, #tpu.memory_space<hbm>>) target(%dma_start3A_262 : memref<128x128xf32, #tpu.memory_space<vmem>>) offsets(%dma_start3A_265 : memref<128xi32, #tpu.memory_space<vmem>>) semaphore(%arg11 : memref<!tpu.dma_semaphore, #tpu.memory_space<semaphore_mem>>)
    %dma_start3A_273 = arith.constant 2 : i32
    %dma_start3A_274 = arith.constant 1 : i32
    %dma_start3A_275 = arith.constant 1 : i32
    %dma_start3A_276 = arith.constant 0 : i32
    %dma_start3A_277 = arith.constant 0 : i32
    %dma_start3A_278 = tpu.memref_slice %arg8[%dma_start3A_275, %dma_start3A_276, %dma_start3A_277] : memref<2x128x128xf32, #tpu.memory_space<vmem>> -> memref<1x128x128xf32, #tpu.memory_space<vmem>>
    %dma_start3A_279 = tpu.memref_squeeze %dma_start3A_278 : memref<1x128x128xf32, #tpu.memory_space<vmem>> -> memref<128x128xf32, #tpu.memory_space<vmem>>
    %dma_start3A_280 = arith.constant 0 : i32
    %dma_start3A_281 = tpu.memref_slice %arg9[%dma_start3A_274, %dma_start3A_280] : memref<40x128xi32, #tpu.memory_space<vmem>> -> memref<1x128xi32, #tpu.memory_space<vmem>>
    %dma_start3A_282 = tpu.memref_squeeze %dma_start3A_281 : memref<1x128xi32, #tpu.memory_space<vmem>> -> memref<128xi32, #tpu.memory_space<vmem>>
    %dma_start3A_283 = arith.constant 0 : i32
    %dma_start3A_284 = arith.constant 0 : i32
    %dma_start3A_285 = tpu.memref_slice %arg4[%dma_start3A_273, %dma_start3A_283, %dma_start3A_284] : memref<3x10240x128xf32, #tpu.memory_space<hbm>> -> memref<1x10240x128xf32, #tpu.memory_space<hbm>>
    %dma_start3A_286 = tpu.memref_squeeze %dma_start3A_285 : memref<1x10240x128xf32, #tpu.memory_space<hbm>> -> memref<10240x128xf32, #tpu.memory_space<hbm>>
    %dma_start3A_287 = arith.constant 0 : i32
    %dma_start3A_288 = arith.constant 0 : i32
    %dma_start3A_289 = tpu.memref_slice %dma_start3A_286[%dma_start3A_287, %dma_start3A_288] : memref<10240x128xf32, #tpu.memory_space<hbm>> -> memref<10240x128xf32, #tpu.memory_space<hbm>>
    tpu.enqueue_indirect_dma source(%dma_start3A_289 : memref<10240x128xf32, #tpu.memory_space<hbm>>) target(%dma_start3A_279 : memref<128x128xf32, #tpu.memory_space<vmem>>) offsets(%dma_start3A_282 : memref<128xi32, #tpu.memory_space<vmem>>) semaphore(%arg12 : memref<!tpu.dma_semaphore, #tpu.memory_space<semaphore_mem>>)
    %scan3A_290 = arith.constant 0 : i32
    %scan3A_291 = arith.constant 20 : i32
    %scan3A_292 = arith.addi %scan3A_290, %scan3A_291 : i32
    %scan3A_293 = arith.constant 1 : i32
    scf.for %scan3A_302 = %scan3A_290 to %scan3A_292 step %scan3A_293  : i32 {
      %mul3A_303 = arith.constant 2 : i32
      %mul3A_304 = arith.muli %scan3A_302, %mul3A_303 : i32
      %add3A_305 = arith.constant 0 : i32
      %add3A_306 = arith.addi %mul3A_304, %add3A_305 : i32
      %dma_wait3A = arith.constant 2 : i32
      %dma_wait3A_307 = arith.constant 0 : i32
      %dma_wait3A_308 = arith.constant 0 : i32
      %dma_wait3A_309 = arith.constant 0 : i32
      %dma_wait3A_310 = tpu.memref_slice %arg8[%dma_wait3A_307, %dma_wait3A_308, %dma_wait3A_309] : memref<2x128x128xf32, #tpu.memory_space<vmem>> -> memref<1x128x128xf32, #tpu.memory_space<vmem>>
      %dma_wait3A_311 = tpu.memref_squeeze %dma_wait3A_310 : memref<1x128x128xf32, #tpu.memory_space<vmem>> -> memref<128x128xf32, #tpu.memory_space<vmem>>
      %dma_wait3A_312 = arith.constant 0 : i32
      %dma_wait3A_313 = tpu.memref_slice %arg9[%add3A_306, %dma_wait3A_312] : memref<40x128xi32, #tpu.memory_space<vmem>> -> memref<1x128xi32, #tpu.memory_space<vmem>>
      %dma_wait3A_314 = tpu.memref_squeeze %dma_wait3A_313 : memref<1x128xi32, #tpu.memory_space<vmem>> -> memref<128xi32, #tpu.memory_space<vmem>>
      %dma_wait3A_315 = arith.constant 0 : i32
      %dma_wait3A_316 = arith.constant 0 : i32
      %dma_wait3A_317 = tpu.memref_slice %arg4[%dma_wait3A, %dma_wait3A_315, %dma_wait3A_316] : memref<3x10240x128xf32, #tpu.memory_space<hbm>> -> memref<1x10240x128xf32, #tpu.memory_space<hbm>>
      %dma_wait3A_318 = tpu.memref_squeeze %dma_wait3A_317 : memref<1x10240x128xf32, #tpu.memory_space<hbm>> -> memref<10240x128xf32, #tpu.memory_space<hbm>>
      %dma_wait3A_319 = arith.constant 0 : i32
      %dma_wait3A_320 = arith.constant 0 : i32
      %dma_wait3A_321 = tpu.memref_slice %dma_wait3A_318[%dma_wait3A_319, %dma_wait3A_320] : memref<10240x128xf32, #tpu.memory_space<hbm>> -> memref<10240x128xf32, #tpu.memory_space<hbm>>
      tpu.wait_indirect_dma semaphore(%arg11 : memref<!tpu.dma_semaphore, #tpu.memory_space<semaphore_mem>>) src(%dma_wait3A_321 : memref<10240x128xf32, #tpu.memory_space<hbm>>) dst(%dma_wait3A_311 : memref<128x128xf32, #tpu.memory_space<vmem>>)
      %run_scoped3A_322 = arith.constant 0 : i32
      "tpu.region"() ({
        %run_scoped3A_355 = tpu.sem_alloc : memref<!tpu.dma_semaphore, #tpu.memory_space<semaphore_mem>>
        %dma_start3A_356 = arith.constant 0 : i32
        %dma_start3A_357 = arith.constant 0 : i32
        %dma_start3A_358 = tpu.memref_slice %arg8[%run_scoped3A_322, %dma_start3A_356, %dma_start3A_357] : memref<2x128x128xf32, #tpu.memory_space<vmem>> -> memref<1x128x128xf32, #tpu.memory_space<vmem>>
        %dma_start3A_359 = tpu.memref_squeeze %dma_start3A_358 : memref<1x128x128xf32, #tpu.memory_space<vmem>> -> memref<128x128xf32, #tpu.memory_space<vmem>>
        %dma_start3A_360 = arith.constant 0 : i32
        %dma_start3A_361 = tpu.memref_slice %arg10[%add3A_306, %dma_start3A_360] : memref<40x128xi32, #tpu.memory_space<vmem>> -> memref<1x128xi32, #tpu.memory_space<vmem>>
        %dma_start3A_362 = tpu.memref_squeeze %dma_start3A_361 : memref<1x128xi32, #tpu.memory_space<vmem>> -> memref<128xi32, #tpu.memory_space<vmem>>
        %dma_start3A_363 = arith.constant 0 : i32
        %dma_start3A_364 = arith.constant 0 : i32
        %dma_start3A_365 = tpu.memref_slice %arg6[%dma_start3A_363, %dma_start3A_364] : memref<10240x128xf32, #tpu.memory_space<vmem_shared>> -> memref<10240x128xf32, #tpu.memory_space<vmem_shared>>
        tpu.enqueue_indirect_dma source(%dma_start3A_359 : memref<128x128xf32, #tpu.memory_space<vmem>>) target(%dma_start3A_365 : memref<10240x128xf32, #tpu.memory_space<vmem_shared>>) offsets(%dma_start3A_362 : memref<128xi32, #tpu.memory_space<vmem>>) semaphore(%run_scoped3A_355 : memref<!tpu.dma_semaphore, #tpu.memory_space<semaphore_mem>>) {add = true}
        %dma_wait3A_366 = arith.constant 0 : i32
        %dma_wait3A_367 = arith.constant 0 : i32
        %dma_wait3A_368 = tpu.memref_slice %arg8[%run_scoped3A_322, %dma_wait3A_366, %dma_wait3A_367] : memref<2x128x128xf32, #tpu.memory_space<vmem>> -> memref<1x128x128xf32, #tpu.memory_space<vmem>>
        %dma_wait3A_369 = tpu.memref_squeeze %dma_wait3A_368 : memref<1x128x128xf32, #tpu.memory_space<vmem>> -> memref<128x128xf32, #tpu.memory_space<vmem>>
        %dma_wait3A_370 = arith.constant 0 : i32
        %dma_wait3A_371 = tpu.memref_slice %arg10[%add3A_306, %dma_wait3A_370] : memref<40x128xi32, #tpu.memory_space<vmem>> -> memref<1x128xi32, #tpu.memory_space<vmem>>
        %dma_wait3A_372 = tpu.memref_squeeze %dma_wait3A_371 : memref<1x128xi32, #tpu.memory_space<vmem>> -> memref<128xi32, #tpu.memory_space<vmem>>
        %dma_wait3A_373 = arith.constant 0 : i32
        %dma_wait3A_374 = arith.constant 0 : i32
        %dma_wait3A_375 = tpu.memref_slice %arg6[%dma_wait3A_373, %dma_wait3A_374] : memref<10240x128xf32, #tpu.memory_space<vmem_shared>> -> memref<10240x128xf32, #tpu.memory_space<vmem_shared>>
        tpu.wait_indirect_dma semaphore(%run_scoped3A_355 : memref<!tpu.dma_semaphore, #tpu.memory_space<semaphore_mem>>) src(%dma_wait3A_369 : memref<128x128xf32, #tpu.memory_space<vmem>>) dst(%dma_wait3A_375 : memref<10240x128xf32, #tpu.memory_space<vmem_shared>>)
        tpu.yield
      }) : () -> ()
      %add3A_323 = arith.constant 2 : i32
      %add3A_324 = arith.addi %add3A_306, %add3A_323 : i32
      %lt3A = arith.constant 40 : i32
      %lt3A_325 = arith.cmpi slt, %add3A_324, %lt3A : i32
      %convert_element_type3A = arith.extui %lt3A_325 : i1 to i32
      %cond3A = arith.constant 0 : i32
      %cond3A_326 = arith.cmpi ne, %convert_element_type3A, %cond3A : i32
      scf.if %cond3A_326 {
        %add3A_355 = arith.constant 2 : i32
        %add3A_356 = arith.addi %add3A_306, %add3A_355 : i32
        %dma_start3A_357 = arith.constant 2 : i32
        %dma_start3A_358 = arith.constant 0 : i32
        %dma_start3A_359 = arith.constant 0 : i32
        %dma_start3A_360 = arith.constant 0 : i32
        %dma_start3A_361 = tpu.memref_slice %arg8[%dma_start3A_358, %dma_start3A_359, %dma_start3A_360] : memref<2x128x128xf32, #tpu.memory_space<vmem>> -> memref<1x128x128xf32, #tpu.memory_space<vmem>>
        %dma_start3A_362 = tpu.memref_squeeze %dma_start3A_361 : memref<1x128x128xf32, #tpu.memory_space<vmem>> -> memref<128x128xf32, #tpu.memory_space<vmem>>
        %dma_start3A_363 = arith.constant 0 : i32
        %dma_start3A_364 = tpu.memref_slice %arg9[%add3A_356, %dma_start3A_363] : memref<40x128xi32, #tpu.memory_space<vmem>> -> memref<1x128xi32, #tpu.memory_space<vmem>>
        %dma_start3A_365 = tpu.memref_squeeze %dma_start3A_364 : memref<1x128xi32, #tpu.memory_space<vmem>> -> memref<128xi32, #tpu.memory_space<vmem>>
        %dma_start3A_366 = arith.constant 0 : i32
        %dma_start3A_367 = arith.constant 0 : i32
        %dma_start3A_368 = tpu.memref_slice %arg4[%dma_start3A_357, %dma_start3A_366, %dma_start3A_367] : memref<3x10240x128xf32, #tpu.memory_space<hbm>> -> memref<1x10240x128xf32, #tpu.memory_space<hbm>>
        %dma_start3A_369 = tpu.memref_squeeze %dma_start3A_368 : memref<1x10240x128xf32, #tpu.memory_space<hbm>> -> memref<10240x128xf32, #tpu.memory_space<hbm>>
        %dma_start3A_370 = arith.constant 0 : i32
        %dma_start3A_371 = arith.constant 0 : i32
        %dma_start3A_372 = tpu.memref_slice %dma_start3A_369[%dma_start3A_370, %dma_start3A_371] : memref<10240x128xf32, #tpu.memory_space<hbm>> -> memref<10240x128xf32, #tpu.memory_space<hbm>>
        tpu.enqueue_indirect_dma source(%dma_start3A_372 : memref<10240x128xf32, #tpu.memory_space<hbm>>) target(%dma_start3A_362 : memref<128x128xf32, #tpu.memory_space<vmem>>) offsets(%dma_start3A_365 : memref<128xi32, #tpu.memory_space<vmem>>) semaphore(%arg11 : memref<!tpu.dma_semaphore, #tpu.memory_space<semaphore_mem>>)
      } else {
      }
      %mul3A_327 = arith.constant 2 : i32
      %mul3A_328 = arith.muli %scan3A_302, %mul3A_327 : i32
      %add3A_329 = arith.constant 1 : i32
      %add3A_330 = arith.addi %mul3A_328, %add3A_329 : i32
      %dma_wait3A_331 = arith.constant 2 : i32
      %dma_wait3A_332 = arith.constant 1 : i32
      %dma_wait3A_333 = arith.constant 0 : i32
      %dma_wait3A_334 = arith.constant 0 : i32
      %dma_wait3A_335 = tpu.memref_slice %arg8[%dma_wait3A_332, %dma_wait3A_333, %dma_wait3A_334] : memref<2x128x128xf32, #tpu.memory_space<vmem>> -> memref<1x128x128xf32, #tpu.memory_space<vmem>>
      %dma_wait3A_336 = tpu.memref_squeeze %dma_wait3A_335 : memref<1x128x128xf32, #tpu.memory_space<vmem>> -> memref<128x128xf32, #tpu.memory_space<vmem>>
      %dma_wait3A_337 = arith.constant 0 : i32
      %dma_wait3A_338 = tpu.memref_slice %arg9[%add3A_330, %dma_wait3A_337] : memref<40x128xi32, #tpu.memory_space<vmem>> -> memref<1x128xi32, #tpu.memory_space<vmem>>
      %dma_wait3A_339 = tpu.memref_squeeze %dma_wait3A_338 : memref<1x128xi32, #tpu.memory_space<vmem>> -> memref<128xi32, #tpu.memory_space<vmem>>
      %dma_wait3A_340 = arith.constant 0 : i32
      %dma_wait3A_341 = arith.constant 0 : i32
      %dma_wait3A_342 = tpu.memref_slice %arg4[%dma_wait3A_331, %dma_wait3A_340, %dma_wait3A_341] : memref<3x10240x128xf32, #tpu.memory_space<hbm>> -> memref<1x10240x128xf32, #tpu.memory_space<hbm>>
      %dma_wait3A_343 = tpu.memref_squeeze %dma_wait3A_342 : memref<1x10240x128xf32, #tpu.memory_space<hbm>> -> memref<10240x128xf32, #tpu.memory_space<hbm>>
      %dma_wait3A_344 = arith.constant 0 : i32
      %dma_wait3A_345 = arith.constant 0 : i32
      %dma_wait3A_346 = tpu.memref_slice %dma_wait3A_343[%dma_wait3A_344, %dma_wait3A_345] : memref<10240x128xf32, #tpu.memory_space<hbm>> -> memref<10240x128xf32, #tpu.memory_space<hbm>>
      tpu.wait_indirect_dma semaphore(%arg12 : memref<!tpu.dma_semaphore, #tpu.memory_space<semaphore_mem>>) src(%dma_wait3A_346 : memref<10240x128xf32, #tpu.memory_space<hbm>>) dst(%dma_wait3A_336 : memref<128x128xf32, #tpu.memory_space<vmem>>)
      %run_scoped3A_347 = arith.constant 1 : i32
      "tpu.region"() ({
        %run_scoped3A_355 = tpu.sem_alloc : memref<!tpu.dma_semaphore, #tpu.memory_space<semaphore_mem>>
        %dma_start3A_356 = arith.constant 0 : i32
        %dma_start3A_357 = arith.constant 0 : i32
        %dma_start3A_358 = tpu.memref_slice %arg8[%run_scoped3A_347, %dma_start3A_356, %dma_start3A_357] : memref<2x128x128xf32, #tpu.memory_space<vmem>> -> memref<1x128x128xf32, #tpu.memory_space<vmem>>
        %dma_start3A_359 = tpu.memref_squeeze %dma_start3A_358 : memref<1x128x128xf32, #tpu.memory_space<vmem>> -> memref<128x128xf32, #tpu.memory_space<vmem>>
        %dma_start3A_360 = arith.constant 0 : i32
        %dma_start3A_361 = tpu.memref_slice %arg10[%add3A_330, %dma_start3A_360] : memref<40x128xi32, #tpu.memory_space<vmem>> -> memref<1x128xi32, #tpu.memory_space<vmem>>
        %dma_start3A_362 = tpu.memref_squeeze %dma_start3A_361 : memref<1x128xi32, #tpu.memory_space<vmem>> -> memref<128xi32, #tpu.memory_space<vmem>>
        %dma_start3A_363 = arith.constant 0 : i32
        %dma_start3A_364 = arith.constant 0 : i32
        %dma_start3A_365 = tpu.memref_slice %arg6[%dma_start3A_363, %dma_start3A_364] : memref<10240x128xf32, #tpu.memory_space<vmem_shared>> -> memref<10240x128xf32, #tpu.memory_space<vmem_shared>>
        tpu.enqueue_indirect_dma source(%dma_start3A_359 : memref<128x128xf32, #tpu.memory_space<vmem>>) target(%dma_start3A_365 : memref<10240x128xf32, #tpu.memory_space<vmem_shared>>) offsets(%dma_start3A_362 : memref<128xi32, #tpu.memory_space<vmem>>) semaphore(%run_scoped3A_355 : memref<!tpu.dma_semaphore, #tpu.memory_space<semaphore_mem>>) {add = true}
        %dma_wait3A_366 = arith.constant 0 : i32
        %dma_wait3A_367 = arith.constant 0 : i32
        %dma_wait3A_368 = tpu.memref_slice %arg8[%run_scoped3A_347, %dma_wait3A_366, %dma_wait3A_367] : memref<2x128x128xf32, #tpu.memory_space<vmem>> -> memref<1x128x128xf32, #tpu.memory_space<vmem>>
        %dma_wait3A_369 = tpu.memref_squeeze %dma_wait3A_368 : memref<1x128x128xf32, #tpu.memory_space<vmem>> -> memref<128x128xf32, #tpu.memory_space<vmem>>
        %dma_wait3A_370 = arith.constant 0 : i32
        %dma_wait3A_371 = tpu.memref_slice %arg10[%add3A_330, %dma_wait3A_370] : memref<40x128xi32, #tpu.memory_space<vmem>> -> memref<1x128xi32, #tpu.memory_space<vmem>>
        %dma_wait3A_372 = tpu.memref_squeeze %dma_wait3A_371 : memref<1x128xi32, #tpu.memory_space<vmem>> -> memref<128xi32, #tpu.memory_space<vmem>>
        %dma_wait3A_373 = arith.constant 0 : i32
        %dma_wait3A_374 = arith.constant 0 : i32
        %dma_wait3A_375 = tpu.memref_slice %arg6[%dma_wait3A_373, %dma_wait3A_374] : memref<10240x128xf32, #tpu.memory_space<vmem_shared>> -> memref<10240x128xf32, #tpu.memory_space<vmem_shared>>
        tpu.wait_indirect_dma semaphore(%run_scoped3A_355 : memref<!tpu.dma_semaphore, #tpu.memory_space<semaphore_mem>>) src(%dma_wait3A_369 : memref<128x128xf32, #tpu.memory_space<vmem>>) dst(%dma_wait3A_375 : memref<10240x128xf32, #tpu.memory_space<vmem_shared>>)
        tpu.yield
      }) : () -> ()
      %add3A_348 = arith.constant 2 : i32
      %add3A_349 = arith.addi %add3A_330, %add3A_348 : i32
      %lt3A_350 = arith.constant 40 : i32
      %lt3A_351 = arith.cmpi slt, %add3A_349, %lt3A_350 : i32
      %convert_element_type3A_352 = arith.extui %lt3A_351 : i1 to i32
      %cond3A_353 = arith.constant 0 : i32
      %cond3A_354 = arith.cmpi ne, %convert_element_type3A_352, %cond3A_353 : i32
      scf.if %cond3A_354 {
        %add3A_355 = arith.constant 2 : i32
        %add3A_356 = arith.addi %add3A_330, %add3A_355 : i32
        %dma_start3A_357 = arith.constant 2 : i32
        %dma_start3A_358 = arith.constant 1 : i32
        %dma_start3A_359 = arith.constant 0 : i32
        %dma_start3A_360 = arith.constant 0 : i32
        %dma_start3A_361 = tpu.memref_slice %arg8[%dma_start3A_358, %dma_start3A_359, %dma_start3A_360] : memref<2x128x128xf32, #tpu.memory_space<vmem>> -> memref<1x128x128xf32, #tpu.memory_space<vmem>>
        %dma_start3A_362 = tpu.memref_squeeze %dma_start3A_361 : memref<1x128x128xf32, #tpu.memory_space<vmem>> -> memref<128x128xf32, #tpu.memory_space<vmem>>
        %dma_start3A_363 = arith.constant 0 : i32
        %dma_start3A_364 = tpu.memref_slice %arg9[%add3A_356, %dma_start3A_363] : memref<40x128xi32, #tpu.memory_space<vmem>> -> memref<1x128xi32, #tpu.memory_space<vmem>>
        %dma_start3A_365 = tpu.memref_squeeze %dma_start3A_364 : memref<1x128xi32, #tpu.memory_space<vmem>> -> memref<128xi32, #tpu.memory_space<vmem>>
        %dma_start3A_366 = arith.constant 0 : i32
        %dma_start3A_367 = arith.constant 0 : i32
        %dma_start3A_368 = tpu.memref_slice %arg4[%dma_start3A_357, %dma_start3A_366, %dma_start3A_367] : memref<3x10240x128xf32, #tpu.memory_space<hbm>> -> memref<1x10240x128xf32, #tpu.memory_space<hbm>>
        %dma_start3A_369 = tpu.memref_squeeze %dma_start3A_368 : memref<1x10240x128xf32, #tpu.memory_space<hbm>> -> memref<10240x128xf32, #tpu.memory_space<hbm>>
        %dma_start3A_370 = arith.constant 0 : i32
        %dma_start3A_371 = arith.constant 0 : i32
        %dma_start3A_372 = tpu.memref_slice %dma_start3A_369[%dma_start3A_370, %dma_start3A_371] : memref<10240x128xf32, #tpu.memory_space<hbm>> -> memref<10240x128xf32, #tpu.memory_space<hbm>>
        tpu.enqueue_indirect_dma source(%dma_start3A_372 : memref<10240x128xf32, #tpu.memory_space<hbm>>) target(%dma_start3A_362 : memref<128x128xf32, #tpu.memory_space<vmem>>) offsets(%dma_start3A_365 : memref<128xi32, #tpu.memory_space<vmem>>) semaphore(%arg12 : memref<!tpu.dma_semaphore, #tpu.memory_space<semaphore_mem>>)
      } else {
      }
    }
    %scan3A_294 = arith.constant 20 : i32
    %barrier3A_295 = arith.constant 0 : index
    tpu.barrier barrier_id(%barrier3A_295)
    %mul3A_296 = arith.constant 640 : i32
    %mul3A_297 = arith.muli %arg1, %mul3A_296 : i32
    %mul3A_298 = arith.constant 640 : i32
    %mul3A_299 = arith.muli %arg1, %mul3A_298 : i32
    %run_scoped3A_300 = arith.constant 2 : i32
    "tpu.region"() ({
      %run_scoped3A_302 = tpu.sem_alloc : memref<!tpu.dma_semaphore, #tpu.memory_space<semaphore_mem>>
      %dma_start3A_303 = arith.constant 0 : i32
      %dma_start3A_304 = tpu.memref_slice %arg5[%run_scoped3A_300, %arg0, %mul3A_299, %dma_start3A_303] : memref<3x2x10240x128xf32, #tpu.memory_space<hbm>> -> memref<1x1x640x128xf32, #tpu.memory_space<hbm>>
      %dma_start3A_305 = tpu.memref_squeeze %dma_start3A_304 : memref<1x1x640x128xf32, #tpu.memory_space<hbm>> -> memref<640x128xf32, #tpu.memory_space<hbm>>
      %dma_start3A_306 = arith.constant 0 : i32
      %dma_start3A_307 = tpu.memref_slice %arg6[%mul3A_297, %dma_start3A_306] : memref<10240x128xf32, #tpu.memory_space<vmem_shared>> -> memref<640x128xf32, #tpu.memory_space<vmem_shared>>
      tpu.enqueue_dma source(%dma_start3A_307 : memref<640x128xf32, #tpu.memory_space<vmem_shared>>) target(%dma_start3A_305 : memref<640x128xf32, #tpu.memory_space<hbm>>) target_semaphore(%run_scoped3A_302 : memref<!tpu.dma_semaphore, #tpu.memory_space<semaphore_mem>>)
      %dma_wait3A = arith.constant 0 : i32
      %dma_wait3A_308 = tpu.memref_slice %arg5[%run_scoped3A_300, %arg0, %mul3A_299, %dma_wait3A] : memref<3x2x10240x128xf32, #tpu.memory_space<hbm>> -> memref<1x1x640x128xf32, #tpu.memory_space<hbm>>
      %dma_wait3A_309 = tpu.memref_squeeze %dma_wait3A_308 : memref<1x1x640x128xf32, #tpu.memory_space<hbm>> -> memref<640x128xf32, #tpu.memory_space<hbm>>
      %dma_wait3A_310 = arith.constant 0 : i32
      %dma_wait3A_311 = tpu.memref_slice %arg6[%mul3A_297, %dma_wait3A_310] : memref<10240x128xf32, #tpu.memory_space<vmem_shared>> -> memref<640x128xf32, #tpu.memory_space<vmem_shared>>
      tpu.wait_dma2 semaphore(%run_scoped3A_302 : memref<!tpu.dma_semaphore, #tpu.memory_space<semaphore_mem>>) src(%dma_wait3A_311 : memref<640x128xf32, #tpu.memory_space<vmem_shared>>) dst(%dma_wait3A_309 : memref<640x128xf32, #tpu.memory_space<hbm>>)
      tpu.yield
    }) : () -> ()
    %barrier3A_301 = arith.constant 0 : index
    tpu.barrier barrier_id(%barrier3A_301)
    return
  }
}

module attributes {stable_mosaic.version = 14 : i64} {
  func.func @_proj_body(%arg0: i32, %arg1: memref<1000x128xf32, #tpu.memory_space<vmem>>, %arg2: memref<1000x128xf32, #tpu.memory_space<vmem>>, %arg3: memref<1000x128xf32, #tpu.memory_space<vmem>>, %arg4: memref<3x128x128xf32, #tpu.memory_space<vmem>>, %arg5: memref<3x128xf32, #tpu.memory_space<vmem>>, %arg6: memref<3x128x128xf32, #tpu.memory_space<vmem>>, %arg7: memref<3x1000x128xf32, #tpu.memory_space<vmem>>, %arg8: memref<8x128xf32, #tpu.memory_space<vmem>>) attributes {dimension_semantics = [#tpu.dimension_semantics<arbitrary>], iteration_bounds = array<i64: 10>, scalar_prefetch = 0 : i64, scratch_operands = 0 : i64, tpu.core_type = #tpu.core_type<tc>, window_params = [{transform_indices = @transform_0, window_bounds = array<i64: 1000, 128>}, {transform_indices = @transform_1, window_bounds = array<i64: 1000, 128>}, {transform_indices = @transform_2, window_bounds = array<i64: 1000, 128>}, {pipeline_mode = #tpu.pipeline_mode<synchronous>, transform_indices = @transform_3, window_bounds = array<i64: 3, 128, 128>}, {pipeline_mode = #tpu.pipeline_mode<synchronous>, transform_indices = @transform_4, window_bounds = array<i64: 3, 128>}, {pipeline_mode = #tpu.pipeline_mode<synchronous>, transform_indices = @transform_5, window_bounds = array<i64: 3, 128, 128>}, {transform_indices = @transform_6, window_bounds = array<i64: 3, 1000, 128>}, {pipeline_mode = #tpu.pipeline_mode<synchronous>, transform_indices = @transform_7, window_bounds = array<i64: 8, 128>}]} {
    %get3A = arith.constant 0 : index
    %get3A_0 = arith.constant 0 : index
    %get3A_1 = vector.load %arg1[%get3A, %get3A_0] : memref<1000x128xf32, #tpu.memory_space<vmem>>, vector<1000x128xf32>
    %get3A_2 = arith.constant 0 : index
    %get3A_3 = arith.constant 0 : index
    %get3A_4 = vector.load %arg2[%get3A_2, %get3A_3] : memref<1000x128xf32, #tpu.memory_space<vmem>>, vector<1000x128xf32>
    %get3A_5 = arith.constant 0 : index
    %get3A_6 = arith.constant 0 : index
    %get3A_7 = vector.load %arg3[%get3A_5, %get3A_6] : memref<1000x128xf32, #tpu.memory_space<vmem>>, vector<1000x128xf32>
    %get3A_8 = arith.constant 0 : index
    %get3A_9 = arith.constant 0 : index
    %get3A_10 = arith.constant 0 : index
    %get3A_11 = vector.load %arg4[%get3A_8, %get3A_9, %get3A_10] : memref<3x128x128xf32, #tpu.memory_space<vmem>>, vector<1x128x128xf32>
    %get3A_12 = vector.shape_cast %get3A_11 : vector<1x128x128xf32> to vector<128x128xf32>
    %dot_general3A = arith.constant dense<0.000000e+00> : vector<1000x128xf32>
    %dot_general3A_13 = tpu.matmul %get3A_1, %get3A_12, %dot_general3A {dimension_numbers = #tpu.dot_dimension_numbers<[1], [1], [0], [0], [0, 0, 1, 0], [], []>, transpose_lhs_hint = false} : vector<1000x128xf32>, vector<128x128xf32>, vector<1000x128xf32> -> vector<1000x128xf32>
    %get3A_14 = arith.constant 0 : index
    %get3A_15 = arith.constant 0 : index
    %get3A_16 = vector.load %arg5[%get3A_14, %get3A_15] : memref<3x128xf32, #tpu.memory_space<vmem>>, vector<1x128xf32>
    %add3A = vector.broadcast %get3A_16 : vector<1x128xf32> to vector<1000x128xf32>
    %add3A_17 = arith.addf %dot_general3A_13, %add3A : vector<1000x128xf32>
    %max3A = arith.constant 0.000000e+00 : f32
    %max3A_18 = vector.broadcast %max3A : f32 to vector<1000x128xf32>
    %max3A_19 = arith.maximumf %add3A_17, %max3A_18 : vector<1000x128xf32>
    %swap3A = arith.constant 0 : index
    %swap3A_20 = arith.constant 0 : index
    %swap3A_21 = arith.constant 0 : index
    %swap3A_22 = vector.load %arg7[%swap3A, %swap3A_20, %swap3A_21] : memref<3x1000x128xf32, #tpu.memory_space<vmem>>, vector<1x1000x128xf32>
    %swap3A_23 = vector.shape_cast %swap3A_22 : vector<1x1000x128xf32> to vector<1000x128xf32>
    %swap3A_24 = vector.shape_cast %max3A_19 : vector<1000x128xf32> to vector<1x1000x128xf32>
    tpu.vector_store %arg7[%swap3A, %swap3A_20, %swap3A_21], %swap3A_24 {strides = array<i32>} : memref<3x1000x128xf32, #tpu.memory_space<vmem>>, vector<1x1000x128xf32>,
    %get3A_25 = arith.constant 0 : index
    %get3A_26 = arith.constant 0 : index
    %get3A_27 = arith.constant 0 : index
    %get3A_28 = vector.load %arg6[%get3A_25, %get3A_26, %get3A_27] : memref<3x128x128xf32, #tpu.memory_space<vmem>>, vector<1x128x128xf32>
    %get3A_29 = vector.shape_cast %get3A_28 : vector<1x128x128xf32> to vector<128x128xf32>
    %dot_general3A_30 = arith.constant dense<0.000000e+00> : vector<1000x128xf32>
    %dot_general3A_31 = tpu.matmul %max3A_19, %get3A_29, %dot_general3A_30 {dimension_numbers = #tpu.dot_dimension_numbers<[1], [1], [0], [0], [0, 0, 1, 0], [], []>, transpose_lhs_hint = false} : vector<1000x128xf32>, vector<128x128xf32>, vector<1000x128xf32> -> vector<1000x128xf32>
    %mul3A = arith.mulf %dot_general3A_31, %dot_general3A_31 : vector<1000x128xf32>
    %reduce_sum3A = arith.constant dense<0.000000e+00> : vector<1000xf32>
    %reduce_sum3A_32 = vector.multi_reduction <add>, %mul3A, %reduce_sum3A [1] : vector<1000x128xf32> to vector<1000xf32>
    %broadcast_in_dim3A = vector.shape_cast %reduce_sum3A_32 : vector<1000xf32> to vector<1000x1xf32>
    %sqrt3A = math.sqrt %broadcast_in_dim3A : vector<1000x1xf32>
    %max3A_33 = arith.constant 9.99999996E-13 : f32
    %max3A_34 = vector.broadcast %max3A_33 : f32 to vector<1000x1xf32>
    %max3A_35 = arith.maximumf %sqrt3A, %max3A_34 : vector<1000x1xf32>
    %div3A = vector.broadcast %max3A_35 : vector<1000x1xf32> to vector<1000x128xf32>
    %div3A_36 = arith.divf %dot_general3A_31, %div3A : vector<1000x128xf32>
    %get3A_37 = arith.constant 1 : index
    %get3A_38 = arith.constant 0 : index
    %get3A_39 = arith.constant 0 : index
    %get3A_40 = vector.load %arg4[%get3A_37, %get3A_38, %get3A_39] : memref<3x128x128xf32, #tpu.memory_space<vmem>>, vector<1x128x128xf32>
    %get3A_41 = vector.shape_cast %get3A_40 : vector<1x128x128xf32> to vector<128x128xf32>
    %dot_general3A_42 = arith.constant dense<0.000000e+00> : vector<1000x128xf32>
    %dot_general3A_43 = tpu.matmul %get3A_4, %get3A_41, %dot_general3A_42 {dimension_numbers = #tpu.dot_dimension_numbers<[1], [1], [0], [0], [0, 0, 1, 0], [], []>, transpose_lhs_hint = false} : vector<1000x128xf32>, vector<128x128xf32>, vector<1000x128xf32> -> vector<1000x128xf32>
    %get3A_44 = arith.constant 1 : index
    %get3A_45 = arith.constant 0 : index
    %get3A_46 = vector.load %arg5[%get3A_44, %get3A_45] : memref<3x128xf32, #tpu.memory_space<vmem>>, vector<1x128xf32>
    %add3A_47 = vector.broadcast %get3A_46 : vector<1x128xf32> to vector<1000x128xf32>
    %add3A_48 = arith.addf %dot_general3A_43, %add3A_47 : vector<1000x128xf32>
    %max3A_49 = arith.constant 0.000000e+00 : f32
    %max3A_50 = vector.broadcast %max3A_49 : f32 to vector<1000x128xf32>
    %max3A_51 = arith.maximumf %add3A_48, %max3A_50 : vector<1000x128xf32>
    %swap3A_52 = arith.constant 1 : index
    %swap3A_53 = arith.constant 0 : index
    %swap3A_54 = arith.constant 0 : index
    %swap3A_55 = vector.load %arg7[%swap3A_52, %swap3A_53, %swap3A_54] : memref<3x1000x128xf32, #tpu.memory_space<vmem>>, vector<1x1000x128xf32>
    %swap3A_56 = vector.shape_cast %swap3A_55 : vector<1x1000x128xf32> to vector<1000x128xf32>
    %swap3A_57 = vector.shape_cast %max3A_51 : vector<1000x128xf32> to vector<1x1000x128xf32>
    tpu.vector_store %arg7[%swap3A_52, %swap3A_53, %swap3A_54], %swap3A_57 {strides = array<i32>} : memref<3x1000x128xf32, #tpu.memory_space<vmem>>, vector<1x1000x128xf32>,
    %get3A_58 = arith.constant 1 : index
    %get3A_59 = arith.constant 0 : index
    %get3A_60 = arith.constant 0 : index
    %get3A_61 = vector.load %arg6[%get3A_58, %get3A_59, %get3A_60] : memref<3x128x128xf32, #tpu.memory_space<vmem>>, vector<1x128x128xf32>
    %get3A_62 = vector.shape_cast %get3A_61 : vector<1x128x128xf32> to vector<128x128xf32>
    %dot_general3A_63 = arith.constant dense<0.000000e+00> : vector<1000x128xf32>
    %dot_general3A_64 = tpu.matmul %max3A_51, %get3A_62, %dot_general3A_63 {dimension_numbers = #tpu.dot_dimension_numbers<[1], [1], [0], [0], [0, 0, 1, 0], [], []>, transpose_lhs_hint = false} : vector<1000x128xf32>, vector<128x128xf32>, vector<1000x128xf32> -> vector<1000x128xf32>
    %mul3A_65 = arith.mulf %dot_general3A_64, %dot_general3A_64 : vector<1000x128xf32>
    %reduce_sum3A_66 = arith.constant dense<0.000000e+00> : vector<1000xf32>
    %reduce_sum3A_67 = vector.multi_reduction <add>, %mul3A_65, %reduce_sum3A_66 [1] : vector<1000x128xf32> to vector<1000xf32>
    %broadcast_in_dim3A_68 = vector.shape_cast %reduce_sum3A_67 : vector<1000xf32> to vector<1000x1xf32>
    %sqrt3A_69 = math.sqrt %broadcast_in_dim3A_68 : vector<1000x1xf32>
    %max3A_70 = arith.constant 9.99999996E-13 : f32
    %max3A_71 = vector.broadcast %max3A_70 : f32 to vector<1000x1xf32>
    %max3A_72 = arith.maximumf %sqrt3A_69, %max3A_71 : vector<1000x1xf32>
    %div3A_73 = vector.broadcast %max3A_72 : vector<1000x1xf32> to vector<1000x128xf32>
    %div3A_74 = arith.divf %dot_general3A_64, %div3A_73 : vector<1000x128xf32>
    %get3A_75 = arith.constant 2 : index
    %get3A_76 = arith.constant 0 : index
    %get3A_77 = arith.constant 0 : index
    %get3A_78 = vector.load %arg4[%get3A_75, %get3A_76, %get3A_77] : memref<3x128x128xf32, #tpu.memory_space<vmem>>, vector<1x128x128xf32>
    %get3A_79 = vector.shape_cast %get3A_78 : vector<1x128x128xf32> to vector<128x128xf32>
    %dot_general3A_80 = arith.constant dense<0.000000e+00> : vector<1000x128xf32>
    %dot_general3A_81 = tpu.matmul %get3A_7, %get3A_79, %dot_general3A_80 {dimension_numbers = #tpu.dot_dimension_numbers<[1], [1], [0], [0], [0, 0, 1, 0], [], []>, transpose_lhs_hint = false} : vector<1000x128xf32>, vector<128x128xf32>, vector<1000x128xf32> -> vector<1000x128xf32>
    %get3A_82 = arith.constant 2 : index
    %get3A_83 = arith.constant 0 : index
    %get3A_84 = vector.load %arg5[%get3A_82, %get3A_83] : memref<3x128xf32, #tpu.memory_space<vmem>>, vector<1x128xf32>
    %add3A_85 = vector.broadcast %get3A_84 : vector<1x128xf32> to vector<1000x128xf32>
    %add3A_86 = arith.addf %dot_general3A_81, %add3A_85 : vector<1000x128xf32>
    %max3A_87 = arith.constant 0.000000e+00 : f32
    %max3A_88 = vector.broadcast %max3A_87 : f32 to vector<1000x128xf32>
    %max3A_89 = arith.maximumf %add3A_86, %max3A_88 : vector<1000x128xf32>
    %swap3A_90 = arith.constant 2 : index
    %swap3A_91 = arith.constant 0 : index
    %swap3A_92 = arith.constant 0 : index
    %swap3A_93 = vector.load %arg7[%swap3A_90, %swap3A_91, %swap3A_92] : memref<3x1000x128xf32, #tpu.memory_space<vmem>>, vector<1x1000x128xf32>
    %swap3A_94 = vector.shape_cast %swap3A_93 : vector<1x1000x128xf32> to vector<1000x128xf32>
    %swap3A_95 = vector.shape_cast %max3A_89 : vector<1000x128xf32> to vector<1x1000x128xf32>
    tpu.vector_store %arg7[%swap3A_90, %swap3A_91, %swap3A_92], %swap3A_95 {strides = array<i32>} : memref<3x1000x128xf32, #tpu.memory_space<vmem>>, vector<1x1000x128xf32>,
    %get3A_96 = arith.constant 2 : index
    %get3A_97 = arith.constant 0 : index
    %get3A_98 = arith.constant 0 : index
    %get3A_99 = vector.load %arg6[%get3A_96, %get3A_97, %get3A_98] : memref<3x128x128xf32, #tpu.memory_space<vmem>>, vector<1x128x128xf32>
    %get3A_100 = vector.shape_cast %get3A_99 : vector<1x128x128xf32> to vector<128x128xf32>
    %dot_general3A_101 = arith.constant dense<0.000000e+00> : vector<1000x128xf32>
    %dot_general3A_102 = tpu.matmul %max3A_89, %get3A_100, %dot_general3A_101 {dimension_numbers = #tpu.dot_dimension_numbers<[1], [1], [0], [0], [0, 0, 1, 0], [], []>, transpose_lhs_hint = false} : vector<1000x128xf32>, vector<128x128xf32>, vector<1000x128xf32> -> vector<1000x128xf32>
    %mul3A_103 = arith.mulf %dot_general3A_102, %dot_general3A_102 : vector<1000x128xf32>
    %reduce_sum3A_104 = arith.constant dense<0.000000e+00> : vector<1000xf32>
    %reduce_sum3A_105 = vector.multi_reduction <add>, %mul3A_103, %reduce_sum3A_104 [1] : vector<1000x128xf32> to vector<1000xf32>
    %broadcast_in_dim3A_106 = vector.shape_cast %reduce_sum3A_105 : vector<1000xf32> to vector<1000x1xf32>
    %sqrt3A_107 = math.sqrt %broadcast_in_dim3A_106 : vector<1000x1xf32>
    %max3A_108 = arith.constant 9.99999996E-13 : f32
    %max3A_109 = vector.broadcast %max3A_108 : f32 to vector<1000x1xf32>
    %max3A_110 = arith.maximumf %sqrt3A_107, %max3A_109 : vector<1000x1xf32>
    %div3A_111 = vector.broadcast %max3A_110 : vector<1000x1xf32> to vector<1000x128xf32>
    %div3A_112 = arith.divf %dot_general3A_102, %div3A_111 : vector<1000x128xf32>
    %mul3A_113 = arith.mulf %div3A_36, %div3A_36 : vector<1000x128xf32>
    %reduce_sum3A_114 = vector.shape_cast %mul3A_113 : vector<1000x128xf32> to vector<1x1000x128xf32>
    %reduce_sum3A_115 = arith.constant dense<0.000000e+00> : vector<1xf32>
    %reduce_sum3A_116 = vector.multi_reduction <add>, %reduce_sum3A_114, %reduce_sum3A_115 [1, 2] : vector<1x1000x128xf32> to vector<1xf32>
    %reduce_sum3A_117 = vector.shape_cast %reduce_sum3A_116 : vector<1xf32> to vector<1x1x1xf32>
    %reduce_sum3A_118 = vector.extract %reduce_sum3A_117[0, 0, 0] : f32 from vector<1x1x1xf32>
    %broadcast_in_dim3A_119 = vector.broadcast %reduce_sum3A_118 : f32 to vector<1x128xf32>
    %mul3A_120 = arith.mulf %div3A_36, %div3A_74 : vector<1000x128xf32>
    %reduce_sum3A_121 = vector.shape_cast %mul3A_120 : vector<1000x128xf32> to vector<1x1000x128xf32>
    %reduce_sum3A_122 = arith.constant dense<0.000000e+00> : vector<1xf32>
    %reduce_sum3A_123 = vector.multi_reduction <add>, %reduce_sum3A_121, %reduce_sum3A_122 [1, 2] : vector<1x1000x128xf32> to vector<1xf32>
    %reduce_sum3A_124 = vector.shape_cast %reduce_sum3A_123 : vector<1xf32> to vector<1x1x1xf32>
    %reduce_sum3A_125 = vector.extract %reduce_sum3A_124[0, 0, 0] : f32 from vector<1x1x1xf32>
    %broadcast_in_dim3A_126 = vector.broadcast %reduce_sum3A_125 : f32 to vector<1x128xf32>
    %mul3A_127 = arith.mulf %div3A_36, %div3A_112 : vector<1000x128xf32>
    %reduce_sum3A_128 = vector.shape_cast %mul3A_127 : vector<1000x128xf32> to vector<1x1000x128xf32>
    %reduce_sum3A_129 = arith.constant dense<0.000000e+00> : vector<1xf32>
    %reduce_sum3A_130 = vector.multi_reduction <add>, %reduce_sum3A_128, %reduce_sum3A_129 [1, 2] : vector<1x1000x128xf32> to vector<1xf32>
    %reduce_sum3A_131 = vector.shape_cast %reduce_sum3A_130 : vector<1xf32> to vector<1x1x1xf32>
    %reduce_sum3A_132 = vector.extract %reduce_sum3A_131[0, 0, 0] : f32 from vector<1x1x1xf32>
    %broadcast_in_dim3A_133 = vector.broadcast %reduce_sum3A_132 : f32 to vector<1x128xf32>
    %mul3A_134 = arith.mulf %div3A_74, %div3A_74 : vector<1000x128xf32>
    %reduce_sum3A_135 = vector.shape_cast %mul3A_134 : vector<1000x128xf32> to vector<1x1000x128xf32>
    %reduce_sum3A_136 = arith.constant dense<0.000000e+00> : vector<1xf32>
    %reduce_sum3A_137 = vector.multi_reduction <add>, %reduce_sum3A_135, %reduce_sum3A_136 [1, 2] : vector<1x1000x128xf32> to vector<1xf32>
    %reduce_sum3A_138 = vector.shape_cast %reduce_sum3A_137 : vector<1xf32> to vector<1x1x1xf32>
    %reduce_sum3A_139 = vector.extract %reduce_sum3A_138[0, 0, 0] : f32 from vector<1x1x1xf32>
    %broadcast_in_dim3A_140 = vector.broadcast %reduce_sum3A_139 : f32 to vector<1x128xf32>
    %mul3A_141 = arith.mulf %div3A_74, %div3A_112 : vector<1000x128xf32>
    %reduce_sum3A_142 = vector.shape_cast %mul3A_141 : vector<1000x128xf32> to vector<1x1000x128xf32>
    %reduce_sum3A_143 = arith.constant dense<0.000000e+00> : vector<1xf32>
    %reduce_sum3A_144 = vector.multi_reduction <add>, %reduce_sum3A_142, %reduce_sum3A_143 [1, 2] : vector<1x1000x128xf32> to vector<1xf32>
    %reduce_sum3A_145 = vector.shape_cast %reduce_sum3A_144 : vector<1xf32> to vector<1x1x1xf32>
    %reduce_sum3A_146 = vector.extract %reduce_sum3A_145[0, 0, 0] : f32 from vector<1x1x1xf32>
    %broadcast_in_dim3A_147 = vector.broadcast %reduce_sum3A_146 : f32 to vector<1x128xf32>
    %mul3A_148 = arith.mulf %div3A_112, %div3A_112 : vector<1000x128xf32>
    %reduce_sum3A_149 = vector.shape_cast %mul3A_148 : vector<1000x128xf32> to vector<1x1000x128xf32>
    %reduce_sum3A_150 = arith.constant dense<0.000000e+00> : vector<1xf32>
    %reduce_sum3A_151 = vector.multi_reduction <add>, %reduce_sum3A_149, %reduce_sum3A_150 [1, 2] : vector<1x1000x128xf32> to vector<1xf32>
    %reduce_sum3A_152 = vector.shape_cast %reduce_sum3A_151 : vector<1xf32> to vector<1x1x1xf32>
    %reduce_sum3A_153 = vector.extract %reduce_sum3A_152[0, 0, 0] : f32 from vector<1x1x1xf32>
    %broadcast_in_dim3A_154 = vector.broadcast %reduce_sum3A_153 : f32 to vector<1x128xf32>
    %broadcast_in_dim3A_155 = arith.constant 0.000000e+00 : f32
    %broadcast_in_dim3A_156 = vector.broadcast %broadcast_in_dim3A_155 : f32 to vector<2x128xf32>
    %concatenate3A = tpu.concatenate %broadcast_in_dim3A_119, %broadcast_in_dim3A_126, %broadcast_in_dim3A_133, %broadcast_in_dim3A_140, %broadcast_in_dim3A_147, %broadcast_in_dim3A_154, %broadcast_in_dim3A_156 in 0 : vector<1x128xf32>, vector<1x128xf32>, vector<1x128xf32>, vector<1x128xf32>, vector<1x128xf32>, vector<1x128xf32>, vector<2x128xf32> -> vector<8x128xf32>
    %eq3A = arith.constant 0 : i32
    %eq3A_157 = arith.cmpi eq, %arg0, %eq3A : i32
    %convert_element_type3A = arith.extui %eq3A_157 : i1 to i32
    %cond3A = arith.constant 0 : i32
    %cond3A_158 = arith.cmpi ne, %convert_element_type3A, %cond3A : i32
    scf.if %cond3A_158 {
      %swap3A_163 = arith.constant 0 : index
      %swap3A_164 = arith.constant 0 : index
      %swap3A_165 = vector.load %arg8[%swap3A_163, %swap3A_164] : memref<8x128xf32, #tpu.memory_space<vmem>>, vector<8x128xf32>
      tpu.vector_store %arg8[%swap3A_163, %swap3A_164], %concatenate3A {strides = array<i32>} : memref<8x128xf32, #tpu.memory_space<vmem>>, vector<8x128xf32>,
    } else {
    }
    %ne3A = arith.constant 0 : i32
    %ne3A_159 = arith.cmpi ne, %arg0, %ne3A : i32
    %convert_element_type3A_160 = arith.extui %ne3A_159 : i1 to i32
    %cond3A_161 = arith.constant 0 : i32
    %cond3A_162 = arith.cmpi ne, %convert_element_type3A_160, %cond3A_161 : i32
    scf.if %cond3A_162 {
      %get3A_163 = arith.constant 0 : index
      %get3A_164 = arith.constant 0 : index
      %get3A_165 = vector.load %arg8[%get3A_163, %get3A_164] : memref<8x128xf32, #tpu.memory_space<vmem>>, vector<8x128xf32>
      %add3A_166 = arith.addf %get3A_165, %concatenate3A : vector<8x128xf32>
      %swap3A_167 = arith.constant 0 : index
      %swap3A_168 = arith.constant 0 : index
      %swap3A_169 = vector.load %arg8[%swap3A_167, %swap3A_168] : memref<8x128xf32, #tpu.memory_space<vmem>>, vector<8x128xf32>
      tpu.vector_store %arg8[%swap3A_167, %swap3A_168], %add3A_166 {strides = array<i32>} : memref<8x128xf32, #tpu.memory_space<vmem>>, vector<8x128xf32>,
    } else {
    }
    return
  }
  func.func @transform_0(%arg0: i32) -> (i32, i32) {
    %c0_i32 = arith.constant 0 : i32
    %c0_i32_0 = arith.constant 0 : i32
    return %arg0, %c0_i32 : i32, i32
  }
  func.func @transform_1(%arg0: i32) -> (i32, i32) {
    %c0_i32 = arith.constant 0 : i32
    %c0_i32_0 = arith.constant 0 : i32
    return %arg0, %c0_i32 : i32, i32
  }
  func.func @transform_2(%arg0: i32) -> (i32, i32) {
    %c0_i32 = arith.constant 0 : i32
    %c0_i32_0 = arith.constant 0 : i32
    return %arg0, %c0_i32 : i32, i32
  }
  func.func @transform_3(%arg0: i32) -> (i32, i32, i32) {
    %c0_i32 = arith.constant 0 : i32
    %c0_i32_0 = arith.constant 0 : i32
    %c0_i32_1 = arith.constant 0 : i32
    %c0_i32_2 = arith.constant 0 : i32
    return %c0_i32, %c0_i32_0, %c0_i32_1 : i32, i32, i32
  }
  func.func @transform_4(%arg0: i32) -> (i32, i32) {
    %c0_i32 = arith.constant 0 : i32
    %c0_i32_0 = arith.constant 0 : i32
    %c0_i32_1 = arith.constant 0 : i32
    return %c0_i32, %c0_i32_0 : i32, i32
  }
  func.func @transform_5(%arg0: i32) -> (i32, i32, i32) {
    %c0_i32 = arith.constant 0 : i32
    %c0_i32_0 = arith.constant 0 : i32
    %c0_i32_1 = arith.constant 0 : i32
    %c0_i32_2 = arith.constant 0 : i32
    return %c0_i32, %c0_i32_0, %c0_i32_1 : i32, i32, i32
  }
  func.func @transform_6(%arg0: i32) -> (i32, i32, i32) {
    %c0_i32 = arith.constant 0 : i32
    %c0_i32_0 = arith.constant 0 : i32
    %c0_i32_1 = arith.constant 0 : i32
    return %c0_i32, %arg0, %c0_i32_0 : i32, i32, i32
  }
  func.func @transform_7(%arg0: i32) -> (i32, i32) {
    %c0_i32 = arith.constant 0 : i32
    %c0_i32_0 = arith.constant 0 : i32
    %c0_i32_1 = arith.constant 0 : i32
    return %c0_i32, %c0_i32_0 : i32, i32
  }
}

module attributes {stable_mosaic.version = 14 : i64} {
  func.func @_scale_body(%arg0: i32, %arg1: memref<3x1000x128xf32, #tpu.memory_space<vmem>>, %arg2: memref<1000x2xf32, #tpu.memory_space<vmem>>, %arg3: memref<3x1000x128xf32, #tpu.memory_space<vmem>>) attributes {dimension_semantics = [#tpu.dimension_semantics<arbitrary>], iteration_bounds = array<i64: 10>, scalar_prefetch = 0 : i64, scratch_operands = 0 : i64, tpu.core_type = #tpu.core_type<tc>, window_params = [{transform_indices = @transform_0, window_bounds = array<i64: 3, 1000, 128>}, {transform_indices = @transform_1, window_bounds = array<i64: 1000, 2>}, {transform_indices = @transform_2, window_bounds = array<i64: 3, 1000, 128>}]} {
    %get3A = arith.constant 0 : index
    %get3A_0 = arith.constant 0 : index
    %get3A_1 = vector.load %arg2[%get3A, %get3A_0] : memref<1000x2xf32, #tpu.memory_space<vmem>>, vector<1000x1xf32>
    %get3A_2 = arith.constant 0 : index
    %get3A_3 = arith.constant 1 : index
    %get3A_4 = vector.load %arg2[%get3A_2, %get3A_3] : memref<1000x2xf32, #tpu.memory_space<vmem>>, vector<1000x1xf32>
    %add3A = arith.addf %get3A_1, %get3A_4 : vector<1000x1xf32>
    %max3A = arith.constant 1.000000e+00 : f32
    %max3A_5 = vector.broadcast %max3A : f32 to vector<1000x1xf32>
    %max3A_6 = arith.maximumf %add3A, %max3A_5 : vector<1000x1xf32>
    %rsqrt3A = math.rsqrt %max3A_6 : vector<1000x1xf32>
    %get3A_7 = arith.constant 0 : index
    %get3A_8 = arith.constant 0 : index
    %get3A_9 = arith.constant 0 : index
    %get3A_10 = vector.load %arg1[%get3A_7, %get3A_8, %get3A_9] : memref<3x1000x128xf32, #tpu.memory_space<vmem>>, vector<1x1000x128xf32>
    %get3A_11 = vector.shape_cast %get3A_10 : vector<1x1000x128xf32> to vector<1000x128xf32>
    %mul3A = vector.broadcast %rsqrt3A : vector<1000x1xf32> to vector<1000x128xf32>
    %mul3A_12 = arith.mulf %get3A_11, %mul3A : vector<1000x128xf32>
    %swap3A = arith.constant 0 : index
    %swap3A_13 = arith.constant 0 : index
    %swap3A_14 = arith.constant 0 : index
    %swap3A_15 = vector.load %arg3[%swap3A, %swap3A_13, %swap3A_14] : memref<3x1000x128xf32, #tpu.memory_space<vmem>>, vector<1x1000x128xf32>
    %swap3A_16 = vector.shape_cast %swap3A_15 : vector<1x1000x128xf32> to vector<1000x128xf32>
    %swap3A_17 = vector.shape_cast %mul3A_12 : vector<1000x128xf32> to vector<1x1000x128xf32>
    tpu.vector_store %arg3[%swap3A, %swap3A_13, %swap3A_14], %swap3A_17 {strides = array<i32>} : memref<3x1000x128xf32, #tpu.memory_space<vmem>>, vector<1x1000x128xf32>,
    %get3A_18 = arith.constant 1 : index
    %get3A_19 = arith.constant 0 : index
    %get3A_20 = arith.constant 0 : index
    %get3A_21 = vector.load %arg1[%get3A_18, %get3A_19, %get3A_20] : memref<3x1000x128xf32, #tpu.memory_space<vmem>>, vector<1x1000x128xf32>
    %get3A_22 = vector.shape_cast %get3A_21 : vector<1x1000x128xf32> to vector<1000x128xf32>
    %mul3A_23 = vector.broadcast %rsqrt3A : vector<1000x1xf32> to vector<1000x128xf32>
    %mul3A_24 = arith.mulf %get3A_22, %mul3A_23 : vector<1000x128xf32>
    %swap3A_25 = arith.constant 1 : index
    %swap3A_26 = arith.constant 0 : index
    %swap3A_27 = arith.constant 0 : index
    %swap3A_28 = vector.load %arg3[%swap3A_25, %swap3A_26, %swap3A_27] : memref<3x1000x128xf32, #tpu.memory_space<vmem>>, vector<1x1000x128xf32>
    %swap3A_29 = vector.shape_cast %swap3A_28 : vector<1x1000x128xf32> to vector<1000x128xf32>
    %swap3A_30 = vector.shape_cast %mul3A_24 : vector<1000x128xf32> to vector<1x1000x128xf32>
    tpu.vector_store %arg3[%swap3A_25, %swap3A_26, %swap3A_27], %swap3A_30 {strides = array<i32>} : memref<3x1000x128xf32, #tpu.memory_space<vmem>>, vector<1x1000x128xf32>,
    %get3A_31 = arith.constant 2 : index
    %get3A_32 = arith.constant 0 : index
    %get3A_33 = arith.constant 0 : index
    %get3A_34 = vector.load %arg1[%get3A_31, %get3A_32, %get3A_33] : memref<3x1000x128xf32, #tpu.memory_space<vmem>>, vector<1x1000x128xf32>
    %get3A_35 = vector.shape_cast %get3A_34 : vector<1x1000x128xf32> to vector<1000x128xf32>
    %mul3A_36 = vector.broadcast %rsqrt3A : vector<1000x1xf32> to vector<1000x128xf32>
    %mul3A_37 = arith.mulf %get3A_35, %mul3A_36 : vector<1000x128xf32>
    %swap3A_38 = arith.constant 2 : index
    %swap3A_39 = arith.constant 0 : index
    %swap3A_40 = arith.constant 0 : index
    %swap3A_41 = vector.load %arg3[%swap3A_38, %swap3A_39, %swap3A_40] : memref<3x1000x128xf32, #tpu.memory_space<vmem>>, vector<1x1000x128xf32>
    %swap3A_42 = vector.shape_cast %swap3A_41 : vector<1x1000x128xf32> to vector<1000x128xf32>
    %swap3A_43 = vector.shape_cast %mul3A_37 : vector<1000x128xf32> to vector<1x1000x128xf32>
    tpu.vector_store %arg3[%swap3A_38, %swap3A_39, %swap3A_40], %swap3A_43 {strides = array<i32>} : memref<3x1000x128xf32, #tpu.memory_space<vmem>>, vector<1x1000x128xf32>,
    return
  }
  func.func @transform_0(%arg0: i32) -> (i32, i32, i32) {
    %c0_i32 = arith.constant 0 : i32
    %c0_i32_0 = arith.constant 0 : i32
    %c0_i32_1 = arith.constant 0 : i32
    return %c0_i32, %arg0, %c0_i32_0 : i32, i32, i32
  }
  func.func @transform_1(%arg0: i32) -> (i32, i32) {
    %c0_i32 = arith.constant 0 : i32
    %c0_i32_0 = arith.constant 0 : i32
    return %arg0, %c0_i32 : i32, i32
  }
  func.func @transform_2(%arg0: i32) -> (i32, i32, i32) {
    %c0_i32 = arith.constant 0 : i32
    %c0_i32_0 = arith.constant 0 : i32
    %c0_i32_1 = arith.constant 0 : i32
    return %c0_i32, %arg0, %c0_i32_0 : i32, i32, i32
  }
}

module attributes {stable_mosaic.version = 14 : i64} {
  func.func @_final_body(%arg0: i32, %arg1: memref<8x128xf32, #tpu.memory_space<vmem>>, %arg2: memref<3x2x1000x128xf32, #tpu.memory_space<vmem>>, %arg3: memref<1000x2xf32, #tpu.memory_space<vmem>>, %arg4: memref<3x1000x128xf32, #tpu.memory_space<vmem>>, %arg5: memref<3x128x128xf32, #tpu.memory_space<vmem>>, %arg6: memref<3x128xf32, #tpu.memory_space<vmem>>, %arg7: memref<128x128xf32, #tpu.memory_space<vmem>>, %arg8: memref<1x128xf32, #tpu.memory_space<vmem>>, %arg9: memref<1000x128xf32, #tpu.memory_space<vmem>>, %arg10: memref<1000x128xf32, #tpu.memory_space<vmem>>, %arg11: memref<1000x128xf32, #tpu.memory_space<vmem>>) attributes {dimension_semantics = [#tpu.dimension_semantics<arbitrary>], iteration_bounds = array<i64: 10>, scalar_prefetch = 0 : i64, scratch_operands = 0 : i64, tpu.core_type = #tpu.core_type<tc>, window_params = [{pipeline_mode = #tpu.pipeline_mode<synchronous>, transform_indices = @transform_0, window_bounds = array<i64: 8, 128>}, {transform_indices = @transform_1, window_bounds = array<i64: 3, 2, 1000, 128>}, {transform_indices = @transform_2, window_bounds = array<i64: 1000, 2>}, {transform_indices = @transform_3, window_bounds = array<i64: 3, 1000, 128>}, {pipeline_mode = #tpu.pipeline_mode<synchronous>, transform_indices = @transform_4, window_bounds = array<i64: 3, 128, 128>}, {pipeline_mode = #tpu.pipeline_mode<synchronous>, transform_indices = @transform_5, window_bounds = array<i64: 3, 128>}, {pipeline_mode = #tpu.pipeline_mode<synchronous>, transform_indices = @transform_6, window_bounds = array<i64: 128, 128>}, {pipeline_mode = #tpu.pipeline_mode<synchronous>, transform_indices = @transform_7, window_bounds = array<i64: 1, 128>}, {transform_indices = @transform_8, window_bounds = array<i64: 1000, 128>}, {transform_indices = @transform_9, window_bounds = array<i64: 1000, 128>}, {transform_indices = @transform_10, window_bounds = array<i64: 1000, 128>}]} {
    %get3A = arith.constant 0 : index
    %get3A_0 = arith.constant 0 : index
    %get3A_1 = vector.load %arg3[%get3A, %get3A_0] : memref<1000x2xf32, #tpu.memory_space<vmem>>, vector<1000x1xf32>
    %get3A_2 = arith.constant 0 : index
    %get3A_3 = arith.constant 1 : index
    %get3A_4 = vector.load %arg3[%get3A_2, %get3A_3] : memref<1000x2xf32, #tpu.memory_space<vmem>>, vector<1000x1xf32>
    %add3A = arith.addf %get3A_1, %get3A_4 : vector<1000x1xf32>
    %max3A = arith.constant 1.000000e+00 : f32
    %max3A_5 = vector.broadcast %max3A : f32 to vector<1000x1xf32>
    %max3A_6 = arith.maximumf %add3A, %max3A_5 : vector<1000x1xf32>
    %rsqrt3A = math.rsqrt %max3A_6 : vector<1000x1xf32>
    %get3A_7 = arith.constant 0 : index
    %get3A_8 = arith.constant 0 : index
    %get3A_9 = vector.load %arg1[%get3A_7, %get3A_8] : memref<8x128xf32, #tpu.memory_space<vmem>>, vector<8x128xf32>
    %mul3A = arith.constant 9.99999974E-5 : f32
    %mul3A_10 = vector.broadcast %mul3A : f32 to vector<8x128xf32>
    %mul3A_11 = arith.mulf %get3A_9, %mul3A_10 : vector<8x128xf32>
    %slice3A = vector.extract_strided_slice %mul3A_11 {offsets = [0, 0], sizes = [1, 128], strides = [1, 1]} : vector<8x128xf32> to vector<1x128xf32>
    %slice3A_12 = vector.extract_strided_slice %mul3A_11 {offsets = [1, 0], sizes = [1, 128], strides = [1, 1]} : vector<8x128xf32> to vector<1x128xf32>
    %slice3A_13 = vector.extract_strided_slice %mul3A_11 {offsets = [2, 0], sizes = [1, 128], strides = [1, 1]} : vector<8x128xf32> to vector<1x128xf32>
    %slice3A_14 = vector.extract_strided_slice %mul3A_11 {offsets = [3, 0], sizes = [1, 128], strides = [1, 1]} : vector<8x128xf32> to vector<1x128xf32>
    %slice3A_15 = vector.extract_strided_slice %mul3A_11 {offsets = [4, 0], sizes = [1, 128], strides = [1, 1]} : vector<8x128xf32> to vector<1x128xf32>
    %slice3A_16 = vector.extract_strided_slice %mul3A_11 {offsets = [5, 0], sizes = [1, 128], strides = [1, 1]} : vector<8x128xf32> to vector<1x128xf32>
    %max3A_17 = arith.maximumf %slice3A, %slice3A_12 : vector<1x128xf32>
    %max3A_18 = arith.maximumf %max3A_17, %slice3A_13 : vector<1x128xf32>
    %sub3A = arith.subf %slice3A, %max3A_18 : vector<1x128xf32>
    %exp3A = math.exp %sub3A : vector<1x128xf32>
    %sub3A_19 = arith.subf %slice3A_12, %max3A_18 : vector<1x128xf32>
    %exp3A_20 = math.exp %sub3A_19 : vector<1x128xf32>
    %sub3A_21 = arith.subf %slice3A_13, %max3A_18 : vector<1x128xf32>
    %exp3A_22 = math.exp %sub3A_21 : vector<1x128xf32>
    %add3A_23 = arith.addf %exp3A, %exp3A_20 : vector<1x128xf32>
    %add3A_24 = arith.addf %add3A_23, %exp3A_22 : vector<1x128xf32>
    %div3A = arith.divf %exp3A, %add3A_24 : vector<1x128xf32>
    %div3A_25 = arith.divf %exp3A_20, %add3A_24 : vector<1x128xf32>
    %div3A_26 = arith.divf %exp3A_22, %add3A_24 : vector<1x128xf32>
    %max3A_27 = arith.maximumf %slice3A_12, %slice3A_14 : vector<1x128xf32>
    %max3A_28 = arith.maximumf %max3A_27, %slice3A_15 : vector<1x128xf32>
    %sub3A_29 = arith.subf %slice3A_12, %max3A_28 : vector<1x128xf32>
    %exp3A_30 = math.exp %sub3A_29 : vector<1x128xf32>
    %sub3A_31 = arith.subf %slice3A_14, %max3A_28 : vector<1x128xf32>
    %exp3A_32 = math.exp %sub3A_31 : vector<1x128xf32>
    %sub3A_33 = arith.subf %slice3A_15, %max3A_28 : vector<1x128xf32>
    %exp3A_34 = math.exp %sub3A_33 : vector<1x128xf32>
    %add3A_35 = arith.addf %exp3A_30, %exp3A_32 : vector<1x128xf32>
    %add3A_36 = arith.addf %add3A_35, %exp3A_34 : vector<1x128xf32>
    %div3A_37 = arith.divf %exp3A_30, %add3A_36 : vector<1x128xf32>
    %div3A_38 = arith.divf %exp3A_32, %add3A_36 : vector<1x128xf32>
    %div3A_39 = arith.divf %exp3A_34, %add3A_36 : vector<1x128xf32>
    %max3A_40 = arith.maximumf %slice3A_13, %slice3A_15 : vector<1x128xf32>
    %max3A_41 = arith.maximumf %max3A_40, %slice3A_16 : vector<1x128xf32>
    %sub3A_42 = arith.subf %slice3A_13, %max3A_41 : vector<1x128xf32>
    %exp3A_43 = math.exp %sub3A_42 : vector<1x128xf32>
    %sub3A_44 = arith.subf %slice3A_15, %max3A_41 : vector<1x128xf32>
    %exp3A_45 = math.exp %sub3A_44 : vector<1x128xf32>
    %sub3A_46 = arith.subf %slice3A_16, %max3A_41 : vector<1x128xf32>
    %exp3A_47 = math.exp %sub3A_46 : vector<1x128xf32>
    %add3A_48 = arith.addf %exp3A_43, %exp3A_45 : vector<1x128xf32>
    %add3A_49 = arith.addf %add3A_48, %exp3A_47 : vector<1x128xf32>
    %div3A_50 = arith.divf %exp3A_43, %add3A_49 : vector<1x128xf32>
    %div3A_51 = arith.divf %exp3A_45, %add3A_49 : vector<1x128xf32>
    %div3A_52 = arith.divf %exp3A_47, %add3A_49 : vector<1x128xf32>
    %get3A_53 = arith.constant 0 : index
    %get3A_54 = arith.constant 0 : index
    %get3A_55 = arith.constant 0 : index
    %get3A_56 = vector.load %arg4[%get3A_53, %get3A_54, %get3A_55] : memref<3x1000x128xf32, #tpu.memory_space<vmem>>, vector<1x1000x128xf32>
    %get3A_57 = vector.shape_cast %get3A_56 : vector<1x1000x128xf32> to vector<1000x128xf32>
    %get3A_58 = arith.constant 1 : index
    %get3A_59 = arith.constant 0 : index
    %get3A_60 = arith.constant 0 : index
    %get3A_61 = vector.load %arg4[%get3A_58, %get3A_59, %get3A_60] : memref<3x1000x128xf32, #tpu.memory_space<vmem>>, vector<1x1000x128xf32>
    %get3A_62 = vector.shape_cast %get3A_61 : vector<1x1000x128xf32> to vector<1000x128xf32>
    %get3A_63 = arith.constant 2 : index
    %get3A_64 = arith.constant 0 : index
    %get3A_65 = arith.constant 0 : index
    %get3A_66 = vector.load %arg4[%get3A_63, %get3A_64, %get3A_65] : memref<3x1000x128xf32, #tpu.memory_space<vmem>>, vector<1x1000x128xf32>
    %get3A_67 = vector.shape_cast %get3A_66 : vector<1x1000x128xf32> to vector<1000x128xf32>
    %get3A_68 = arith.constant 0 : index
    %get3A_69 = arith.constant 0 : index
    %get3A_70 = arith.constant 0 : index
    %get3A_71 = arith.constant 0 : index
    %get3A_72 = vector.load %arg2[%get3A_68, %get3A_69, %get3A_70, %get3A_71] : memref<3x2x1000x128xf32, #tpu.memory_space<vmem>>, vector<1x1x1000x128xf32>
    %get3A_73 = vector.shape_cast %get3A_72 : vector<1x1x1000x128xf32> to vector<1000x128xf32>
    %get3A_74 = arith.constant 0 : index
    %get3A_75 = arith.constant 1 : index
    %get3A_76 = arith.constant 0 : index
    %get3A_77 = arith.constant 0 : index
    %get3A_78 = vector.load %arg2[%get3A_74, %get3A_75, %get3A_76, %get3A_77] : memref<3x2x1000x128xf32, #tpu.memory_space<vmem>>, vector<1x1x1000x128xf32>
    %get3A_79 = vector.shape_cast %get3A_78 : vector<1x1x1000x128xf32> to vector<1000x128xf32>
    %add3A_80 = arith.addf %get3A_73, %get3A_79 : vector<1000x128xf32>
    %mul3A_81 = vector.broadcast %rsqrt3A : vector<1000x1xf32> to vector<1000x128xf32>
    %mul3A_82 = arith.mulf %add3A_80, %mul3A_81 : vector<1000x128xf32>
    %get3A_83 = arith.constant 0 : index
    %get3A_84 = arith.constant 0 : index
    %get3A_85 = arith.constant 0 : index
    %get3A_86 = vector.load %arg5[%get3A_83, %get3A_84, %get3A_85] : memref<3x128x128xf32, #tpu.memory_space<vmem>>, vector<1x128x128xf32>
    %get3A_87 = vector.shape_cast %get3A_86 : vector<1x128x128xf32> to vector<128x128xf32>
    %dot_general3A = arith.constant dense<0.000000e+00> : vector<1000x128xf32>
    %dot_general3A_88 = tpu.matmul %mul3A_82, %get3A_87, %dot_general3A {dimension_numbers = #tpu.dot_dimension_numbers<[1], [0], [0], [1], [0, 0, 1, 1], [], []>, transpose_lhs_hint = false} : vector<1000x128xf32>, vector<128x128xf32>, vector<1000x128xf32> -> vector<1000x128xf32>
    %get3A_89 = arith.constant 0 : index
    %get3A_90 = arith.constant 0 : index
    %get3A_91 = vector.load %arg6[%get3A_89, %get3A_90] : memref<3x128xf32, #tpu.memory_space<vmem>>, vector<1x128xf32>
    %add3A_92 = vector.broadcast %get3A_91 : vector<1x128xf32> to vector<1000x128xf32>
    %add3A_93 = arith.addf %dot_general3A_88, %add3A_92 : vector<1000x128xf32>
    %max3A_94 = arith.constant 0.000000e+00 : f32
    %max3A_95 = vector.broadcast %max3A_94 : f32 to vector<1000x128xf32>
    %max3A_96 = arith.maximumf %add3A_93, %max3A_95 : vector<1000x128xf32>
    %mul3A_97 = vector.broadcast %div3A : vector<1x128xf32> to vector<1000x128xf32>
    %mul3A_98 = arith.mulf %mul3A_97, %get3A_57 : vector<1000x128xf32>
    %mul3A_99 = vector.broadcast %div3A_25 : vector<1x128xf32> to vector<1000x128xf32>
    %mul3A_100 = arith.mulf %mul3A_99, %get3A_62 : vector<1000x128xf32>
    %add3A_101 = arith.addf %mul3A_98, %mul3A_100 : vector<1000x128xf32>
    %mul3A_102 = vector.broadcast %div3A_26 : vector<1x128xf32> to vector<1000x128xf32>
    %mul3A_103 = arith.mulf %mul3A_102, %get3A_67 : vector<1000x128xf32>
    %add3A_104 = arith.addf %add3A_101, %mul3A_103 : vector<1000x128xf32>
    %get3A_105 = arith.constant 0 : index
    %get3A_106 = arith.constant 0 : index
    %get3A_107 = vector.load %arg7[%get3A_105, %get3A_106] : memref<128x128xf32, #tpu.memory_space<vmem>>, vector<128x128xf32>
    %dot_general3A_108 = arith.constant dense<0.000000e+00> : vector<1000x128xf32>
    %dot_general3A_109 = tpu.matmul %add3A_104, %get3A_107, %dot_general3A_108 {dimension_numbers = #tpu.dot_dimension_numbers<[1], [1], [0], [0], [0, 0, 1, 0], [], []>, transpose_lhs_hint = false} : vector<1000x128xf32>, vector<128x128xf32>, vector<1000x128xf32> -> vector<1000x128xf32>
    %get3A_110 = arith.constant 0 : index
    %get3A_111 = arith.constant 0 : index
    %get3A_112 = vector.load %arg8[%get3A_110, %get3A_111] : memref<1x128xf32, #tpu.memory_space<vmem>>, vector<1x128xf32>
    %add3A_113 = vector.broadcast %get3A_112 : vector<1x128xf32> to vector<1000x128xf32>
    %add3A_114 = arith.addf %dot_general3A_109, %add3A_113 : vector<1000x128xf32>
    %mul3A_115 = arith.constant 5.000000e-01 : f32
    %mul3A_116 = vector.broadcast %mul3A_115 : f32 to vector<1000x128xf32>
    %mul3A_117 = arith.mulf %mul3A_116, %max3A_96 : vector<1000x128xf32>
    %mul3A_118 = arith.constant 5.000000e-01 : f32
    %mul3A_119 = vector.broadcast %mul3A_118 : f32 to vector<1000x128xf32>
    %mul3A_120 = arith.mulf %mul3A_119, %add3A_114 : vector<1000x128xf32>
    %add3A_121 = arith.addf %mul3A_117, %mul3A_120 : vector<1000x128xf32>
    %swap3A = arith.constant 0 : index
    %swap3A_122 = arith.constant 0 : index
    %swap3A_123 = vector.load %arg9[%swap3A, %swap3A_122] : memref<1000x128xf32, #tpu.memory_space<vmem>>, vector<1000x128xf32>
    tpu.vector_store %arg9[%swap3A, %swap3A_122], %add3A_121 {strides = array<i32>} : memref<1000x128xf32, #tpu.memory_space<vmem>>, vector<1000x128xf32>,
    %get3A_124 = arith.constant 1 : index
    %get3A_125 = arith.constant 0 : index
    %get3A_126 = arith.constant 0 : index
    %get3A_127 = arith.constant 0 : index
    %get3A_128 = vector.load %arg2[%get3A_124, %get3A_125, %get3A_126, %get3A_127] : memref<3x2x1000x128xf32, #tpu.memory_space<vmem>>, vector<1x1x1000x128xf32>
    %get3A_129 = vector.shape_cast %get3A_128 : vector<1x1x1000x128xf32> to vector<1000x128xf32>
    %get3A_130 = arith.constant 1 : index
    %get3A_131 = arith.constant 1 : index
    %get3A_132 = arith.constant 0 : index
    %get3A_133 = arith.constant 0 : index
    %get3A_134 = vector.load %arg2[%get3A_130, %get3A_131, %get3A_132, %get3A_133] : memref<3x2x1000x128xf32, #tpu.memory_space<vmem>>, vector<1x1x1000x128xf32>
    %get3A_135 = vector.shape_cast %get3A_134 : vector<1x1x1000x128xf32> to vector<1000x128xf32>
    %add3A_136 = arith.addf %get3A_129, %get3A_135 : vector<1000x128xf32>
    %mul3A_137 = vector.broadcast %rsqrt3A : vector<1000x1xf32> to vector<1000x128xf32>
    %mul3A_138 = arith.mulf %add3A_136, %mul3A_137 : vector<1000x128xf32>
    %get3A_139 = arith.constant 1 : index
    %get3A_140 = arith.constant 0 : index
    %get3A_141 = arith.constant 0 : index
    %get3A_142 = vector.load %arg5[%get3A_139, %get3A_140, %get3A_141] : memref<3x128x128xf32, #tpu.memory_space<vmem>>, vector<1x128x128xf32>
    %get3A_143 = vector.shape_cast %get3A_142 : vector<1x128x128xf32> to vector<128x128xf32>
    %dot_general3A_144 = arith.constant dense<0.000000e+00> : vector<1000x128xf32>
    %dot_general3A_145 = tpu.matmul %mul3A_138, %get3A_143, %dot_general3A_144 {dimension_numbers = #tpu.dot_dimension_numbers<[1], [0], [0], [1], [0, 0, 1, 1], [], []>, transpose_lhs_hint = false} : vector<1000x128xf32>, vector<128x128xf32>, vector<1000x128xf32> -> vector<1000x128xf32>
    %get3A_146 = arith.constant 1 : index
    %get3A_147 = arith.constant 0 : index
    %get3A_148 = vector.load %arg6[%get3A_146, %get3A_147] : memref<3x128xf32, #tpu.memory_space<vmem>>, vector<1x128xf32>
    %add3A_149 = vector.broadcast %get3A_148 : vector<1x128xf32> to vector<1000x128xf32>
    %add3A_150 = arith.addf %dot_general3A_145, %add3A_149 : vector<1000x128xf32>
    %max3A_151 = arith.constant 0.000000e+00 : f32
    %max3A_152 = vector.broadcast %max3A_151 : f32 to vector<1000x128xf32>
    %max3A_153 = arith.maximumf %add3A_150, %max3A_152 : vector<1000x128xf32>
    %mul3A_154 = vector.broadcast %div3A_37 : vector<1x128xf32> to vector<1000x128xf32>
    %mul3A_155 = arith.mulf %mul3A_154, %get3A_57 : vector<1000x128xf32>
    %mul3A_156 = vector.broadcast %div3A_38 : vector<1x128xf32> to vector<1000x128xf32>
    %mul3A_157 = arith.mulf %mul3A_156, %get3A_62 : vector<1000x128xf32>
    %add3A_158 = arith.addf %mul3A_155, %mul3A_157 : vector<1000x128xf32>
    %mul3A_159 = vector.broadcast %div3A_39 : vector<1x128xf32> to vector<1000x128xf32>
    %mul3A_160 = arith.mulf %mul3A_159, %get3A_67 : vector<1000x128xf32>
    %add3A_161 = arith.addf %add3A_158, %mul3A_160 : vector<1000x128xf32>
    %get3A_162 = arith.constant 0 : index
    %get3A_163 = arith.constant 0 : index
    %get3A_164 = vector.load %arg7[%get3A_162, %get3A_163] : memref<128x128xf32, #tpu.memory_space<vmem>>, vector<128x128xf32>
    %dot_general3A_165 = arith.constant dense<0.000000e+00> : vector<1000x128xf32>
    %dot_general3A_166 = tpu.matmul %add3A_161, %get3A_164, %dot_general3A_165 {dimension_numbers = #tpu.dot_dimension_numbers<[1], [1], [0], [0], [0, 0, 1, 0], [], []>, transpose_lhs_hint = false} : vector<1000x128xf32>, vector<128x128xf32>, vector<1000x128xf32> -> vector<1000x128xf32>
    %get3A_167 = arith.constant 0 : index
    %get3A_168 = arith.constant 0 : index
    %get3A_169 = vector.load %arg8[%get3A_167, %get3A_168] : memref<1x128xf32, #tpu.memory_space<vmem>>, vector<1x128xf32>
    %add3A_170 = vector.broadcast %get3A_169 : vector<1x128xf32> to vector<1000x128xf32>
    %add3A_171 = arith.addf %dot_general3A_166, %add3A_170 : vector<1000x128xf32>
    %mul3A_172 = arith.constant 5.000000e-01 : f32
    %mul3A_173 = vector.broadcast %mul3A_172 : f32 to vector<1000x128xf32>
    %mul3A_174 = arith.mulf %mul3A_173, %max3A_153 : vector<1000x128xf32>
    %mul3A_175 = arith.constant 5.000000e-01 : f32
    %mul3A_176 = vector.broadcast %mul3A_175 : f32 to vector<1000x128xf32>
    %mul3A_177 = arith.mulf %mul3A_176, %add3A_171 : vector<1000x128xf32>
    %add3A_178 = arith.addf %mul3A_174, %mul3A_177 : vector<1000x128xf32>
    %swap3A_179 = arith.constant 0 : index
    %swap3A_180 = arith.constant 0 : index
    %swap3A_181 = vector.load %arg10[%swap3A_179, %swap3A_180] : memref<1000x128xf32, #tpu.memory_space<vmem>>, vector<1000x128xf32>
    tpu.vector_store %arg10[%swap3A_179, %swap3A_180], %add3A_178 {strides = array<i32>} : memref<1000x128xf32, #tpu.memory_space<vmem>>, vector<1000x128xf32>,
    %get3A_182 = arith.constant 2 : index
    %get3A_183 = arith.constant 0 : index
    %get3A_184 = arith.constant 0 : index
    %get3A_185 = arith.constant 0 : index
    %get3A_186 = vector.load %arg2[%get3A_182, %get3A_183, %get3A_184, %get3A_185] : memref<3x2x1000x128xf32, #tpu.memory_space<vmem>>, vector<1x1x1000x128xf32>
    %get3A_187 = vector.shape_cast %get3A_186 : vector<1x1x1000x128xf32> to vector<1000x128xf32>
    %get3A_188 = arith.constant 2 : index
    %get3A_189 = arith.constant 1 : index
    %get3A_190 = arith.constant 0 : index
    %get3A_191 = arith.constant 0 : index
    %get3A_192 = vector.load %arg2[%get3A_188, %get3A_189, %get3A_190, %get3A_191] : memref<3x2x1000x128xf32, #tpu.memory_space<vmem>>, vector<1x1x1000x128xf32>
    %get3A_193 = vector.shape_cast %get3A_192 : vector<1x1x1000x128xf32> to vector<1000x128xf32>
    %add3A_194 = arith.addf %get3A_187, %get3A_193 : vector<1000x128xf32>
    %mul3A_195 = vector.broadcast %rsqrt3A : vector<1000x1xf32> to vector<1000x128xf32>
    %mul3A_196 = arith.mulf %add3A_194, %mul3A_195 : vector<1000x128xf32>
    %get3A_197 = arith.constant 2 : index
    %get3A_198 = arith.constant 0 : index
    %get3A_199 = arith.constant 0 : index
    %get3A_200 = vector.load %arg5[%get3A_197, %get3A_198, %get3A_199] : memref<3x128x128xf32, #tpu.memory_space<vmem>>, vector<1x128x128xf32>
    %get3A_201 = vector.shape_cast %get3A_200 : vector<1x128x128xf32> to vector<128x128xf32>
    %dot_general3A_202 = arith.constant dense<0.000000e+00> : vector<1000x128xf32>
    %dot_general3A_203 = tpu.matmul %mul3A_196, %get3A_201, %dot_general3A_202 {dimension_numbers = #tpu.dot_dimension_numbers<[1], [0], [0], [1], [0, 0, 1, 1], [], []>, transpose_lhs_hint = false} : vector<1000x128xf32>, vector<128x128xf32>, vector<1000x128xf32> -> vector<1000x128xf32>
    %get3A_204 = arith.constant 2 : index
    %get3A_205 = arith.constant 0 : index
    %get3A_206 = vector.load %arg6[%get3A_204, %get3A_205] : memref<3x128xf32, #tpu.memory_space<vmem>>, vector<1x128xf32>
    %add3A_207 = vector.broadcast %get3A_206 : vector<1x128xf32> to vector<1000x128xf32>
    %add3A_208 = arith.addf %dot_general3A_203, %add3A_207 : vector<1000x128xf32>
    %max3A_209 = arith.constant 0.000000e+00 : f32
    %max3A_210 = vector.broadcast %max3A_209 : f32 to vector<1000x128xf32>
    %max3A_211 = arith.maximumf %add3A_208, %max3A_210 : vector<1000x128xf32>
    %mul3A_212 = vector.broadcast %div3A_50 : vector<1x128xf32> to vector<1000x128xf32>
    %mul3A_213 = arith.mulf %mul3A_212, %get3A_57 : vector<1000x128xf32>
    %mul3A_214 = vector.broadcast %div3A_51 : vector<1x128xf32> to vector<1000x128xf32>
    %mul3A_215 = arith.mulf %mul3A_214, %get3A_62 : vector<1000x128xf32>
    %add3A_216 = arith.addf %mul3A_213, %mul3A_215 : vector<1000x128xf32>
    %mul3A_217 = vector.broadcast %div3A_52 : vector<1x128xf32> to vector<1000x128xf32>
    %mul3A_218 = arith.mulf %mul3A_217, %get3A_67 : vector<1000x128xf32>
    %add3A_219 = arith.addf %add3A_216, %mul3A_218 : vector<1000x128xf32>
    %get3A_220 = arith.constant 0 : index
    %get3A_221 = arith.constant 0 : index
    %get3A_222 = vector.load %arg7[%get3A_220, %get3A_221] : memref<128x128xf32, #tpu.memory_space<vmem>>, vector<128x128xf32>
    %dot_general3A_223 = arith.constant dense<0.000000e+00> : vector<1000x128xf32>
    %dot_general3A_224 = tpu.matmul %add3A_219, %get3A_222, %dot_general3A_223 {dimension_numbers = #tpu.dot_dimension_numbers<[1], [1], [0], [0], [0, 0, 1, 0], [], []>, transpose_lhs_hint = false} : vector<1000x128xf32>, vector<128x128xf32>, vector<1000x128xf32> -> vector<1000x128xf32>
    %get3A_225 = arith.constant 0 : index
    %get3A_226 = arith.constant 0 : index
    %get3A_227 = vector.load %arg8[%get3A_225, %get3A_226] : memref<1x128xf32, #tpu.memory_space<vmem>>, vector<1x128xf32>
    %add3A_228 = vector.broadcast %get3A_227 : vector<1x128xf32> to vector<1000x128xf32>
    %add3A_229 = arith.addf %dot_general3A_224, %add3A_228 : vector<1000x128xf32>
    %mul3A_230 = arith.constant 5.000000e-01 : f32
    %mul3A_231 = vector.broadcast %mul3A_230 : f32 to vector<1000x128xf32>
    %mul3A_232 = arith.mulf %mul3A_231, %max3A_211 : vector<1000x128xf32>
    %mul3A_233 = arith.constant 5.000000e-01 : f32
    %mul3A_234 = vector.broadcast %mul3A_233 : f32 to vector<1000x128xf32>
    %mul3A_235 = arith.mulf %mul3A_234, %add3A_229 : vector<1000x128xf32>
    %add3A_236 = arith.addf %mul3A_232, %mul3A_235 : vector<1000x128xf32>
    %swap3A_237 = arith.constant 0 : index
    %swap3A_238 = arith.constant 0 : index
    %swap3A_239 = vector.load %arg11[%swap3A_237, %swap3A_238] : memref<1000x128xf32, #tpu.memory_space<vmem>>, vector<1000x128xf32>
    tpu.vector_store %arg11[%swap3A_237, %swap3A_238], %add3A_236 {strides = array<i32>} : memref<1000x128xf32, #tpu.memory_space<vmem>>, vector<1000x128xf32>,
    return
  }
  func.func @transform_0(%arg0: i32) -> (i32, i32) {
    %c0_i32 = arith.constant 0 : i32
    %c0_i32_0 = arith.constant 0 : i32
    %c0_i32_1 = arith.constant 0 : i32
    return %c0_i32, %c0_i32_0 : i32, i32
  }
  func.func @transform_1(%arg0: i32) -> (i32, i32, i32, i32) {
    %c0_i32 = arith.constant 0 : i32
    %c0_i32_0 = arith.constant 0 : i32
    %c0_i32_1 = arith.constant 0 : i32
    %c0_i32_2 = arith.constant 0 : i32
    return %c0_i32, %c0_i32_0, %arg0, %c0_i32_1 : i32, i32, i32, i32
  }
  func.func @transform_2(%arg0: i32) -> (i32, i32) {
    %c0_i32 = arith.constant 0 : i32
    %c0_i32_0 = arith.constant 0 : i32
    return %arg0, %c0_i32 : i32, i32
  }
  func.func @transform_3(%arg0: i32) -> (i32, i32, i32) {
    %c0_i32 = arith.constant 0 : i32
    %c0_i32_0 = arith.constant 0 : i32
    %c0_i32_1 = arith.constant 0 : i32
    return %c0_i32, %arg0, %c0_i32_0 : i32, i32, i32
  }
  func.func @transform_4(%arg0: i32) -> (i32, i32, i32) {
    %c0_i32 = arith.constant 0 : i32
    %c0_i32_0 = arith.constant 0 : i32
    %c0_i32_1 = arith.constant 0 : i32
    %c0_i32_2 = arith.constant 0 : i32
    return %c0_i32, %c0_i32_0, %c0_i32_1 : i32, i32, i32
  }
  func.func @transform_5(%arg0: i32) -> (i32, i32) {
    %c0_i32 = arith.constant 0 : i32
    %c0_i32_0 = arith.constant 0 : i32
    %c0_i32_1 = arith.constant 0 : i32
    return %c0_i32, %c0_i32_0 : i32, i32
  }
  func.func @transform_6(%arg0: i32) -> (i32, i32) {
    %c0_i32 = arith.constant 0 : i32
    %c0_i32_0 = arith.constant 0 : i32
    %c0_i32_1 = arith.constant 0 : i32
    return %c0_i32, %c0_i32_0 : i32, i32
  }
  func.func @transform_7(%arg0: i32) -> (i32, i32) {
    %c0_i32 = arith.constant 0 : i32
    %c0_i32_0 = arith.constant 0 : i32
    %c0_i32_1 = arith.constant 0 : i32
    return %c0_i32, %c0_i32_0 : i32, i32
  }
  func.func @transform_8(%arg0: i32) -> (i32, i32) {
    %c0_i32 = arith.constant 0 : i32
    %c0_i32_0 = arith.constant 0 : i32
    return %arg0, %c0_i32 : i32, i32
  }
  func.func @transform_9(%arg0: i32) -> (i32, i32) {
    %c0_i32 = arith.constant 0 : i32
    %c0_i32_0 = arith.constant 0 : i32
    return %arg0, %c0_i32 : i32, i32
  }
  func.func @transform_10(%arg0: i32) -> (i32, i32) {
    %c0_i32 = arith.constant 0 : i32
    %c0_i32_0 = arith.constant 0 : i32
    return %arg0, %c0_i32 : i32, i32
  }
}

</mosaic_0001>

<sc_bundles>
// kernel: kernel.10.cloned.1.call-start
scs
__scs_entry_jumppad:
0x0: {  	(pc) =	sbr.rel $0x88, $3  }
0x1: {  	(tag) =	ssettag $0x0;
	lr =	simm.s32 $0x1  }
0x2: {  	[smem:$0x3F96] =	sst lr;
	_ =	strace $0xD0000000  }
0x3: {  	_ = 	snop  }
0x4: {  	_ = 	snop  }
0x5: {  	_ = 	snop  }
0x6: {  	_ = 	snop  }
0x7: {  	_ = 	snop  }
__scs_overlays_trampoline_lowered:
0x8: {  	[smem:$0x3FA5] =	sst s0  }
0x9: {  	[smem:$0x3FA6] =	sst s1  }
0xa: {  	[smem:$0x3FA7] =	sst s2  }
0xb: {  	[smem:$0x3FA8] =	sst s3  }
0xc: {  	[smem:$0x3FA9] =	sst s4  }
0xd: {  	[smem:$0x3FAA] =	sst s5  }
0xe: {  	[smem:$0x3FAB] =	sst s6  }
0xf: {  	[smem:$0x3FAC] =	sst s7  }
0x10: {  	[smem:$0x3FAD] =	sst s8  }
0x11: {  	[smem:$0x3FAE] =	sst s9;
	s0 =	simm.s32 @!p0 $0x0  }
0x12: {  	s1 =	sld [smem:$0x3F94];
	s0 =	simm.s32 @p0 $0x1  }
0x13: {  	[smem:$0x3FAF] =	sst s0;
	s0 =	simm.s32 @!p1 $0x0  }
0x14: {  	s2 =	sld [smem:$0x3F93];
	s0 =	simm.s32 @p1 $0x1  }
0x15: {  	[smem:$0x3FB0] =	sst s0;
	s0 =	simm.s32 @!p2 $0x0  }
0x16: {  	s3 =	sld [smem:$0x3FDB];
	s0 =	simm.s32 @p2 $0x1  }
0x17: {  	s4 =	simm.s32 $0x1BF5;
	[smem:$0x3FB2] =	sst s0  }
0x18: {  	s0 =	sld [smem:$0x3F95];
	_ =	swait.ge [sflag:s4], $0x0  }
0x19: {  	s7 =	sld [smem:$0x3F96]  }
0x1a: {  	s8 =	sadd.s32 $0xFFFFE003, lr  }
0x1b: {  	s9 =	sadd.s32 $0xFFFFFEF7, lr;
	s5 =	simm.s32 $0xFFFFFFFF;
	p2 =	slt.u32 s8, $0xFFFFF086  }
0x1c: {  	p1 =	slt.u32 s9, $0xF7A;
	s5 =	simm.s32 @!p2 $0x0  }
0x1d: {  	s5 =	simm.s32 @p1 $0x1;
	p0 =	seq.s32 s7, s2  }
0x1e: {  	s7 =	smul.u32 @!p0 $0xF7A, s2;
	p2 =	seq.s32 @!p0 s5, $0x0  }
0x1f: {  	s9 =	smul.u32 $0xF7A, s1;
	s8 =	simm.s32 @!p0 $0x1BF5;
	p2 =	por !p2, p0  }
0x20: {  	[sflag:s8] =	ssyncset.s32 @!p0 $0xFFFFF086;
	s6 =	sadd.s32 @!p0 s3, s7;
	s7 =	simm.s32 @!p0 $0x108  }
0x21: {  	s3 =	sadd.s32 s3, s9;
	s6 =	sadd.s32 @!p0 $0x88, s6;
	s7 =	simm.s32 @p2 $0x1082  }
0x22: {  	[simem:s7], [sflag:s8] =	dma.local @!p0 [hbm:s6], $0xF7A  }
0x23: {  	s9 =	sor.u32 $0xD0000000, s2;
	s6 =	simm.s32 $0x108;
	_ =	swait.ge @!p0 [sflag:s8], $0x0  }
0x24: {  	s3 =	sadd.s32 $0x88, s3;
	s6 =	simm.s32 @!p1 $0x1082;
	[sflag:s4] =	ssyncset.s32 $0xFFFFF086  }
0x25: {  	[simem:s6], [sflag:s4] =	dma.local [hbm:s3], $0xF7A  }
0x26: {  	[smem:$0x3F96] =	sst s1;
	(tag) =	ssettag s2;
	_ =	strace s9  }
0x27: {  	s1 =	sld [smem:$0x3FA6]  }
0x28: {  	s2 =	sld [smem:$0x3FA7]  }
0x29: {  	s4 =	sld [smem:$0x3FA9]  }
0x2a: {  	p0 =	seq.s32 s5, $0x0;
	s5 =	sld [smem:$0x3FAA]  }
0x2b: {  	s6 =	sld [smem:$0x3FAB]  }
0x2c: {  	s7 =	sld [smem:$0x3FAC]  }
0x2d: {  	s3 =	simm.s32 $0x108;
	s8 =	sld [smem:$0x3FAD]  }
0x2e: {  	s3 =	simm.s32 @!p0 $0x1082;
	s9 =	sld [smem:$0x3FAE]  }
0x2f: {  	lr =	sadd.s32 s0, s3;
	s0 =	sld [smem:$0x3FA5]  }
0x30: {  	s3 =	sld [smem:$0x3FA8]  }
0x31: {  	[smem:$0x3FB1] =	sst s10  }
0x32: {  	s10 =	sld [smem:$0x3FAF];
	_ =	sdelay $0x3  }
0x33: {  	p0 =	seq.s32 s10, $0x1;
	s10 =	sld [smem:$0x3FB1];
	_ =	sdelay $0x3  }
0x34: {  	[smem:$0x3FB1] =	sst s10  }
0x35: {  	s10 =	sld [smem:$0x3FB0];
	_ =	sdelay $0x3  }
0x36: {  	p1 =	seq.s32 s10, $0x1;
	s10 =	sld [smem:$0x3FB1];
	_ =	sdelay $0x3  }
0x37: {  	[smem:$0x3FB1] =	sst s10  }
0x38: {  	s10 =	sld [smem:$0x3FB2]  }
0x39: {  	_ = 	snop;
	(pc) =	sbr.ind lr, $3  }
0x3a: {  	_ = 	snop  }
0x3b: {  	_ = 	snop  }
0x3c: {  	p2 =	seq.s32 s10, $0x1;
	s10 =	sld [smem:$0x3FB1]  }
0x3d: {  	_ =	shalt  }
0x3e: {  	_ =	shalt  }
0x3f: {  	_ =	shalt  }
0x40: {  	_ =	shalt  }
0x41: {  	_ =	shalt  }
0x42: {  	_ =	shalt  }
0x43: {  	_ =	shalt  }
0x44: {  	_ =	shalt  }
0x45: {  	_ =	shalt  }
0x46: {  	_ =	shalt  }
0x47: {  	_ =	shalt  }
0x48: {  	_ =	shalt  }
0x49: {  	_ =	shalt  }
0x4a: {  	_ =	shalt  }
0x4b: {  	_ =	shalt  }
0x4c: {  	_ =	shalt  }
0x4d: {  	_ =	shalt  }
0x4e: {  	_ =	shalt  }
0x4f: {  	_ =	shalt  }
0x50: {  	_ =	shalt  }
0x51: {  	_ =	shalt  }
0x52: {  	_ =	shalt  }
0x53: {  	_ =	shalt  }
0x54: {  	_ =	shalt  }
0x55: {  	_ =	shalt  }
0x56: {  	_ =	shalt  }
0x57: {  	_ =	shalt  }
0x58: {  	_ =	shalt  }
0x59: {  	_ =	shalt  }
0x5a: {  	_ =	shalt  }
0x5b: {  	_ =	shalt  }
0x5c: {  	_ =	shalt  }
0x5d: {  	_ =	shalt  }
0x5e: {  	_ =	shalt  }
0x5f: {  	_ =	shalt  }
0x60: {  	_ =	shalt  }
0x61: {  	_ =	shalt  }
0x62: {  	_ =	shalt  }
0x63: {  	_ =	shalt  }
0x64: {  	_ =	shalt  }
0x65: {  	_ =	shalt  }
0x66: {  	_ =	shalt  }
0x67: {  	_ =	shalt  }
0x68: {  	_ =	shalt  }
0x69: {  	_ =	shalt  }
0x6a: {  	_ =	shalt  }
0x6b: {  	_ =	shalt  }
0x6c: {  	_ =	shalt  }
0x6d: {  	_ =	shalt  }
0x6e: {  	_ =	shalt  }
0x6f: {  	_ =	shalt  }
0x70: {  	_ =	shalt  }
0x71: {  	_ =	shalt  }
0x72: {  	_ =	shalt  }
0x73: {  	_ =	shalt  }
0x74: {  	_ =	shalt  }
0x75: {  	_ =	shalt  }
0x76: {  	_ =	shalt  }
0x77: {  	_ =	shalt  }
0x78: {  	_ =	shalt  }
0x79: {  	_ =	shalt  }
0x7a: {  	_ =	shalt  }
0x7b: {  	_ =	shalt  }
0x7c: {  	_ =	shalt  }
0x7d: {  	_ =	shalt  }
0x7e: {  	_ =	shalt  }
0x7f: {  	_ =	shalt  }
0x80: {  	_ =	shalt  }
0x81: {  	_ =	shalt  }
0x82: {  	_ =	shalt  }
0x83: {  	_ =	shalt  }
0x84: {  	_ =	shalt  }
0x85: {  	_ =	shalt  }
0x86: {  	_ =	shalt  }
0x87: {  	_ =	shalt  }
.Lfunc_end0:
.L_simem_size_0:
called_computation.1_lowered:
.L_overlay_start_0:
0x88: {  	s2 =	sld [smem:$0x3FD9]  }
0x89: {  	s3 =	sld [smem:$0x3FFE];
	_ =	sdelay $0x1  }
0x8a: {  	s1 =	srdreg.scid  }
0x8b: {  	s0 =	sand.u32 $0x1, s1  }
0x8c: {  	s14 =	sshll.u32 s0, $0xA;
	s2 =	sadd.s32 s3, s2  }
0x8d: {  	s2 =	sadd.s32 s2, s14  }
0x8e: {  	[smem:$0x3FBD] =	sst s2  }
0x8f: {  	_ = 	snop  }
0x90: {  	s2 =	sld [smem:$0x3FD0];
	_ =	sdelay $0x2  }
0x91: {  	s15 =	simm.s32 $0xA;
	s4 =	simm.s32 $0x10  }
0x92: {  	[smem:s4], [sflag:s15] =	dma.local [hbm:s2], $0x1  }
0x93: {  	_ =	swait.eq [sflag:s15], $0x1  }
0x94: {  	[sflag:s15] =	ssyncset.done $0x0  }
0x95: {  	s16 =	sld [smem:$0x11];
	[sflag:s15] =	ssyncadd.s32 $0xFFFFFFFF  }
0x96: {  	s17 =	sld [smem:$0x12];
	(tm) =	ssettm $0x1  }
0x97: {  	s18 =	sld [smem:$0x3FFB];
	_ =	sdelay $0x3  }
0x98: {  	_ =	strace s18  }
0x99: {  	s4 =	sld [smem:$0x3FFC];
	_ =	sdelay $0x3  }
0x9a: {  	_ =	strace s4  }
0x9b: {  	s4 =	sld [smem:$0x3FFD];
	_ =	sdelay $0x3  }
0x9c: {  	_ =	strace s4  }
0x9d: {  	_ =	strace $0x8FFFFFFF  }
0x9e: {  	s19 =	sld [smem:$0x3FDB];
	_ =	sdelay $0x1  }
0x9f: {  	s5 =	simm.s32 $_scs_section_size  }
0xa0: {  	s6 =	simm.s32 $_size__tile_overlayer_lowered;
	s7 =	simm.s32 $_tile_overlayer_lowered  }
0xa1: {  	s22 =	simm.s32 $0x1BFF;
	s21 =	sshll.u32 s7, $0x1;
	s4 =	sadd.s32 s5, s19  }
0xa2: {  	s8 =	simm.s32 $0x0;
	s20 =	sshll.u32 s6, $0x1;
	s6 =	sadd.s32 s21, s4  }
0xa3: {  	[timem:s8], [sflag:s22] =	dma.local [hbm:s6], s20  }
0xa4: {  	_ =	swait.ge [sflag:s22], s20  }
0xa5: {  	s5 =	ssub.s32 $0x0, s20;
	[sflag:s22] =	ssyncset.done $0x0  }
0xa6: {  	[sflag:s22] =	ssyncadd.s32 s5;
	_ =	sdelay $0x1  }
0xa7: {  	s23 =	simm.s32 $0x1B8B  }
0xa8: {  	_ =	swait.ge [sflag:s23], $0x1  }
0xa9: {  	[sflag:s23] =	ssyncset.done $0x0  }
0xaa: {  	s25 =	simm.s32 $0x1B8E;
	s24 =	sld [smem:$0x3FFE];
	[sflag:s23] =	ssyncadd.s32 $0xFFFFFFFF  }
0xab: {  	s26 =	simm.s32 $execute0_lowered;
	[smem:$0x3FD2] =	sst s25  }
0xac: {  	s6 =	sshll.u32 s26, $0x1;
	_ =	strace $0x80000049;
	[dreg:$0x1] =	wrdreg $0xFFFFFFFF  }
0xad: {  	s28 =	simm.s32 $_size_execute0_lowered;
	s4 =	sadd.s32 s4, s6;
	[dreg:$0x0] =	wrdreg $0x0  }
0xae: {  	s6 =	sshll.u32 s28, $0x1;
	[dreg:$0x2] =	wrdreg s4  }
0xaf: {  	[dreg:$0x3] =	wrdreg s6  }
0xb0: {  	[dreg:$0x4] =	wrdreg $0xC0  }
0xb1: {  	_ =	task [dreg:s8], $0x5FFFF  }
0xb2: {  	[dreg:$0x1] =	wrdreg $0xFFFFFFFF  }
0xb3: {  	[dreg:$0x0] =	wrdreg $0x60  }
0xb4: {  	[dreg:$0x2] =	wrdreg s16  }
0xb5: {  	[dreg:$0x3] =	wrdreg s17  }
0xb6: {  	[dreg:$0x4] =	wrdreg s24  }
0xb7: {  	[dreg:$0x5] =	wrdreg $0x0  }
0xb8: {  	[dreg:$0x6] =	wrdreg $0x9  }
0xb9: {  	_ =	task.clear_ibuf [dreg:s8], $0x7FFFF;
	_ =	strace $0x90000049  }
0xba: {  	s29 =	simm.s32 $0x9;
	_ =	strace $0x8000004B  }
0xbb: {  	_ =	swait.ge [sflag:s29], $0x1  }
0xbc: {  	[sflag:s29] =	ssyncadd.s32 $0xFFFFFFFF  }
0xbd: {  	_ =	strace $0x9000004B  }
0xbe: {  	_ =	sfence  }
0xbf: {  	s30 =	sld [smem:$0x0];
	_ =	sdelay $0x2  }
0xc0: {  	s31 =	sshll.u32 s1, $0xD;
	s1 =	sshrl.u32 s1, $0x2  }
0xc1: {  	s3 =	sand.u32 $0x4000, s31;
	s1 =	sadd.s32 s1, s30  }
0xc2: {  	s0 =	sor.u32 s3, s0;
	s1 =	sshll.u32 s1, $0x11  }
0xc3: {  	s0 =	sor.u32 s1, s0  }
0xc4: {  	s0 =	sadd.s32 $0x8F2B, s0  }
0xc5: {  	[sflag:s0] =	ssyncadd.remote.s32 $0x1  }
0xc6: {  	_ =	sfence.sel $0xFFFF  }
0xc7: {  	[dreg:$0x0] =	wrdreg $0xFFFFFFFF;
	(pc) =	sbr.abs _section_cstart, $3  }
0xc8: {  	[dreg:$0x1] =	wrdreg $0xFFFFFFFF  }
0xc9: {  	_ =	task.clear_ibuf [dreg:s8], $0x2FFFF;
	_ =	strace $0x9FFFFFFF  }
0xca: {  	(tm) =	ssettm $0x7FFFFFFF  }
0xcb: {  	_ =	shalt  }
tec
execute0_lowered:
.L_overlay_start_1:
0x0: {  	(tag) =	ssettag $0x1  }
0x1: {  	s0 =	rddreg [dreg:$0x0]  }
0x2: {  	s2 =	rddreg [dreg:$0x1]  }
0x3: {  	s6 =	rddreg [dreg:$0x2]  }
0x4: {  	s1 =	rddreg [dreg:$0x3];
	s9 =	stileid.u32  }
0x5: {  	s3 =	srdreg.scid;
	s7 =	smul.u32 $0x14000, s9  }
0x6: {  	s4 =	sand.u32 $0x1, s3;
	s3 =	simm.s32 $0x0;
	s23 =	smul.u32 $0x50000, s9  }
0x7: {  	s5 =	smul.u32 $0x140000, s4;
	[smem:$0x7FF] =	sst s3  }
0x8: {  	s8 =	sshll.u32 s4, $0x4;
	s24 =	ssub.s32 $0x2, s4;
	s4 =	sadd.s32 $0x2800, s6  }
0x9: {  	_ =	strace $0x8000004A;
	s22 =	sor.u32 s9, s8;
	s25 =	sshrl.u32 s24, $0x1  }
0xa: {  	s5 =	sadd.s32 s7, s5;
	s7 =	smul.u32 $0x500, s22;
	s9 =	ssub.s32 s24, s25  }
0xb: {  	s8 =	sshrl.u32 s23, $0x2;
	s10 =	smul.u32 $0x2800, s22;
	s15 =	smax.u32 s9, $0x1  }
0xc: {  	s5 =	sshrl.u32 s5, $0x3;
	s28 =	sadd.s32 s0, s7;
	[dreg:$0xc] =	wrdreg s15  }
0xd: {  	s12 =	sadd.s32 s5, s6;
	s7 =	sadd.s32 s2, s7;
	[dreg:$0x5] =	wrdreg s28  }
0xe: {  	s9 =	simm.s32 $0x80;
	[dreg:$0x6] =	wrdreg s7;
	s11 =	sadd.s32 $0x7A800, s12  }
0xf: {  	s10 =	sshrl.u32 s10, $0x3;
	s13 =	sadd.s32 $0xCA800, s12;
	[dreg:$0x9] =	wrdreg s11  }
0x10: {  	s5 =	sadd.s32 s8, s1;
	s14 =	sadd.s32 $0x11A800, s12;
	[dreg:$0xa] =	wrdreg s13  }
0x11: {  	s15 =	simm.s32 $0x3;
	s16 =	sadd.s32 $0x1000, s5;
	[dreg:$0xb] =	wrdreg s14  }
0x12: {  	s8 =	simm.s32 $0x1E400;
	s17 =	sadd.s32 $0x2000, s5;
	[dreg:$0xd] =	wrdreg s16  }
0x13: {  	s26 =	sadd.s32 $0x280, s10;
	s18 =	sadd.s32 $0x3000, s5;
	[dreg:$0xe] =	wrdreg s17  }
0x14: {  	s19 =	sadd.s32 $0x4000, s5;
	s20 =	sadd.s32 $0x5000, s5;
	[dreg:$0xf] =	wrdreg s18  }
0x15: {  	s21 =	sadd.s32 $0x6000, s5;
	s22 =	sadd.s32 $0x7000, s5;
	[dreg:$0x10] =	wrdreg s19  }
0x16: {  	s23 =	sadd.s32 $0x8000, s5;
	s24 =	sadd.s32 $0x9000, s5;
	[dreg:$0x11] =	wrdreg s20  }
0x17: {  	s25 =	sadd.s32 $0xA000, s5;
	s28 =	sadd.s32 $0xC000, s5;
	[dreg:$0x12] =	wrdreg s21  }
0x18: {  	s29 =	sadd.s32 $0xD000, s5;
	s30 =	sadd.s32 $0xE000, s5;
	[dreg:$0x13] =	wrdreg s22  }
0x19: {  	s31 =	sadd.s32 $0xF000, s5;
	s12 =	sadd.s32 $0x13000, s5;
	[dreg:$0x14] =	wrdreg s23  }
0x1a: {  	s7 =	simm.s32 $0x4;
	s0 =	sadd.s32 s0, s26;
	[dreg:$0x15] =	wrdreg s24  }
0x1b: {  	s10 =	sadd.s32 s2, s26;
	s11 =	sadd.s32 $0x2A800, s6;
	[dreg:$0x16] =	wrdreg s25  }
0x1c: {  	s13 =	sadd.s32 $0x52800, s6;
	s26 =	sadd.s32 $0xB000, s5;
	[dreg:$0x18] =	wrdreg s28  }
0x1d: {  	s2 =	sadd.s32 $0x11000, s5;
	s14 =	simm.s32 $0x14000;
	s6 =	simm.s32 $0x1D000  }
0x1e: {  	s16 =	simm.s32 $0x15000;
	s17 =	simm.s32 $0x1D080;
	s18 =	simm.s32 $0x19000  }
0x1f: {  	s19 =	simm.s32 $0x1;
	s20 =	simm.s32 $0x2;
	[dreg:$0x7] =	wrdreg s0  }
0x20: {  	s21 =	simm.s32 $0x1F700;
	s22 =	simm.s32 $0x1F780;
	[dreg:$0x8] =	wrdreg s10  }
0x21: {  	v0 =	vimm.f32 $0.0e+00;
	[dreg:$0x17] =	wrdreg s26;
	s0 =	sadd.s32 $0x10000, s5;
	s10 =	sadd.s32 $0x12000, s5  }
.LBB2_1:
0x22: {  	s23 =	simm.s32 $0x0;
	s24 =	simm.s32 $0x200  }
.LBB2_2:
0x23: {  	p0 =	sne.s32 s24, $0x3E00;
	[tilespmem:s23+$0x14070] =	vst v0  }
0x24: {  	[tilespmem:s23+$0x14000] =	vst v0  }
0x25: {  	[tilespmem:s23+$0x14010] =	vst v0  }
.Ltmp0:
0x26: {  	[tilespmem:s23+$0x14020] =	vst v0;
	(pc) =	sbr.rel @p0 .LBB2_2-.Ltmp0, $4  }
0x27: {  	[tilespmem:s23+$0x14030] =	vst v0  }
0x28: {  	[tilespmem:s23+$0x14040] =	vst v0  }
0x29: {  	[tilespmem:s23+$0x14050] =	vst v0  }
0x2a: {  	[tilespmem:s23+$0x14060] =	vst v0;
	s23 =	sshra.s32 s24, $0x2;
	s24 =	sadd.s32 $0x200, s24  }
0x2b: {  	[tilespmem:s23+$0x14070] =	vst v0  }
0x2c: {  	[tilespmem:s23+$0x14000] =	vst v0  }
0x2d: {  	[tilespmem:s23+$0x14010] =	vst v0  }
0x2e: {  	[tilespmem:s23+$0x14020] =	vst v0  }
0x2f: {  	[tilespmem:s23+$0x14030] =	vst v0  }
0x30: {  	[tilespmem:s23+$0x14040] =	vst v0  }
0x31: {  	[tilespmem:s23+$0x14050] =	vst v0  }
0x32: {  	[tilespmem:s23+$0x14060] =	vst v0  }
0x33: {  	[spmem:s5] =	stream.linear.scatter [tilespmem:s14], [sflag:$0x3], $0x1000, $0x38;
	[tilespmem:$0x1F800] =	vst v63  }
0x34: {  	s26 =	rddreg [dreg:$0xd]  }
0x35: {  	[spmem:s26] =	stream.linear.scatter [tilespmem:s14], [sflag:$0x3], $0x1000, $0x38;
	[tilespmem:$0x1F800] =	vst v63  }
0x36: {  	s28 =	rddreg [dreg:$0xe]  }
0x37: {  	[spmem:s28] =	stream.linear.scatter [tilespmem:s14], [sflag:$0x3], $0x1000, $0x38;
	[tilespmem:$0x1F800] =	vst v63  }
0x38: {  	s24 =	rddreg [dreg:$0xf]  }
0x39: {  	[spmem:s24] =	stream.linear.scatter [tilespmem:s14], [sflag:$0x3], $0x1000, $0x38;
	[tilespmem:$0x1F800] =	vst v63  }
0x3a: {  	s25 =	rddreg [dreg:$0x10]  }
0x3b: {  	[spmem:s25] =	stream.linear.scatter [tilespmem:s14], [sflag:$0x3], $0x1000, $0x38;
	[tilespmem:$0x1F800] =	vst v63  }
0x3c: {  	s26 =	rddreg [dreg:$0x11]  }
0x3d: {  	[spmem:s26] =	stream.linear.scatter [tilespmem:s14], [sflag:$0x3], $0x1000, $0x38;
	[tilespmem:$0x1F800] =	vst v63  }
0x3e: {  	s28 =	rddreg [dreg:$0x12]  }
0x3f: {  	[spmem:s28] =	stream.linear.scatter [tilespmem:s14], [sflag:$0x3], $0x1000, $0x38;
	[tilespmem:$0x1F800] =	vst v63  }
0x40: {  	s24 =	rddreg [dreg:$0x13]  }
0x41: {  	[spmem:s24] =	stream.linear.scatter [tilespmem:s14], [sflag:$0x3], $0x1000, $0x38;
	[tilespmem:$0x1F800] =	vst v63  }
0x42: {  	s25 =	rddreg [dreg:$0x14]  }
0x43: {  	[spmem:s25] =	stream.linear.scatter [tilespmem:s14], [sflag:$0x3], $0x1000, $0x38;
	[tilespmem:$0x1F800] =	vst v63  }
0x44: {  	s26 =	rddreg [dreg:$0x15]  }
0x45: {  	[spmem:s26] =	stream.linear.scatter [tilespmem:s14], [sflag:$0x3], $0x1000, $0x38;
	[tilespmem:$0x1F800] =	vst v63  }
0x46: {  	s28 =	rddreg [dreg:$0x16]  }
0x47: {  	[spmem:s28] =	stream.linear.scatter [tilespmem:s14], [sflag:$0x3], $0x1000, $0x38;
	[tilespmem:$0x1F800] =	vst v63  }
0x48: {  	s24 =	rddreg [dreg:$0x17]  }
0x49: {  	[spmem:s24] =	stream.linear.scatter [tilespmem:s14], [sflag:$0x3], $0x1000, $0x38;
	[tilespmem:$0x1F800] =	vst v63  }
0x4a: {  	s25 =	rddreg [dreg:$0x18]  }
0x4b: {  	[spmem:s25] =	stream.linear.scatter [tilespmem:s14], [sflag:$0x3], $0x1000, $0x38;
	[tilespmem:$0x1F800] =	vst v63  }
0x4c: {  	_ = 	snop  }
0x4d: {  	[spmem:s29] =	stream.linear.scatter [tilespmem:s14], [sflag:$0x3], $0x1000, $0x38;
	[tilespmem:$0x1F800] =	vst v63  }
0x4e: {  	_ = 	snop  }
0x4f: {  	[spmem:s30] =	stream.linear.scatter [tilespmem:s14], [sflag:$0x3], $0x1000, $0x38;
	[tilespmem:$0x1F800] =	vst v63  }
0x50: {  	_ = 	snop  }
0x51: {  	[spmem:s31] =	stream.linear.scatter [tilespmem:s14], [sflag:$0x3], $0x1000, $0x38;
	[tilespmem:$0x1F800] =	vst v63  }
0x52: {  	_ = 	snop  }
0x53: {  	[spmem:s0] =	stream.linear.scatter [tilespmem:s14], [sflag:$0x3], $0x1000, $0x38;
	[tilespmem:$0x1F800] =	vst v63  }
0x54: {  	_ = 	snop  }
0x55: {  	[spmem:s2] =	stream.linear.scatter [tilespmem:s14], [sflag:$0x3], $0x1000, $0x38;
	[tilespmem:$0x1F800] =	vst v63  }
0x56: {  	_ = 	snop  }
0x57: {  	[spmem:s10] =	stream.linear.scatter [tilespmem:s14], [sflag:$0x3], $0x1000, $0x38;
	[tilespmem:$0x1F800] =	vst v63  }
0x58: {  	_ = 	snop  }
0x59: {  	[spmem:s12] =	stream.linear.scatter [tilespmem:s14], [sflag:$0x3], $0x1000, $0x38;
	[tilespmem:$0x1F800] =	vst v63  }
0x5a: {  	_ =	swait.ge [sflag:s15], $0x1000  }
0x5b: {  	[sflag:s15] =	ssyncset.done $0x0  }
0x5c: {  	[sflag:s15] =	ssyncadd.s32 $0xFFFFF000  }
0x5d: {  	_ =	swait.ge [sflag:s15], $0x1000  }
0x5e: {  	[sflag:s15] =	ssyncset.done $0x0  }
0x5f: {  	[sflag:s15] =	ssyncadd.s32 $0xFFFFF000  }
0x60: {  	_ =	swait.ge [sflag:s15], $0x1000  }
0x61: {  	[sflag:s15] =	ssyncset.done $0x0  }
0x62: {  	[sflag:s15] =	ssyncadd.s32 $0xFFFFF000  }
0x63: {  	_ =	swait.ge [sflag:s15], $0x1000  }
0x64: {  	[sflag:s15] =	ssyncset.done $0x0  }
0x65: {  	[sflag:s15] =	ssyncadd.s32 $0xFFFFF000  }
0x66: {  	_ =	swait.ge [sflag:s15], $0x1000  }
0x67: {  	[sflag:s15] =	ssyncset.done $0x0  }
0x68: {  	[sflag:s15] =	ssyncadd.s32 $0xFFFFF000  }
0x69: {  	_ =	swait.ge [sflag:s15], $0x1000  }
0x6a: {  	[sflag:s15] =	ssyncset.done $0x0  }
0x6b: {  	[sflag:s15] =	ssyncadd.s32 $0xFFFFF000  }
0x6c: {  	_ =	swait.ge [sflag:s15], $0x1000  }
0x6d: {  	[sflag:s15] =	ssyncset.done $0x0  }
0x6e: {  	[sflag:s15] =	ssyncadd.s32 $0xFFFFF000  }
0x6f: {  	_ =	swait.ge [sflag:s15], $0x1000  }
0x70: {  	[sflag:s15] =	ssyncset.done $0x0  }
0x71: {  	[sflag:s15] =	ssyncadd.s32 $0xFFFFF000  }
0x72: {  	_ =	swait.ge [sflag:s15], $0x1000  }
0x73: {  	[sflag:s15] =	ssyncset.done $0x0  }
0x74: {  	[sflag:s15] =	ssyncadd.s32 $0xFFFFF000  }
0x75: {  	_ =	swait.ge [sflag:s15], $0x1000  }
0x76: {  	[sflag:s15] =	ssyncset.done $0x0  }
0x77: {  	[sflag:s15] =	ssyncadd.s32 $0xFFFFF000  }
0x78: {  	_ =	swait.ge [sflag:s15], $0x1000  }
0x79: {  	[sflag:s15] =	ssyncset.done $0x0  }
0x7a: {  	[sflag:s15] =	ssyncadd.s32 $0xFFFFF000  }
0x7b: {  	_ =	swait.ge [sflag:s15], $0x1000  }
0x7c: {  	[sflag:s15] =	ssyncset.done $0x0  }
0x7d: {  	[sflag:s15] =	ssyncadd.s32 $0xFFFFF000  }
0x7e: {  	_ =	swait.ge [sflag:s15], $0x1000  }
0x7f: {  	[sflag:s15] =	ssyncset.done $0x0  }
0x80: {  	[sflag:s15] =	ssyncadd.s32 $0xFFFFF000  }
0x81: {  	_ =	swait.ge [sflag:s15], $0x1000  }
0x82: {  	[sflag:s15] =	ssyncset.done $0x0  }
0x83: {  	[sflag:s15] =	ssyncadd.s32 $0xFFFFF000  }
0x84: {  	_ =	swait.ge [sflag:s15], $0x1000  }
0x85: {  	[sflag:s15] =	ssyncset.done $0x0  }
0x86: {  	[sflag:s15] =	ssyncadd.s32 $0xFFFFF000  }
0x87: {  	_ =	swait.ge [sflag:s15], $0x1000  }
0x88: {  	[sflag:s15] =	ssyncset.done $0x0  }
0x89: {  	[sflag:s15] =	ssyncadd.s32 $0xFFFFF000  }
0x8a: {  	_ =	swait.ge [sflag:s15], $0x1000  }
0x8b: {  	[sflag:s15] =	ssyncset.done $0x0  }
0x8c: {  	[sflag:s15] =	ssyncadd.s32 $0xFFFFF000  }
0x8d: {  	_ =	swait.ge [sflag:s15], $0x1000  }
0x8e: {  	[sflag:s15] =	ssyncset.done $0x0  }
0x8f: {  	[sflag:s15] =	ssyncadd.s32 $0xFFFFF000  }
0x90: {  	_ =	swait.ge [sflag:s15], $0x1000  }
0x91: {  	[sflag:s15] =	ssyncset.done $0x0  }
0x92: {  	[sflag:s15] =	ssyncadd.s32 $0xFFFFF000  }
0x93: {  	_ =	swait.ge [sflag:s15], $0x1000  }
0x94: {  	[sflag:s15] =	ssyncset.done $0x0  }
0x95: {  	[sflag:s15] =	ssyncadd.s32 $0xFFFFF000  }
0x96: {  	[bflag:$0x0] =	sbarrier.arrive $0xFFFF  }
0x97: {  	s26 =	simm.s32 $0x0;
	s24 =	rddreg [dreg:$0x5]  }
0x98: {  	[tilespmem:s6], [sflag:$0x4] =	stream.linear.gather [hbm4b:s24+s26], $0x1400, $0x38;
	[tilespmem:$0x1F800] =	vst v63  }
0x99: {  	_ =	swait.ge [sflag:s7], $0x1400  }
0x9a: {  	[sflag:s7] =	ssyncset.done $0x0  }
0x9b: {  	s28 =	rddreg [dreg:$0x6];
	[sflag:s7] =	ssyncadd.s32 $0xFFFFEC00  }
0x9c: {  	[tilespmem:s8], [sflag:$0x4] =	stream.linear.gather [hbm4b:s28+s26], $0x1400, $0x38;
	[tilespmem:$0x1F800] =	vst v63  }
0x9d: {  	_ =	swait.ge [sflag:s7], $0x1400  }
0x9e: {  	[sflag:s7] =	ssyncset.done $0x0  }
0x9f: {  	[sflag:s7] =	ssyncadd.s32 $0xFFFFEC00  }
0xa0: {  	[tilespmem:s16], [sflag:$0x1] =	stream.indirect.gather [hbm4b:s4+s9], $0x80, s6, s9, $0xb8;
	[tilespmem:$0x1F800] =	vst v63  }
0xa1: {  	_ = 	snop  }
0xa2: {  	[tilespmem:s18], [sflag:$0x2] =	stream.indirect.gather [hbm4b:s4+s9], $0x80, s17, s9, $0xb8;
	[tilespmem:$0x1F800] =	vst v63  }
0xa3: {  	_ =	swait.ge [sflag:s19], $0x4000  }
0xa4: {  	[sflag:s19] =	ssyncset.done $0x0  }
0xa5: {  	s25 =	simm.s32 $0x1E400;
	[sflag:s19] =	ssyncadd.s32 $0xFFFFC000  }
0xa6: {  	[spmem:s1] =	stream.indirect.scatter.add.f32 [tilespmem:s16], [sflag:$0x4], $0x80, s25, s9, $0xb8;
	[tilespmem:$0x1F800] =	vst v63  }
0xa7: {  	_ =	swait.ge [sflag:s7], $0x4000  }
0xa8: {  	[sflag:s7] =	ssyncset.done $0x0  }
0xa9: {  	s26 =	simm.s32 $0x1D100;
	[sflag:s7] =	ssyncadd.s32 $0xFFFFC000  }
0xaa: {  	[tilespmem:s16], [sflag:$0x1] =	stream.indirect.gather [hbm4b:s4+s9], $0x80, s26, s9, $0xb8;
	[tilespmem:$0x1F800] =	vst v63  }
0xab: {  	_ =	swait.ge [sflag:s20], $0x4000  }
0xac: {  	[sflag:s20] =	ssyncset.done $0x0  }
0xad: {  	s28 =	simm.s32 $0x1E480;
	[sflag:s20] =	ssyncadd.s32 $0xFFFFC000  }
0xae: {  	[spmem:s1] =	stream.indirect.scatter.add.f32 [tilespmem:s18], [sflag:$0x4], $0x80, s28, s9, $0xb8;
	[tilespmem:$0x1F800] =	vst v63  }
0xaf: {  	_ =	swait.ge [sflag:s7], $0x4000  }
0xb0: {  	[sflag:s7] =	ssyncset.done $0x0  }
0xb1: {  	s23 =	simm.s32 $0x400;
	s24 =	simm.s32 $0x1D180;
	[sflag:s7] =	ssyncadd.s32 $0xFFFFC000  }
.LBB2_4:
0xb2: {  	[tilespmem:s18], [sflag:$0x2] =	stream.indirect.gather [hbm4b:s4+s9], $0x80, s24, s9, $0xb8;
	[tilespmem:$0x1F800] =	vst v63  }
0xb3: {  	s24 =	smov.u32 s23  }
0xb4: {  	p0 =	sne.s32 s23, $0x4800;
	s23 =	sadd.s32 $0x400, s23;
	_ =	swait.ge [sflag:s19], $0x4000  }
0xb5: {  	s24 =	sshra.s32 s24, $0x2;
	[sflag:s19] =	ssyncset.done $0x0  }
0xb6: {  	s25 =	sadd.s32 $0x1E400, s24;
	[sflag:s19] =	ssyncadd.s32 $0xFFFFC000  }
0xb7: {  	[spmem:s1] =	stream.indirect.scatter.add.f32 [tilespmem:s16], [sflag:$0x4], $0x80, s25, s9, $0xb8;
	[tilespmem:$0x1F800] =	vst v63  }
0xb8: {  	_ =	swait.ge [sflag:s7], $0x4000  }
0xb9: {  	[sflag:s7] =	ssyncset.done $0x0  }
0xba: {  	s25 =	sadd.s32 $0x1D100, s24;
	[sflag:s7] =	ssyncadd.s32 $0xFFFFC000  }
0xbb: {  	[tilespmem:s16], [sflag:$0x1] =	stream.indirect.gather [hbm4b:s4+s9], $0x80, s25, s9, $0xb8;
	[tilespmem:$0x1F800] =	vst v63  }
0xbc: {  	_ =	swait.ge [sflag:s20], $0x4000  }
0xbd: {  	[sflag:s20] =	ssyncset.done $0x0  }
.Ltmp1:
0xbe: {  	s25 =	sadd.s32 $0x1E480, s24;
	[sflag:s20] =	ssyncadd.s32 $0xFFFFC000;
	(pc) =	sbr.rel @p0 .LBB2_4-.Ltmp1, $4  }
0xbf: {  	[spmem:s1] =	stream.indirect.scatter.add.f32 [tilespmem:s18], [sflag:$0x4], $0x80, s25, s9, $0xb8;
	[tilespmem:$0x1F800] =	vst v63  }
0xc0: {  	_ =	swait.ge [sflag:s7], $0x4000  }
0xc1: {  	[sflag:s7] =	ssyncset.done $0x0  }
0xc2: {  	s24 =	sadd.s32 $0x1D180, s24;
	[sflag:s7] =	ssyncadd.s32 $0xFFFFC000  }
0xc3: {  	[tilespmem:s18], [sflag:$0x2] =	stream.indirect.gather [hbm4b:s4+s9], $0x80, s24, s9, $0xb8;
	[tilespmem:$0x1F800] =	vst v63  }
0xc4: {  	_ =	swait.ge [sflag:s19], $0x4000  }
0xc5: {  	[sflag:s19] =	ssyncset.done $0x0  }
0xc6: {  	[sflag:s19] =	ssyncadd.s32 $0xFFFFC000  }
0xc7: {  	[spmem:s1] =	stream.indirect.scatter.add.f32 [tilespmem:s16], [sflag:$0x4], $0x80, s21, s9, $0xb8;
	[tilespmem:$0x1F800] =	vst v63  }
0xc8: {  	_ =	swait.ge [sflag:s7], $0x4000  }
0xc9: {  	[sflag:s7] =	ssyncset.done $0x0  }
0xca: {  	[sflag:s7] =	ssyncadd.s32 $0xFFFFC000  }
0xcb: {  	_ =	swait.ge [sflag:s20], $0x4000  }
0xcc: {  	[sflag:s20] =	ssyncset.done $0x0  }
0xcd: {  	[sflag:s20] =	ssyncadd.s32 $0xFFFFC000  }
0xce: {  	[spmem:s1] =	stream.indirect.scatter.add.f32 [tilespmem:s18], [sflag:$0x4], $0x80, s22, s9, $0xb8;
	[tilespmem:$0x1F800] =	vst v63  }
0xcf: {  	_ =	swait.ge [sflag:s7], $0x4000  }
0xd0: {  	[sflag:s7] =	ssyncset.done $0x0  }
0xd1: {  	s23 =	simm.s32 $0x0;
	s26 =	rddreg [dreg:$0x7];
	[sflag:s7] =	ssyncadd.s32 $0xFFFFC000  }
0xd2: {  	[tilespmem:s6], [sflag:$0x4] =	stream.linear.gather [hbm4b:s26+s23], $0x1400, $0x38;
	[tilespmem:$0x1F800] =	vst v63  }
0xd3: {  	_ =	swait.ge [sflag:s7], $0x1400  }
0xd4: {  	[sflag:s7] =	ssyncset.done $0x0  }
0xd5: {  	s28 =	rddreg [dreg:$0x8];
	[sflag:s7] =	ssyncadd.s32 $0xFFFFEC00  }
0xd6: {  	[tilespmem:s8], [sflag:$0x4] =	stream.linear.gather [hbm4b:s28+s23], $0x1400, $0x38;
	[tilespmem:$0x1F800] =	vst v63  }
0xd7: {  	_ =	swait.ge [sflag:s7], $0x1400  }
0xd8: {  	[sflag:s7] =	ssyncset.done $0x0  }
0xd9: {  	[sflag:s7] =	ssyncadd.s32 $0xFFFFEC00  }
0xda: {  	[tilespmem:s16], [sflag:$0x1] =	stream.indirect.gather [hbm4b:s4+s9], $0x80, s6, s9, $0xb8;
	[tilespmem:$0x1F800] =	vst v63  }
0xdb: {  	_ = 	snop  }
0xdc: {  	[tilespmem:s18], [sflag:$0x2] =	stream.indirect.gather [hbm4b:s4+s9], $0x80, s17, s9, $0xb8;
	[tilespmem:$0x1F800] =	vst v63  }
0xdd: {  	_ =	swait.ge [sflag:s19], $0x4000  }
0xde: {  	[sflag:s19] =	ssyncset.done $0x0  }
0xdf: {  	s25 =	simm.s32 $0x1E400;
	[sflag:s19] =	ssyncadd.s32 $0xFFFFC000  }
0xe0: {  	[spmem:s1] =	stream.indirect.scatter.add.f32 [tilespmem:s16], [sflag:$0x4], $0x80, s25, s9, $0xb8;
	[tilespmem:$0x1F800] =	vst v63  }
0xe1: {  	_ =	swait.ge [sflag:s7], $0x4000  }
0xe2: {  	[sflag:s7] =	ssyncset.done $0x0  }
0xe3: {  	s26 =	simm.s32 $0x1D100;
	[sflag:s7] =	ssyncadd.s32 $0xFFFFC000  }
0xe4: {  	[tilespmem:s16], [sflag:$0x1] =	stream.indirect.gather [hbm4b:s4+s9], $0x80, s26, s9, $0xb8;
	[tilespmem:$0x1F800] =	vst v63  }
0xe5: {  	_ =	swait.ge [sflag:s20], $0x4000  }
0xe6: {  	[sflag:s20] =	ssyncset.done $0x0  }
0xe7: {  	s28 =	simm.s32 $0x1E480;
	[sflag:s20] =	ssyncadd.s32 $0xFFFFC000  }
0xe8: {  	[spmem:s1] =	stream.indirect.scatter.add.f32 [tilespmem:s18], [sflag:$0x4], $0x80, s28, s9, $0xb8;
	[tilespmem:$0x1F800] =	vst v63  }
0xe9: {  	_ =	swait.ge [sflag:s7], $0x4000  }
0xea: {  	[sflag:s7] =	ssyncset.done $0x0  }
0xeb: {  	s24 =	simm.s32 $0x1D180;
	s23 =	simm.s32 $0x400;
	[sflag:s7] =	ssyncadd.s32 $0xFFFFC000  }
.LBB2_6:
0xec: {  	[tilespmem:s18], [sflag:$0x2] =	stream.indirect.gather [hbm4b:s4+s9], $0x80, s24, s9, $0xb8;
	[tilespmem:$0x1F800] =	vst v63  }
0xed: {  	s24 =	smov.u32 s23  }
0xee: {  	p0 =	sne.s32 s23, $0x4800;
	s23 =	sadd.s32 $0x400, s23;
	_ =	swait.ge [sflag:s19], $0x4000  }
0xef: {  	s24 =	sshra.s32 s24, $0x2;
	[sflag:s19] =	ssyncset.done $0x0  }
0xf0: {  	s25 =	sadd.s32 $0x1E400, s24;
	[sflag:s19] =	ssyncadd.s32 $0xFFFFC000  }
0xf1: {  	[spmem:s1] =	stream.indirect.scatter.add.f32 [tilespmem:s16], [sflag:$0x4], $0x80, s25, s9, $0xb8;
	[tilespmem:$0x1F800] =	vst v63  }
0xf2: {  	_ =	swait.ge [sflag:s7], $0x4000  }
0xf3: {  	[sflag:s7] =	ssyncset.done $0x0  }
0xf4: {  	s25 =	sadd.s32 $0x1D100, s24;
	[sflag:s7] =	ssyncadd.s32 $0xFFFFC000  }
0xf5: {  	[tilespmem:s16], [sflag:$0x1] =	stream.indirect.gather [hbm4b:s4+s9], $0x80, s25, s9, $0xb8;
	[tilespmem:$0x1F800] =	vst v63  }
0xf6: {  	_ =	swait.ge [sflag:s20], $0x4000  }
0xf7: {  	[sflag:s20] =	ssyncset.done $0x0  }
.Ltmp2:
0xf8: {  	s25 =	sadd.s32 $0x1E480, s24;
	[sflag:s20] =	ssyncadd.s32 $0xFFFFC000;
	(pc) =	sbr.rel @p0 .LBB2_6-.Ltmp2, $4  }
0xf9: {  	[spmem:s1] =	stream.indirect.scatter.add.f32 [tilespmem:s18], [sflag:$0x4], $0x80, s25, s9, $0xb8;
	[tilespmem:$0x1F800] =	vst v63  }
0xfa: {  	_ =	swait.ge [sflag:s7], $0x4000  }
0xfb: {  	[sflag:s7] =	ssyncset.done $0x0  }
0xfc: {  	s24 =	sadd.s32 $0x1D180, s24;
	[sflag:s7] =	ssyncadd.s32 $0xFFFFC000  }
0xfd: {  	[tilespmem:s18], [sflag:$0x2] =	stream.indirect.gather [hbm4b:s4+s9], $0x80, s24, s9, $0xb8;
	[tilespmem:$0x1F800] =	vst v63  }
0xfe: {  	_ =	swait.ge [sflag:s19], $0x4000  }
0xff: {  	[sflag:s19] =	ssyncset.done $0x0  }
0x100: {  	[sflag:s19] =	ssyncadd.s32 $0xFFFFC000  }
0x101: {  	[spmem:s1] =	stream.indirect.scatter.add.f32 [tilespmem:s16], [sflag:$0x4], $0x80, s21, s9, $0xb8;
	[tilespmem:$0x1F800] =	vst v63  }
0x102: {  	_ =	swait.ge [sflag:s7], $0x4000  }
0x103: {  	[sflag:s7] =	ssyncset.done $0x0  }
0x104: {  	[sflag:s7] =	ssyncadd.s32 $0xFFFFC000  }
0x105: {  	_ =	swait.ge [sflag:s20], $0x4000  }
0x106: {  	[sflag:s20] =	ssyncset.done $0x0  }
0x107: {  	[sflag:s20] =	ssyncadd.s32 $0xFFFFC000  }
0x108: {  	[spmem:s1] =	stream.indirect.scatter.add.f32 [tilespmem:s18], [sflag:$0x4], $0x80, s22, s9, $0xb8;
	[tilespmem:$0x1F800] =	vst v63  }
0x109: {  	_ =	swait.ge [sflag:s7], $0x4000  }
0x10a: {  	[sflag:s7] =	ssyncset.done $0x0  }
0x10b: {  	s23 =	stileid.u32;
	[sflag:s7] =	ssyncadd.s32 $0xFFFFC000  }
0x10c: {  	s23 =	sshll.u32 s23, $0x6;
	[bflag:$0x0] =	sbarrier.arrive $0xFFFF  }
0x10d: {  	s24 =	sshrl.u32 s5, $0x3;
	s23 =	sor.u32 $0x1C04, s23;
	s25 =	rddreg [dreg:$0x9]  }
0x10e: {  	[hbm:s25], [sflag:s23] =	dma.local [spmem:s24], $0x2800  }
0x10f: {  	_ =	swait.ge [sflag:s7], $0x2800  }
0x110: {  	[sflag:s7] =	ssyncset.done $0x0  }
0x111: {  	[sflag:s7] =	ssyncadd.s32 $0xFFFFD800  }
0x112: {  	[spmem:s5] =	stream.linear.scatter [tilespmem:s14], [sflag:$0x3], $0x1000, $0x38;
	[tilespmem:$0x1F800] =	vst v63  }
0x113: {  	s28 =	rddreg [dreg:$0xd]  }
0x114: {  	[spmem:s28] =	stream.linear.scatter [tilespmem:s14], [sflag:$0x3], $0x1000, $0x38;
	[tilespmem:$0x1F800] =	vst v63  }
0x115: {  	s26 =	rddreg [dreg:$0xe]  }
0x116: {  	[spmem:s26] =	stream.linear.scatter [tilespmem:s14], [sflag:$0x3], $0x1000, $0x38;
	[tilespmem:$0x1F800] =	vst v63  }
0x117: {  	s28 =	rddreg [dreg:$0xf]  }
0x118: {  	[spmem:s28] =	stream.linear.scatter [tilespmem:s14], [sflag:$0x3], $0x1000, $0x38;
	[tilespmem:$0x1F800] =	vst v63  }
0x119: {  	s26 =	rddreg [dreg:$0x10]  }
0x11a: {  	[spmem:s26] =	stream.linear.scatter [tilespmem:s14], [sflag:$0x3], $0x1000, $0x38;
	[tilespmem:$0x1F800] =	vst v63  }
0x11b: {  	s28 =	rddreg [dreg:$0x11]  }
0x11c: {  	[spmem:s28] =	stream.linear.scatter [tilespmem:s14], [sflag:$0x3], $0x1000, $0x38;
	[tilespmem:$0x1F800] =	vst v63  }
0x11d: {  	s26 =	rddreg [dreg:$0x12]  }
0x11e: {  	[spmem:s26] =	stream.linear.scatter [tilespmem:s14], [sflag:$0x3], $0x1000, $0x38;
	[tilespmem:$0x1F800] =	vst v63  }
0x11f: {  	s28 =	rddreg [dreg:$0x13]  }
0x120: {  	[spmem:s28] =	stream.linear.scatter [tilespmem:s14], [sflag:$0x3], $0x1000, $0x38;
	[tilespmem:$0x1F800] =	vst v63  }
0x121: {  	s26 =	rddreg [dreg:$0x14]  }
0x122: {  	[spmem:s26] =	stream.linear.scatter [tilespmem:s14], [sflag:$0x3], $0x1000, $0x38;
	[tilespmem:$0x1F800] =	vst v63  }
0x123: {  	s28 =	rddreg [dreg:$0x15]  }
0x124: {  	[spmem:s28] =	stream.linear.scatter [tilespmem:s14], [sflag:$0x3], $0x1000, $0x38;
	[tilespmem:$0x1F800] =	vst v63  }
0x125: {  	s26 =	rddreg [dreg:$0x16]  }
0x126: {  	[spmem:s26] =	stream.linear.scatter [tilespmem:s14], [sflag:$0x3], $0x1000, $0x38;
	[tilespmem:$0x1F800] =	vst v63  }
0x127: {  	s28 =	rddreg [dreg:$0x17]  }
0x128: {  	[spmem:s28] =	stream.linear.scatter [tilespmem:s14], [sflag:$0x3], $0x1000, $0x38;
	[tilespmem:$0x1F800] =	vst v63  }
0x129: {  	s26 =	rddreg [dreg:$0x18]  }
0x12a: {  	[spmem:s26] =	stream.linear.scatter [tilespmem:s14], [sflag:$0x3], $0x1000, $0x38;
	[tilespmem:$0x1F800] =	vst v63  }
0x12b: {  	_ = 	snop  }
0x12c: {  	[spmem:s29] =	stream.linear.scatter [tilespmem:s14], [sflag:$0x3], $0x1000, $0x38;
	[tilespmem:$0x1F800] =	vst v63  }
0x12d: {  	_ = 	snop  }
0x12e: {  	[spmem:s30] =	stream.linear.scatter [tilespmem:s14], [sflag:$0x3], $0x1000, $0x38;
	[tilespmem:$0x1F800] =	vst v63  }
0x12f: {  	_ = 	snop  }
0x130: {  	[spmem:s31] =	stream.linear.scatter [tilespmem:s14], [sflag:$0x3], $0x1000, $0x38;
	[tilespmem:$0x1F800] =	vst v63  }
0x131: {  	_ = 	snop  }
0x132: {  	[spmem:s0] =	stream.linear.scatter [tilespmem:s14], [sflag:$0x3], $0x1000, $0x38;
	[tilespmem:$0x1F800] =	vst v63  }
0x133: {  	_ = 	snop  }
0x134: {  	[spmem:s2] =	stream.linear.scatter [tilespmem:s14], [sflag:$0x3], $0x1000, $0x38;
	[tilespmem:$0x1F800] =	vst v63  }
0x135: {  	_ = 	snop  }
0x136: {  	[spmem:s10] =	stream.linear.scatter [tilespmem:s14], [sflag:$0x3], $0x1000, $0x38;
	[tilespmem:$0x1F800] =	vst v63  }
0x137: {  	_ = 	snop  }
0x138: {  	[spmem:s12] =	stream.linear.scatter [tilespmem:s14], [sflag:$0x3], $0x1000, $0x38;
	[tilespmem:$0x1F800] =	vst v63  }
0x139: {  	_ =	swait.ge [sflag:s15], $0x1000  }
0x13a: {  	[sflag:s15] =	ssyncset.done $0x0  }
0x13b: {  	[sflag:s15] =	ssyncadd.s32 $0xFFFFF000  }
0x13c: {  	_ =	swait.ge [sflag:s15], $0x1000  }
0x13d: {  	[sflag:s15] =	ssyncset.done $0x0  }
0x13e: {  	[sflag:s15] =	ssyncadd.s32 $0xFFFFF000  }
0x13f: {  	_ =	swait.ge [sflag:s15], $0x1000  }
0x140: {  	[sflag:s15] =	ssyncset.done $0x0  }
0x141: {  	[sflag:s15] =	ssyncadd.s32 $0xFFFFF000  }
0x142: {  	_ =	swait.ge [sflag:s15], $0x1000  }
0x143: {  	[sflag:s15] =	ssyncset.done $0x0  }
0x144: {  	[sflag:s15] =	ssyncadd.s32 $0xFFFFF000  }
0x145: {  	_ =	swait.ge [sflag:s15], $0x1000  }
0x146: {  	[sflag:s15] =	ssyncset.done $0x0  }
0x147: {  	[sflag:s15] =	ssyncadd.s32 $0xFFFFF000  }
0x148: {  	_ =	swait.ge [sflag:s15], $0x1000  }
0x149: {  	[sflag:s15] =	ssyncset.done $0x0  }
0x14a: {  	[sflag:s15] =	ssyncadd.s32 $0xFFFFF000  }
0x14b: {  	_ =	swait.ge [sflag:s15], $0x1000  }
0x14c: {  	[sflag:s15] =	ssyncset.done $0x0  }
0x14d: {  	[sflag:s15] =	ssyncadd.s32 $0xFFFFF000  }
0x14e: {  	_ =	swait.ge [sflag:s15], $0x1000  }
0x14f: {  	[sflag:s15] =	ssyncset.done $0x0  }
0x150: {  	[sflag:s15] =	ssyncadd.s32 $0xFFFFF000  }
0x151: {  	_ =	swait.ge [sflag:s15], $0x1000  }
0x152: {  	[sflag:s15] =	ssyncset.done $0x0  }
0x153: {  	[sflag:s15] =	ssyncadd.s32 $0xFFFFF000  }
0x154: {  	_ =	swait.ge [sflag:s15], $0x1000  }
0x155: {  	[sflag:s15] =	ssyncset.done $0x0  }
0x156: {  	[sflag:s15] =	ssyncadd.s32 $0xFFFFF000  }
0x157: {  	_ =	swait.ge [sflag:s15], $0x1000  }
0x158: {  	[sflag:s15] =	ssyncset.done $0x0  }
0x159: {  	[sflag:s15] =	ssyncadd.s32 $0xFFFFF000  }
0x15a: {  	_ =	swait.ge [sflag:s15], $0x1000  }
0x15b: {  	[sflag:s15] =	ssyncset.done $0x0  }
0x15c: {  	[sflag:s15] =	ssyncadd.s32 $0xFFFFF000  }
0x15d: {  	_ =	swait.ge [sflag:s15], $0x1000  }
0x15e: {  	[sflag:s15] =	ssyncset.done $0x0  }
0x15f: {  	[sflag:s15] =	ssyncadd.s32 $0xFFFFF000  }
0x160: {  	_ =	swait.ge [sflag:s15], $0x1000  }
0x161: {  	[sflag:s15] =	ssyncset.done $0x0  }
0x162: {  	[sflag:s15] =	ssyncadd.s32 $0xFFFFF000  }
0x163: {  	_ =	swait.ge [sflag:s15], $0x1000  }
0x164: {  	[sflag:s15] =	ssyncset.done $0x0  }
0x165: {  	[sflag:s15] =	ssyncadd.s32 $0xFFFFF000  }
0x166: {  	_ =	swait.ge [sflag:s15], $0x1000  }
0x167: {  	[sflag:s15] =	ssyncset.done $0x0  }
0x168: {  	[sflag:s15] =	ssyncadd.s32 $0xFFFFF000  }
0x169: {  	_ =	swait.ge [sflag:s15], $0x1000  }
0x16a: {  	[sflag:s15] =	ssyncset.done $0x0  }
0x16b: {  	[sflag:s15] =	ssyncadd.s32 $0xFFFFF000  }
0x16c: {  	_ =	swait.ge [sflag:s15], $0x1000  }
0x16d: {  	[sflag:s15] =	ssyncset.done $0x0  }
0x16e: {  	[sflag:s15] =	ssyncadd.s32 $0xFFFFF000  }
0x16f: {  	_ =	swait.ge [sflag:s15], $0x1000  }
0x170: {  	[sflag:s15] =	ssyncset.done $0x0  }
0x171: {  	[sflag:s15] =	ssyncadd.s32 $0xFFFFF000  }
0x172: {  	_ =	swait.ge [sflag:s15], $0x1000  }
0x173: {  	[sflag:s15] =	ssyncset.done $0x0  }
0x174: {  	[sflag:s15] =	ssyncadd.s32 $0xFFFFF000  }
0x175: {  	[bflag:$0x0] =	sbarrier.arrive $0xFFFF  }
0x176: {  	s25 =	simm.s32 $0x0;
	s26 =	rddreg [dreg:$0x5]  }
0x177: {  	[tilespmem:s6], [sflag:$0x4] =	stream.linear.gather [hbm4b:s26+s25], $0x1400, $0x38;
	[tilespmem:$0x1F800] =	vst v63  }
0x178: {  	_ =	swait.ge [sflag:s7], $0x1400  }
0x179: {  	[sflag:s7] =	ssyncset.done $0x0  }
0x17a: {  	s28 =	rddreg [dreg:$0x6];
	[sflag:s7] =	ssyncadd.s32 $0xFFFFEC00  }
0x17b: {  	[tilespmem:s8], [sflag:$0x4] =	stream.linear.gather [hbm4b:s28+s25], $0x1400, $0x38;
	[tilespmem:$0x1F800] =	vst v63  }
0x17c: {  	_ =	swait.ge [sflag:s7], $0x1400  }
0x17d: {  	[sflag:s7] =	ssyncset.done $0x0  }
0x17e: {  	[sflag:s7] =	ssyncadd.s32 $0xFFFFEC00  }
0x17f: {  	[tilespmem:s16], [sflag:$0x1] =	stream.indirect.gather [hbm4b:s11+s9], $0x80, s6, s9, $0xb8;
	[tilespmem:$0x1F800] =	vst v63  }
0x180: {  	_ = 	snop  }
0x181: {  	[tilespmem:s18], [sflag:$0x2] =	stream.indirect.gather [hbm4b:s11+s9], $0x80, s17, s9, $0xb8;
	[tilespmem:$0x1F800] =	vst v63  }
0x182: {  	_ =	swait.ge [sflag:s19], $0x4000  }
0x183: {  	[sflag:s19] =	ssyncset.done $0x0  }
0x184: {  	s28 =	simm.s32 $0x1E400;
	[sflag:s19] =	ssyncadd.s32 $0xFFFFC000  }
0x185: {  	[spmem:s1] =	stream.indirect.scatter.add.f32 [tilespmem:s16], [sflag:$0x4], $0x80, s28, s9, $0xb8;
	[tilespmem:$0x1F800] =	vst v63  }
0x186: {  	_ =	swait.ge [sflag:s7], $0x4000  }
0x187: {  	[sflag:s7] =	ssyncset.done $0x0  }
0x188: {  	s26 =	simm.s32 $0x1D100;
	[sflag:s7] =	ssyncadd.s32 $0xFFFFC000  }
0x189: {  	[tilespmem:s16], [sflag:$0x1] =	stream.indirect.gather [hbm4b:s11+s9], $0x80, s26, s9, $0xb8;
	[tilespmem:$0x1F800] =	vst v63  }
0x18a: {  	_ =	swait.ge [sflag:s20], $0x4000  }
0x18b: {  	[sflag:s20] =	ssyncset.done $0x0  }
0x18c: {  	s28 =	simm.s32 $0x1E480;
	[sflag:s20] =	ssyncadd.s32 $0xFFFFC000  }
0x18d: {  	[spmem:s1] =	stream.indirect.scatter.add.f32 [tilespmem:s18], [sflag:$0x4], $0x80, s28, s9, $0xb8;
	[tilespmem:$0x1F800] =	vst v63  }
0x18e: {  	_ =	swait.ge [sflag:s7], $0x4000  }
0x18f: {  	[sflag:s7] =	ssyncset.done $0x0  }
0x190: {  	s25 =	simm.s32 $0x400;
	s26 =	simm.s32 $0x1D180;
	[sflag:s7] =	ssyncadd.s32 $0xFFFFC000  }
.LBB2_8:
0x191: {  	[tilespmem:s18], [sflag:$0x2] =	stream.indirect.gather [hbm4b:s11+s9], $0x80, s26, s9, $0xb8;
	[tilespmem:$0x1F800] =	vst v63  }
0x192: {  	s26 =	smov.u32 s25  }
0x193: {  	p0 =	sne.s32 s25, $0x4800;
	s25 =	sadd.s32 $0x400, s25;
	_ =	swait.ge [sflag:s19], $0x4000  }
0x194: {  	s26 =	sshra.s32 s26, $0x2;
	[sflag:s19] =	ssyncset.done $0x0  }
0x195: {  	s28 =	sadd.s32 $0x1E400, s26;
	[sflag:s19] =	ssyncadd.s32 $0xFFFFC000  }
0x196: {  	[spmem:s1] =	stream.indirect.scatter.add.f32 [tilespmem:s16], [sflag:$0x4], $0x80, s28, s9, $0xb8;
	[tilespmem:$0x1F800] =	vst v63  }
0x197: {  	_ =	swait.ge [sflag:s7], $0x4000  }
0x198: {  	[sflag:s7] =	ssyncset.done $0x0  }
0x199: {  	s28 =	sadd.s32 $0x1D100, s26;
	[sflag:s7] =	ssyncadd.s32 $0xFFFFC000  }
0x19a: {  	[tilespmem:s16], [sflag:$0x1] =	stream.indirect.gather [hbm4b:s11+s9], $0x80, s28, s9, $0xb8;
	[tilespmem:$0x1F800] =	vst v63  }
0x19b: {  	_ =	swait.ge [sflag:s20], $0x4000  }
0x19c: {  	[sflag:s20] =	ssyncset.done $0x0  }
.Ltmp3:
0x19d: {  	s28 =	sadd.s32 $0x1E480, s26;
	[sflag:s20] =	ssyncadd.s32 $0xFFFFC000;
	(pc) =	sbr.rel @p0 .LBB2_8-.Ltmp3, $4  }
0x19e: {  	[spmem:s1] =	stream.indirect.scatter.add.f32 [tilespmem:s18], [sflag:$0x4], $0x80, s28, s9, $0xb8;
	[tilespmem:$0x1F800] =	vst v63  }
0x19f: {  	_ =	swait.ge [sflag:s7], $0x4000  }
0x1a0: {  	[sflag:s7] =	ssyncset.done $0x0  }
0x1a1: {  	s26 =	sadd.s32 $0x1D180, s26;
	[sflag:s7] =	ssyncadd.s32 $0xFFFFC000  }
0x1a2: {  	[tilespmem:s18], [sflag:$0x2] =	stream.indirect.gather [hbm4b:s11+s9], $0x80, s26, s9, $0xb8;
	[tilespmem:$0x1F800] =	vst v63  }
0x1a3: {  	_ =	swait.ge [sflag:s19], $0x4000  }
0x1a4: {  	[sflag:s19] =	ssyncset.done $0x0  }
0x1a5: {  	[sflag:s19] =	ssyncadd.s32 $0xFFFFC000  }
0x1a6: {  	[spmem:s1] =	stream.indirect.scatter.add.f32 [tilespmem:s16], [sflag:$0x4], $0x80, s21, s9, $0xb8;
	[tilespmem:$0x1F800] =	vst v63  }
0x1a7: {  	_ =	swait.ge [sflag:s7], $0x4000  }
0x1a8: {  	[sflag:s7] =	ssyncset.done $0x0  }
0x1a9: {  	[sflag:s7] =	ssyncadd.s32 $0xFFFFC000  }
0x1aa: {  	_ =	swait.ge [sflag:s20], $0x4000  }
0x1ab: {  	[sflag:s20] =	ssyncset.done $0x0  }
0x1ac: {  	[sflag:s20] =	ssyncadd.s32 $0xFFFFC000  }
0x1ad: {  	[spmem:s1] =	stream.indirect.scatter.add.f32 [tilespmem:s18], [sflag:$0x4], $0x80, s22, s9, $0xb8;
	[tilespmem:$0x1F800] =	vst v63  }
0x1ae: {  	_ =	swait.ge [sflag:s7], $0x4000  }
0x1af: {  	[sflag:s7] =	ssyncset.done $0x0  }
0x1b0: {  	s25 =	simm.s32 $0x0;
	s28 =	rddreg [dreg:$0x7];
	[sflag:s7] =	ssyncadd.s32 $0xFFFFC000  }
0x1b1: {  	[tilespmem:s6], [sflag:$0x4] =	stream.linear.gather [hbm4b:s28+s25], $0x1400, $0x38;
	[tilespmem:$0x1F800] =	vst v63  }
0x1b2: {  	_ =	swait.ge [sflag:s7], $0x1400  }
0x1b3: {  	[sflag:s7] =	ssyncset.done $0x0  }
0x1b4: {  	s28 =	rddreg [dreg:$0x8];
	[sflag:s7] =	ssyncadd.s32 $0xFFFFEC00  }
0x1b5: {  	[tilespmem:s8], [sflag:$0x4] =	stream.linear.gather [hbm4b:s28+s25], $0x1400, $0x38;
	[tilespmem:$0x1F800] =	vst v63  }
0x1b6: {  	_ =	swait.ge [sflag:s7], $0x1400  }
0x1b7: {  	[sflag:s7] =	ssyncset.done $0x0  }
0x1b8: {  	[sflag:s7] =	ssyncadd.s32 $0xFFFFEC00  }
0x1b9: {  	[tilespmem:s16], [sflag:$0x1] =	stream.indirect.gather [hbm4b:s11+s9], $0x80, s6, s9, $0xb8;
	[tilespmem:$0x1F800] =	vst v63  }
0x1ba: {  	_ = 	snop  }
0x1bb: {  	[tilespmem:s18], [sflag:$0x2] =	stream.indirect.gather [hbm4b:s11+s9], $0x80, s17, s9, $0xb8;
	[tilespmem:$0x1F800] =	vst v63  }
0x1bc: {  	_ =	swait.ge [sflag:s19], $0x4000  }
0x1bd: {  	[sflag:s19] =	ssyncset.done $0x0  }
0x1be: {  	s28 =	simm.s32 $0x1E400;
	[sflag:s19] =	ssyncadd.s32 $0xFFFFC000  }
0x1bf: {  	[spmem:s1] =	stream.indirect.scatter.add.f32 [tilespmem:s16], [sflag:$0x4], $0x80, s28, s9, $0xb8;
	[tilespmem:$0x1F800] =	vst v63  }
0x1c0: {  	_ =	swait.ge [sflag:s7], $0x4000  }
0x1c1: {  	[sflag:s7] =	ssyncset.done $0x0  }
0x1c2: {  	s26 =	simm.s32 $0x1D100;
	[sflag:s7] =	ssyncadd.s32 $0xFFFFC000  }
0x1c3: {  	[tilespmem:s16], [sflag:$0x1] =	stream.indirect.gather [hbm4b:s11+s9], $0x80, s26, s9, $0xb8;
	[tilespmem:$0x1F800] =	vst v63  }
0x1c4: {  	_ =	swait.ge [sflag:s20], $0x4000  }
0x1c5: {  	[sflag:s20] =	ssyncset.done $0x0  }
0x1c6: {  	s28 =	simm.s32 $0x1E480;
	[sflag:s20] =	ssyncadd.s32 $0xFFFFC000  }
0x1c7: {  	[spmem:s1] =	stream.indirect.scatter.add.f32 [tilespmem:s18], [sflag:$0x4], $0x80, s28, s9, $0xb8;
	[tilespmem:$0x1F800] =	vst v63  }
0x1c8: {  	_ =	swait.ge [sflag:s7], $0x4000  }
0x1c9: {  	[sflag:s7] =	ssyncset.done $0x0  }
0x1ca: {  	s25 =	simm.s32 $0x400;
	s26 =	simm.s32 $0x1D180;
	[sflag:s7] =	ssyncadd.s32 $0xFFFFC000  }
.LBB2_10:
0x1cb: {  	[tilespmem:s18], [sflag:$0x2] =	stream.indirect.gather [hbm4b:s11+s9], $0x80, s26, s9, $0xb8;
	[tilespmem:$0x1F800] =	vst v63  }
0x1cc: {  	s26 =	smov.u32 s25  }
0x1cd: {  	p0 =	sne.s32 s25, $0x4800;
	s25 =	sadd.s32 $0x400, s25;
	_ =	swait.ge [sflag:s19], $0x4000  }
0x1ce: {  	s26 =	sshra.s32 s26, $0x2;
	[sflag:s19] =	ssyncset.done $0x0  }
0x1cf: {  	s28 =	sadd.s32 $0x1E400, s26;
	[sflag:s19] =	ssyncadd.s32 $0xFFFFC000  }
0x1d0: {  	[spmem:s1] =	stream.indirect.scatter.add.f32 [tilespmem:s16], [sflag:$0x4], $0x80, s28, s9, $0xb8;
	[tilespmem:$0x1F800] =	vst v63  }
0x1d1: {  	_ =	swait.ge [sflag:s7], $0x4000  }
0x1d2: {  	[sflag:s7] =	ssyncset.done $0x0  }
0x1d3: {  	s28 =	sadd.s32 $0x1D100, s26;
	[sflag:s7] =	ssyncadd.s32 $0xFFFFC000  }
0x1d4: {  	[tilespmem:s16], [sflag:$0x1] =	stream.indirect.gather [hbm4b:s11+s9], $0x80, s28, s9, $0xb8;
	[tilespmem:$0x1F800] =	vst v63  }
0x1d5: {  	_ =	swait.ge [sflag:s20], $0x4000  }
0x1d6: {  	[sflag:s20] =	ssyncset.done $0x0  }
.Ltmp4:
0x1d7: {  	s28 =	sadd.s32 $0x1E480, s26;
	[sflag:s20] =	ssyncadd.s32 $0xFFFFC000;
	(pc) =	sbr.rel @p0 .LBB2_10-.Ltmp4, $4  }
0x1d8: {  	[spmem:s1] =	stream.indirect.scatter.add.f32 [tilespmem:s18], [sflag:$0x4], $0x80, s28, s9, $0xb8;
	[tilespmem:$0x1F800] =	vst v63  }
0x1d9: {  	_ =	swait.ge [sflag:s7], $0x4000  }
0x1da: {  	[sflag:s7] =	ssyncset.done $0x0  }
0x1db: {  	s26 =	sadd.s32 $0x1D180, s26;
	[sflag:s7] =	ssyncadd.s32 $0xFFFFC000  }
0x1dc: {  	[tilespmem:s18], [sflag:$0x2] =	stream.indirect.gather [hbm4b:s11+s9], $0x80, s26, s9, $0xb8;
	[tilespmem:$0x1F800] =	vst v63  }
0x1dd: {  	_ =	swait.ge [sflag:s19], $0x4000  }
0x1de: {  	[sflag:s19] =	ssyncset.done $0x0  }
0x1df: {  	[sflag:s19] =	ssyncadd.s32 $0xFFFFC000  }
0x1e0: {  	[spmem:s1] =	stream.indirect.scatter.add.f32 [tilespmem:s16], [sflag:$0x4], $0x80, s21, s9, $0xb8;
	[tilespmem:$0x1F800] =	vst v63  }
0x1e1: {  	_ =	swait.ge [sflag:s7], $0x4000  }
0x1e2: {  	[sflag:s7] =	ssyncset.done $0x0  }
0x1e3: {  	[sflag:s7] =	ssyncadd.s32 $0xFFFFC000  }
0x1e4: {  	_ =	swait.ge [sflag:s20], $0x4000  }
0x1e5: {  	[sflag:s20] =	ssyncset.done $0x0  }
0x1e6: {  	[sflag:s20] =	ssyncadd.s32 $0xFFFFC000  }
0x1e7: {  	[spmem:s1] =	stream.indirect.scatter.add.f32 [tilespmem:s18], [sflag:$0x4], $0x80, s22, s9, $0xb8;
	[tilespmem:$0x1F800] =	vst v63  }
0x1e8: {  	_ =	swait.ge [sflag:s7], $0x4000  }
0x1e9: {  	[sflag:s7] =	ssyncset.done $0x0  }
0x1ea: {  	[sflag:s7] =	ssyncadd.s32 $0xFFFFC000  }
0x1eb: {  	[bflag:$0x0] =	sbarrier.arrive $0xFFFF  }
0x1ec: {  	s25 =	rddreg [dreg:$0xa]  }
0x1ed: {  	[hbm:s25], [sflag:s23] =	dma.local [spmem:s24], $0x2800  }
0x1ee: {  	_ =	swait.ge [sflag:s7], $0x2800  }
0x1ef: {  	[sflag:s7] =	ssyncset.done $0x0  }
0x1f0: {  	[sflag:s7] =	ssyncadd.s32 $0xFFFFD800  }
0x1f1: {  	[spmem:s5] =	stream.linear.scatter [tilespmem:s14], [sflag:$0x3], $0x1000, $0x38;
	[tilespmem:$0x1F800] =	vst v63  }
0x1f2: {  	s28 =	rddreg [dreg:$0xd]  }
0x1f3: {  	[spmem:s28] =	stream.linear.scatter [tilespmem:s14], [sflag:$0x3], $0x1000, $0x38;
	[tilespmem:$0x1F800] =	vst v63  }
0x1f4: {  	s26 =	rddreg [dreg:$0xe]  }
0x1f5: {  	[spmem:s26] =	stream.linear.scatter [tilespmem:s14], [sflag:$0x3], $0x1000, $0x38;
	[tilespmem:$0x1F800] =	vst v63  }
0x1f6: {  	s28 =	rddreg [dreg:$0xf]  }
0x1f7: {  	[spmem:s28] =	stream.linear.scatter [tilespmem:s14], [sflag:$0x3], $0x1000, $0x38;
	[tilespmem:$0x1F800] =	vst v63  }
0x1f8: {  	s26 =	rddreg [dreg:$0x10]  }
0x1f9: {  	[spmem:s26] =	stream.linear.scatter [tilespmem:s14], [sflag:$0x3], $0x1000, $0x38;
	[tilespmem:$0x1F800] =	vst v63  }
0x1fa: {  	s28 =	rddreg [dreg:$0x11]  }
0x1fb: {  	[spmem:s28] =	stream.linear.scatter [tilespmem:s14], [sflag:$0x3], $0x1000, $0x38;
	[tilespmem:$0x1F800] =	vst v63  }
0x1fc: {  	s26 =	rddreg [dreg:$0x12]  }
0x1fd: {  	[spmem:s26] =	stream.linear.scatter [tilespmem:s14], [sflag:$0x3], $0x1000, $0x38;
	[tilespmem:$0x1F800] =	vst v63  }
0x1fe: {  	s28 =	rddreg [dreg:$0x13]  }
0x1ff: {  	[spmem:s28] =	stream.linear.scatter [tilespmem:s14], [sflag:$0x3], $0x1000, $0x38;
	[tilespmem:$0x1F800] =	vst v63  }
0x200: {  	s26 =	rddreg [dreg:$0x14]  }
0x201: {  	[spmem:s26] =	stream.linear.scatter [tilespmem:s14], [sflag:$0x3], $0x1000, $0x38;
	[tilespmem:$0x1F800] =	vst v63  }
0x202: {  	s28 =	rddreg [dreg:$0x15]  }
0x203: {  	[spmem:s28] =	stream.linear.scatter [tilespmem:s14], [sflag:$0x3], $0x1000, $0x38;
	[tilespmem:$0x1F800] =	vst v63  }
0x204: {  	s26 =	rddreg [dreg:$0x16]  }
0x205: {  	[spmem:s26] =	stream.linear.scatter [tilespmem:s14], [sflag:$0x3], $0x1000, $0x38;
	[tilespmem:$0x1F800] =	vst v63  }
0x206: {  	s28 =	rddreg [dreg:$0x17]  }
0x207: {  	[spmem:s28] =	stream.linear.scatter [tilespmem:s14], [sflag:$0x3], $0x1000, $0x38;
	[tilespmem:$0x1F800] =	vst v63  }
0x208: {  	s26 =	rddreg [dreg:$0x18]  }
0x209: {  	[spmem:s26] =	stream.linear.scatter [tilespmem:s14], [sflag:$0x3], $0x1000, $0x38;
	[tilespmem:$0x1F800] =	vst v63  }
0x20a: {  	_ = 	snop  }
0x20b: {  	[spmem:s29] =	stream.linear.scatter [tilespmem:s14], [sflag:$0x3], $0x1000, $0x38;
	[tilespmem:$0x1F800] =	vst v63  }
0x20c: {  	_ = 	snop  }
0x20d: {  	[spmem:s30] =	stream.linear.scatter [tilespmem:s14], [sflag:$0x3], $0x1000, $0x38;
	[tilespmem:$0x1F800] =	vst v63  }
0x20e: {  	_ = 	snop  }
0x20f: {  	[spmem:s31] =	stream.linear.scatter [tilespmem:s14], [sflag:$0x3], $0x1000, $0x38;
	[tilespmem:$0x1F800] =	vst v63  }
0x210: {  	_ = 	snop  }
0x211: {  	[spmem:s0] =	stream.linear.scatter [tilespmem:s14], [sflag:$0x3], $0x1000, $0x38;
	[tilespmem:$0x1F800] =	vst v63  }
0x212: {  	_ = 	snop  }
0x213: {  	[spmem:s2] =	stream.linear.scatter [tilespmem:s14], [sflag:$0x3], $0x1000, $0x38;
	[tilespmem:$0x1F800] =	vst v63  }
0x214: {  	_ = 	snop  }
0x215: {  	[spmem:s10] =	stream.linear.scatter [tilespmem:s14], [sflag:$0x3], $0x1000, $0x38;
	[tilespmem:$0x1F800] =	vst v63  }
0x216: {  	_ = 	snop  }
0x217: {  	[spmem:s12] =	stream.linear.scatter [tilespmem:s14], [sflag:$0x3], $0x1000, $0x38;
	[tilespmem:$0x1F800] =	vst v63  }
0x218: {  	_ =	swait.ge [sflag:s15], $0x1000  }
0x219: {  	[sflag:s15] =	ssyncset.done $0x0  }
0x21a: {  	[sflag:s15] =	ssyncadd.s32 $0xFFFFF000  }
0x21b: {  	_ =	swait.ge [sflag:s15], $0x1000  }
0x21c: {  	[sflag:s15] =	ssyncset.done $0x0  }
0x21d: {  	[sflag:s15] =	ssyncadd.s32 $0xFFFFF000  }
0x21e: {  	_ =	swait.ge [sflag:s15], $0x1000  }
0x21f: {  	[sflag:s15] =	ssyncset.done $0x0  }
0x220: {  	[sflag:s15] =	ssyncadd.s32 $0xFFFFF000  }
0x221: {  	_ =	swait.ge [sflag:s15], $0x1000  }
0x222: {  	[sflag:s15] =	ssyncset.done $0x0  }
0x223: {  	[sflag:s15] =	ssyncadd.s32 $0xFFFFF000  }
0x224: {  	_ =	swait.ge [sflag:s15], $0x1000  }
0x225: {  	[sflag:s15] =	ssyncset.done $0x0  }
0x226: {  	[sflag:s15] =	ssyncadd.s32 $0xFFFFF000  }
0x227: {  	_ =	swait.ge [sflag:s15], $0x1000  }
0x228: {  	[sflag:s15] =	ssyncset.done $0x0  }
0x229: {  	[sflag:s15] =	ssyncadd.s32 $0xFFFFF000  }
0x22a: {  	_ =	swait.ge [sflag:s15], $0x1000  }
0x22b: {  	[sflag:s15] =	ssyncset.done $0x0  }
0x22c: {  	[sflag:s15] =	ssyncadd.s32 $0xFFFFF000  }
0x22d: {  	_ =	swait.ge [sflag:s15], $0x1000  }
0x22e: {  	[sflag:s15] =	ssyncset.done $0x0  }
0x22f: {  	[sflag:s15] =	ssyncadd.s32 $0xFFFFF000  }
0x230: {  	_ =	swait.ge [sflag:s15], $0x1000  }
0x231: {  	[sflag:s15] =	ssyncset.done $0x0  }
0x232: {  	[sflag:s15] =	ssyncadd.s32 $0xFFFFF000  }
0x233: {  	_ =	swait.ge [sflag:s15], $0x1000  }
0x234: {  	[sflag:s15] =	ssyncset.done $0x0  }
0x235: {  	[sflag:s15] =	ssyncadd.s32 $0xFFFFF000  }
0x236: {  	_ =	swait.ge [sflag:s15], $0x1000  }
0x237: {  	[sflag:s15] =	ssyncset.done $0x0  }
0x238: {  	[sflag:s15] =	ssyncadd.s32 $0xFFFFF000  }
0x239: {  	_ =	swait.ge [sflag:s15], $0x1000  }
0x23a: {  	[sflag:s15] =	ssyncset.done $0x0  }
0x23b: {  	[sflag:s15] =	ssyncadd.s32 $0xFFFFF000  }
0x23c: {  	_ =	swait.ge [sflag:s15], $0x1000  }
0x23d: {  	[sflag:s15] =	ssyncset.done $0x0  }
0x23e: {  	[sflag:s15] =	ssyncadd.s32 $0xFFFFF000  }
0x23f: {  	_ =	swait.ge [sflag:s15], $0x1000  }
0x240: {  	[sflag:s15] =	ssyncset.done $0x0  }
0x241: {  	[sflag:s15] =	ssyncadd.s32 $0xFFFFF000  }
0x242: {  	_ =	swait.ge [sflag:s15], $0x1000  }
0x243: {  	[sflag:s15] =	ssyncset.done $0x0  }
0x244: {  	[sflag:s15] =	ssyncadd.s32 $0xFFFFF000  }
0x245: {  	_ =	swait.ge [sflag:s15], $0x1000  }
0x246: {  	[sflag:s15] =	ssyncset.done $0x0  }
0x247: {  	[sflag:s15] =	ssyncadd.s32 $0xFFFFF000  }
0x248: {  	_ =	swait.ge [sflag:s15], $0x1000  }
0x249: {  	[sflag:s15] =	ssyncset.done $0x0  }
0x24a: {  	[sflag:s15] =	ssyncadd.s32 $0xFFFFF000  }
0x24b: {  	_ =	swait.ge [sflag:s15], $0x1000  }
0x24c: {  	[sflag:s15] =	ssyncset.done $0x0  }
0x24d: {  	[sflag:s15] =	ssyncadd.s32 $0xFFFFF000  }
0x24e: {  	_ =	swait.ge [sflag:s15], $0x1000  }
0x24f: {  	[sflag:s15] =	ssyncset.done $0x0  }
0x250: {  	[sflag:s15] =	ssyncadd.s32 $0xFFFFF000  }
0x251: {  	_ =	swait.ge [sflag:s15], $0x1000  }
0x252: {  	[sflag:s15] =	ssyncset.done $0x0  }
0x253: {  	[sflag:s15] =	ssyncadd.s32 $0xFFFFF000  }
0x254: {  	[bflag:$0x0] =	sbarrier.arrive $0xFFFF  }
0x255: {  	s25 =	simm.s32 $0x0;
	s28 =	rddreg [dreg:$0x5]  }
0x256: {  	[tilespmem:s6], [sflag:$0x4] =	stream.linear.gather [hbm4b:s28+s25], $0x1400, $0x38;
	[tilespmem:$0x1F800] =	vst v63  }
0x257: {  	_ =	swait.ge [sflag:s7], $0x1400  }
0x258: {  	[sflag:s7] =	ssyncset.done $0x0  }
0x259: {  	s28 =	rddreg [dreg:$0x6];
	[sflag:s7] =	ssyncadd.s32 $0xFFFFEC00  }
0x25a: {  	[tilespmem:s8], [sflag:$0x4] =	stream.linear.gather [hbm4b:s28+s25], $0x1400, $0x38;
	[tilespmem:$0x1F800] =	vst v63  }
0x25b: {  	_ =	swait.ge [sflag:s7], $0x1400  }
0x25c: {  	[sflag:s7] =	ssyncset.done $0x0  }
0x25d: {  	[sflag:s7] =	ssyncadd.s32 $0xFFFFEC00  }
0x25e: {  	[tilespmem:s16], [sflag:$0x1] =	stream.indirect.gather [hbm4b:s13+s9], $0x80, s6, s9, $0xb8;
	[tilespmem:$0x1F800] =	vst v63  }
0x25f: {  	_ = 	snop  }
0x260: {  	[tilespmem:s18], [sflag:$0x2] =	stream.indirect.gather [hbm4b:s13+s9], $0x80, s17, s9, $0xb8;
	[tilespmem:$0x1F800] =	vst v63  }
0x261: {  	_ =	swait.ge [sflag:s19], $0x4000  }
0x262: {  	[sflag:s19] =	ssyncset.done $0x0  }
0x263: {  	s28 =	simm.s32 $0x1E400;
	[sflag:s19] =	ssyncadd.s32 $0xFFFFC000  }
0x264: {  	[spmem:s1] =	stream.indirect.scatter.add.f32 [tilespmem:s16], [sflag:$0x4], $0x80, s28, s9, $0xb8;
	[tilespmem:$0x1F800] =	vst v63  }
0x265: {  	_ =	swait.ge [sflag:s7], $0x4000  }
0x266: {  	[sflag:s7] =	ssyncset.done $0x0  }
0x267: {  	s26 =	simm.s32 $0x1D100;
	[sflag:s7] =	ssyncadd.s32 $0xFFFFC000  }
0x268: {  	[tilespmem:s16], [sflag:$0x1] =	stream.indirect.gather [hbm4b:s13+s9], $0x80, s26, s9, $0xb8;
	[tilespmem:$0x1F800] =	vst v63  }
0x269: {  	_ =	swait.ge [sflag:s20], $0x4000  }
0x26a: {  	[sflag:s20] =	ssyncset.done $0x0  }
0x26b: {  	s28 =	simm.s32 $0x1E480;
	[sflag:s20] =	ssyncadd.s32 $0xFFFFC000  }
0x26c: {  	[spmem:s1] =	stream.indirect.scatter.add.f32 [tilespmem:s18], [sflag:$0x4], $0x80, s28, s9, $0xb8;
	[tilespmem:$0x1F800] =	vst v63  }
0x26d: {  	_ =	swait.ge [sflag:s7], $0x4000  }
0x26e: {  	[sflag:s7] =	ssyncset.done $0x0  }
0x26f: {  	s25 =	simm.s32 $0x400;
	s26 =	simm.s32 $0x1D180;
	[sflag:s7] =	ssyncadd.s32 $0xFFFFC000  }
.LBB2_12:
0x270: {  	[tilespmem:s18], [sflag:$0x2] =	stream.indirect.gather [hbm4b:s13+s9], $0x80, s26, s9, $0xb8;
	[tilespmem:$0x1F800] =	vst v63  }
0x271: {  	s26 =	smov.u32 s25  }
0x272: {  	p0 =	sne.s32 s25, $0x4800;
	s25 =	sadd.s32 $0x400, s25;
	_ =	swait.ge [sflag:s19], $0x4000  }
0x273: {  	s26 =	sshra.s32 s26, $0x2;
	[sflag:s19] =	ssyncset.done $0x0  }
0x274: {  	s28 =	sadd.s32 $0x1E400, s26;
	[sflag:s19] =	ssyncadd.s32 $0xFFFFC000  }
0x275: {  	[spmem:s1] =	stream.indirect.scatter.add.f32 [tilespmem:s16], [sflag:$0x4], $0x80, s28, s9, $0xb8;
	[tilespmem:$0x1F800] =	vst v63  }
0x276: {  	_ =	swait.ge [sflag:s7], $0x4000  }
0x277: {  	[sflag:s7] =	ssyncset.done $0x0  }
0x278: {  	s28 =	sadd.s32 $0x1D100, s26;
	[sflag:s7] =	ssyncadd.s32 $0xFFFFC000  }
0x279: {  	[tilespmem:s16], [sflag:$0x1] =	stream.indirect.gather [hbm4b:s13+s9], $0x80, s28, s9, $0xb8;
	[tilespmem:$0x1F800] =	vst v63  }
0x27a: {  	_ =	swait.ge [sflag:s20], $0x4000  }
0x27b: {  	[sflag:s20] =	ssyncset.done $0x0  }
.Ltmp5:
0x27c: {  	s28 =	sadd.s32 $0x1E480, s26;
	[sflag:s20] =	ssyncadd.s32 $0xFFFFC000;
	(pc) =	sbr.rel @p0 .LBB2_12-.Ltmp5, $4  }
0x27d: {  	[spmem:s1] =	stream.indirect.scatter.add.f32 [tilespmem:s18], [sflag:$0x4], $0x80, s28, s9, $0xb8;
	[tilespmem:$0x1F800] =	vst v63  }
0x27e: {  	_ =	swait.ge [sflag:s7], $0x4000  }
0x27f: {  	[sflag:s7] =	ssyncset.done $0x0  }
0x280: {  	s26 =	sadd.s32 $0x1D180, s26;
	[sflag:s7] =	ssyncadd.s32 $0xFFFFC000  }
0x281: {  	[tilespmem:s18], [sflag:$0x2] =	stream.indirect.gather [hbm4b:s13+s9], $0x80, s26, s9, $0xb8;
	[tilespmem:$0x1F800] =	vst v63  }
0x282: {  	_ =	swait.ge [sflag:s19], $0x4000  }
0x283: {  	[sflag:s19] =	ssyncset.done $0x0  }
0x284: {  	[sflag:s19] =	ssyncadd.s32 $0xFFFFC000  }
0x285: {  	[spmem:s1] =	stream.indirect.scatter.add.f32 [tilespmem:s16], [sflag:$0x4], $0x80, s21, s9, $0xb8;
	[tilespmem:$0x1F800] =	vst v63  }
0x286: {  	_ =	swait.ge [sflag:s7], $0x4000  }
0x287: {  	[sflag:s7] =	ssyncset.done $0x0  }
0x288: {  	[sflag:s7] =	ssyncadd.s32 $0xFFFFC000  }
0x289: {  	_ =	swait.ge [sflag:s20], $0x4000  }
0x28a: {  	[sflag:s20] =	ssyncset.done $0x0  }
0x28b: {  	[sflag:s20] =	ssyncadd.s32 $0xFFFFC000  }
0x28c: {  	[spmem:s1] =	stream.indirect.scatter.add.f32 [tilespmem:s18], [sflag:$0x4], $0x80, s22, s9, $0xb8;
	[tilespmem:$0x1F800] =	vst v63  }
0x28d: {  	_ =	swait.ge [sflag:s7], $0x4000  }
0x28e: {  	[sflag:s7] =	ssyncset.done $0x0  }
0x28f: {  	s25 =	simm.s32 $0x0;
	s28 =	rddreg [dreg:$0x7];
	[sflag:s7] =	ssyncadd.s32 $0xFFFFC000  }
0x290: {  	[tilespmem:s6], [sflag:$0x4] =	stream.linear.gather [hbm4b:s28+s25], $0x1400, $0x38;
	[tilespmem:$0x1F800] =	vst v63  }
0x291: {  	_ =	swait.ge [sflag:s7], $0x1400  }
0x292: {  	[sflag:s7] =	ssyncset.done $0x0  }
0x293: {  	s28 =	rddreg [dreg:$0x8];
	[sflag:s7] =	ssyncadd.s32 $0xFFFFEC00  }
0x294: {  	[tilespmem:s8], [sflag:$0x4] =	stream.linear.gather [hbm4b:s28+s25], $0x1400, $0x38;
	[tilespmem:$0x1F800] =	vst v63  }
0x295: {  	_ =	swait.ge [sflag:s7], $0x1400  }
0x296: {  	[sflag:s7] =	ssyncset.done $0x0  }
0x297: {  	[sflag:s7] =	ssyncadd.s32 $0xFFFFEC00  }
0x298: {  	[tilespmem:s16], [sflag:$0x1] =	stream.indirect.gather [hbm4b:s13+s9], $0x80, s6, s9, $0xb8;
	[tilespmem:$0x1F800] =	vst v63  }
0x299: {  	_ = 	snop  }
0x29a: {  	[tilespmem:s18], [sflag:$0x2] =	stream.indirect.gather [hbm4b:s13+s9], $0x80, s17, s9, $0xb8;
	[tilespmem:$0x1F800] =	vst v63  }
0x29b: {  	_ =	swait.ge [sflag:s19], $0x4000  }
0x29c: {  	[sflag:s19] =	ssyncset.done $0x0  }
0x29d: {  	s28 =	simm.s32 $0x1E400;
	[sflag:s19] =	ssyncadd.s32 $0xFFFFC000  }
0x29e: {  	[spmem:s1] =	stream.indirect.scatter.add.f32 [tilespmem:s16], [sflag:$0x4], $0x80, s28, s9, $0xb8;
	[tilespmem:$0x1F800] =	vst v63  }
0x29f: {  	_ =	swait.ge [sflag:s7], $0x4000  }
0x2a0: {  	[sflag:s7] =	ssyncset.done $0x0  }
0x2a1: {  	s26 =	simm.s32 $0x1D100;
	[sflag:s7] =	ssyncadd.s32 $0xFFFFC000  }
0x2a2: {  	[tilespmem:s16], [sflag:$0x1] =	stream.indirect.gather [hbm4b:s13+s9], $0x80, s26, s9, $0xb8;
	[tilespmem:$0x1F800] =	vst v63  }
0x2a3: {  	_ =	swait.ge [sflag:s20], $0x4000  }
0x2a4: {  	[sflag:s20] =	ssyncset.done $0x0  }
0x2a5: {  	s28 =	simm.s32 $0x1E480;
	[sflag:s20] =	ssyncadd.s32 $0xFFFFC000  }
0x2a6: {  	[spmem:s1] =	stream.indirect.scatter.add.f32 [tilespmem:s18], [sflag:$0x4], $0x80, s28, s9, $0xb8;
	[tilespmem:$0x1F800] =	vst v63  }
0x2a7: {  	_ =	swait.ge [sflag:s7], $0x4000  }
0x2a8: {  	[sflag:s7] =	ssyncset.done $0x0  }
0x2a9: {  	s25 =	simm.s32 $0x400;
	s26 =	simm.s32 $0x1D180;
	[sflag:s7] =	ssyncadd.s32 $0xFFFFC000  }
.LBB2_14:
0x2aa: {  	[tilespmem:s18], [sflag:$0x2] =	stream.indirect.gather [hbm4b:s13+s9], $0x80, s26, s9, $0xb8;
	[tilespmem:$0x1F800] =	vst v63  }
0x2ab: {  	s26 =	smov.u32 s25  }
0x2ac: {  	p0 =	sne.s32 s25, $0x4800;
	s25 =	sadd.s32 $0x400, s25;
	_ =	swait.ge [sflag:s19], $0x4000  }
0x2ad: {  	s26 =	sshra.s32 s26, $0x2;
	[sflag:s19] =	ssyncset.done $0x0  }
0x2ae: {  	s28 =	sadd.s32 $0x1E400, s26;
	[sflag:s19] =	ssyncadd.s32 $0xFFFFC000  }
0x2af: {  	[spmem:s1] =	stream.indirect.scatter.add.f32 [tilespmem:s16], [sflag:$0x4], $0x80, s28, s9, $0xb8;
	[tilespmem:$0x1F800] =	vst v63  }
0x2b0: {  	_ =	swait.ge [sflag:s7], $0x4000  }
0x2b1: {  	[sflag:s7] =	ssyncset.done $0x0  }
0x2b2: {  	s28 =	sadd.s32 $0x1D100, s26;
	[sflag:s7] =	ssyncadd.s32 $0xFFFFC000  }
0x2b3: {  	[tilespmem:s16], [sflag:$0x1] =	stream.indirect.gather [hbm4b:s13+s9], $0x80, s28, s9, $0xb8;
	[tilespmem:$0x1F800] =	vst v63  }
0x2b4: {  	_ =	swait.ge [sflag:s20], $0x4000  }
0x2b5: {  	[sflag:s20] =	ssyncset.done $0x0  }
.Ltmp6:
0x2b6: {  	s28 =	sadd.s32 $0x1E480, s26;
	[sflag:s20] =	ssyncadd.s32 $0xFFFFC000;
	(pc) =	sbr.rel @p0 .LBB2_14-.Ltmp6, $4  }
0x2b7: {  	[spmem:s1] =	stream.indirect.scatter.add.f32 [tilespmem:s18], [sflag:$0x4], $0x80, s28, s9, $0xb8;
	[tilespmem:$0x1F800] =	vst v63  }
0x2b8: {  	_ =	swait.ge [sflag:s7], $0x4000  }
0x2b9: {  	[sflag:s7] =	ssyncset.done $0x0  }
0x2ba: {  	s26 =	sadd.s32 $0x1D180, s26;
	[sflag:s7] =	ssyncadd.s32 $0xFFFFC000  }
0x2bb: {  	[tilespmem:s18], [sflag:$0x2] =	stream.indirect.gather [hbm4b:s13+s9], $0x80, s26, s9, $0xb8;
	[tilespmem:$0x1F800] =	vst v63  }
0x2bc: {  	_ =	swait.ge [sflag:s19], $0x4000  }
0x2bd: {  	[sflag:s19] =	ssyncset.done $0x0  }
0x2be: {  	[sflag:s19] =	ssyncadd.s32 $0xFFFFC000  }
0x2bf: {  	[spmem:s1] =	stream.indirect.scatter.add.f32 [tilespmem:s16], [sflag:$0x4], $0x80, s21, s9, $0xb8;
	[tilespmem:$0x1F800] =	vst v63  }
0x2c0: {  	_ =	swait.ge [sflag:s7], $0x4000  }
0x2c1: {  	[sflag:s7] =	ssyncset.done $0x0  }
0x2c2: {  	[sflag:s7] =	ssyncadd.s32 $0xFFFFC000  }
0x2c3: {  	_ =	swait.ge [sflag:s20], $0x4000  }
0x2c4: {  	[sflag:s20] =	ssyncset.done $0x0  }
0x2c5: {  	[sflag:s20] =	ssyncadd.s32 $0xFFFFC000  }
0x2c6: {  	[spmem:s1] =	stream.indirect.scatter.add.f32 [tilespmem:s18], [sflag:$0x4], $0x80, s22, s9, $0xb8;
	[tilespmem:$0x1F800] =	vst v63  }
0x2c7: {  	_ =	swait.ge [sflag:s7], $0x4000  }
0x2c8: {  	[sflag:s7] =	ssyncset.done $0x0  }
0x2c9: {  	[sflag:s7] =	ssyncadd.s32 $0xFFFFC000  }
0x2ca: {  	[bflag:$0x0] =	sbarrier.arrive $0xFFFF  }
0x2cb: {  	s25 =	rddreg [dreg:$0xb]  }
0x2cc: {  	[hbm:s25], [sflag:s23] =	dma.local [spmem:s24], $0x2800  }
0x2cd: {  	_ =	swait.ge [sflag:s7], $0x2800  }
0x2ce: {  	s3 =	sadd.s32 $0x1, s3;
	s28 =	rddreg [dreg:$0xc]  }
0x2cf: {  	p0 =	sne.s32 s3, s28  }
.Ltmp7:
0x2d0: {  	_ = 	snop;
	(pc) =	sbr.rel @p0 .LBB2_1-.Ltmp7, $3  }
0x2d1: {  	[sflag:s7] =	ssyncset.done $0x0  }
0x2d2: {  	[sflag:s7] =	ssyncadd.s32 $0xFFFFD800  }
0x2d3: {  	[bflag:$0x0] =	sbarrier.arrive $0xFFFF;
	_ =	sdelay $0x1  }
0x2d4: {  	_ =	sfence.sel $0x180000  }
0x2d5: {  	[bflag:$0x0] =	sbarrier.arrive $0xFFFF  }
0x2d6: {  	_ =	strace $0x9000004A  }
0x2d7: {  	s0 =	stileid.u32;
	[bflag:$0x2] =	sbarrier.arrive $0xFFFF  }
0x2d8: {  	p0 =	sne.s32 s0, $0x0;
	s0 =	rddreg [dreg:$0x4]  }
0x2d9: {  	s0 =	sadd.s32 @!p0 $0x100000, s0  }
0x2da: {  	[sflag:s0] =	ssyncadd.tile.s32 @!p0 $0x1;
	_ =	shalt  }
.Lfunc_end2:
_tile_overlayer_lowered:
.L_overlay_start_2:
0x2db: {  	(tag) =	ssettag $0x2  }
0x2dc: {  	s0 =	rddreg [dreg:$0x0];
	s2 =	stileid.u32  }
0x2dd: {  	s1 =	rddreg [dreg:$0x1];
	p0 =	sne.s32 s2, $0x0  }
0x2de: {  	s3 =	rddreg [dreg:$0x2];
	[bflag:$0x3] =	sbarrier.arrive $0xFFFF;
	s2 =	simm.s32 @!p0 $0x1C04  }
0x2df: {  	[timem:s3], [sflag:s2] =	dma.local @!p0 [hbm:s0], s1  }
0x2e0: {  	s0 =	simm.s32 @!p0 $0x4  }
0x2e1: {  	_ =	swait.ge @!p0 [sflag:s0], s1  }
0x2e2: {  	s1 =	ssub.s32 @!p0 $0x0, s1;
	[sflag:s0] =	ssyncset.done @!p0 $0x0  }
0x2e3: {  	[sflag:s0] =	ssyncadd.s32 @!p0 s1  }
0x2e4: {  	[bflag:$0x3] =	sbarrier.arrive $0xFFFF  }
0x2e5: {  	_ =	shalt  }

// kernel: kernel.7.cloned.1.call-start
scs
__scs_entry_jumppad:
0x0: {  	(pc) =	sbr.rel $0x88, $3  }
0x1: {  	(tag) =	ssettag $0x0;
	lr =	simm.s32 $0x1  }
0x2: {  	[smem:$0x3F96] =	sst lr;
	_ =	strace $0xD0000000  }
0x3: {  	_ = 	snop  }
0x4: {  	_ = 	snop  }
0x5: {  	_ = 	snop  }
0x6: {  	_ = 	snop  }
0x7: {  	_ = 	snop  }
__scs_overlays_trampoline_lowered:
0x8: {  	[smem:$0x3FA5] =	sst s0  }
0x9: {  	[smem:$0x3FA6] =	sst s1  }
0xa: {  	[smem:$0x3FA7] =	sst s2  }
0xb: {  	[smem:$0x3FA8] =	sst s3  }
0xc: {  	[smem:$0x3FA9] =	sst s4  }
0xd: {  	[smem:$0x3FAA] =	sst s5  }
0xe: {  	[smem:$0x3FAB] =	sst s6  }
0xf: {  	[smem:$0x3FAC] =	sst s7  }
0x10: {  	[smem:$0x3FAD] =	sst s8  }
0x11: {  	[smem:$0x3FAE] =	sst s9;
	s0 =	simm.s32 @!p0 $0x0  }
0x12: {  	s1 =	sld [smem:$0x3F94];
	s0 =	simm.s32 @p0 $0x1  }
0x13: {  	[smem:$0x3FAF] =	sst s0;
	s0 =	simm.s32 @!p1 $0x0  }
0x14: {  	s2 =	sld [smem:$0x3F93];
	s0 =	simm.s32 @p1 $0x1  }
0x15: {  	[smem:$0x3FB0] =	sst s0;
	s0 =	simm.s32 @!p2 $0x0  }
0x16: {  	s3 =	sld [smem:$0x3FDB];
	s0 =	simm.s32 @p2 $0x1  }
0x17: {  	s4 =	simm.s32 $0x1BF5;
	[smem:$0x3FB2] =	sst s0  }
0x18: {  	s0 =	sld [smem:$0x3F95];
	_ =	swait.ge [sflag:s4], $0x0  }
0x19: {  	s7 =	sld [smem:$0x3F96]  }
0x1a: {  	s8 =	sadd.s32 $0xFFFFE003, lr  }
0x1b: {  	s9 =	sadd.s32 $0xFFFFFEF7, lr;
	s5 =	simm.s32 $0xFFFFFFFF;
	p2 =	slt.u32 s8, $0xFFFFF086  }
0x1c: {  	p1 =	slt.u32 s9, $0xF7A;
	s5 =	simm.s32 @!p2 $0x0  }
0x1d: {  	s5 =	simm.s32 @p1 $0x1;
	p0 =	seq.s32 s7, s2  }
0x1e: {  	s7 =	smul.u32 @!p0 $0xF7A, s2;
	p2 =	seq.s32 @!p0 s5, $0x0  }
0x1f: {  	s9 =	smul.u32 $0xF7A, s1;
	s8 =	simm.s32 @!p0 $0x1BF5;
	p2 =	por !p2, p0  }
0x20: {  	[sflag:s8] =	ssyncset.s32 @!p0 $0xFFFFF086;
	s6 =	sadd.s32 @!p0 s3, s7;
	s7 =	simm.s32 @!p0 $0x108  }
0x21: {  	s3 =	sadd.s32 s3, s9;
	s6 =	sadd.s32 @!p0 $0x88, s6;
	s7 =	simm.s32 @p2 $0x1082  }
0x22: {  	[simem:s7], [sflag:s8] =	dma.local @!p0 [hbm:s6], $0xF7A  }
0x23: {  	s9 =	sor.u32 $0xD0000000, s2;
	s6 =	simm.s32 $0x108;
	_ =	swait.ge @!p0 [sflag:s8], $0x0  }
0x24: {  	s3 =	sadd.s32 $0x88, s3;
	s6 =	simm.s32 @!p1 $0x1082;
	[sflag:s4] =	ssyncset.s32 $0xFFFFF086  }
0x25: {  	[simem:s6], [sflag:s4] =	dma.local [hbm:s3], $0xF7A  }
0x26: {  	[smem:$0x3F96] =	sst s1;
	(tag) =	ssettag s2;
	_ =	strace s9  }
0x27: {  	s1 =	sld [smem:$0x3FA6]  }
0x28: {  	s2 =	sld [smem:$0x3FA7]  }
0x29: {  	s4 =	sld [smem:$0x3FA9]  }
0x2a: {  	p0 =	seq.s32 s5, $0x0;
	s5 =	sld [smem:$0x3FAA]  }
0x2b: {  	s6 =	sld [smem:$0x3FAB]  }
0x2c: {  	s7 =	sld [smem:$0x3FAC]  }
0x2d: {  	s3 =	simm.s32 $0x108;
	s8 =	sld [smem:$0x3FAD]  }
0x2e: {  	s3 =	simm.s32 @!p0 $0x1082;
	s9 =	sld [smem:$0x3FAE]  }
0x2f: {  	lr =	sadd.s32 s0, s3;
	s0 =	sld [smem:$0x3FA5]  }
0x30: {  	s3 =	sld [smem:$0x3FA8]  }
0x31: {  	[smem:$0x3FB1] =	sst s10  }
0x32: {  	s10 =	sld [smem:$0x3FAF];
	_ =	sdelay $0x3  }
0x33: {  	p0 =	seq.s32 s10, $0x1;
	s10 =	sld [smem:$0x3FB1];
	_ =	sdelay $0x3  }
0x34: {  	[smem:$0x3FB1] =	sst s10  }
0x35: {  	s10 =	sld [smem:$0x3FB0];
	_ =	sdelay $0x3  }
0x36: {  	p1 =	seq.s32 s10, $0x1;
	s10 =	sld [smem:$0x3FB1];
	_ =	sdelay $0x3  }
0x37: {  	[smem:$0x3FB1] =	sst s10  }
0x38: {  	s10 =	sld [smem:$0x3FB2]  }
0x39: {  	_ = 	snop;
	(pc) =	sbr.ind lr, $3  }
0x3a: {  	_ = 	snop  }
0x3b: {  	_ = 	snop  }
0x3c: {  	p2 =	seq.s32 s10, $0x1;
	s10 =	sld [smem:$0x3FB1]  }
0x3d: {  	_ =	shalt  }
0x3e: {  	_ =	shalt  }
0x3f: {  	_ =	shalt  }
0x40: {  	_ =	shalt  }
0x41: {  	_ =	shalt  }
0x42: {  	_ =	shalt  }
0x43: {  	_ =	shalt  }
0x44: {  	_ =	shalt  }
0x45: {  	_ =	shalt  }
0x46: {  	_ =	shalt  }
0x47: {  	_ =	shalt  }
0x48: {  	_ =	shalt  }
0x49: {  	_ =	shalt  }
0x4a: {  	_ =	shalt  }
0x4b: {  	_ =	shalt  }
0x4c: {  	_ =	shalt  }
0x4d: {  	_ =	shalt  }
0x4e: {  	_ =	shalt  }
0x4f: {  	_ =	shalt  }
0x50: {  	_ =	shalt  }
0x51: {  	_ =	shalt  }
0x52: {  	_ =	shalt  }
0x53: {  	_ =	shalt  }
0x54: {  	_ =	shalt  }
0x55: {  	_ =	shalt  }
0x56: {  	_ =	shalt  }
0x57: {  	_ =	shalt  }
0x58: {  	_ =	shalt  }
0x59: {  	_ =	shalt  }
0x5a: {  	_ =	shalt  }
0x5b: {  	_ =	shalt  }
0x5c: {  	_ =	shalt  }
0x5d: {  	_ =	shalt  }
0x5e: {  	_ =	shalt  }
0x5f: {  	_ =	shalt  }
0x60: {  	_ =	shalt  }
0x61: {  	_ =	shalt  }
0x62: {  	_ =	shalt  }
0x63: {  	_ =	shalt  }
0x64: {  	_ =	shalt  }
0x65: {  	_ =	shalt  }
0x66: {  	_ =	shalt  }
0x67: {  	_ =	shalt  }
0x68: {  	_ =	shalt  }
0x69: {  	_ =	shalt  }
0x6a: {  	_ =	shalt  }
0x6b: {  	_ =	shalt  }
0x6c: {  	_ =	shalt  }
0x6d: {  	_ =	shalt  }
0x6e: {  	_ =	shalt  }
0x6f: {  	_ =	shalt  }
0x70: {  	_ =	shalt  }
0x71: {  	_ =	shalt  }
0x72: {  	_ =	shalt  }
0x73: {  	_ =	shalt  }
0x74: {  	_ =	shalt  }
0x75: {  	_ =	shalt  }
0x76: {  	_ =	shalt  }
0x77: {  	_ =	shalt  }
0x78: {  	_ =	shalt  }
0x79: {  	_ =	shalt  }
0x7a: {  	_ =	shalt  }
0x7b: {  	_ =	shalt  }
0x7c: {  	_ =	shalt  }
0x7d: {  	_ =	shalt  }
0x7e: {  	_ =	shalt  }
0x7f: {  	_ =	shalt  }
0x80: {  	_ =	shalt  }
0x81: {  	_ =	shalt  }
0x82: {  	_ =	shalt  }
0x83: {  	_ =	shalt  }
0x84: {  	_ =	shalt  }
0x85: {  	_ =	shalt  }
0x86: {  	_ =	shalt  }
0x87: {  	_ =	shalt  }
.Lfunc_end0:
.L_simem_size_0:
called_computation_lowered:
.L_overlay_start_0:
0x88: {  	s2 =	sld [smem:$0x3FD9]  }
0x89: {  	s3 =	sld [smem:$0x3FFE];
	_ =	sdelay $0x1  }
0x8a: {  	s1 =	srdreg.scid  }
0x8b: {  	s0 =	sand.u32 $0x1, s1  }
0x8c: {  	s15 =	sshll.u32 s0, $0xA;
	s2 =	sadd.s32 s3, s2  }
0x8d: {  	s2 =	sadd.s32 s2, s15  }
0x8e: {  	[smem:$0x3FBD] =	sst s2  }
0x8f: {  	_ = 	snop  }
0x90: {  	s2 =	sld [smem:$0x3FD0];
	_ =	sdelay $0x2  }
0x91: {  	s16 =	simm.s32 $0xA;
	s4 =	simm.s32 $0x10  }
0x92: {  	[smem:s4], [sflag:s16] =	dma.local [hbm:s2], $0x1  }
0x93: {  	_ =	swait.eq [sflag:s16], $0x1  }
0x94: {  	s17 =	sld [smem:$0x10];
	[sflag:s16] =	ssyncset.done $0x0  }
0x95: {  	s18 =	sld [smem:$0x11];
	[sflag:s16] =	ssyncadd.s32 $0xFFFFFFFF  }
0x96: {  	s19 =	sld [smem:$0x12];
	(tm) =	ssettm $0x1  }
0x97: {  	s5 =	sld [smem:$0x3FFB];
	_ =	sdelay $0x3  }
0x98: {  	_ =	strace s5  }
0x99: {  	s5 =	sld [smem:$0x3FFC];
	_ =	sdelay $0x3  }
0x9a: {  	_ =	strace s5  }
0x9b: {  	s5 =	sld [smem:$0x3FFD];
	_ =	sdelay $0x3  }
0x9c: {  	_ =	strace s5  }
0x9d: {  	_ =	strace $0x8FFFFFFF  }
0x9e: {  	s20 =	sld [smem:$0x3FDB];
	_ =	sdelay $0x1  }
0x9f: {  	s6 =	simm.s32 $_scs_section_size  }
0xa0: {  	s7 =	simm.s32 $_size__tile_overlayer_lowered;
	s8 =	simm.s32 $_tile_overlayer_lowered  }
0xa1: {  	s23 =	simm.s32 $0x1BFF;
	s22 =	sshll.u32 s8, $0x1;
	s5 =	sadd.s32 s6, s20  }
0xa2: {  	s9 =	simm.s32 $0x0;
	s21 =	sshll.u32 s7, $0x1;
	s7 =	sadd.s32 s22, s5  }
0xa3: {  	[timem:s9], [sflag:s23] =	dma.local [hbm:s7], s21  }
0xa4: {  	_ =	swait.ge [sflag:s23], s21  }
0xa5: {  	s6 =	ssub.s32 $0x0, s21;
	[sflag:s23] =	ssyncset.done $0x0  }
0xa6: {  	[sflag:s23] =	ssyncadd.s32 s6;
	_ =	sdelay $0x1  }
0xa7: {  	s24 =	simm.s32 $0x1B8B  }
0xa8: {  	_ =	swait.ge [sflag:s24], $0x1  }
0xa9: {  	[sflag:s24] =	ssyncset.done $0x0  }
0xaa: {  	s25 =	simm.s32 $0x1B8E;
	[sflag:s24] =	ssyncadd.s32 $0xFFFFFFFF  }
0xab: {  	s26 =	simm.s32 $execute0_lowered;
	[smem:$0x3FD2] =	sst s25  }
0xac: {  	s6 =	sshll.u32 s26, $0x1;
	_ =	strace $0x80000046;
	[dreg:$0x1] =	wrdreg $0xFFFFFFFF  }
0xad: {  	s28 =	simm.s32 $_size_execute0_lowered;
	s5 =	sadd.s32 s5, s6;
	[dreg:$0x0] =	wrdreg $0x0  }
0xae: {  	s6 =	sshll.u32 s28, $0x1;
	[dreg:$0x2] =	wrdreg s5  }
0xaf: {  	[dreg:$0x3] =	wrdreg s6  }
0xb0: {  	[dreg:$0x4] =	wrdreg $0xC0  }
0xb1: {  	_ =	task [dreg:s9], $0x5FFFF  }
0xb2: {  	[dreg:$0x1] =	wrdreg $0xFFFFFFFF  }
0xb3: {  	[dreg:$0x0] =	wrdreg $0x60  }
0xb4: {  	[dreg:$0x2] =	wrdreg s18  }
0xb5: {  	[dreg:$0x3] =	wrdreg s19  }
0xb6: {  	[dreg:$0x4] =	wrdreg s17  }
0xb7: {  	[dreg:$0x5] =	wrdreg $0x0  }
0xb8: {  	[dreg:$0x6] =	wrdreg $0x2800  }
0xb9: {  	[dreg:$0x7] =	wrdreg $0x9  }
0xba: {  	_ =	task.clear_ibuf [dreg:s9], $0x8FFFF;
	_ =	strace $0x90000046  }
0xbb: {  	s29 =	simm.s32 $0x9;
	_ =	strace $0x80000048  }
0xbc: {  	_ =	swait.ge [sflag:s29], $0x1  }
0xbd: {  	[sflag:s29] =	ssyncadd.s32 $0xFFFFFFFF  }
0xbe: {  	_ =	strace $0x90000048  }
0xbf: {  	_ =	sfence  }
0xc0: {  	s30 =	sld [smem:$0x0];
	_ =	sdelay $0x2  }
0xc1: {  	s31 =	sshll.u32 s1, $0xD;
	s1 =	sshrl.u32 s1, $0x2  }
0xc2: {  	s3 =	sand.u32 $0x4000, s31;
	s1 =	sadd.s32 s1, s30  }
0xc3: {  	s0 =	sor.u32 s3, s0;
	s1 =	sshll.u32 s1, $0x11  }
0xc4: {  	s0 =	sor.u32 s1, s0  }
0xc5: {  	s0 =	sadd.s32 $0x8F2B, s0  }
0xc6: {  	[sflag:s0] =	ssyncadd.remote.s32 $0x1  }
0xc7: {  	_ =	sfence.sel $0xFFFF  }
0xc8: {  	[dreg:$0x0] =	wrdreg $0xFFFFFFFF;
	(pc) =	sbr.abs _section_cstart, $3  }
0xc9: {  	[dreg:$0x1] =	wrdreg $0xFFFFFFFF  }
0xca: {  	_ =	task.clear_ibuf [dreg:s9], $0x2FFFF;
	_ =	strace $0x9FFFFFFF  }
0xcb: {  	(tm) =	ssettm $0x7FFFFFFF  }
tec
execute0_lowered:
.L_overlay_start_1:
0x0: {  	(tag) =	ssettag $0x1  }
0x1: {  	s0 =	rddreg [dreg:$0x0]  }
0x2: {  	s1 =	rddreg [dreg:$0x1]  }
0x3: {  	s5 =	rddreg [dreg:$0x2];
	s3 =	srdreg.scid  }
0x4: {  	s2 =	rddreg [dreg:$0x3];
	s11 =	stileid.u32;
	s4 =	simm.s32 $0x0  }
0x5: {  	s12 =	simm.s32 $0x880;
	s6 =	sand.u32 $0x1, s3;
	s3 =	rddreg [dreg:$0x4]  }
0x6: {  	s14 =	simm.s32 $0x1080;
	s15 =	simm.s32 $0x900;
	[smem:$0x7FF] =	sst s4  }
0x7: {  	s16 =	simm.s32 $0x1100;
	_ =	strace $0x80000047;
	[dreg:$0x8] =	wrdreg s12  }
0x8: {  	s17 =	simm.s32 $0x980;
	s18 =	simm.s32 $0x1180;
	[dreg:$0x9] =	wrdreg s14  }
0x9: {  	s19 =	simm.s32 $0xA00;
	s21 =	simm.s32 $0x1200;
	[dreg:$0xa] =	wrdreg s15  }
0xa: {  	s22 =	simm.s32 $0xA80;
	s23 =	simm.s32 $0x1280;
	[dreg:$0xb] =	wrdreg s16  }
0xb: {  	s24 =	simm.s32 $0xB00;
	s25 =	simm.s32 $0x1300;
	[dreg:$0xc] =	wrdreg s17  }
0xc: {  	s28 =	simm.s32 $0xE80;
	s29 =	simm.s32 $0x1680;
	[dreg:$0xd] =	wrdreg s18  }
0xd: {  	s30 =	simm.s32 $0xF00;
	s8 =	smul.u32 $0x2800, s11;
	[dreg:$0xe] =	wrdreg s19  }
0xe: {  	s31 =	simm.s32 $0x1700;
	s10 =	smul.u32 $0x280, s11;
	[dreg:$0xf] =	wrdreg s21  }
0xf: {  	s13 =	smul.u32 $0x500, s11;
	s11 =	simm.s32 $0x3;
	[dreg:$0x10] =	wrdreg s22  }
0x10: {  	s7 =	smul.u32 $0x28000, s6;
	s9 =	ssub.s32 $0x2, s6;
	[dreg:$0x11] =	wrdreg s23  }
0x11: {  	s6 =	smul.u32 $0x5000, s6;
	s12 =	simm.s32 $0x800;
	[dreg:$0x12] =	wrdreg s24  }
0x12: {  	s14 =	simm.s32 $0x80;
	[dreg:$0x13] =	wrdreg s25;
	s15 =	simm.s32 $0x780  }
0x13: {  	s16 =	simm.s32 $0x1380;
	s17 =	simm.s32 $0xC00;
	s18 =	simm.s32 $0x1400  }
0x14: {  	s19 =	simm.s32 $0xC80;
	s21 =	simm.s32 $0xD00;
	s22 =	simm.s32 $0x1500  }
0x15: {  	s23 =	simm.s32 $0xD80;
	s24 =	simm.s32 $0x1580;
	s26 =	sshrl.u32 s9, $0x1  }
0x16: {  	s25 =	simm.s32 $0xE00;
	s7 =	sadd.s32 s8, s7;
	s8 =	ssub.s32 s9, s26  }
0x17: {  	s9 =	sadd.s32 s10, s2;
	s26 =	simm.s32 $0xB80;
	s7 =	sshrl.u32 s7, $0x3  }
0x18: {  	s20 =	smax.u32 s8, $0x1;
	[dreg:$0x14] =	wrdreg s26;
	s26 =	simm.s32 $0x1600  }
0x19: {  	s8 =	simm.s32 $0x2;
	[dreg:$0x15] =	wrdreg s9;
	s1 =	sadd.s32 s7, s1  }
0x1a: {  	s0 =	sadd.s32 s7, s0;
	s7 =	sadd.s32 s10, s3;
	[dreg:$0x19] =	wrdreg s20  }
0x1b: {  	s20 =	simm.s32 $0x1480;
	[dreg:$0x6] =	wrdreg s1;
	s1 =	sadd.s32 s13, s6  }
0x1c: {  	s10 =	simm.s32 $0x1;
	[dreg:$0x7] =	wrdreg s0;
	s1 =	sshrl.u32 s1, $0x3  }
0x1d: {  	s13 =	simm.s32 $0x1000;
	[dreg:$0x16] =	wrdreg s7;
	s1 =	sadd.s32 s5, s1  }
0x1e: {  	s0 =	simm.s32 $0x1780;
	[dreg:$0x17] =	wrdreg s1;
	s1 =	sadd.s32 $0x10, s1  }
0x1f: {  	v0 =	vimm.f32 $0.0e+00;
	v1 =	vimm.f32 $1.000000000e+00;
	s6 =	simm.s32 $0x0;
	[dreg:$0x18] =	wrdreg s1;
	s1 =	simm.s32 $0xF80  }
.LBB2_1:
0x20: {  	[tilespmem:$0x500] =	vst v0  }
0x21: {  	[tilespmem:$0x510] =	vst v0  }
0x22: {  	[tilespmem:$0x520] =	vst v0  }
0x23: {  	[tilespmem:$0x530] =	vst v0  }
0x24: {  	[tilespmem:$0x540] =	vst v0  }
0x25: {  	[tilespmem:$0x550] =	vst v0  }
0x26: {  	[tilespmem:$0x560] =	vst v0  }
0x27: {  	[tilespmem:$0x570] =	vst v0  }
0x28: {  	[tilespmem:$0x580] =	vst v0  }
0x29: {  	[tilespmem:$0x590] =	vst v0  }
0x2a: {  	[tilespmem:$0x5A0] =	vst v0  }
0x2b: {  	[tilespmem:$0x5B0] =	vst v0  }
0x2c: {  	[tilespmem:$0x5C0] =	vst v0  }
0x2d: {  	[tilespmem:$0x5D0] =	vst v0  }
0x2e: {  	[tilespmem:$0x5E0] =	vst v0  }
0x2f: {  	[tilespmem:$0x5F0] =	vst v0  }
0x30: {  	[tilespmem:$0x600] =	vst v0  }
0x31: {  	[tilespmem:$0x610] =	vst v0  }
0x32: {  	[tilespmem:$0x620] =	vst v0  }
0x33: {  	[tilespmem:$0x630] =	vst v0  }
0x34: {  	[tilespmem:$0x640] =	vst v0  }
0x35: {  	[tilespmem:$0x650] =	vst v0  }
0x36: {  	[tilespmem:$0x660] =	vst v0  }
0x37: {  	[tilespmem:$0x670] =	vst v0  }
0x38: {  	[tilespmem:$0x680] =	vst v0  }
0x39: {  	[tilespmem:$0x690] =	vst v0  }
0x3a: {  	[tilespmem:$0x6A0] =	vst v0  }
0x3b: {  	[tilespmem:$0x6B0] =	vst v0  }
0x3c: {  	[tilespmem:$0x6C0] =	vst v0  }
0x3d: {  	[tilespmem:$0x6D0] =	vst v0  }
0x3e: {  	[tilespmem:$0x6E0] =	vst v0  }
0x3f: {  	[tilespmem:$0x6F0] =	vst v0  }
0x40: {  	[tilespmem:$0x700] =	vst v0  }
0x41: {  	[tilespmem:$0x710] =	vst v0  }
0x42: {  	[tilespmem:$0x720] =	vst v0  }
0x43: {  	[tilespmem:$0x730] =	vst v0  }
0x44: {  	[tilespmem:$0x740] =	vst v0  }
0x45: {  	[tilespmem:$0x750] =	vst v0  }
0x46: {  	[tilespmem:$0x760] =	vst v0  }
0x47: {  	[tilespmem:$0x770] =	vst v0  }
0x48: {  	[tilespmem:$0x780] =	vst v1  }
0x49: {  	[tilespmem:$0x790] =	vst v1  }
0x4a: {  	[tilespmem:$0x7A0] =	vst v1  }
0x4b: {  	[tilespmem:$0x7B0] =	vst v1  }
0x4c: {  	[tilespmem:$0x7C0] =	vst v1  }
0x4d: {  	[tilespmem:$0x7D0] =	vst v1  }
0x4e: {  	[tilespmem:$0x7E0] =	vst v1  }
0x4f: {  	[dreg:$0x1a] =	wrdreg s6;
	[tilespmem:$0x7F0] =	vst v1;
	s5 =	simm.s32 $0x500  }
0x50: {  	[spmem:s9] =	stream.linear.scatter [tilespmem:s5], [sflag:$0x3], $0x280, $0x38;
	[tilespmem:$0x1800] =	vst v63  }
0x51: {  	_ =	swait.ge [sflag:s11], $0x280  }
0x52: {  	[sflag:s11] =	ssyncset.done $0x0  }
0x53: {  	[sflag:s11] =	ssyncadd.s32 $0xFFFFFD80  }
0x54: {  	[spmem:s7] =	stream.linear.scatter [tilespmem:s5], [sflag:$0x3], $0x280, $0x38;
	[tilespmem:$0x1800] =	vst v63  }
0x55: {  	_ =	swait.ge [sflag:s11], $0x280  }
0x56: {  	[sflag:s11] =	ssyncset.done $0x0  }
0x57: {  	[sflag:s11] =	ssyncadd.s32 $0xFFFFFD80  }
0x58: {  	[bflag:$0x0] =	sbarrier.arrive $0xFFFF  }
0x59: {  	s7 =	rddreg [dreg:$0x7]  }
0x5a: {  	s5 =	sadd.s32 $0x0, s7  }
0x5b: {  	[tilespmem:s12], [sflag:$0x3] =	stream.linear.gather [hbm4b:s5+s4], $0x800, $0x38;
	[tilespmem:$0x1800] =	vst v63  }
0x5c: {  	_ =	swait.ge [sflag:s11], $0x800  }
0x5d: {  	s9 =	rddreg [dreg:$0x6];
	[sflag:s11] =	ssyncset.done $0x0  }
0x5e: {  	[sflag:s11] =	ssyncadd.s32 $0xFFFFF800;
	s5 =	sadd.s32 $0x0, s9  }
0x5f: {  	[tilespmem:s13], [sflag:$0x3] =	stream.linear.gather [hbm4b:s5+s4], $0x800, $0x38;
	[tilespmem:$0x1800] =	vst v63  }
0x60: {  	_ =	swait.ge [sflag:s11], $0x800  }
0x61: {  	[sflag:s11] =	ssyncset.done $0x0  }
0x62: {  	[sflag:s11] =	ssyncadd.s32 $0xFFFFF800  }
0x63: {  	[spmem:s2] =	stream.indirect.scatter.add.f32 [tilespmem:s15], [sflag:$0x1], $0x1, s12, s14, $0xb8;
	[tilespmem:$0x1800] =	vst v63  }
0x64: {  	_ = 	snop  }
0x65: {  	[spmem:s3] =	stream.indirect.scatter.add.f32 [tilespmem:s15], [sflag:$0x2], $0x1, s13, s14, $0xb8;
	[tilespmem:$0x1800] =	vst v63  }
0x66: {  	s6 =	rddreg [dreg:$0x8]  }
0x67: {  	[spmem:s2] =	stream.indirect.scatter.add.f32 [tilespmem:s15], [sflag:$0x1], $0x1, s6, s14, $0xb8;
	[tilespmem:$0x1800] =	vst v63  }
0x68: {  	s7 =	rddreg [dreg:$0x9]  }
0x69: {  	[spmem:s3] =	stream.indirect.scatter.add.f32 [tilespmem:s15], [sflag:$0x2], $0x1, s7, s14, $0xb8;
	[tilespmem:$0x1800] =	vst v63  }
0x6a: {  	s9 =	rddreg [dreg:$0xa]  }
0x6b: {  	[spmem:s2] =	stream.indirect.scatter.add.f32 [tilespmem:s15], [sflag:$0x1], $0x1, s9, s14, $0xb8;
	[tilespmem:$0x1800] =	vst v63  }
0x6c: {  	s7 =	rddreg [dreg:$0xb]  }
0x6d: {  	[spmem:s3] =	stream.indirect.scatter.add.f32 [tilespmem:s15], [sflag:$0x2], $0x1, s7, s14, $0xb8;
	[tilespmem:$0x1800] =	vst v63  }
0x6e: {  	s9 =	rddreg [dreg:$0xc]  }
0x6f: {  	[spmem:s2] =	stream.indirect.scatter.add.f32 [tilespmem:s15], [sflag:$0x1], $0x1, s9, s14, $0xb8;
	[tilespmem:$0x1800] =	vst v63  }
0x70: {  	s7 =	rddreg [dreg:$0xd]  }
0x71: {  	[spmem:s3] =	stream.indirect.scatter.add.f32 [tilespmem:s15], [sflag:$0x2], $0x1, s7, s14, $0xb8;
	[tilespmem:$0x1800] =	vst v63  }
0x72: {  	s9 =	rddreg [dreg:$0xe]  }
0x73: {  	[spmem:s2] =	stream.indirect.scatter.add.f32 [tilespmem:s15], [sflag:$0x1], $0x1, s9, s14, $0xb8;
	[tilespmem:$0x1800] =	vst v63  }
0x74: {  	s7 =	rddreg [dreg:$0xf]  }
0x75: {  	[spmem:s3] =	stream.indirect.scatter.add.f32 [tilespmem:s15], [sflag:$0x2], $0x1, s7, s14, $0xb8;
	[tilespmem:$0x1800] =	vst v63  }
0x76: {  	s9 =	rddreg [dreg:$0x10]  }
0x77: {  	[spmem:s2] =	stream.indirect.scatter.add.f32 [tilespmem:s15], [sflag:$0x1], $0x1, s9, s14, $0xb8;
	[tilespmem:$0x1800] =	vst v63  }
0x78: {  	s7 =	rddreg [dreg:$0x11]  }
0x79: {  	[spmem:s3] =	stream.indirect.scatter.add.f32 [tilespmem:s15], [sflag:$0x2], $0x1, s7, s14, $0xb8;
	[tilespmem:$0x1800] =	vst v63  }
0x7a: {  	s9 =	rddreg [dreg:$0x12]  }
0x7b: {  	[spmem:s2] =	stream.indirect.scatter.add.f32 [tilespmem:s15], [sflag:$0x1], $0x1, s9, s14, $0xb8;
	[tilespmem:$0x1800] =	vst v63  }
0x7c: {  	s7 =	rddreg [dreg:$0x13]  }
0x7d: {  	[spmem:s3] =	stream.indirect.scatter.add.f32 [tilespmem:s15], [sflag:$0x2], $0x1, s7, s14, $0xb8;
	[tilespmem:$0x1800] =	vst v63  }
0x7e: {  	s9 =	rddreg [dreg:$0x14]  }
0x7f: {  	[spmem:s2] =	stream.indirect.scatter.add.f32 [tilespmem:s15], [sflag:$0x1], $0x1, s9, s14, $0xb8;
	[tilespmem:$0x1800] =	vst v63  }
0x80: {  	_ = 	snop  }
0x81: {  	[spmem:s3] =	stream.indirect.scatter.add.f32 [tilespmem:s15], [sflag:$0x2], $0x1, s16, s14, $0xb8;
	[tilespmem:$0x1800] =	vst v63  }
0x82: {  	_ = 	snop  }
0x83: {  	[spmem:s2] =	stream.indirect.scatter.add.f32 [tilespmem:s15], [sflag:$0x1], $0x1, s17, s14, $0xb8;
	[tilespmem:$0x1800] =	vst v63  }
0x84: {  	_ = 	snop  }
0x85: {  	[spmem:s3] =	stream.indirect.scatter.add.f32 [tilespmem:s15], [sflag:$0x2], $0x1, s18, s14, $0xb8;
	[tilespmem:$0x1800] =	vst v63  }
0x86: {  	_ = 	snop  }
0x87: {  	[spmem:s2] =	stream.indirect.scatter.add.f32 [tilespmem:s15], [sflag:$0x1], $0x1, s19, s14, $0xb8;
	[tilespmem:$0x1800] =	vst v63  }
0x88: {  	_ = 	snop  }
0x89: {  	[spmem:s3] =	stream.indirect.scatter.add.f32 [tilespmem:s15], [sflag:$0x2], $0x1, s20, s14, $0xb8;
	[tilespmem:$0x1800] =	vst v63  }
0x8a: {  	_ = 	snop  }
0x8b: {  	[spmem:s2] =	stream.indirect.scatter.add.f32 [tilespmem:s15], [sflag:$0x1], $0x1, s21, s14, $0xb8;
	[tilespmem:$0x1800] =	vst v63  }
0x8c: {  	_ = 	snop  }
0x8d: {  	[spmem:s3] =	stream.indirect.scatter.add.f32 [tilespmem:s15], [sflag:$0x2], $0x1, s22, s14, $0xb8;
	[tilespmem:$0x1800] =	vst v63  }
0x8e: {  	_ = 	snop  }
0x8f: {  	[spmem:s2] =	stream.indirect.scatter.add.f32 [tilespmem:s15], [sflag:$0x1], $0x1, s23, s14, $0xb8;
	[tilespmem:$0x1800] =	vst v63  }
0x90: {  	_ = 	snop  }
0x91: {  	[spmem:s3] =	stream.indirect.scatter.add.f32 [tilespmem:s15], [sflag:$0x2], $0x1, s24, s14, $0xb8;
	[tilespmem:$0x1800] =	vst v63  }
0x92: {  	_ = 	snop  }
0x93: {  	[spmem:s2] =	stream.indirect.scatter.add.f32 [tilespmem:s15], [sflag:$0x1], $0x1, s25, s14, $0xb8;
	[tilespmem:$0x1800] =	vst v63  }
0x94: {  	_ = 	snop  }
0x95: {  	[spmem:s3] =	stream.indirect.scatter.add.f32 [tilespmem:s15], [sflag:$0x2], $0x1, s26, s14, $0xb8;
	[tilespmem:$0x1800] =	vst v63  }
0x96: {  	_ = 	snop  }
0x97: {  	[spmem:s2] =	stream.indirect.scatter.add.f32 [tilespmem:s15], [sflag:$0x1], $0x1, s28, s14, $0xb8;
	[tilespmem:$0x1800] =	vst v63  }
0x98: {  	_ = 	snop  }
0x99: {  	[spmem:s3] =	stream.indirect.scatter.add.f32 [tilespmem:s15], [sflag:$0x2], $0x1, s29, s14, $0xb8;
	[tilespmem:$0x1800] =	vst v63  }
0x9a: {  	_ = 	snop  }
0x9b: {  	[spmem:s2] =	stream.indirect.scatter.add.f32 [tilespmem:s15], [sflag:$0x1], $0x1, s30, s14, $0xb8;
	[tilespmem:$0x1800] =	vst v63  }
0x9c: {  	_ = 	snop  }
0x9d: {  	[spmem:s3] =	stream.indirect.scatter.add.f32 [tilespmem:s15], [sflag:$0x2], $0x1, s31, s14, $0xb8;
	[tilespmem:$0x1800] =	vst v63  }
0x9e: {  	_ = 	snop  }
0x9f: {  	[spmem:s2] =	stream.indirect.scatter.add.f32 [tilespmem:s15], [sflag:$0x1], $0x1, s1, s14, $0xb8;
	[tilespmem:$0x1800] =	vst v63  }
0xa0: {  	_ = 	snop  }
0xa1: {  	[spmem:s3] =	stream.indirect.scatter.add.f32 [tilespmem:s15], [sflag:$0x2], $0x1, s0, s14, $0xb8;
	[tilespmem:$0x1800] =	vst v63  }
0xa2: {  	_ =	swait.ge [sflag:s10], $0x80  }
0xa3: {  	[sflag:s10] =	ssyncset.done $0x0  }
0xa4: {  	[sflag:s10] =	ssyncadd.s32 $0xFFFFFF80  }
0xa5: {  	_ =	swait.ge [sflag:s8], $0x80  }
0xa6: {  	[sflag:s8] =	ssyncset.done $0x0  }
0xa7: {  	[sflag:s8] =	ssyncadd.s32 $0xFFFFFF80  }
0xa8: {  	_ =	swait.ge [sflag:s10], $0x80  }
0xa9: {  	[sflag:s10] =	ssyncset.done $0x0  }
0xaa: {  	[sflag:s10] =	ssyncadd.s32 $0xFFFFFF80  }
0xab: {  	_ =	swait.ge [sflag:s8], $0x80  }
0xac: {  	[sflag:s8] =	ssyncset.done $0x0  }
0xad: {  	[sflag:s8] =	ssyncadd.s32 $0xFFFFFF80  }
0xae: {  	_ =	swait.ge [sflag:s10], $0x80  }
0xaf: {  	[sflag:s10] =	ssyncset.done $0x0  }
0xb0: {  	[sflag:s10] =	ssyncadd.s32 $0xFFFFFF80  }
0xb1: {  	_ =	swait.ge [sflag:s8], $0x80  }
0xb2: {  	[sflag:s8] =	ssyncset.done $0x0  }
0xb3: {  	[sflag:s8] =	ssyncadd.s32 $0xFFFFFF80  }
0xb4: {  	_ =	swait.ge [sflag:s10], $0x80  }
0xb5: {  	[sflag:s10] =	ssyncset.done $0x0  }
0xb6: {  	[sflag:s10] =	ssyncadd.s32 $0xFFFFFF80  }
0xb7: {  	_ =	swait.ge [sflag:s8], $0x80  }
0xb8: {  	[sflag:s8] =	ssyncset.done $0x0  }
0xb9: {  	[sflag:s8] =	ssyncadd.s32 $0xFFFFFF80  }
0xba: {  	_ =	swait.ge [sflag:s10], $0x80  }
0xbb: {  	[sflag:s10] =	ssyncset.done $0x0  }
0xbc: {  	[sflag:s10] =	ssyncadd.s32 $0xFFFFFF80  }
0xbd: {  	_ =	swait.ge [sflag:s8], $0x80  }
0xbe: {  	[sflag:s8] =	ssyncset.done $0x0  }
0xbf: {  	[sflag:s8] =	ssyncadd.s32 $0xFFFFFF80  }
0xc0: {  	_ =	swait.ge [sflag:s10], $0x80  }
0xc1: {  	[sflag:s10] =	ssyncset.done $0x0  }
0xc2: {  	[sflag:s10] =	ssyncadd.s32 $0xFFFFFF80  }
0xc3: {  	_ =	swait.ge [sflag:s8], $0x80  }
0xc4: {  	[sflag:s8] =	ssyncset.done $0x0  }
0xc5: {  	[sflag:s8] =	ssyncadd.s32 $0xFFFFFF80  }
0xc6: {  	_ =	swait.ge [sflag:s10], $0x80  }
0xc7: {  	[sflag:s10] =	ssyncset.done $0x0  }
0xc8: {  	[sflag:s10] =	ssyncadd.s32 $0xFFFFFF80  }
0xc9: {  	_ =	swait.ge [sflag:s8], $0x80  }
0xca: {  	[sflag:s8] =	ssyncset.done $0x0  }
0xcb: {  	[sflag:s8] =	ssyncadd.s32 $0xFFFFFF80  }
0xcc: {  	_ =	swait.ge [sflag:s10], $0x80  }
0xcd: {  	[sflag:s10] =	ssyncset.done $0x0  }
0xce: {  	[sflag:s10] =	ssyncadd.s32 $0xFFFFFF80  }
0xcf: {  	_ =	swait.ge [sflag:s8], $0x80  }
0xd0: {  	[sflag:s8] =	ssyncset.done $0x0  }
0xd1: {  	[sflag:s8] =	ssyncadd.s32 $0xFFFFFF80  }
0xd2: {  	_ =	swait.ge [sflag:s10], $0x80  }
0xd3: {  	[sflag:s10] =	ssyncset.done $0x0  }
0xd4: {  	[sflag:s10] =	ssyncadd.s32 $0xFFFFFF80  }
0xd5: {  	_ =	swait.ge [sflag:s8], $0x80  }
0xd6: {  	[sflag:s8] =	ssyncset.done $0x0  }
0xd7: {  	[sflag:s8] =	ssyncadd.s32 $0xFFFFFF80  }
0xd8: {  	_ =	swait.ge [sflag:s10], $0x80  }
0xd9: {  	[sflag:s10] =	ssyncset.done $0x0  }
0xda: {  	[sflag:s10] =	ssyncadd.s32 $0xFFFFFF80  }
0xdb: {  	_ =	swait.ge [sflag:s8], $0x80  }
0xdc: {  	[sflag:s8] =	ssyncset.done $0x0  }
0xdd: {  	[sflag:s8] =	ssyncadd.s32 $0xFFFFFF80  }
0xde: {  	_ =	swait.ge [sflag:s10], $0x80  }
0xdf: {  	[sflag:s10] =	ssyncset.done $0x0  }
0xe0: {  	[sflag:s10] =	ssyncadd.s32 $0xFFFFFF80  }
0xe1: {  	_ =	swait.ge [sflag:s8], $0x80  }
0xe2: {  	[sflag:s8] =	ssyncset.done $0x0  }
0xe3: {  	[sflag:s8] =	ssyncadd.s32 $0xFFFFFF80  }
0xe4: {  	_ =	swait.ge [sflag:s10], $0x80  }
0xe5: {  	[sflag:s10] =	ssyncset.done $0x0  }
0xe6: {  	[sflag:s10] =	ssyncadd.s32 $0xFFFFFF80  }
0xe7: {  	_ =	swait.ge [sflag:s8], $0x80  }
0xe8: {  	[sflag:s8] =	ssyncset.done $0x0  }
0xe9: {  	[sflag:s8] =	ssyncadd.s32 $0xFFFFFF80  }
0xea: {  	_ =	swait.ge [sflag:s10], $0x80  }
0xeb: {  	[sflag:s10] =	ssyncset.done $0x0  }
0xec: {  	[sflag:s10] =	ssyncadd.s32 $0xFFFFFF80  }
0xed: {  	_ =	swait.ge [sflag:s8], $0x80  }
0xee: {  	[sflag:s8] =	ssyncset.done $0x0  }
0xef: {  	[sflag:s8] =	ssyncadd.s32 $0xFFFFFF80  }
0xf0: {  	_ =	swait.ge [sflag:s10], $0x80  }
0xf1: {  	[sflag:s10] =	ssyncset.done $0x0  }
0xf2: {  	[sflag:s10] =	ssyncadd.s32 $0xFFFFFF80  }
0xf3: {  	_ =	swait.ge [sflag:s8], $0x80  }
0xf4: {  	[sflag:s8] =	ssyncset.done $0x0  }
0xf5: {  	[sflag:s8] =	ssyncadd.s32 $0xFFFFFF80  }
0xf6: {  	_ =	swait.ge [sflag:s10], $0x80  }
0xf7: {  	[sflag:s10] =	ssyncset.done $0x0  }
0xf8: {  	[sflag:s10] =	ssyncadd.s32 $0xFFFFFF80  }
0xf9: {  	_ =	swait.ge [sflag:s8], $0x80  }
0xfa: {  	[sflag:s8] =	ssyncset.done $0x0  }
0xfb: {  	[sflag:s8] =	ssyncadd.s32 $0xFFFFFF80  }
0xfc: {  	_ =	swait.ge [sflag:s10], $0x80  }
0xfd: {  	[sflag:s10] =	ssyncset.done $0x0  }
0xfe: {  	[sflag:s10] =	ssyncadd.s32 $0xFFFFFF80  }
0xff: {  	s5 =	simm.s32 $0x200;
	_ =	swait.ge [sflag:s8], $0x80  }
0x100: {  	s7 =	simm.s32 $0x100;
	s6 =	rddreg [dreg:$0x7];
	[sflag:s8] =	ssyncset.done $0x0  }
.LBB2_2:
0x101: {  	[sflag:s8] =	ssyncadd.s32 $0xFFFFFF80;
	s6 =	sadd.s32 s7, s6  }
0x102: {  	[tilespmem:s12], [sflag:$0x3] =	stream.linear.gather [hbm4b:s6+s4], $0x800, $0x38;
	[tilespmem:$0x1800] =	vst v63  }
0x103: {  	_ =	swait.ge [sflag:s11], $0x800  }
0x104: {  	s6 =	rddreg [dreg:$0x6];
	[sflag:s11] =	ssyncset.done $0x0  }
0x105: {  	[sflag:s11] =	ssyncadd.s32 $0xFFFFF800;
	s6 =	sadd.s32 s7, s6  }
0x106: {  	[tilespmem:s13], [sflag:$0x3] =	stream.linear.gather [hbm4b:s6+s4], $0x800, $0x38;
	[tilespmem:$0x1800] =	vst v63  }
0x107: {  	_ =	swait.ge [sflag:s11], $0x800  }
0x108: {  	[sflag:s11] =	ssyncset.done $0x0  }
0x109: {  	[sflag:s11] =	ssyncadd.s32 $0xFFFFF800  }
0x10a: {  	[spmem:s2] =	stream.indirect.scatter.add.f32 [tilespmem:s15], [sflag:$0x1], $0x1, s12, s14, $0xb8;
	[tilespmem:$0x1800] =	vst v63  }
0x10b: {  	_ = 	snop  }
0x10c: {  	[spmem:s3] =	stream.indirect.scatter.add.f32 [tilespmem:s15], [sflag:$0x2], $0x1, s13, s14, $0xb8;
	[tilespmem:$0x1800] =	vst v63  }
0x10d: {  	s9 =	smov.u32 s5;
	s6 =	rddreg [dreg:$0x8]  }
0x10e: {  	[spmem:s2] =	stream.indirect.scatter.add.f32 [tilespmem:s15], [sflag:$0x1], $0x1, s6, s14, $0xb8;
	[tilespmem:$0x1800] =	vst v63  }
0x10f: {  	s7 =	smov.u32 s9;
	s9 =	rddreg [dreg:$0x9]  }
0x110: {  	[spmem:s3] =	stream.indirect.scatter.add.f32 [tilespmem:s15], [sflag:$0x2], $0x1, s9, s14, $0xb8;
	[tilespmem:$0x1800] =	vst v63  }
0x111: {  	s6 =	rddreg [dreg:$0xa]  }
0x112: {  	[spmem:s2] =	stream.indirect.scatter.add.f32 [tilespmem:s15], [sflag:$0x1], $0x1, s6, s14, $0xb8;
	[tilespmem:$0x1800] =	vst v63  }
0x113: {  	s9 =	rddreg [dreg:$0xb]  }
0x114: {  	[spmem:s3] =	stream.indirect.scatter.add.f32 [tilespmem:s15], [sflag:$0x2], $0x1, s9, s14, $0xb8;
	[tilespmem:$0x1800] =	vst v63  }
0x115: {  	s6 =	rddreg [dreg:$0xc]  }
0x116: {  	[spmem:s2] =	stream.indirect.scatter.add.f32 [tilespmem:s15], [sflag:$0x1], $0x1, s6, s14, $0xb8;
	[tilespmem:$0x1800] =	vst v63  }
0x117: {  	s9 =	rddreg [dreg:$0xd]  }
0x118: {  	[spmem:s3] =	stream.indirect.scatter.add.f32 [tilespmem:s15], [sflag:$0x2], $0x1, s9, s14, $0xb8;
	[tilespmem:$0x1800] =	vst v63  }
0x119: {  	s6 =	rddreg [dreg:$0xe]  }
0x11a: {  	[spmem:s2] =	stream.indirect.scatter.add.f32 [tilespmem:s15], [sflag:$0x1], $0x1, s6, s14, $0xb8;
	[tilespmem:$0x1800] =	vst v63  }
0x11b: {  	s9 =	rddreg [dreg:$0xf]  }
0x11c: {  	[spmem:s3] =	stream.indirect.scatter.add.f32 [tilespmem:s15], [sflag:$0x2], $0x1, s9, s14, $0xb8;
	[tilespmem:$0x1800] =	vst v63  }
0x11d: {  	s6 =	rddreg [dreg:$0x10]  }
0x11e: {  	[spmem:s2] =	stream.indirect.scatter.add.f32 [tilespmem:s15], [sflag:$0x1], $0x1, s6, s14, $0xb8;
	[tilespmem:$0x1800] =	vst v63  }
0x11f: {  	s9 =	rddreg [dreg:$0x11]  }
0x120: {  	[spmem:s3] =	stream.indirect.scatter.add.f32 [tilespmem:s15], [sflag:$0x2], $0x1, s9, s14, $0xb8;
	[tilespmem:$0x1800] =	vst v63  }
0x121: {  	s6 =	rddreg [dreg:$0x12]  }
0x122: {  	[spmem:s2] =	stream.indirect.scatter.add.f32 [tilespmem:s15], [sflag:$0x1], $0x1, s6, s14, $0xb8;
	[tilespmem:$0x1800] =	vst v63  }
0x123: {  	s9 =	rddreg [dreg:$0x13]  }
0x124: {  	[spmem:s3] =	stream.indirect.scatter.add.f32 [tilespmem:s15], [sflag:$0x2], $0x1, s9, s14, $0xb8;
	[tilespmem:$0x1800] =	vst v63  }
0x125: {  	s6 =	rddreg [dreg:$0x14]  }
0x126: {  	[spmem:s2] =	stream.indirect.scatter.add.f32 [tilespmem:s15], [sflag:$0x1], $0x1, s6, s14, $0xb8;
	[tilespmem:$0x1800] =	vst v63  }
0x127: {  	_ = 	snop  }
0x128: {  	[spmem:s3] =	stream.indirect.scatter.add.f32 [tilespmem:s15], [sflag:$0x2], $0x1, s16, s14, $0xb8;
	[tilespmem:$0x1800] =	vst v63  }
0x129: {  	_ = 	snop  }
0x12a: {  	[spmem:s2] =	stream.indirect.scatter.add.f32 [tilespmem:s15], [sflag:$0x1], $0x1, s17, s14, $0xb8;
	[tilespmem:$0x1800] =	vst v63  }
0x12b: {  	_ = 	snop  }
0x12c: {  	[spmem:s3] =	stream.indirect.scatter.add.f32 [tilespmem:s15], [sflag:$0x2], $0x1, s18, s14, $0xb8;
	[tilespmem:$0x1800] =	vst v63  }
0x12d: {  	_ = 	snop  }
0x12e: {  	[spmem:s2] =	stream.indirect.scatter.add.f32 [tilespmem:s15], [sflag:$0x1], $0x1, s19, s14, $0xb8;
	[tilespmem:$0x1800] =	vst v63  }
0x12f: {  	_ = 	snop  }
0x130: {  	[spmem:s3] =	stream.indirect.scatter.add.f32 [tilespmem:s15], [sflag:$0x2], $0x1, s20, s14, $0xb8;
	[tilespmem:$0x1800] =	vst v63  }
0x131: {  	_ = 	snop  }
0x132: {  	[spmem:s2] =	stream.indirect.scatter.add.f32 [tilespmem:s15], [sflag:$0x1], $0x1, s21, s14, $0xb8;
	[tilespmem:$0x1800] =	vst v63  }
0x133: {  	_ = 	snop  }
0x134: {  	[spmem:s3] =	stream.indirect.scatter.add.f32 [tilespmem:s15], [sflag:$0x2], $0x1, s22, s14, $0xb8;
	[tilespmem:$0x1800] =	vst v63  }
0x135: {  	_ = 	snop  }
0x136: {  	[spmem:s2] =	stream.indirect.scatter.add.f32 [tilespmem:s15], [sflag:$0x1], $0x1, s23, s14, $0xb8;
	[tilespmem:$0x1800] =	vst v63  }
0x137: {  	_ = 	snop  }
0x138: {  	[spmem:s3] =	stream.indirect.scatter.add.f32 [tilespmem:s15], [sflag:$0x2], $0x1, s24, s14, $0xb8;
	[tilespmem:$0x1800] =	vst v63  }
0x139: {  	_ = 	snop  }
0x13a: {  	[spmem:s2] =	stream.indirect.scatter.add.f32 [tilespmem:s15], [sflag:$0x1], $0x1, s25, s14, $0xb8;
	[tilespmem:$0x1800] =	vst v63  }
0x13b: {  	_ = 	snop  }
0x13c: {  	[spmem:s3] =	stream.indirect.scatter.add.f32 [tilespmem:s15], [sflag:$0x2], $0x1, s26, s14, $0xb8;
	[tilespmem:$0x1800] =	vst v63  }
0x13d: {  	_ = 	snop  }
0x13e: {  	[spmem:s2] =	stream.indirect.scatter.add.f32 [tilespmem:s15], [sflag:$0x1], $0x1, s28, s14, $0xb8;
	[tilespmem:$0x1800] =	vst v63  }
0x13f: {  	_ = 	snop  }
0x140: {  	[spmem:s3] =	stream.indirect.scatter.add.f32 [tilespmem:s15], [sflag:$0x2], $0x1, s29, s14, $0xb8;
	[tilespmem:$0x1800] =	vst v63  }
0x141: {  	_ = 	snop  }
0x142: {  	[spmem:s2] =	stream.indirect.scatter.add.f32 [tilespmem:s15], [sflag:$0x1], $0x1, s30, s14, $0xb8;
	[tilespmem:$0x1800] =	vst v63  }
0x143: {  	_ = 	snop  }
0x144: {  	[spmem:s3] =	stream.indirect.scatter.add.f32 [tilespmem:s15], [sflag:$0x2], $0x1, s31, s14, $0xb8;
	[tilespmem:$0x1800] =	vst v63  }
0x145: {  	_ = 	snop  }
0x146: {  	[spmem:s2] =	stream.indirect.scatter.add.f32 [tilespmem:s15], [sflag:$0x1], $0x1, s1, s14, $0xb8;
	[tilespmem:$0x1800] =	vst v63  }
0x147: {  	_ = 	snop  }
0x148: {  	[spmem:s3] =	stream.indirect.scatter.add.f32 [tilespmem:s15], [sflag:$0x2], $0x1, s0, s14, $0xb8;
	[tilespmem:$0x1800] =	vst v63  }
0x149: {  	_ =	swait.ge [sflag:s10], $0x80  }
0x14a: {  	[sflag:s10] =	ssyncset.done $0x0  }
0x14b: {  	[sflag:s10] =	ssyncadd.s32 $0xFFFFFF80  }
0x14c: {  	_ =	swait.ge [sflag:s8], $0x80  }
0x14d: {  	[sflag:s8] =	ssyncset.done $0x0  }
0x14e: {  	[sflag:s8] =	ssyncadd.s32 $0xFFFFFF80  }
0x14f: {  	_ =	swait.ge [sflag:s10], $0x80  }
0x150: {  	[sflag:s10] =	ssyncset.done $0x0  }
0x151: {  	[sflag:s10] =	ssyncadd.s32 $0xFFFFFF80  }
0x152: {  	_ =	swait.ge [sflag:s8], $0x80  }
0x153: {  	[sflag:s8] =	ssyncset.done $0x0  }
0x154: {  	[sflag:s8] =	ssyncadd.s32 $0xFFFFFF80  }
0x155: {  	_ =	swait.ge [sflag:s10], $0x80  }
0x156: {  	[sflag:s10] =	ssyncset.done $0x0  }
0x157: {  	[sflag:s10] =	ssyncadd.s32 $0xFFFFFF80  }
0x158: {  	_ =	swait.ge [sflag:s8], $0x80  }
0x159: {  	[sflag:s8] =	ssyncset.done $0x0  }
0x15a: {  	[sflag:s8] =	ssyncadd.s32 $0xFFFFFF80  }
0x15b: {  	_ =	swait.ge [sflag:s10], $0x80  }
0x15c: {  	[sflag:s10] =	ssyncset.done $0x0  }
0x15d: {  	[sflag:s10] =	ssyncadd.s32 $0xFFFFFF80  }
0x15e: {  	_ =	swait.ge [sflag:s8], $0x80  }
0x15f: {  	[sflag:s8] =	ssyncset.done $0x0  }
0x160: {  	[sflag:s8] =	ssyncadd.s32 $0xFFFFFF80  }
0x161: {  	_ =	swait.ge [sflag:s10], $0x80  }
0x162: {  	[sflag:s10] =	ssyncset.done $0x0  }
0x163: {  	[sflag:s10] =	ssyncadd.s32 $0xFFFFFF80  }
0x164: {  	_ =	swait.ge [sflag:s8], $0x80  }
0x165: {  	[sflag:s8] =	ssyncset.done $0x0  }
0x166: {  	[sflag:s8] =	ssyncadd.s32 $0xFFFFFF80  }
0x167: {  	_ =	swait.ge [sflag:s10], $0x80  }
0x168: {  	[sflag:s10] =	ssyncset.done $0x0  }
0x169: {  	[sflag:s10] =	ssyncadd.s32 $0xFFFFFF80  }
0x16a: {  	_ =	swait.ge [sflag:s8], $0x80  }
0x16b: {  	[sflag:s8] =	ssyncset.done $0x0  }
0x16c: {  	[sflag:s8] =	ssyncadd.s32 $0xFFFFFF80  }
0x16d: {  	_ =	swait.ge [sflag:s10], $0x80  }
0x16e: {  	[sflag:s10] =	ssyncset.done $0x0  }
0x16f: {  	[sflag:s10] =	ssyncadd.s32 $0xFFFFFF80  }
0x170: {  	_ =	swait.ge [sflag:s8], $0x80  }
0x171: {  	[sflag:s8] =	ssyncset.done $0x0  }
0x172: {  	[sflag:s8] =	ssyncadd.s32 $0xFFFFFF80  }
0x173: {  	_ =	swait.ge [sflag:s10], $0x80  }
0x174: {  	[sflag:s10] =	ssyncset.done $0x0  }
0x175: {  	[sflag:s10] =	ssyncadd.s32 $0xFFFFFF80  }
0x176: {  	_ =	swait.ge [sflag:s8], $0x80  }
0x177: {  	[sflag:s8] =	ssyncset.done $0x0  }
0x178: {  	[sflag:s8] =	ssyncadd.s32 $0xFFFFFF80  }
0x179: {  	_ =	swait.ge [sflag:s10], $0x80  }
0x17a: {  	[sflag:s10] =	ssyncset.done $0x0  }
0x17b: {  	[sflag:s10] =	ssyncadd.s32 $0xFFFFFF80  }
0x17c: {  	_ =	swait.ge [sflag:s8], $0x80  }
0x17d: {  	[sflag:s8] =	ssyncset.done $0x0  }
0x17e: {  	[sflag:s8] =	ssyncadd.s32 $0xFFFFFF80  }
0x17f: {  	_ =	swait.ge [sflag:s10], $0x80  }
0x180: {  	[sflag:s10] =	ssyncset.done $0x0  }
0x181: {  	[sflag:s10] =	ssyncadd.s32 $0xFFFFFF80  }
0x182: {  	_ =	swait.ge [sflag:s8], $0x80  }
0x183: {  	[sflag:s8] =	ssyncset.done $0x0  }
0x184: {  	[sflag:s8] =	ssyncadd.s32 $0xFFFFFF80  }
0x185: {  	_ =	swait.ge [sflag:s10], $0x80  }
0x186: {  	[sflag:s10] =	ssyncset.done $0x0  }
0x187: {  	[sflag:s10] =	ssyncadd.s32 $0xFFFFFF80  }
0x188: {  	_ =	swait.ge [sflag:s8], $0x80  }
0x189: {  	[sflag:s8] =	ssyncset.done $0x0  }
0x18a: {  	[sflag:s8] =	ssyncadd.s32 $0xFFFFFF80  }
0x18b: {  	_ =	swait.ge [sflag:s10], $0x80  }
0x18c: {  	[sflag:s10] =	ssyncset.done $0x0  }
0x18d: {  	[sflag:s10] =	ssyncadd.s32 $0xFFFFFF80  }
0x18e: {  	_ =	swait.ge [sflag:s8], $0x80  }
0x18f: {  	[sflag:s8] =	ssyncset.done $0x0  }
0x190: {  	[sflag:s8] =	ssyncadd.s32 $0xFFFFFF80  }
0x191: {  	_ =	swait.ge [sflag:s10], $0x80  }
0x192: {  	[sflag:s10] =	ssyncset.done $0x0  }
0x193: {  	[sflag:s10] =	ssyncadd.s32 $0xFFFFFF80  }
0x194: {  	_ =	swait.ge [sflag:s8], $0x80  }
0x195: {  	[sflag:s8] =	ssyncset.done $0x0  }
0x196: {  	[sflag:s8] =	ssyncadd.s32 $0xFFFFFF80  }
0x197: {  	_ =	swait.ge [sflag:s10], $0x80  }
0x198: {  	[sflag:s10] =	ssyncset.done $0x0  }
0x199: {  	[sflag:s10] =	ssyncadd.s32 $0xFFFFFF80  }
0x19a: {  	_ =	swait.ge [sflag:s8], $0x80  }
0x19b: {  	[sflag:s8] =	ssyncset.done $0x0  }
0x19c: {  	[sflag:s8] =	ssyncadd.s32 $0xFFFFFF80  }
0x19d: {  	_ =	swait.ge [sflag:s10], $0x80  }
0x19e: {  	[sflag:s10] =	ssyncset.done $0x0  }
0x19f: {  	[sflag:s10] =	ssyncadd.s32 $0xFFFFFF80  }
0x1a0: {  	_ =	swait.ge [sflag:s8], $0x80  }
0x1a1: {  	[sflag:s8] =	ssyncset.done $0x0  }
0x1a2: {  	p0 =	sne.s32 s5, $0x400;
	[sflag:s8] =	ssyncadd.s32 $0xFFFFFF80  }
.Ltmp0:
0x1a3: {  	_ =	swait.ge [sflag:s10], $0x80;
	(pc) =	sbr.rel @p0 .LBB2_2-.Ltmp0, $4  }
0x1a4: {  	[sflag:s10] =	ssyncset.done $0x0  }
0x1a5: {  	[sflag:s10] =	ssyncadd.s32 $0xFFFFFF80  }
0x1a6: {  	_ =	swait.ge [sflag:s8], $0x80  }
0x1a7: {  	s5 =	sadd.s32 $0x100, s5;
	s6 =	rddreg [dreg:$0x7];
	[sflag:s8] =	ssyncset.done $0x0  }
0x1a8: {  	[sflag:s8] =	ssyncadd.s32 $0xFFFFFF80;
	s5 =	sadd.s32 s7, s6  }
0x1a9: {  	[tilespmem:s12], [sflag:$0x3] =	stream.linear.gather [hbm4b:s5+s4], $0x800, $0x38;
	[tilespmem:$0x1800] =	vst v63  }
0x1aa: {  	_ =	swait.ge [sflag:s11], $0x800  }
0x1ab: {  	s9 =	rddreg [dreg:$0x6];
	[sflag:s11] =	ssyncset.done $0x0  }
0x1ac: {  	[sflag:s11] =	ssyncadd.s32 $0xFFFFF800;
	s5 =	sadd.s32 s7, s9  }
0x1ad: {  	[tilespmem:s13], [sflag:$0x3] =	stream.linear.gather [hbm4b:s5+s4], $0x800, $0x38;
	[tilespmem:$0x1800] =	vst v63  }
0x1ae: {  	_ =	swait.ge [sflag:s11], $0x800  }
0x1af: {  	[sflag:s11] =	ssyncset.done $0x0  }
0x1b0: {  	[sflag:s11] =	ssyncadd.s32 $0xFFFFF800  }
0x1b1: {  	[spmem:s2] =	stream.indirect.scatter.add.f32 [tilespmem:s15], [sflag:$0x1], $0x1, s12, s14, $0xb8;
	[tilespmem:$0x1800] =	vst v63  }
0x1b2: {  	_ = 	snop  }
0x1b3: {  	[spmem:s3] =	stream.indirect.scatter.add.f32 [tilespmem:s15], [sflag:$0x2], $0x1, s13, s14, $0xb8;
	[tilespmem:$0x1800] =	vst v63  }
0x1b4: {  	s6 =	rddreg [dreg:$0x8]  }
0x1b5: {  	[spmem:s2] =	stream.indirect.scatter.add.f32 [tilespmem:s15], [sflag:$0x1], $0x1, s6, s14, $0xb8;
	[tilespmem:$0x1800] =	vst v63  }
0x1b6: {  	s7 =	rddreg [dreg:$0x9]  }
0x1b7: {  	[spmem:s3] =	stream.indirect.scatter.add.f32 [tilespmem:s15], [sflag:$0x2], $0x1, s7, s14, $0xb8;
	[tilespmem:$0x1800] =	vst v63  }
0x1b8: {  	s9 =	rddreg [dreg:$0xa]  }
0x1b9: {  	[spmem:s2] =	stream.indirect.scatter.add.f32 [tilespmem:s15], [sflag:$0x1], $0x1, s9, s14, $0xb8;
	[tilespmem:$0x1800] =	vst v63  }
0x1ba: {  	s7 =	rddreg [dreg:$0xb]  }
0x1bb: {  	[spmem:s3] =	stream.indirect.scatter.add.f32 [tilespmem:s15], [sflag:$0x2], $0x1, s7, s14, $0xb8;
	[tilespmem:$0x1800] =	vst v63  }
0x1bc: {  	s9 =	rddreg [dreg:$0xc]  }
0x1bd: {  	[spmem:s2] =	stream.indirect.scatter.add.f32 [tilespmem:s15], [sflag:$0x1], $0x1, s9, s14, $0xb8;
	[tilespmem:$0x1800] =	vst v63  }
0x1be: {  	s7 =	rddreg [dreg:$0xd]  }
0x1bf: {  	[spmem:s3] =	stream.indirect.scatter.add.f32 [tilespmem:s15], [sflag:$0x2], $0x1, s7, s14, $0xb8;
	[tilespmem:$0x1800] =	vst v63  }
0x1c0: {  	s9 =	rddreg [dreg:$0xe]  }
0x1c1: {  	[spmem:s2] =	stream.indirect.scatter.add.f32 [tilespmem:s15], [sflag:$0x1], $0x1, s9, s14, $0xb8;
	[tilespmem:$0x1800] =	vst v63  }
0x1c2: {  	s7 =	rddreg [dreg:$0xf]  }
0x1c3: {  	[spmem:s3] =	stream.indirect.scatter.add.f32 [tilespmem:s15], [sflag:$0x2], $0x1, s7, s14, $0xb8;
	[tilespmem:$0x1800] =	vst v63  }
0x1c4: {  	s9 =	rddreg [dreg:$0x10]  }
0x1c5: {  	[spmem:s2] =	stream.indirect.scatter.add.f32 [tilespmem:s15], [sflag:$0x1], $0x1, s9, s14, $0xb8;
	[tilespmem:$0x1800] =	vst v63  }
0x1c6: {  	s7 =	rddreg [dreg:$0x11]  }
0x1c7: {  	[spmem:s3] =	stream.indirect.scatter.add.f32 [tilespmem:s15], [sflag:$0x2], $0x1, s7, s14, $0xb8;
	[tilespmem:$0x1800] =	vst v63  }
0x1c8: {  	s9 =	rddreg [dreg:$0x12]  }
0x1c9: {  	[spmem:s2] =	stream.indirect.scatter.add.f32 [tilespmem:s15], [sflag:$0x1], $0x1, s9, s14, $0xb8;
	[tilespmem:$0x1800] =	vst v63  }
0x1ca: {  	s7 =	rddreg [dreg:$0x13]  }
0x1cb: {  	[spmem:s3] =	stream.indirect.scatter.add.f32 [tilespmem:s15], [sflag:$0x2], $0x1, s7, s14, $0xb8;
	[tilespmem:$0x1800] =	vst v63  }
0x1cc: {  	s9 =	rddreg [dreg:$0x14]  }
0x1cd: {  	[spmem:s2] =	stream.indirect.scatter.add.f32 [tilespmem:s15], [sflag:$0x1], $0x1, s9, s14, $0xb8;
	[tilespmem:$0x1800] =	vst v63  }
0x1ce: {  	_ = 	snop  }
0x1cf: {  	[spmem:s3] =	stream.indirect.scatter.add.f32 [tilespmem:s15], [sflag:$0x2], $0x1, s16, s14, $0xb8;
	[tilespmem:$0x1800] =	vst v63  }
0x1d0: {  	_ = 	snop  }
0x1d1: {  	[spmem:s2] =	stream.indirect.scatter.add.f32 [tilespmem:s15], [sflag:$0x1], $0x1, s17, s14, $0xb8;
	[tilespmem:$0x1800] =	vst v63  }
0x1d2: {  	_ = 	snop  }
0x1d3: {  	[spmem:s3] =	stream.indirect.scatter.add.f32 [tilespmem:s15], [sflag:$0x2], $0x1, s18, s14, $0xb8;
	[tilespmem:$0x1800] =	vst v63  }
0x1d4: {  	_ = 	snop  }
0x1d5: {  	[spmem:s2] =	stream.indirect.scatter.add.f32 [tilespmem:s15], [sflag:$0x1], $0x1, s19, s14, $0xb8;
	[tilespmem:$0x1800] =	vst v63  }
0x1d6: {  	_ = 	snop  }
0x1d7: {  	[spmem:s3] =	stream.indirect.scatter.add.f32 [tilespmem:s15], [sflag:$0x2], $0x1, s20, s14, $0xb8;
	[tilespmem:$0x1800] =	vst v63  }
0x1d8: {  	_ = 	snop  }
0x1d9: {  	[spmem:s2] =	stream.indirect.scatter.add.f32 [tilespmem:s15], [sflag:$0x1], $0x1, s21, s14, $0xb8;
	[tilespmem:$0x1800] =	vst v63  }
0x1da: {  	_ = 	snop  }
0x1db: {  	[spmem:s3] =	stream.indirect.scatter.add.f32 [tilespmem:s15], [sflag:$0x2], $0x1, s22, s14, $0xb8;
	[tilespmem:$0x1800] =	vst v63  }
0x1dc: {  	_ = 	snop  }
0x1dd: {  	[spmem:s2] =	stream.indirect.scatter.add.f32 [tilespmem:s15], [sflag:$0x1], $0x1, s23, s14, $0xb8;
	[tilespmem:$0x1800] =	vst v63  }
0x1de: {  	_ = 	snop  }
0x1df: {  	[spmem:s3] =	stream.indirect.scatter.add.f32 [tilespmem:s15], [sflag:$0x2], $0x1, s24, s14, $0xb8;
	[tilespmem:$0x1800] =	vst v63  }
0x1e0: {  	_ = 	snop  }
0x1e1: {  	[spmem:s2] =	stream.indirect.scatter.add.f32 [tilespmem:s15], [sflag:$0x1], $0x1, s25, s14, $0xb8;
	[tilespmem:$0x1800] =	vst v63  }
0x1e2: {  	_ = 	snop  }
0x1e3: {  	[spmem:s3] =	stream.indirect.scatter.add.f32 [tilespmem:s15], [sflag:$0x2], $0x1, s26, s14, $0xb8;
	[tilespmem:$0x1800] =	vst v63  }
0x1e4: {  	_ = 	snop  }
0x1e5: {  	[spmem:s2] =	stream.indirect.scatter.add.f32 [tilespmem:s15], [sflag:$0x1], $0x1, s28, s14, $0xb8;
	[tilespmem:$0x1800] =	vst v63  }
0x1e6: {  	_ = 	snop  }
0x1e7: {  	[spmem:s3] =	stream.indirect.scatter.add.f32 [tilespmem:s15], [sflag:$0x2], $0x1, s29, s14, $0xb8;
	[tilespmem:$0x1800] =	vst v63  }
0x1e8: {  	_ = 	snop  }
0x1e9: {  	[spmem:s2] =	stream.indirect.scatter.add.f32 [tilespmem:s15], [sflag:$0x1], $0x1, s30, s14, $0xb8;
	[tilespmem:$0x1800] =	vst v63  }
0x1ea: {  	_ = 	snop  }
0x1eb: {  	[spmem:s3] =	stream.indirect.scatter.add.f32 [tilespmem:s15], [sflag:$0x2], $0x1, s31, s14, $0xb8;
	[tilespmem:$0x1800] =	vst v63  }
0x1ec: {  	_ = 	snop  }
0x1ed: {  	[spmem:s2] =	stream.indirect.scatter.add.f32 [tilespmem:s15], [sflag:$0x1], $0x1, s1, s14, $0xb8;
	[tilespmem:$0x1800] =	vst v63  }
0x1ee: {  	_ = 	snop  }
0x1ef: {  	[spmem:s3] =	stream.indirect.scatter.add.f32 [tilespmem:s15], [sflag:$0x2], $0x1, s0, s14, $0xb8;
	[tilespmem:$0x1800] =	vst v63  }
0x1f0: {  	_ =	swait.ge [sflag:s10], $0x80  }
0x1f1: {  	[sflag:s10] =	ssyncset.done $0x0  }
0x1f2: {  	[sflag:s10] =	ssyncadd.s32 $0xFFFFFF80  }
0x1f3: {  	_ =	swait.ge [sflag:s8], $0x80  }
0x1f4: {  	[sflag:s8] =	ssyncset.done $0x0  }
0x1f5: {  	[sflag:s8] =	ssyncadd.s32 $0xFFFFFF80  }
0x1f6: {  	_ =	swait.ge [sflag:s10], $0x80  }
0x1f7: {  	[sflag:s10] =	ssyncset.done $0x0  }
0x1f8: {  	[sflag:s10] =	ssyncadd.s32 $0xFFFFFF80  }
0x1f9: {  	_ =	swait.ge [sflag:s8], $0x80  }
0x1fa: {  	[sflag:s8] =	ssyncset.done $0x0  }
0x1fb: {  	[sflag:s8] =	ssyncadd.s32 $0xFFFFFF80  }
0x1fc: {  	_ =	swait.ge [sflag:s10], $0x80  }
0x1fd: {  	[sflag:s10] =	ssyncset.done $0x0  }
0x1fe: {  	[sflag:s10] =	ssyncadd.s32 $0xFFFFFF80  }
0x1ff: {  	_ =	swait.ge [sflag:s8], $0x80  }
0x200: {  	[sflag:s8] =	ssyncset.done $0x0  }
0x201: {  	[sflag:s8] =	ssyncadd.s32 $0xFFFFFF80  }
0x202: {  	_ =	swait.ge [sflag:s10], $0x80  }
0x203: {  	[sflag:s10] =	ssyncset.done $0x0  }
0x204: {  	[sflag:s10] =	ssyncadd.s32 $0xFFFFFF80  }
0x205: {  	_ =	swait.ge [sflag:s8], $0x80  }
0x206: {  	[sflag:s8] =	ssyncset.done $0x0  }
0x207: {  	[sflag:s8] =	ssyncadd.s32 $0xFFFFFF80  }
0x208: {  	_ =	swait.ge [sflag:s10], $0x80  }
0x209: {  	[sflag:s10] =	ssyncset.done $0x0  }
0x20a: {  	[sflag:s10] =	ssyncadd.s32 $0xFFFFFF80  }
0x20b: {  	_ =	swait.ge [sflag:s8], $0x80  }
0x20c: {  	[sflag:s8] =	ssyncset.done $0x0  }
0x20d: {  	[sflag:s8] =	ssyncadd.s32 $0xFFFFFF80  }
0x20e: {  	_ =	swait.ge [sflag:s10], $0x80  }
0x20f: {  	[sflag:s10] =	ssyncset.done $0x0  }
0x210: {  	[sflag:s10] =	ssyncadd.s32 $0xFFFFFF80  }
0x211: {  	_ =	swait.ge [sflag:s8], $0x80  }
0x212: {  	[sflag:s8] =	ssyncset.done $0x0  }
0x213: {  	[sflag:s8] =	ssyncadd.s32 $0xFFFFFF80  }
0x214: {  	_ =	swait.ge [sflag:s10], $0x80  }
0x215: {  	[sflag:s10] =	ssyncset.done $0x0  }
0x216: {  	[sflag:s10] =	ssyncadd.s32 $0xFFFFFF80  }
0x217: {  	_ =	swait.ge [sflag:s8], $0x80  }
0x218: {  	[sflag:s8] =	ssyncset.done $0x0  }
0x219: {  	[sflag:s8] =	ssyncadd.s32 $0xFFFFFF80  }
0x21a: {  	_ =	swait.ge [sflag:s10], $0x80  }
0x21b: {  	[sflag:s10] =	ssyncset.done $0x0  }
0x21c: {  	[sflag:s10] =	ssyncadd.s32 $0xFFFFFF80  }
0x21d: {  	_ =	swait.ge [sflag:s8], $0x80  }
0x21e: {  	[sflag:s8] =	ssyncset.done $0x0  }
0x21f: {  	[sflag:s8] =	ssyncadd.s32 $0xFFFFFF80  }
0x220: {  	_ =	swait.ge [sflag:s10], $0x80  }
0x221: {  	[sflag:s10] =	ssyncset.done $0x0  }
0x222: {  	[sflag:s10] =	ssyncadd.s32 $0xFFFFFF80  }
0x223: {  	_ =	swait.ge [sflag:s8], $0x80  }
0x224: {  	[sflag:s8] =	ssyncset.done $0x0  }
0x225: {  	[sflag:s8] =	ssyncadd.s32 $0xFFFFFF80  }
0x226: {  	_ =	swait.ge [sflag:s10], $0x80  }
0x227: {  	[sflag:s10] =	ssyncset.done $0x0  }
0x228: {  	[sflag:s10] =	ssyncadd.s32 $0xFFFFFF80  }
0x229: {  	_ =	swait.ge [sflag:s8], $0x80  }
0x22a: {  	[sflag:s8] =	ssyncset.done $0x0  }
0x22b: {  	[sflag:s8] =	ssyncadd.s32 $0xFFFFFF80  }
0x22c: {  	_ =	swait.ge [sflag:s10], $0x80  }
0x22d: {  	[sflag:s10] =	ssyncset.done $0x0  }
0x22e: {  	[sflag:s10] =	ssyncadd.s32 $0xFFFFFF80  }
0x22f: {  	_ =	swait.ge [sflag:s8], $0x80  }
0x230: {  	[sflag:s8] =	ssyncset.done $0x0  }
0x231: {  	[sflag:s8] =	ssyncadd.s32 $0xFFFFFF80  }
0x232: {  	_ =	swait.ge [sflag:s10], $0x80  }
0x233: {  	[sflag:s10] =	ssyncset.done $0x0  }
0x234: {  	[sflag:s10] =	ssyncadd.s32 $0xFFFFFF80  }
0x235: {  	_ =	swait.ge [sflag:s8], $0x80  }
0x236: {  	[sflag:s8] =	ssyncset.done $0x0  }
0x237: {  	[sflag:s8] =	ssyncadd.s32 $0xFFFFFF80  }
0x238: {  	_ =	swait.ge [sflag:s10], $0x80  }
0x239: {  	[sflag:s10] =	ssyncset.done $0x0  }
0x23a: {  	[sflag:s10] =	ssyncadd.s32 $0xFFFFFF80  }
0x23b: {  	_ =	swait.ge [sflag:s8], $0x80  }
0x23c: {  	[sflag:s8] =	ssyncset.done $0x0  }
0x23d: {  	[sflag:s8] =	ssyncadd.s32 $0xFFFFFF80  }
0x23e: {  	_ =	swait.ge [sflag:s10], $0x80  }
0x23f: {  	[sflag:s10] =	ssyncset.done $0x0  }
0x240: {  	[sflag:s10] =	ssyncadd.s32 $0xFFFFFF80  }
0x241: {  	_ =	swait.ge [sflag:s8], $0x80  }
0x242: {  	[sflag:s8] =	ssyncset.done $0x0  }
0x243: {  	[sflag:s8] =	ssyncadd.s32 $0xFFFFFF80  }
0x244: {  	_ =	swait.ge [sflag:s10], $0x80  }
0x245: {  	[sflag:s10] =	ssyncset.done $0x0  }
0x246: {  	[sflag:s10] =	ssyncadd.s32 $0xFFFFFF80  }
0x247: {  	_ =	swait.ge [sflag:s8], $0x80  }
0x248: {  	[sflag:s8] =	ssyncset.done $0x0  }
0x249: {  	[sflag:s8] =	ssyncadd.s32 $0xFFFFFF80  }
0x24a: {  	_ =	swait.ge [sflag:s10], $0x80  }
0x24b: {  	[sflag:s10] =	ssyncset.done $0x0  }
0x24c: {  	[sflag:s10] =	ssyncadd.s32 $0xFFFFFF80  }
0x24d: {  	_ =	swait.ge [sflag:s8], $0x80  }
0x24e: {  	s7 =	stileid.u32;
	[sflag:s8] =	ssyncset.done $0x0  }
0x24f: {  	s5 =	sshll.u32 s7, $0x6;
	[sflag:s8] =	ssyncadd.s32 $0xFFFFFF80  }
0x250: {  	s5 =	sor.u32 $0x1C03, s5;
	[bflag:$0x0] =	sbarrier.arrive $0xFFFF  }
0x251: {  	[dreg:$0x1b] =	wrdreg s5  }
0x252: {  	s9 =	rddreg [dreg:$0x15]  }
0x253: {  	s7 =	rddreg [dreg:$0x17];
	s5 =	simm.s32 $0x20  }
0x254: {  	s6 =	sshrl.u32 s9, $0x3;
	s9 =	simm.s32 $0x10;
	s16 =	rddreg [dreg:$0x1b]  }
0x255: {  	[hbm:s7@s5], [sflag:s16] =	dma.strided [spmem:s6@s9], $0x50, s10, $0x10   }
0x256: {  	_ =	swait.ge [sflag:s11], $0x50  }
0x257: {  	s16 =	rddreg [dreg:$0x16]  }
0x258: {  	s9 =	rddreg [dreg:$0x18]  }
0x259: {  	s7 =	simm.s32 $0x20;
	[sflag:s11] =	ssyncset.done $0x0;
	s5 =	rddreg [dreg:$0x1b]  }
0x25a: {  	[sflag:s11] =	ssyncadd.s32 $0xFFFFFFB0;
	s6 =	sshrl.u32 s16, $0x3;
	s16 =	simm.s32 $0x10  }
0x25b: {  	[hbm:s9@s7], [sflag:s5] =	dma.strided [spmem:s6@s16], $0x50, s10, $0x10   }
0x25c: {  	s7 =	rddreg [dreg:$0x16]  }
0x25d: {  	s9 =	rddreg [dreg:$0x15];
	_ =	swait.ge [sflag:s11], $0x50  }
0x25e: {  	s5 =	rddreg [dreg:$0x1a]  }
0x25f: {  	s6 =	sadd.s32 $0x1, s5;
	s5 =	rddreg [dreg:$0x19]  }
0x260: {  	p0 =	sne.s32 s6, s5  }
.Ltmp1:
0x261: {  	_ = 	snop;
	(pc) =	sbr.rel @p0 .LBB2_1-.Ltmp1, $3  }
0x262: {  	_ =	sdelay $0x1  }
0x263: {  	[sflag:s11] =	ssyncset.done $0x0  }
0x264: {  	s16 =	simm.s32 $0x1380;
	[sflag:s11] =	ssyncadd.s32 $0xFFFFFFB0  }
0x265: {  	_ =	sfence.sel $0x180000  }
0x266: {  	[bflag:$0x0] =	sbarrier.arrive $0xFFFF  }
0x267: {  	_ =	strace $0x90000047  }
0x268: {  	s0 =	stileid.u32;
	[bflag:$0x2] =	sbarrier.arrive $0xFFFF  }
0x269: {  	p0 =	sne.s32 s0, $0x0;
	s0 =	rddreg [dreg:$0x5]  }
0x26a: {  	s0 =	sadd.s32 @!p0 $0x100000, s0  }
0x26b: {  	[sflag:s0] =	ssyncadd.tile.s32 @!p0 $0x1;
	_ =	shalt  }
.Lfunc_end2:
_tile_overlayer_lowered:
.L_overlay_start_2:
0x26c: {  	(tag) =	ssettag $0x2  }
0x26d: {  	s0 =	rddreg [dreg:$0x0];
	s2 =	stileid.u32  }
0x26e: {  	s1 =	rddreg [dreg:$0x1];
	p0 =	sne.s32 s2, $0x0  }
0x26f: {  	s3 =	rddreg [dreg:$0x2];
	[bflag:$0x3] =	sbarrier.arrive $0xFFFF;
	s2 =	simm.s32 @!p0 $0x1C03  }
0x270: {  	[timem:s3], [sflag:s2] =	dma.local @!p0 [hbm:s0], s1  }
0x271: {  	s0 =	simm.s32 @!p0 $0x3  }
0x272: {  	_ =	swait.ge @!p0 [sflag:s0], s1  }
0x273: {  	s1 =	ssub.s32 @!p0 $0x0, s1;
	[sflag:s0] =	ssyncset.done @!p0 $0x0  }
0x274: {  	[sflag:s0] =	ssyncadd.s32 @!p0 s1  }
0x275: {  	[bflag:$0x3] =	sbarrier.arrive $0xFFFF  }
0x276: {  	_ =	shalt  }

</sc_bundles>
